<compile_context>
chip_gen: v7x
topology: tpu7x:2x2x1
jax: 0.10.2.dev20260603
libtpu: 0.0.44.dev20260713+nightly
codegen_flags: <defaults>
</compile_context>

<pallas_src>
import functools

import jax
import jax.numpy as jnp
from jax import lax
from jax.experimental import pallas as pl
from jax.experimental.pallas import tpu as pltpu
from jax.experimental.pallas import tpu_sc as plsc

N = 10000
E = 320000
D = 128

_INFO = plsc.get_sparse_core_info()
NC = _INFO.num_cores
NS = _INFO.num_subcores
NW = NC * NS

NPAD = 10240
EPAD = 327680
ROWS_PT = NPAD // NS
EPW = EPAD // NW

DEPW = E // NW
DCH = 125
DNCH = DEPW // DCH

CH = 80
SNCH = EPW // CH
NGRP = SNCH // 2


def _worker_id():
    return lax.axis_index("s") * NC + lax.axis_index("c")


@functools.partial(
    pl.kernel,
    mesh=plsc.VectorSubcoreMesh(core_axis_name="c", subcore_axis_name="s"),
    out_type=jax.ShapeDtypeStruct((NC * NPAD,), jnp.float32),
    scratch_types=[
        pltpu.VMEM((DNCH, DCH), jnp.int32),
        pltpu.VMEM((ROWS_PT,), jnp.float32),
        pltpu.VMEM((128,), jnp.float32),
        pltpu.VMEM_SHARED((NPAD,), jnp.float32),
        pltpu.SemaphoreType.DMA,
    ],
)
def _sc_degree(dst_hbm, out_hbm, didx, vbuf, ones, acc, sem):
    cid = lax.axis_index("c")
    sid = lax.axis_index("s")
    wid = _worker_id()

    pltpu.sync_copy(dst_hbm.at[pl.ds(wid * DNCH, DNCH)], didx)

    def _fill(i, _):
        vbuf[pl.ds(i * 16, 16)] = jnp.zeros((16,), jnp.float32)
        return ()
    lax.fori_loop(0, ROWS_PT // 16, _fill, ())
    for j in range(128 // 16):
        ones[pl.ds(j * 16, 16)] = jnp.ones((16,), jnp.float32)

    pltpu.sync_copy(vbuf.at[pl.ds(0, ROWS_PT)],
                    acc.at[pl.ds(sid * ROWS_PT, ROWS_PT)])
    plsc.subcore_barrier()

    LAG = 8

    def _body(g, _):
        pltpu.async_copy(ones.at[pl.ds(0, DCH)], acc.at[didx.at[g]], sem,
                         add=True)

        @pl.when(g >= LAG)
        def _():
            pltpu.make_async_copy(ones.at[pl.ds(0, DCH)], acc.at[didx.at[0]],
                                  sem).wait()
        return ()
    lax.fori_loop(0, DNCH, _body, ())
    for _ in range(LAG):
        pltpu.make_async_copy(ones.at[pl.ds(0, DCH)], acc.at[didx.at[0]],
                              sem).wait()
    plsc.subcore_barrier()

    pltpu.sync_copy(acc.at[pl.ds(sid * ROWS_PT, ROWS_PT)],
                    vbuf.at[pl.ds(0, ROWS_PT)])
    pltpu.sync_copy(vbuf.at[pl.ds(0, ROWS_PT)],
                    out_hbm.at[pl.ds(cid * NPAD + sid * ROWS_PT, ROWS_PT)])


@functools.partial(
    pl.kernel,
    mesh=plsc.VectorSubcoreMesh(core_axis_name="c", subcore_axis_name="s"),
    out_type=jax.ShapeDtypeStruct((NC * NPAD, D), jnp.float32),
    scratch_types=[
        pltpu.VMEM((4, CH), jnp.int32),
        pltpu.VMEM((4, CH), jnp.int32),
        pltpu.VMEM((4 * CH, D), jnp.float32),
        pltpu.VMEM_SHARED((NPAD, D), jnp.float32),
    ] + [pltpu.SemaphoreType.DMA] * 12,
)
def _sc_scatter(p_hbm, src_hbm, dst_hbm, out_hbm, sidx, didx, rows, acc,
                *sems):
    gsems, ssems = sems[0:4], sems[4:8]
    isrc, idst = sems[8:10], sems[10:12]
    cid = lax.axis_index("c")
    sid = lax.axis_index("s")
    wid = _worker_id()

    def _fill(i, _):
        for j in range(D // 16):
            rows[i, pl.ds(j * 16, 16)] = jnp.zeros((16,), jnp.float32)
        return ()
    lax.fori_loop(0, 4 * CH, _fill, ())
    for t in range(5):
        pltpu.sync_copy(rows.at[pl.ds(0, ROWS_PT // 5)],
                        acc.at[pl.ds(sid * ROWS_PT + t * (ROWS_PT // 5),
                                     ROWS_PT // 5)])
    plsc.subcore_barrier()

    gbase = wid * SNCH

    def _fire_idx_src(g, slot):
        pltpu.async_copy(src_hbm.at[pl.ds(gbase + g * 2, 2)],
                         sidx.at[pl.ds(slot * 2, 2)], isrc[slot])

    def _fire_idx_dst(g, slot):
        pltpu.async_copy(dst_hbm.at[pl.ds(gbase + g * 2, 2)],
                         didx.at[pl.ds(slot * 2, 2)], idst[slot])

    def _wait_idx(sem_arr, buf, slot):
        pltpu.make_async_copy(src_hbm.at[pl.ds(0, 2)],
                              buf.at[pl.ds(slot * 2, 2)], sem_arr[slot]).wait()

    def _fire_gather(k):
        pltpu.async_copy(p_hbm.at[sidx.at[k]],
                         rows.at[pl.ds(k * CH, CH)], gsems[k])

    def _wait_gather(k):
        pltpu.make_async_copy(p_hbm.at[sidx.at[k]],
                              rows.at[pl.ds(k * CH, CH)], gsems[k]).wait()

    def _fire_scatter(k):
        pltpu.async_copy(rows.at[pl.ds(k * CH, CH)],
                         acc.at[didx.at[k]], ssems[k], add=True)

    def _wait_scatter(k):
        pltpu.make_async_copy(rows.at[pl.ds(k * CH, CH)],
                              acc.at[didx.at[k]], ssems[k]).wait()

    _fire_idx_src(0, 0)
    _fire_idx_dst(0, 0)
    _wait_idx(isrc, sidx, 0)
    _fire_gather(0)
    _fire_gather(1)

    def _iter(it, _):
        grp = 2 * it
        _fire_idx_src(grp + 1, 1)
        _wait_gather(0)
        _wait_gather(1)
        _wait_idx(idst, didx, 0)
        _fire_scatter(0)
        _fire_scatter(1)

        @pl.when(it > 0)
        def _():
            _wait_scatter(2)
            _wait_scatter(3)

        _fire_idx_dst(grp + 1, 1)
        _wait_idx(isrc, sidx, 1)
        _fire_gather(2)
        _fire_gather(3)

        @pl.when(it < NGRP // 2 - 1)
        def _():
            _fire_idx_src(grp + 2, 0)
        _wait_gather(2)
        _wait_gather(3)
        _wait_idx(idst, didx, 1)
        _fire_scatter(2)
        _fire_scatter(3)
        _wait_scatter(0)
        _wait_scatter(1)

        @pl.when(it < NGRP // 2 - 1)
        def _():
            _fire_idx_dst(grp + 2, 0)
            _wait_idx(isrc, sidx, 0)
            _fire_gather(0)
            _fire_gather(1)
        return ()
    lax.fori_loop(0, NGRP // 2, _iter, ())
    _wait_scatter(2)
    _wait_scatter(3)
    plsc.subcore_barrier()

    obase = cid * NPAD + sid * ROWS_PT
    for t in range(ROWS_PT // (4 * CH)):
        pltpu.sync_copy(acc.at[pl.ds(sid * ROWS_PT + t * 4 * CH, 4 * CH)],
                        rows.at[pl.ds(0, 4 * CH)])
        pltpu.sync_copy(rows.at[pl.ds(0, 4 * CH)],
                        out_hbm.at[pl.ds(obase + t * 4 * CH, 4 * CH)])


RB = 2000


def _ln_relu_res(acc2, p, h_prev, dis, bc, g, b):
    t = (acc2 + p) * dis + bc
    mu = jnp.mean(t, axis=-1, keepdims=True)
    var = jnp.mean((t - mu) * (t - mu), axis=-1, keepdims=True)
    ln = (t - mu) * lax.rsqrt(var + 1e-5) * g + b
    return jnp.maximum(ln, 0.0) + h_prev


def _k0_body(x_ref, win_ref, bin_ref, wc0_ref, dis_ref, h_ref, p_ref):
    h = jnp.dot(x_ref[...], win_ref[...], preferred_element_type=jnp.float32)
    h = jnp.maximum(h + bin_ref[...], 0.0)
    h_ref[...] = h
    p = jnp.dot(h, wc0_ref[...], preferred_element_type=jnp.float32)
    p_ref[...] = p * dis_ref[...]


def _klayer_body(acc_ref, p_ref, h_ref, dis_ref, bc_ref, g_ref, b_ref, w_ref,
                 hout_ref, pout_ref):
    dis = dis_ref[...]
    h = _ln_relu_res(acc_ref[0] + acc_ref[1], p_ref[...], h_ref[...], dis,
                     bc_ref[...], g_ref[...], b_ref[...])
    hout_ref[...] = h
    p = jnp.dot(h, w_ref[...], preferred_element_type=jnp.float32)
    pout_ref[...] = p * dis


def _kfinal_body(acc_ref, p_ref, h_ref, dis_ref, bc_ref, g_ref, b_ref,
                 wout_ref, bout_ref, out_ref):
    h = _ln_relu_res(acc_ref[0] + acc_ref[1], p_ref[...], h_ref[...],
                     dis_ref[...], bc_ref[...], g_ref[...], b_ref[...])
    out = jnp.dot(h, wout_ref[...], preferred_element_type=jnp.float32)
    out_ref[...] = out + bout_ref[...]


_row_spec = pl.BlockSpec((RB, D), lambda i: (i, 0))
_mat_spec = pl.BlockSpec((D, D), lambda i: (0, 0))
_vec_spec = pl.BlockSpec((1, D), lambda i: (0, 0))
_dis_spec = pl.BlockSpec((RB, 1), lambda i: (i, 0))
_acc_spec = pl.BlockSpec((2, RB, D), lambda i: (0, i, 0))
_GRID = (N // RB,)
_out2 = [jax.ShapeDtypeStruct((N, D), jnp.float32)] * 2


def _tc_k0(x, W_in, b_in2, Wc0, dis_col):
    return pl.pallas_call(
        _k0_body, grid=_GRID,
        in_specs=[_row_spec, _mat_spec, _vec_spec, _mat_spec, _dis_spec],
        out_specs=[_row_spec, _row_spec], out_shape=_out2,
    )(x, W_in, b_in2, Wc0, dis_col)


def _tc_layer(acc3, p, h, dis_col, bc2, g2, b2, Wn):
    return pl.pallas_call(
        _klayer_body, grid=_GRID,
        in_specs=[_acc_spec, _row_spec, _row_spec, _dis_spec,
                  _vec_spec, _vec_spec, _vec_spec, _mat_spec],
        out_specs=[_row_spec, _row_spec], out_shape=_out2,
    )(acc3, p, h, dis_col, bc2, g2, b2, Wn)


def _tc_final(acc3, p, h, dis_col, bc2, g2, b2, W_out, b_out2):
    return pl.pallas_call(
        _kfinal_body, grid=_GRID,
        in_specs=[_acc_spec, _row_spec, _row_spec, _dis_spec,
                  _vec_spec, _vec_spec, _vec_spec, _mat_spec, _vec_spec],
        out_specs=_row_spec, out_shape=jax.ShapeDtypeStruct((N, D), jnp.float32),
    )(acc3, p, h, dis_col, bc2, g2, b2, W_out, b_out2)


def kernel(x, edge_index, W_in, b_in, Wc, bc, gamma, beta, W_out, b_out):
    src = edge_index[0].astype(jnp.int32)
    dst = edge_index[1].astype(jnp.int32)
    npad_e = EPAD - E
    pad_src = jnp.arange(npad_e, dtype=jnp.int32) % N
    pad_dst = N + jnp.arange(npad_e, dtype=jnp.int32) % (NPAD - N)
    src_p = jnp.concatenate([src, pad_src]).reshape(EPAD // CH, CH)
    dst_p = jnp.concatenate([dst, pad_dst]).reshape(EPAD // CH, CH)

    deg2 = _sc_degree(dst.reshape(E // DCH, DCH)).reshape(NC, NPAD)
    dis_col = lax.rsqrt(deg2[0, :N] + deg2[1, :N] + 1.0).reshape(N, 1)

    h, p = _tc_k0(x, W_in, b_in[None, :], Wc[0], dis_col)
    for i in range(Wc.shape[0]):
        acc = _sc_scatter(p, src_p, dst_p).reshape(NC, NPAD, D)
        args = (acc, p, h, dis_col, bc[i][None, :], gamma[i][None, :],
                beta[i][None, :])
        if i + 1 < Wc.shape[0]:
            h, p = _tc_layer(*args, Wc[i + 1])
        else:
            return _tc_final(*args, W_out, b_out[None, :])

# --- scband reference (transcript-rebuilt; emitter-appended) ---
"""Pipeline reference for scband-residual-gcn-12893491822680 (READ-ONLY COPY).

The authoritative reference and input builder live on the scoring server;
editing this copy changes nothing except your own understanding.
"""

import jax, jax.numpy as jnp
import numpy as np


def layer_norm(x, g, b, eps=1e-5):
    mu = jnp.mean(x, axis=-1, keepdims=True)
    var = jnp.var(x, axis=-1, keepdims=True)
    return (x - mu) / jnp.sqrt(var + eps) * g + b


def gcn_conv(x, edge_index, W, b):
    # PyG GCNConv: add self-loops, symmetric D^-1/2 (A+I) D^-1/2 normalization
    N = x.shape[0]
    loop = jnp.arange(N, dtype=edge_index.dtype)
    src = jnp.concatenate([edge_index[0], loop])
    dst = jnp.concatenate([edge_index[1], loop])
    deg = jnp.zeros((N,), x.dtype).at[dst].add(1.0)
    dis = jnp.where(deg > 0, 1.0 / jnp.sqrt(deg), 0.0)
    norm = dis[src] * dis[dst]
    h = x @ W
    msg = h[src] * norm[:, None]
    out = jax.ops.segment_sum(msg, dst, num_segments=N)
    return out + b


def setup_inputs(seed: int = 0):
    key = jax.random.key(seed)
    ks = jax.random.split(key, 12)
    N, E = 10000, 320000
    D_in, D_h, D_out, L = 128, 128, 128, 3
    s = 1.0 / np.sqrt(D_h)
    x = jax.random.normal(ks[0], (N, D_in), jnp.float32)
    edge_index = jax.random.randint(ks[1], (2, E), 0, N, jnp.int32)
    W_in = jax.random.normal(ks[2], (D_in, D_h), jnp.float32) * s
    b_in = jnp.zeros((D_h,), jnp.float32)
    Wc = jax.random.normal(ks[3], (L, D_h, D_h), jnp.float32) * s
    bc = jnp.zeros((L, D_h), jnp.float32)
    gamma = jnp.ones((L, D_h), jnp.float32)
    beta = jnp.zeros((L, D_h), jnp.float32)
    W_out = jax.random.normal(ks[4], (D_h, D_out), jnp.float32) * s
    b_out = jnp.zeros((D_out,), jnp.float32)
    return {"x": x, "edge_index": edge_index, "W_in": W_in, "b_in": b_in,
            "Wc": Wc, "bc": bc, "gamma": gamma, "beta": beta,
            "W_out": W_out, "b_out": b_out}


def reference(x, edge_index, W_in, b_in, Wc, bc, gamma, beta, W_out, b_out):
    # input projection
    h = jax.nn.relu(x @ W_in + b_in)
    L = Wc.shape[0]
    for i in range(L):
        identity = h
        h = gcn_conv(h, edge_index, Wc[i], bc[i])
        h = layer_norm(h, gamma[i], beta[i])
        h = jax.nn.relu(h)
        # dropout disabled (eval mode / deterministic reference)
        h = h + identity
    return h @ W_out + b_out

if __name__ == "__main__":
    import jax
    _d = setup_inputs()
    print(jax.jit(kernel)(*tuple(_d.values())))

</pallas_src>

<mosaic_0001>
#map = affine_map<(d0, d1) -> (0, 0)>
#map1 = affine_map<(d0, d1) -> (0)>
module attributes {stable_mosaic.version = 14 : i64} {
  func.func @_sc_degree(%arg0: i32, %arg1: i32, %arg2: memref<2560x125xi32, #tpu.memory_space<hbm>>, %arg3: memref<20480xf32, #tpu.memory_space<hbm>>, %arg4: memref<80x125xi32, #tpu.memory_space<vmem>>, %arg5: memref<640xf32, #tpu.memory_space<vmem>>, %arg6: memref<128xf32, #tpu.memory_space<vmem>>, %arg7: memref<10240xf32, #tpu.memory_space<vmem_shared>>, %arg8: memref<!tpu.dma_semaphore, #tpu.memory_space<semaphore_mem>>) attributes {dimension_semantics = [#tpu.dimension_semantics<core_parallel>, #tpu.dimension_semantics<subcore_parallel>], iteration_bounds = array<i64: 2, 16>, scalar_prefetch = 0 : i64, scratch_operands = 5 : i64, tpu.core_type = #tpu.core_type<sc_vector_subcore>, window_params = [{transform_indices = #map}, {transform_indices = #map1}]} {
    %mul3A = arith.constant 2 : i32
    %mul3A_0 = arith.muli %arg1, %mul3A : i32
    %add3A = arith.addi %mul3A_0, %arg0 : i32
    %mul3A_1 = arith.constant 80 : i32
    %mul3A_2 = arith.muli %add3A, %mul3A_1 : i32
    "tpu.region"() ({
      %run_scoped3A = tpu.sem_alloc : memref<!tpu.dma_semaphore, #tpu.memory_space<semaphore_mem>>
      %dma_start3A = arith.constant 0 : i32
      %dma_start3A_131 = tpu.memref_slice %arg2[%mul3A_2, %dma_start3A] : memref<2560x125xi32, #tpu.memory_space<hbm>> -> memref<80x125xi32, #tpu.memory_space<hbm>>
      %dma_start3A_132 = arith.constant 0 : i32
      %dma_start3A_133 = tpu.memref_slice %arg2[%mul3A_2, %dma_start3A_132] : memref<2560x125xi32, #tpu.memory_space<hbm>> -> memref<80x125xi32, #tpu.memory_space<hbm>>
      tpu.enqueue_dma source(%dma_start3A_133 : memref<80x125xi32, #tpu.memory_space<hbm>>) target(%arg4 : memref<80x125xi32, #tpu.memory_space<vmem>>) target_semaphore(%run_scoped3A : memref<!tpu.dma_semaphore, #tpu.memory_space<semaphore_mem>>)
      %dma_wait3A_134 = arith.constant 0 : i32
      %dma_wait3A_135 = tpu.memref_slice %arg2[%mul3A_2, %dma_wait3A_134] : memref<2560x125xi32, #tpu.memory_space<hbm>> -> memref<80x125xi32, #tpu.memory_space<hbm>>
      %dma_wait3A_136 = arith.constant 0 : i32
      %dma_wait3A_137 = tpu.memref_slice %arg2[%mul3A_2, %dma_wait3A_136] : memref<2560x125xi32, #tpu.memory_space<hbm>> -> memref<80x125xi32, #tpu.memory_space<hbm>>
      tpu.wait_dma2 semaphore(%run_scoped3A : memref<!tpu.dma_semaphore, #tpu.memory_space<semaphore_mem>>) src(%dma_wait3A_137 : memref<80x125xi32, #tpu.memory_space<hbm>>) dst(%arg4 : memref<80x125xi32, #tpu.memory_space<vmem>>)
      tpu.yield
    }) : () -> ()
    %scan3A = arith.constant 0 : i32
    %scan3A_3 = arith.constant 40 : i32
    %scan3A_4 = arith.addi %scan3A, %scan3A_3 : i32
    %scan3A_5 = arith.constant 1 : i32
    scf.for %scan3A_131 = %scan3A to %scan3A_4 step %scan3A_5  : i32 {
      %broadcast_in_dim3A_132 = arith.constant 0.000000e+00 : f32
      %broadcast_in_dim3A_133 = vector.broadcast %broadcast_in_dim3A_132 : f32 to vector<16xf32>
      %mul3A_134 = arith.constant 16 : i32
      %mul3A_135 = arith.muli %scan3A_131, %mul3A_134 : i32
      %swap3A_136 = arith.index_cast %mul3A_135 : i32 to index
      %swap3A_137 = tpu.vector_load %arg5[%swap3A_136] {strides = array<i32>} : memref<640xf32, #tpu.memory_space<vmem>>, vector<16xf32>,
      %swap3A_138 = vector.shape_cast %swap3A_137 : vector<16xf32> to vector<16xf32>
      %swap3A_139 = vector.shape_cast %broadcast_in_dim3A_133 : vector<16xf32> to vector<16xf32>
      tpu.vector_store %arg5[%swap3A_136], %swap3A_139 {strides = array<i32>} : memref<640xf32, #tpu.memory_space<vmem>>, vector<16xf32>,
    }
    %scan3A_6 = arith.constant 40 : i32
    %broadcast_in_dim3A = arith.constant 1.000000e+00 : f32
    %broadcast_in_dim3A_7 = vector.broadcast %broadcast_in_dim3A : f32 to vector<16xf32>
    %swap3A = arith.constant 0 : index
    %swap3A_8 = tpu.vector_load %arg6[%swap3A] {strides = array<i32>} : memref<128xf32, #tpu.memory_space<vmem>>, vector<16xf32>,
    %swap3A_9 = vector.shape_cast %swap3A_8 : vector<16xf32> to vector<16xf32>
    %swap3A_10 = vector.shape_cast %broadcast_in_dim3A_7 : vector<16xf32> to vector<16xf32>
    tpu.vector_store %arg6[%swap3A], %swap3A_10 {strides = array<i32>} : memref<128xf32, #tpu.memory_space<vmem>>, vector<16xf32>,
    %broadcast_in_dim3A_11 = arith.constant 1.000000e+00 : f32
    %broadcast_in_dim3A_12 = vector.broadcast %broadcast_in_dim3A_11 : f32 to vector<16xf32>
    %swap3A_13 = arith.constant 16 : index
    %swap3A_14 = tpu.vector_load %arg6[%swap3A_13] {strides = array<i32>} : memref<128xf32, #tpu.memory_space<vmem>>, vector<16xf32>,
    %swap3A_15 = vector.shape_cast %swap3A_14 : vector<16xf32> to vector<16xf32>
    %swap3A_16 = vector.shape_cast %broadcast_in_dim3A_12 : vector<16xf32> to vector<16xf32>
    tpu.vector_store %arg6[%swap3A_13], %swap3A_16 {strides = array<i32>} : memref<128xf32, #tpu.memory_space<vmem>>, vector<16xf32>,
    %broadcast_in_dim3A_17 = arith.constant 1.000000e+00 : f32
    %broadcast_in_dim3A_18 = vector.broadcast %broadcast_in_dim3A_17 : f32 to vector<16xf32>
    %swap3A_19 = arith.constant 32 : index
    %swap3A_20 = tpu.vector_load %arg6[%swap3A_19] {strides = array<i32>} : memref<128xf32, #tpu.memory_space<vmem>>, vector<16xf32>,
    %swap3A_21 = vector.shape_cast %swap3A_20 : vector<16xf32> to vector<16xf32>
    %swap3A_22 = vector.shape_cast %broadcast_in_dim3A_18 : vector<16xf32> to vector<16xf32>
    tpu.vector_store %arg6[%swap3A_19], %swap3A_22 {strides = array<i32>} : memref<128xf32, #tpu.memory_space<vmem>>, vector<16xf32>,
    %broadcast_in_dim3A_23 = arith.constant 1.000000e+00 : f32
    %broadcast_in_dim3A_24 = vector.broadcast %broadcast_in_dim3A_23 : f32 to vector<16xf32>
    %swap3A_25 = arith.constant 48 : index
    %swap3A_26 = tpu.vector_load %arg6[%swap3A_25] {strides = array<i32>} : memref<128xf32, #tpu.memory_space<vmem>>, vector<16xf32>,
    %swap3A_27 = vector.shape_cast %swap3A_26 : vector<16xf32> to vector<16xf32>
    %swap3A_28 = vector.shape_cast %broadcast_in_dim3A_24 : vector<16xf32> to vector<16xf32>
    tpu.vector_store %arg6[%swap3A_25], %swap3A_28 {strides = array<i32>} : memref<128xf32, #tpu.memory_space<vmem>>, vector<16xf32>,
    %broadcast_in_dim3A_29 = arith.constant 1.000000e+00 : f32
    %broadcast_in_dim3A_30 = vector.broadcast %broadcast_in_dim3A_29 : f32 to vector<16xf32>
    %swap3A_31 = arith.constant 64 : index
    %swap3A_32 = tpu.vector_load %arg6[%swap3A_31] {strides = array<i32>} : memref<128xf32, #tpu.memory_space<vmem>>, vector<16xf32>,
    %swap3A_33 = vector.shape_cast %swap3A_32 : vector<16xf32> to vector<16xf32>
    %swap3A_34 = vector.shape_cast %broadcast_in_dim3A_30 : vector<16xf32> to vector<16xf32>
    tpu.vector_store %arg6[%swap3A_31], %swap3A_34 {strides = array<i32>} : memref<128xf32, #tpu.memory_space<vmem>>, vector<16xf32>,
    %broadcast_in_dim3A_35 = arith.constant 1.000000e+00 : f32
    %broadcast_in_dim3A_36 = vector.broadcast %broadcast_in_dim3A_35 : f32 to vector<16xf32>
    %swap3A_37 = arith.constant 80 : index
    %swap3A_38 = tpu.vector_load %arg6[%swap3A_37] {strides = array<i32>} : memref<128xf32, #tpu.memory_space<vmem>>, vector<16xf32>,
    %swap3A_39 = vector.shape_cast %swap3A_38 : vector<16xf32> to vector<16xf32>
    %swap3A_40 = vector.shape_cast %broadcast_in_dim3A_36 : vector<16xf32> to vector<16xf32>
    tpu.vector_store %arg6[%swap3A_37], %swap3A_40 {strides = array<i32>} : memref<128xf32, #tpu.memory_space<vmem>>, vector<16xf32>,
    %broadcast_in_dim3A_41 = arith.constant 1.000000e+00 : f32
    %broadcast_in_dim3A_42 = vector.broadcast %broadcast_in_dim3A_41 : f32 to vector<16xf32>
    %swap3A_43 = arith.constant 96 : index
    %swap3A_44 = tpu.vector_load %arg6[%swap3A_43] {strides = array<i32>} : memref<128xf32, #tpu.memory_space<vmem>>, vector<16xf32>,
    %swap3A_45 = vector.shape_cast %swap3A_44 : vector<16xf32> to vector<16xf32>
    %swap3A_46 = vector.shape_cast %broadcast_in_dim3A_42 : vector<16xf32> to vector<16xf32>
    tpu.vector_store %arg6[%swap3A_43], %swap3A_46 {strides = array<i32>} : memref<128xf32, #tpu.memory_space<vmem>>, vector<16xf32>,
    %broadcast_in_dim3A_47 = arith.constant 1.000000e+00 : f32
    %broadcast_in_dim3A_48 = vector.broadcast %broadcast_in_dim3A_47 : f32 to vector<16xf32>
    %swap3A_49 = arith.constant 112 : index
    %swap3A_50 = tpu.vector_load %arg6[%swap3A_49] {strides = array<i32>} : memref<128xf32, #tpu.memory_space<vmem>>, vector<16xf32>,
    %swap3A_51 = vector.shape_cast %swap3A_50 : vector<16xf32> to vector<16xf32>
    %swap3A_52 = vector.shape_cast %broadcast_in_dim3A_48 : vector<16xf32> to vector<16xf32>
    tpu.vector_store %arg6[%swap3A_49], %swap3A_52 {strides = array<i32>} : memref<128xf32, #tpu.memory_space<vmem>>, vector<16xf32>,
    %mul3A_53 = arith.constant 640 : i32
    %mul3A_54 = arith.muli %arg1, %mul3A_53 : i32
    "tpu.region"() ({
      %run_scoped3A = tpu.sem_alloc : memref<!tpu.dma_semaphore, #tpu.memory_space<semaphore_mem>>
      %dma_start3A = arith.constant 0 : i32
      %dma_start3A_131 = tpu.memref_slice %arg5[%dma_start3A] : memref<640xf32, #tpu.memory_space<vmem>> -> memref<640xf32, #tpu.memory_space<vmem>>
      %dma_start3A_132 = tpu.memref_slice %arg7[%mul3A_54] : memref<10240xf32, #tpu.memory_space<vmem_shared>> -> memref<640xf32, #tpu.memory_space<vmem_shared>>
      %dma_start3A_133 = tpu.memref_slice %arg7[%mul3A_54] : memref<10240xf32, #tpu.memory_space<vmem_shared>> -> memref<640xf32, #tpu.memory_space<vmem_shared>>
      %dma_start3A_134 = arith.constant 0 : i32
      %dma_start3A_135 = tpu.memref_slice %arg5[%dma_start3A_134] : memref<640xf32, #tpu.memory_space<vmem>> -> memref<640xf32, #tpu.memory_space<vmem>>
      tpu.enqueue_dma source(%dma_start3A_135 : memref<640xf32, #tpu.memory_space<vmem>>) target(%dma_start3A_133 : memref<640xf32, #tpu.memory_space<vmem_shared>>) target_semaphore(%run_scoped3A : memref<!tpu.dma_semaphore, #tpu.memory_space<semaphore_mem>>)
      %dma_wait3A_136 = arith.constant 0 : i32
      %dma_wait3A_137 = tpu.memref_slice %arg5[%dma_wait3A_136] : memref<640xf32, #tpu.memory_space<vmem>> -> memref<640xf32, #tpu.memory_space<vmem>>
      %dma_wait3A_138 = tpu.memref_slice %arg7[%mul3A_54] : memref<10240xf32, #tpu.memory_space<vmem_shared>> -> memref<640xf32, #tpu.memory_space<vmem_shared>>
      %dma_wait3A_139 = tpu.memref_slice %arg7[%mul3A_54] : memref<10240xf32, #tpu.memory_space<vmem_shared>> -> memref<640xf32, #tpu.memory_space<vmem_shared>>
      %dma_wait3A_140 = arith.constant 0 : i32
      %dma_wait3A_141 = tpu.memref_slice %arg5[%dma_wait3A_140] : memref<640xf32, #tpu.memory_space<vmem>> -> memref<640xf32, #tpu.memory_space<vmem>>
      tpu.wait_dma2 semaphore(%run_scoped3A : memref<!tpu.dma_semaphore, #tpu.memory_space<semaphore_mem>>) src(%dma_wait3A_141 : memref<640xf32, #tpu.memory_space<vmem>>) dst(%dma_wait3A_139 : memref<640xf32, #tpu.memory_space<vmem_shared>>)
      tpu.yield
    }) : () -> ()
    %barrier3A = arith.constant 0 : index
    tpu.barrier barrier_id(%barrier3A)
    %scan3A_55 = arith.constant 0 : i32
    %scan3A_56 = arith.constant 80 : i32
    %scan3A_57 = arith.addi %scan3A_55, %scan3A_56 : i32
    %scan3A_58 = arith.constant 1 : i32
    scf.for %scan3A_131 = %scan3A_55 to %scan3A_57 step %scan3A_58  : i32 {
      %dma_start3A = arith.constant 0 : i32
      %dma_start3A_132 = tpu.memref_slice %arg6[%dma_start3A] : memref<128xf32, #tpu.memory_space<vmem>> -> memref<125xf32, #tpu.memory_space<vmem>>
      %dma_start3A_133 = arith.constant 0 : i32
      %dma_start3A_134 = tpu.memref_slice %arg4[%scan3A_131, %dma_start3A_133] : memref<80x125xi32, #tpu.memory_space<vmem>> -> memref<1x125xi32, #tpu.memory_space<vmem>>
      %dma_start3A_135 = tpu.memref_squeeze %dma_start3A_134 : memref<1x125xi32, #tpu.memory_space<vmem>> -> memref<125xi32, #tpu.memory_space<vmem>>
      %dma_start3A_136 = arith.constant 0 : i32
      %dma_start3A_137 = tpu.memref_slice %arg7[%dma_start3A_136] : memref<10240xf32, #tpu.memory_space<vmem_shared>> -> memref<10240xf32, #tpu.memory_space<vmem_shared>>
      tpu.enqueue_indirect_dma source(%dma_start3A_132 : memref<125xf32, #tpu.memory_space<vmem>>) target(%dma_start3A_137 : memref<10240xf32, #tpu.memory_space<vmem_shared>>) offsets(%dma_start3A_135 : memref<125xi32, #tpu.memory_space<vmem>>) semaphore(%arg8 : memref<!tpu.dma_semaphore, #tpu.memory_space<semaphore_mem>>) {add = true}
      %ge3A = arith.constant 8 : i32
      %ge3A_138 = arith.cmpi sge, %scan3A_131, %ge3A : i32
      %convert_element_type3A = arith.extui %ge3A_138 : i1 to i32
      %cond3A = arith.constant 0 : i32
      %cond3A_139 = arith.cmpi ne, %convert_element_type3A, %cond3A : i32
      scf.if %cond3A_139 {
        %dma_wait3A_140 = arith.constant 0 : i32
        %dma_wait3A_141 = arith.constant 0 : i32
        %dma_wait3A_142 = tpu.memref_slice %arg6[%dma_wait3A_141] : memref<128xf32, #tpu.memory_space<vmem>> -> memref<125xf32, #tpu.memory_space<vmem>>
        %dma_wait3A_143 = arith.constant 0 : i32
        %dma_wait3A_144 = tpu.memref_slice %arg4[%dma_wait3A_140, %dma_wait3A_143] : memref<80x125xi32, #tpu.memory_space<vmem>> -> memref<1x125xi32, #tpu.memory_space<vmem>>
        %dma_wait3A_145 = tpu.memref_squeeze %dma_wait3A_144 : memref<1x125xi32, #tpu.memory_space<vmem>> -> memref<125xi32, #tpu.memory_space<vmem>>
        %dma_wait3A_146 = arith.constant 0 : i32
        %dma_wait3A_147 = tpu.memref_slice %arg7[%dma_wait3A_146] : memref<10240xf32, #tpu.memory_space<vmem_shared>> -> memref<10240xf32, #tpu.memory_space<vmem_shared>>
        tpu.wait_indirect_dma semaphore(%arg8 : memref<!tpu.dma_semaphore, #tpu.memory_space<semaphore_mem>>) src(%dma_wait3A_142 : memref<125xf32, #tpu.memory_space<vmem>>) dst(%dma_wait3A_147 : memref<10240xf32, #tpu.memory_space<vmem_shared>>)
      } else {
      }
    }
    %scan3A_59 = arith.constant 80 : i32
    %dma_wait3A = arith.constant 0 : i32
    %dma_wait3A_60 = arith.constant 0 : i32
    %dma_wait3A_61 = tpu.memref_slice %arg6[%dma_wait3A_60] : memref<128xf32, #tpu.memory_space<vmem>> -> memref<125xf32, #tpu.memory_space<vmem>>
    %dma_wait3A_62 = arith.constant 0 : i32
    %dma_wait3A_63 = tpu.memref_slice %arg4[%dma_wait3A, %dma_wait3A_62] : memref<80x125xi32, #tpu.memory_space<vmem>> -> memref<1x125xi32, #tpu.memory_space<vmem>>
    %dma_wait3A_64 = tpu.memref_squeeze %dma_wait3A_63 : memref<1x125xi32, #tpu.memory_space<vmem>> -> memref<125xi32, #tpu.memory_space<vmem>>
    %dma_wait3A_65 = arith.constant 0 : i32
    %dma_wait3A_66 = tpu.memref_slice %arg7[%dma_wait3A_65] : memref<10240xf32, #tpu.memory_space<vmem_shared>> -> memref<10240xf32, #tpu.memory_space<vmem_shared>>
    tpu.wait_indirect_dma semaphore(%arg8 : memref<!tpu.dma_semaphore, #tpu.memory_space<semaphore_mem>>) src(%dma_wait3A_61 : memref<125xf32, #tpu.memory_space<vmem>>) dst(%dma_wait3A_66 : memref<10240xf32, #tpu.memory_space<vmem_shared>>)
    %dma_wait3A_67 = arith.constant 0 : i32
    %dma_wait3A_68 = arith.constant 0 : i32
    %dma_wait3A_69 = tpu.memref_slice %arg6[%dma_wait3A_68] : memref<128xf32, #tpu.memory_space<vmem>> -> memref<125xf32, #tpu.memory_space<vmem>>
    %dma_wait3A_70 = arith.constant 0 : i32
    %dma_wait3A_71 = tpu.memref_slice %arg4[%dma_wait3A_67, %dma_wait3A_70] : memref<80x125xi32, #tpu.memory_space<vmem>> -> memref<1x125xi32, #tpu.memory_space<vmem>>
    %dma_wait3A_72 = tpu.memref_squeeze %dma_wait3A_71 : memref<1x125xi32, #tpu.memory_space<vmem>> -> memref<125xi32, #tpu.memory_space<vmem>>
    %dma_wait3A_73 = arith.constant 0 : i32
    %dma_wait3A_74 = tpu.memref_slice %arg7[%dma_wait3A_73] : memref<10240xf32, #tpu.memory_space<vmem_shared>> -> memref<10240xf32, #tpu.memory_space<vmem_shared>>
    tpu.wait_indirect_dma semaphore(%arg8 : memref<!tpu.dma_semaphore, #tpu.memory_space<semaphore_mem>>) src(%dma_wait3A_69 : memref<125xf32, #tpu.memory_space<vmem>>) dst(%dma_wait3A_74 : memref<10240xf32, #tpu.memory_space<vmem_shared>>)
    %dma_wait3A_75 = arith.constant 0 : i32
    %dma_wait3A_76 = arith.constant 0 : i32
    %dma_wait3A_77 = tpu.memref_slice %arg6[%dma_wait3A_76] : memref<128xf32, #tpu.memory_space<vmem>> -> memref<125xf32, #tpu.memory_space<vmem>>
    %dma_wait3A_78 = arith.constant 0 : i32
    %dma_wait3A_79 = tpu.memref_slice %arg4[%dma_wait3A_75, %dma_wait3A_78] : memref<80x125xi32, #tpu.memory_space<vmem>> -> memref<1x125xi32, #tpu.memory_space<vmem>>
    %dma_wait3A_80 = tpu.memref_squeeze %dma_wait3A_79 : memref<1x125xi32, #tpu.memory_space<vmem>> -> memref<125xi32, #tpu.memory_space<vmem>>
    %dma_wait3A_81 = arith.constant 0 : i32
    %dma_wait3A_82 = tpu.memref_slice %arg7[%dma_wait3A_81] : memref<10240xf32, #tpu.memory_space<vmem_shared>> -> memref<10240xf32, #tpu.memory_space<vmem_shared>>
    tpu.wait_indirect_dma semaphore(%arg8 : memref<!tpu.dma_semaphore, #tpu.memory_space<semaphore_mem>>) src(%dma_wait3A_77 : memref<125xf32, #tpu.memory_space<vmem>>) dst(%dma_wait3A_82 : memref<10240xf32, #tpu.memory_space<vmem_shared>>)
    %dma_wait3A_83 = arith.constant 0 : i32
    %dma_wait3A_84 = arith.constant 0 : i32
    %dma_wait3A_85 = tpu.memref_slice %arg6[%dma_wait3A_84] : memref<128xf32, #tpu.memory_space<vmem>> -> memref<125xf32, #tpu.memory_space<vmem>>
    %dma_wait3A_86 = arith.constant 0 : i32
    %dma_wait3A_87 = tpu.memref_slice %arg4[%dma_wait3A_83, %dma_wait3A_86] : memref<80x125xi32, #tpu.memory_space<vmem>> -> memref<1x125xi32, #tpu.memory_space<vmem>>
    %dma_wait3A_88 = tpu.memref_squeeze %dma_wait3A_87 : memref<1x125xi32, #tpu.memory_space<vmem>> -> memref<125xi32, #tpu.memory_space<vmem>>
    %dma_wait3A_89 = arith.constant 0 : i32
    %dma_wait3A_90 = tpu.memref_slice %arg7[%dma_wait3A_89] : memref<10240xf32, #tpu.memory_space<vmem_shared>> -> memref<10240xf32, #tpu.memory_space<vmem_shared>>
    tpu.wait_indirect_dma semaphore(%arg8 : memref<!tpu.dma_semaphore, #tpu.memory_space<semaphore_mem>>) src(%dma_wait3A_85 : memref<125xf32, #tpu.memory_space<vmem>>) dst(%dma_wait3A_90 : memref<10240xf32, #tpu.memory_space<vmem_shared>>)
    %dma_wait3A_91 = arith.constant 0 : i32
    %dma_wait3A_92 = arith.constant 0 : i32
    %dma_wait3A_93 = tpu.memref_slice %arg6[%dma_wait3A_92] : memref<128xf32, #tpu.memory_space<vmem>> -> memref<125xf32, #tpu.memory_space<vmem>>
    %dma_wait3A_94 = arith.constant 0 : i32
    %dma_wait3A_95 = tpu.memref_slice %arg4[%dma_wait3A_91, %dma_wait3A_94] : memref<80x125xi32, #tpu.memory_space<vmem>> -> memref<1x125xi32, #tpu.memory_space<vmem>>
    %dma_wait3A_96 = tpu.memref_squeeze %dma_wait3A_95 : memref<1x125xi32, #tpu.memory_space<vmem>> -> memref<125xi32, #tpu.memory_space<vmem>>
    %dma_wait3A_97 = arith.constant 0 : i32
    %dma_wait3A_98 = tpu.memref_slice %arg7[%dma_wait3A_97] : memref<10240xf32, #tpu.memory_space<vmem_shared>> -> memref<10240xf32, #tpu.memory_space<vmem_shared>>
    tpu.wait_indirect_dma semaphore(%arg8 : memref<!tpu.dma_semaphore, #tpu.memory_space<semaphore_mem>>) src(%dma_wait3A_93 : memref<125xf32, #tpu.memory_space<vmem>>) dst(%dma_wait3A_98 : memref<10240xf32, #tpu.memory_space<vmem_shared>>)
    %dma_wait3A_99 = arith.constant 0 : i32
    %dma_wait3A_100 = arith.constant 0 : i32
    %dma_wait3A_101 = tpu.memref_slice %arg6[%dma_wait3A_100] : memref<128xf32, #tpu.memory_space<vmem>> -> memref<125xf32, #tpu.memory_space<vmem>>
    %dma_wait3A_102 = arith.constant 0 : i32
    %dma_wait3A_103 = tpu.memref_slice %arg4[%dma_wait3A_99, %dma_wait3A_102] : memref<80x125xi32, #tpu.memory_space<vmem>> -> memref<1x125xi32, #tpu.memory_space<vmem>>
    %dma_wait3A_104 = tpu.memref_squeeze %dma_wait3A_103 : memref<1x125xi32, #tpu.memory_space<vmem>> -> memref<125xi32, #tpu.memory_space<vmem>>
    %dma_wait3A_105 = arith.constant 0 : i32
    %dma_wait3A_106 = tpu.memref_slice %arg7[%dma_wait3A_105] : memref<10240xf32, #tpu.memory_space<vmem_shared>> -> memref<10240xf32, #tpu.memory_space<vmem_shared>>
    tpu.wait_indirect_dma semaphore(%arg8 : memref<!tpu.dma_semaphore, #tpu.memory_space<semaphore_mem>>) src(%dma_wait3A_101 : memref<125xf32, #tpu.memory_space<vmem>>) dst(%dma_wait3A_106 : memref<10240xf32, #tpu.memory_space<vmem_shared>>)
    %dma_wait3A_107 = arith.constant 0 : i32
    %dma_wait3A_108 = arith.constant 0 : i32
    %dma_wait3A_109 = tpu.memref_slice %arg6[%dma_wait3A_108] : memref<128xf32, #tpu.memory_space<vmem>> -> memref<125xf32, #tpu.memory_space<vmem>>
    %dma_wait3A_110 = arith.constant 0 : i32
    %dma_wait3A_111 = tpu.memref_slice %arg4[%dma_wait3A_107, %dma_wait3A_110] : memref<80x125xi32, #tpu.memory_space<vmem>> -> memref<1x125xi32, #tpu.memory_space<vmem>>
    %dma_wait3A_112 = tpu.memref_squeeze %dma_wait3A_111 : memref<1x125xi32, #tpu.memory_space<vmem>> -> memref<125xi32, #tpu.memory_space<vmem>>
    %dma_wait3A_113 = arith.constant 0 : i32
    %dma_wait3A_114 = tpu.memref_slice %arg7[%dma_wait3A_113] : memref<10240xf32, #tpu.memory_space<vmem_shared>> -> memref<10240xf32, #tpu.memory_space<vmem_shared>>
    tpu.wait_indirect_dma semaphore(%arg8 : memref<!tpu.dma_semaphore, #tpu.memory_space<semaphore_mem>>) src(%dma_wait3A_109 : memref<125xf32, #tpu.memory_space<vmem>>) dst(%dma_wait3A_114 : memref<10240xf32, #tpu.memory_space<vmem_shared>>)
    %dma_wait3A_115 = arith.constant 0 : i32
    %dma_wait3A_116 = arith.constant 0 : i32
    %dma_wait3A_117 = tpu.memref_slice %arg6[%dma_wait3A_116] : memref<128xf32, #tpu.memory_space<vmem>> -> memref<125xf32, #tpu.memory_space<vmem>>
    %dma_wait3A_118 = arith.constant 0 : i32
    %dma_wait3A_119 = tpu.memref_slice %arg4[%dma_wait3A_115, %dma_wait3A_118] : memref<80x125xi32, #tpu.memory_space<vmem>> -> memref<1x125xi32, #tpu.memory_space<vmem>>
    %dma_wait3A_120 = tpu.memref_squeeze %dma_wait3A_119 : memref<1x125xi32, #tpu.memory_space<vmem>> -> memref<125xi32, #tpu.memory_space<vmem>>
    %dma_wait3A_121 = arith.constant 0 : i32
    %dma_wait3A_122 = tpu.memref_slice %arg7[%dma_wait3A_121] : memref<10240xf32, #tpu.memory_space<vmem_shared>> -> memref<10240xf32, #tpu.memory_space<vmem_shared>>
    tpu.wait_indirect_dma semaphore(%arg8 : memref<!tpu.dma_semaphore, #tpu.memory_space<semaphore_mem>>) src(%dma_wait3A_117 : memref<125xf32, #tpu.memory_space<vmem>>) dst(%dma_wait3A_122 : memref<10240xf32, #tpu.memory_space<vmem_shared>>)
    %barrier3A_123 = arith.constant 0 : index
    tpu.barrier barrier_id(%barrier3A_123)
    %mul3A_124 = arith.constant 640 : i32
    %mul3A_125 = arith.muli %arg1, %mul3A_124 : i32
    "tpu.region"() ({
      %run_scoped3A = tpu.sem_alloc : memref<!tpu.dma_semaphore, #tpu.memory_space<semaphore_mem>>
      %dma_start3A = arith.constant 0 : i32
      %dma_start3A_131 = tpu.memref_slice %arg5[%dma_start3A] : memref<640xf32, #tpu.memory_space<vmem>> -> memref<640xf32, #tpu.memory_space<vmem>>
      %dma_start3A_132 = tpu.memref_slice %arg7[%mul3A_125] : memref<10240xf32, #tpu.memory_space<vmem_shared>> -> memref<640xf32, #tpu.memory_space<vmem_shared>>
      %dma_start3A_133 = arith.constant 0 : i32
      %dma_start3A_134 = tpu.memref_slice %arg5[%dma_start3A_133] : memref<640xf32, #tpu.memory_space<vmem>> -> memref<640xf32, #tpu.memory_space<vmem>>
      %dma_start3A_135 = tpu.memref_slice %arg7[%mul3A_125] : memref<10240xf32, #tpu.memory_space<vmem_shared>> -> memref<640xf32, #tpu.memory_space<vmem_shared>>
      tpu.enqueue_dma source(%dma_start3A_135 : memref<640xf32, #tpu.memory_space<vmem_shared>>) target(%dma_start3A_134 : memref<640xf32, #tpu.memory_space<vmem>>) target_semaphore(%run_scoped3A : memref<!tpu.dma_semaphore, #tpu.memory_space<semaphore_mem>>)
      %dma_wait3A_136 = arith.constant 0 : i32
      %dma_wait3A_137 = tpu.memref_slice %arg5[%dma_wait3A_136] : memref<640xf32, #tpu.memory_space<vmem>> -> memref<640xf32, #tpu.memory_space<vmem>>
      %dma_wait3A_138 = tpu.memref_slice %arg7[%mul3A_125] : memref<10240xf32, #tpu.memory_space<vmem_shared>> -> memref<640xf32, #tpu.memory_space<vmem_shared>>
      %dma_wait3A_139 = arith.constant 0 : i32
      %dma_wait3A_140 = tpu.memref_slice %arg5[%dma_wait3A_139] : memref<640xf32, #tpu.memory_space<vmem>> -> memref<640xf32, #tpu.memory_space<vmem>>
      %dma_wait3A_141 = tpu.memref_slice %arg7[%mul3A_125] : memref<10240xf32, #tpu.memory_space<vmem_shared>> -> memref<640xf32, #tpu.memory_space<vmem_shared>>
      tpu.wait_dma2 semaphore(%run_scoped3A : memref<!tpu.dma_semaphore, #tpu.memory_space<semaphore_mem>>) src(%dma_wait3A_141 : memref<640xf32, #tpu.memory_space<vmem_shared>>) dst(%dma_wait3A_140 : memref<640xf32, #tpu.memory_space<vmem>>)
      tpu.yield
    }) : () -> ()
    %mul3A_126 = arith.constant 10240 : i32
    %mul3A_127 = arith.muli %arg0, %mul3A_126 : i32
    %mul3A_128 = arith.constant 640 : i32
    %mul3A_129 = arith.muli %arg1, %mul3A_128 : i32
    %add3A_130 = arith.addi %mul3A_127, %mul3A_129 : i32
    "tpu.region"() ({
      %run_scoped3A = tpu.sem_alloc : memref<!tpu.dma_semaphore, #tpu.memory_space<semaphore_mem>>
      %dma_start3A = arith.constant 0 : i32
      %dma_start3A_131 = tpu.memref_slice %arg5[%dma_start3A] : memref<640xf32, #tpu.memory_space<vmem>> -> memref<640xf32, #tpu.memory_space<vmem>>
      %dma_start3A_132 = tpu.memref_slice %arg3[%add3A_130] : memref<20480xf32, #tpu.memory_space<hbm>> -> memref<640xf32, #tpu.memory_space<hbm>>
      %dma_start3A_133 = tpu.memref_slice %arg3[%add3A_130] : memref<20480xf32, #tpu.memory_space<hbm>> -> memref<640xf32, #tpu.memory_space<hbm>>
      %dma_start3A_134 = arith.constant 0 : i32
      %dma_start3A_135 = tpu.memref_slice %arg5[%dma_start3A_134] : memref<640xf32, #tpu.memory_space<vmem>> -> memref<640xf32, #tpu.memory_space<vmem>>
      tpu.enqueue_dma source(%dma_start3A_135 : memref<640xf32, #tpu.memory_space<vmem>>) target(%dma_start3A_133 : memref<640xf32, #tpu.memory_space<hbm>>) target_semaphore(%run_scoped3A : memref<!tpu.dma_semaphore, #tpu.memory_space<semaphore_mem>>)
      %dma_wait3A_136 = arith.constant 0 : i32
      %dma_wait3A_137 = tpu.memref_slice %arg5[%dma_wait3A_136] : memref<640xf32, #tpu.memory_space<vmem>> -> memref<640xf32, #tpu.memory_space<vmem>>
      %dma_wait3A_138 = tpu.memref_slice %arg3[%add3A_130] : memref<20480xf32, #tpu.memory_space<hbm>> -> memref<640xf32, #tpu.memory_space<hbm>>
      %dma_wait3A_139 = tpu.memref_slice %arg3[%add3A_130] : memref<20480xf32, #tpu.memory_space<hbm>> -> memref<640xf32, #tpu.memory_space<hbm>>
      %dma_wait3A_140 = arith.constant 0 : i32
      %dma_wait3A_141 = tpu.memref_slice %arg5[%dma_wait3A_140] : memref<640xf32, #tpu.memory_space<vmem>> -> memref<640xf32, #tpu.memory_space<vmem>>
      tpu.wait_dma2 semaphore(%run_scoped3A : memref<!tpu.dma_semaphore, #tpu.memory_space<semaphore_mem>>) src(%dma_wait3A_141 : memref<640xf32, #tpu.memory_space<vmem>>) dst(%dma_wait3A_139 : memref<640xf32, #tpu.memory_space<hbm>>)
      tpu.yield
    }) : () -> ()
    return
  }
}

#map = affine_map<(d0, d1) -> (0, 0)>
module attributes {stable_mosaic.version = 14 : i64} {
  func.func @_sc_scatter(%arg0: i32, %arg1: i32, %arg2: memref<10000x128xf32, #tpu.memory_space<hbm>>, %arg3: memref<4096x80xi32, #tpu.memory_space<hbm>>, %arg4: memref<4096x80xi32, #tpu.memory_space<hbm>>, %arg5: memref<20480x128xf32, #tpu.memory_space<hbm>>, %arg6: memref<4x80xi32, #tpu.memory_space<vmem>>, %arg7: memref<4x80xi32, #tpu.memory_space<vmem>>, %arg8: memref<320x128xf32, #tpu.memory_space<vmem>>, %arg9: memref<10240x128xf32, #tpu.memory_space<vmem_shared>>, %arg10: memref<!tpu.dma_semaphore, #tpu.memory_space<semaphore_mem>>, %arg11: memref<!tpu.dma_semaphore, #tpu.memory_space<semaphore_mem>>, %arg12: memref<!tpu.dma_semaphore, #tpu.memory_space<semaphore_mem>>, %arg13: memref<!tpu.dma_semaphore, #tpu.memory_space<semaphore_mem>>, %arg14: memref<!tpu.dma_semaphore, #tpu.memory_space<semaphore_mem>>, %arg15: memref<!tpu.dma_semaphore, #tpu.memory_space<semaphore_mem>>, %arg16: memref<!tpu.dma_semaphore, #tpu.memory_space<semaphore_mem>>, %arg17: memref<!tpu.dma_semaphore, #tpu.memory_space<semaphore_mem>>, %arg18: memref<!tpu.dma_semaphore, #tpu.memory_space<semaphore_mem>>, %arg19: memref<!tpu.dma_semaphore, #tpu.memory_space<semaphore_mem>>, %arg20: memref<!tpu.dma_semaphore, #tpu.memory_space<semaphore_mem>>, %arg21: memref<!tpu.dma_semaphore, #tpu.memory_space<semaphore_mem>>) attributes {dimension_semantics = [#tpu.dimension_semantics<core_parallel>, #tpu.dimension_semantics<subcore_parallel>], iteration_bounds = array<i64: 2, 16>, scalar_prefetch = 0 : i64, scratch_operands = 16 : i64, tpu.core_type = #tpu.core_type<sc_vector_subcore>, window_params = [{transform_indices = #map}, {transform_indices = #map}, {transform_indices = #map}, {transform_indices = #map}]} {
    %mul3A = arith.constant 2 : i32
    %mul3A_0 = arith.muli %arg1, %mul3A : i32
    %add3A = arith.addi %mul3A_0, %arg0 : i32
    %scan3A = arith.constant 0 : i32
    %scan3A_1 = arith.constant 320 : i32
    %scan3A_2 = arith.addi %scan3A, %scan3A_1 : i32
    %scan3A_3 = arith.constant 1 : i32
    scf.for %scan3A_124 = %scan3A to %scan3A_2 step %scan3A_3  : i32 {
      %broadcast_in_dim3A = arith.constant 0.000000e+00 : f32
      %broadcast_in_dim3A_125 = vector.broadcast %broadcast_in_dim3A : f32 to vector<16xf32>
      %swap3A = arith.index_cast %scan3A_124 : i32 to index
      %swap3A_126 = arith.constant 0 : index
      %swap3A_127 = tpu.vector_load %arg8[%swap3A, %swap3A_126] {strides = array<i32>} : memref<320x128xf32, #tpu.memory_space<vmem>>, vector<1x16xf32>,
      %swap3A_128 = vector.shape_cast %swap3A_127 : vector<1x16xf32> to vector<16xf32>
      %swap3A_129 = vector.shape_cast %broadcast_in_dim3A_125 : vector<16xf32> to vector<1x16xf32>
      tpu.vector_store %arg8[%swap3A, %swap3A_126], %swap3A_129 {strides = array<i32>} : memref<320x128xf32, #tpu.memory_space<vmem>>, vector<1x16xf32>,
      %broadcast_in_dim3A_130 = arith.constant 0.000000e+00 : f32
      %broadcast_in_dim3A_131 = vector.broadcast %broadcast_in_dim3A_130 : f32 to vector<16xf32>
      %swap3A_132 = arith.index_cast %scan3A_124 : i32 to index
      %swap3A_133 = arith.constant 16 : index
      %swap3A_134 = tpu.vector_load %arg8[%swap3A_132, %swap3A_133] {strides = array<i32>} : memref<320x128xf32, #tpu.memory_space<vmem>>, vector<1x16xf32>,
      %swap3A_135 = vector.shape_cast %swap3A_134 : vector<1x16xf32> to vector<16xf32>
      %swap3A_136 = vector.shape_cast %broadcast_in_dim3A_131 : vector<16xf32> to vector<1x16xf32>
      tpu.vector_store %arg8[%swap3A_132, %swap3A_133], %swap3A_136 {strides = array<i32>} : memref<320x128xf32, #tpu.memory_space<vmem>>, vector<1x16xf32>,
      %broadcast_in_dim3A_137 = arith.constant 0.000000e+00 : f32
      %broadcast_in_dim3A_138 = vector.broadcast %broadcast_in_dim3A_137 : f32 to vector<16xf32>
      %swap3A_139 = arith.index_cast %scan3A_124 : i32 to index
      %swap3A_140 = arith.constant 32 : index
      %swap3A_141 = tpu.vector_load %arg8[%swap3A_139, %swap3A_140] {strides = array<i32>} : memref<320x128xf32, #tpu.memory_space<vmem>>, vector<1x16xf32>,
      %swap3A_142 = vector.shape_cast %swap3A_141 : vector<1x16xf32> to vector<16xf32>
      %swap3A_143 = vector.shape_cast %broadcast_in_dim3A_138 : vector<16xf32> to vector<1x16xf32>
      tpu.vector_store %arg8[%swap3A_139, %swap3A_140], %swap3A_143 {strides = array<i32>} : memref<320x128xf32, #tpu.memory_space<vmem>>, vector<1x16xf32>,
      %broadcast_in_dim3A_144 = arith.constant 0.000000e+00 : f32
      %broadcast_in_dim3A_145 = vector.broadcast %broadcast_in_dim3A_144 : f32 to vector<16xf32>
      %swap3A_146 = arith.index_cast %scan3A_124 : i32 to index
      %swap3A_147 = arith.constant 48 : index
      %swap3A_148 = tpu.vector_load %arg8[%swap3A_146, %swap3A_147] {strides = array<i32>} : memref<320x128xf32, #tpu.memory_space<vmem>>, vector<1x16xf32>,
      %swap3A_149 = vector.shape_cast %swap3A_148 : vector<1x16xf32> to vector<16xf32>
      %swap3A_150 = vector.shape_cast %broadcast_in_dim3A_145 : vector<16xf32> to vector<1x16xf32>
      tpu.vector_store %arg8[%swap3A_146, %swap3A_147], %swap3A_150 {strides = array<i32>} : memref<320x128xf32, #tpu.memory_space<vmem>>, vector<1x16xf32>,
      %broadcast_in_dim3A_151 = arith.constant 0.000000e+00 : f32
      %broadcast_in_dim3A_152 = vector.broadcast %broadcast_in_dim3A_151 : f32 to vector<16xf32>
      %swap3A_153 = arith.index_cast %scan3A_124 : i32 to index
      %swap3A_154 = arith.constant 64 : index
      %swap3A_155 = tpu.vector_load %arg8[%swap3A_153, %swap3A_154] {strides = array<i32>} : memref<320x128xf32, #tpu.memory_space<vmem>>, vector<1x16xf32>,
      %swap3A_156 = vector.shape_cast %swap3A_155 : vector<1x16xf32> to vector<16xf32>
      %swap3A_157 = vector.shape_cast %broadcast_in_dim3A_152 : vector<16xf32> to vector<1x16xf32>
      tpu.vector_store %arg8[%swap3A_153, %swap3A_154], %swap3A_157 {strides = array<i32>} : memref<320x128xf32, #tpu.memory_space<vmem>>, vector<1x16xf32>,
      %broadcast_in_dim3A_158 = arith.constant 0.000000e+00 : f32
      %broadcast_in_dim3A_159 = vector.broadcast %broadcast_in_dim3A_158 : f32 to vector<16xf32>
      %swap3A_160 = arith.index_cast %scan3A_124 : i32 to index
      %swap3A_161 = arith.constant 80 : index
      %swap3A_162 = tpu.vector_load %arg8[%swap3A_160, %swap3A_161] {strides = array<i32>} : memref<320x128xf32, #tpu.memory_space<vmem>>, vector<1x16xf32>,
      %swap3A_163 = vector.shape_cast %swap3A_162 : vector<1x16xf32> to vector<16xf32>
      %swap3A_164 = vector.shape_cast %broadcast_in_dim3A_159 : vector<16xf32> to vector<1x16xf32>
      tpu.vector_store %arg8[%swap3A_160, %swap3A_161], %swap3A_164 {strides = array<i32>} : memref<320x128xf32, #tpu.memory_space<vmem>>, vector<1x16xf32>,
      %broadcast_in_dim3A_165 = arith.constant 0.000000e+00 : f32
      %broadcast_in_dim3A_166 = vector.broadcast %broadcast_in_dim3A_165 : f32 to vector<16xf32>
      %swap3A_167 = arith.index_cast %scan3A_124 : i32 to index
      %swap3A_168 = arith.constant 96 : index
      %swap3A_169 = tpu.vector_load %arg8[%swap3A_167, %swap3A_168] {strides = array<i32>} : memref<320x128xf32, #tpu.memory_space<vmem>>, vector<1x16xf32>,
      %swap3A_170 = vector.shape_cast %swap3A_169 : vector<1x16xf32> to vector<16xf32>
      %swap3A_171 = vector.shape_cast %broadcast_in_dim3A_166 : vector<16xf32> to vector<1x16xf32>
      tpu.vector_store %arg8[%swap3A_167, %swap3A_168], %swap3A_171 {strides = array<i32>} : memref<320x128xf32, #tpu.memory_space<vmem>>, vector<1x16xf32>,
      %broadcast_in_dim3A_172 = arith.constant 0.000000e+00 : f32
      %broadcast_in_dim3A_173 = vector.broadcast %broadcast_in_dim3A_172 : f32 to vector<16xf32>
      %swap3A_174 = arith.index_cast %scan3A_124 : i32 to index
      %swap3A_175 = arith.constant 112 : index
      %swap3A_176 = tpu.vector_load %arg8[%swap3A_174, %swap3A_175] {strides = array<i32>} : memref<320x128xf32, #tpu.memory_space<vmem>>, vector<1x16xf32>,
      %swap3A_177 = vector.shape_cast %swap3A_176 : vector<1x16xf32> to vector<16xf32>
      %swap3A_178 = vector.shape_cast %broadcast_in_dim3A_173 : vector<16xf32> to vector<1x16xf32>
      tpu.vector_store %arg8[%swap3A_174, %swap3A_175], %swap3A_178 {strides = array<i32>} : memref<320x128xf32, #tpu.memory_space<vmem>>, vector<1x16xf32>,
    }
    %scan3A_4 = arith.constant 320 : i32
    %mul3A_5 = arith.constant 640 : i32
    %mul3A_6 = arith.muli %arg1, %mul3A_5 : i32
    %add3A_7 = arith.constant 0 : i32
    %add3A_8 = arith.addi %mul3A_6, %add3A_7 : i32
    "tpu.region"() ({
      %run_scoped3A = tpu.sem_alloc : memref<!tpu.dma_semaphore, #tpu.memory_space<semaphore_mem>>
      %dma_start3A_124 = arith.constant 0 : i32
      %dma_start3A_125 = arith.constant 0 : i32
      %dma_start3A_126 = tpu.memref_slice %arg8[%dma_start3A_124, %dma_start3A_125] : memref<320x128xf32, #tpu.memory_space<vmem>> -> memref<128x128xf32, #tpu.memory_space<vmem>>
      %dma_start3A_127 = arith.constant 0 : i32
      %dma_start3A_128 = tpu.memref_slice %arg9[%add3A_8, %dma_start3A_127] : memref<10240x128xf32, #tpu.memory_space<vmem_shared>> -> memref<128x128xf32, #tpu.memory_space<vmem_shared>>
      %dma_start3A_129 = arith.constant 0 : i32
      %dma_start3A_130 = tpu.memref_slice %arg9[%add3A_8, %dma_start3A_129] : memref<10240x128xf32, #tpu.memory_space<vmem_shared>> -> memref<128x128xf32, #tpu.memory_space<vmem_shared>>
      %dma_start3A_131 = arith.constant 0 : i32
      %dma_start3A_132 = arith.constant 0 : i32
      %dma_start3A_133 = tpu.memref_slice %arg8[%dma_start3A_131, %dma_start3A_132] : memref<320x128xf32, #tpu.memory_space<vmem>> -> memref<128x128xf32, #tpu.memory_space<vmem>>
      tpu.enqueue_dma source(%dma_start3A_133 : memref<128x128xf32, #tpu.memory_space<vmem>>) target(%dma_start3A_130 : memref<128x128xf32, #tpu.memory_space<vmem_shared>>) target_semaphore(%run_scoped3A : memref<!tpu.dma_semaphore, #tpu.memory_space<semaphore_mem>>)
      %dma_wait3A_134 = arith.constant 0 : i32
      %dma_wait3A_135 = arith.constant 0 : i32
      %dma_wait3A_136 = tpu.memref_slice %arg8[%dma_wait3A_134, %dma_wait3A_135] : memref<320x128xf32, #tpu.memory_space<vmem>> -> memref<128x128xf32, #tpu.memory_space<vmem>>
      %dma_wait3A_137 = arith.constant 0 : i32
      %dma_wait3A_138 = tpu.memref_slice %arg9[%add3A_8, %dma_wait3A_137] : memref<10240x128xf32, #tpu.memory_space<vmem_shared>> -> memref<128x128xf32, #tpu.memory_space<vmem_shared>>
      %dma_wait3A_139 = arith.constant 0 : i32
      %dma_wait3A_140 = tpu.memref_slice %arg9[%add3A_8, %dma_wait3A_139] : memref<10240x128xf32, #tpu.memory_space<vmem_shared>> -> memref<128x128xf32, #tpu.memory_space<vmem_shared>>
      %dma_wait3A_141 = arith.constant 0 : i32
      %dma_wait3A_142 = arith.constant 0 : i32
      %dma_wait3A_143 = tpu.memref_slice %arg8[%dma_wait3A_141, %dma_wait3A_142] : memref<320x128xf32, #tpu.memory_space<vmem>> -> memref<128x128xf32, #tpu.memory_space<vmem>>
      tpu.wait_dma2 semaphore(%run_scoped3A : memref<!tpu.dma_semaphore, #tpu.memory_space<semaphore_mem>>) src(%dma_wait3A_143 : memref<128x128xf32, #tpu.memory_space<vmem>>) dst(%dma_wait3A_140 : memref<128x128xf32, #tpu.memory_space<vmem_shared>>)
      tpu.yield
    }) : () -> ()
    %mul3A_9 = arith.constant 640 : i32
    %mul3A_10 = arith.muli %arg1, %mul3A_9 : i32
    %add3A_11 = arith.constant 128 : i32
    %add3A_12 = arith.addi %mul3A_10, %add3A_11 : i32
    "tpu.region"() ({
      %run_scoped3A = tpu.sem_alloc : memref<!tpu.dma_semaphore, #tpu.memory_space<semaphore_mem>>
      %dma_start3A_124 = arith.constant 0 : i32
      %dma_start3A_125 = arith.constant 0 : i32
      %dma_start3A_126 = tpu.memref_slice %arg8[%dma_start3A_124, %dma_start3A_125] : memref<320x128xf32, #tpu.memory_space<vmem>> -> memref<128x128xf32, #tpu.memory_space<vmem>>
      %dma_start3A_127 = arith.constant 0 : i32
      %dma_start3A_128 = tpu.memref_slice %arg9[%add3A_12, %dma_start3A_127] : memref<10240x128xf32, #tpu.memory_space<vmem_shared>> -> memref<128x128xf32, #tpu.memory_space<vmem_shared>>
      %dma_start3A_129 = arith.constant 0 : i32
      %dma_start3A_130 = tpu.memref_slice %arg9[%add3A_12, %dma_start3A_129] : memref<10240x128xf32, #tpu.memory_space<vmem_shared>> -> memref<128x128xf32, #tpu.memory_space<vmem_shared>>
      %dma_start3A_131 = arith.constant 0 : i32
      %dma_start3A_132 = arith.constant 0 : i32
      %dma_start3A_133 = tpu.memref_slice %arg8[%dma_start3A_131, %dma_start3A_132] : memref<320x128xf32, #tpu.memory_space<vmem>> -> memref<128x128xf32, #tpu.memory_space<vmem>>
      tpu.enqueue_dma source(%dma_start3A_133 : memref<128x128xf32, #tpu.memory_space<vmem>>) target(%dma_start3A_130 : memref<128x128xf32, #tpu.memory_space<vmem_shared>>) target_semaphore(%run_scoped3A : memref<!tpu.dma_semaphore, #tpu.memory_space<semaphore_mem>>)
      %dma_wait3A_134 = arith.constant 0 : i32
      %dma_wait3A_135 = arith.constant 0 : i32
      %dma_wait3A_136 = tpu.memref_slice %arg8[%dma_wait3A_134, %dma_wait3A_135] : memref<320x128xf32, #tpu.memory_space<vmem>> -> memref<128x128xf32, #tpu.memory_space<vmem>>
      %dma_wait3A_137 = arith.constant 0 : i32
      %dma_wait3A_138 = tpu.memref_slice %arg9[%add3A_12, %dma_wait3A_137] : memref<10240x128xf32, #tpu.memory_space<vmem_shared>> -> memref<128x128xf32, #tpu.memory_space<vmem_shared>>
      %dma_wait3A_139 = arith.constant 0 : i32
      %dma_wait3A_140 = tpu.memref_slice %arg9[%add3A_12, %dma_wait3A_139] : memref<10240x128xf32, #tpu.memory_space<vmem_shared>> -> memref<128x128xf32, #tpu.memory_space<vmem_shared>>
      %dma_wait3A_141 = arith.constant 0 : i32
      %dma_wait3A_142 = arith.constant 0 : i32
      %dma_wait3A_143 = tpu.memref_slice %arg8[%dma_wait3A_141, %dma_wait3A_142] : memref<320x128xf32, #tpu.memory_space<vmem>> -> memref<128x128xf32, #tpu.memory_space<vmem>>
      tpu.wait_dma2 semaphore(%run_scoped3A : memref<!tpu.dma_semaphore, #tpu.memory_space<semaphore_mem>>) src(%dma_wait3A_143 : memref<128x128xf32, #tpu.memory_space<vmem>>) dst(%dma_wait3A_140 : memref<128x128xf32, #tpu.memory_space<vmem_shared>>)
      tpu.yield
    }) : () -> ()
    %mul3A_13 = arith.constant 640 : i32
    %mul3A_14 = arith.muli %arg1, %mul3A_13 : i32
    %add3A_15 = arith.constant 256 : i32
    %add3A_16 = arith.addi %mul3A_14, %add3A_15 : i32
    "tpu.region"() ({
      %run_scoped3A = tpu.sem_alloc : memref<!tpu.dma_semaphore, #tpu.memory_space<semaphore_mem>>
      %dma_start3A_124 = arith.constant 0 : i32
      %dma_start3A_125 = arith.constant 0 : i32
      %dma_start3A_126 = tpu.memref_slice %arg8[%dma_start3A_124, %dma_start3A_125] : memref<320x128xf32, #tpu.memory_space<vmem>> -> memref<128x128xf32, #tpu.memory_space<vmem>>
      %dma_start3A_127 = arith.constant 0 : i32
      %dma_start3A_128 = tpu.memref_slice %arg9[%add3A_16, %dma_start3A_127] : memref<10240x128xf32, #tpu.memory_space<vmem_shared>> -> memref<128x128xf32, #tpu.memory_space<vmem_shared>>
      %dma_start3A_129 = arith.constant 0 : i32
      %dma_start3A_130 = tpu.memref_slice %arg9[%add3A_16, %dma_start3A_129] : memref<10240x128xf32, #tpu.memory_space<vmem_shared>> -> memref<128x128xf32, #tpu.memory_space<vmem_shared>>
      %dma_start3A_131 = arith.constant 0 : i32
      %dma_start3A_132 = arith.constant 0 : i32
      %dma_start3A_133 = tpu.memref_slice %arg8[%dma_start3A_131, %dma_start3A_132] : memref<320x128xf32, #tpu.memory_space<vmem>> -> memref<128x128xf32, #tpu.memory_space<vmem>>
      tpu.enqueue_dma source(%dma_start3A_133 : memref<128x128xf32, #tpu.memory_space<vmem>>) target(%dma_start3A_130 : memref<128x128xf32, #tpu.memory_space<vmem_shared>>) target_semaphore(%run_scoped3A : memref<!tpu.dma_semaphore, #tpu.memory_space<semaphore_mem>>)
      %dma_wait3A_134 = arith.constant 0 : i32
      %dma_wait3A_135 = arith.constant 0 : i32
      %dma_wait3A_136 = tpu.memref_slice %arg8[%dma_wait3A_134, %dma_wait3A_135] : memref<320x128xf32, #tpu.memory_space<vmem>> -> memref<128x128xf32, #tpu.memory_space<vmem>>
      %dma_wait3A_137 = arith.constant 0 : i32
      %dma_wait3A_138 = tpu.memref_slice %arg9[%add3A_16, %dma_wait3A_137] : memref<10240x128xf32, #tpu.memory_space<vmem_shared>> -> memref<128x128xf32, #tpu.memory_space<vmem_shared>>
      %dma_wait3A_139 = arith.constant 0 : i32
      %dma_wait3A_140 = tpu.memref_slice %arg9[%add3A_16, %dma_wait3A_139] : memref<10240x128xf32, #tpu.memory_space<vmem_shared>> -> memref<128x128xf32, #tpu.memory_space<vmem_shared>>
      %dma_wait3A_141 = arith.constant 0 : i32
      %dma_wait3A_142 = arith.constant 0 : i32
      %dma_wait3A_143 = tpu.memref_slice %arg8[%dma_wait3A_141, %dma_wait3A_142] : memref<320x128xf32, #tpu.memory_space<vmem>> -> memref<128x128xf32, #tpu.memory_space<vmem>>
      tpu.wait_dma2 semaphore(%run_scoped3A : memref<!tpu.dma_semaphore, #tpu.memory_space<semaphore_mem>>) src(%dma_wait3A_143 : memref<128x128xf32, #tpu.memory_space<vmem>>) dst(%dma_wait3A_140 : memref<128x128xf32, #tpu.memory_space<vmem_shared>>)
      tpu.yield
    }) : () -> ()
    %mul3A_17 = arith.constant 640 : i32
    %mul3A_18 = arith.muli %arg1, %mul3A_17 : i32
    %add3A_19 = arith.constant 384 : i32
    %add3A_20 = arith.addi %mul3A_18, %add3A_19 : i32
    "tpu.region"() ({
      %run_scoped3A = tpu.sem_alloc : memref<!tpu.dma_semaphore, #tpu.memory_space<semaphore_mem>>
      %dma_start3A_124 = arith.constant 0 : i32
      %dma_start3A_125 = arith.constant 0 : i32
      %dma_start3A_126 = tpu.memref_slice %arg8[%dma_start3A_124, %dma_start3A_125] : memref<320x128xf32, #tpu.memory_space<vmem>> -> memref<128x128xf32, #tpu.memory_space<vmem>>
      %dma_start3A_127 = arith.constant 0 : i32
      %dma_start3A_128 = tpu.memref_slice %arg9[%add3A_20, %dma_start3A_127] : memref<10240x128xf32, #tpu.memory_space<vmem_shared>> -> memref<128x128xf32, #tpu.memory_space<vmem_shared>>
      %dma_start3A_129 = arith.constant 0 : i32
      %dma_start3A_130 = tpu.memref_slice %arg9[%add3A_20, %dma_start3A_129] : memref<10240x128xf32, #tpu.memory_space<vmem_shared>> -> memref<128x128xf32, #tpu.memory_space<vmem_shared>>
      %dma_start3A_131 = arith.constant 0 : i32
      %dma_start3A_132 = arith.constant 0 : i32
      %dma_start3A_133 = tpu.memref_slice %arg8[%dma_start3A_131, %dma_start3A_132] : memref<320x128xf32, #tpu.memory_space<vmem>> -> memref<128x128xf32, #tpu.memory_space<vmem>>
      tpu.enqueue_dma source(%dma_start3A_133 : memref<128x128xf32, #tpu.memory_space<vmem>>) target(%dma_start3A_130 : memref<128x128xf32, #tpu.memory_space<vmem_shared>>) target_semaphore(%run_scoped3A : memref<!tpu.dma_semaphore, #tpu.memory_space<semaphore_mem>>)
      %dma_wait3A_134 = arith.constant 0 : i32
      %dma_wait3A_135 = arith.constant 0 : i32
      %dma_wait3A_136 = tpu.memref_slice %arg8[%dma_wait3A_134, %dma_wait3A_135] : memref<320x128xf32, #tpu.memory_space<vmem>> -> memref<128x128xf32, #tpu.memory_space<vmem>>
      %dma_wait3A_137 = arith.constant 0 : i32
      %dma_wait3A_138 = tpu.memref_slice %arg9[%add3A_20, %dma_wait3A_137] : memref<10240x128xf32, #tpu.memory_space<vmem_shared>> -> memref<128x128xf32, #tpu.memory_space<vmem_shared>>
      %dma_wait3A_139 = arith.constant 0 : i32
      %dma_wait3A_140 = tpu.memref_slice %arg9[%add3A_20, %dma_wait3A_139] : memref<10240x128xf32, #tpu.memory_space<vmem_shared>> -> memref<128x128xf32, #tpu.memory_space<vmem_shared>>
      %dma_wait3A_141 = arith.constant 0 : i32
      %dma_wait3A_142 = arith.constant 0 : i32
      %dma_wait3A_143 = tpu.memref_slice %arg8[%dma_wait3A_141, %dma_wait3A_142] : memref<320x128xf32, #tpu.memory_space<vmem>> -> memref<128x128xf32, #tpu.memory_space<vmem>>
      tpu.wait_dma2 semaphore(%run_scoped3A : memref<!tpu.dma_semaphore, #tpu.memory_space<semaphore_mem>>) src(%dma_wait3A_143 : memref<128x128xf32, #tpu.memory_space<vmem>>) dst(%dma_wait3A_140 : memref<128x128xf32, #tpu.memory_space<vmem_shared>>)
      tpu.yield
    }) : () -> ()
    %mul3A_21 = arith.constant 640 : i32
    %mul3A_22 = arith.muli %arg1, %mul3A_21 : i32
    %add3A_23 = arith.constant 512 : i32
    %add3A_24 = arith.addi %mul3A_22, %add3A_23 : i32
    "tpu.region"() ({
      %run_scoped3A = tpu.sem_alloc : memref<!tpu.dma_semaphore, #tpu.memory_space<semaphore_mem>>
      %dma_start3A_124 = arith.constant 0 : i32
      %dma_start3A_125 = arith.constant 0 : i32
      %dma_start3A_126 = tpu.memref_slice %arg8[%dma_start3A_124, %dma_start3A_125] : memref<320x128xf32, #tpu.memory_space<vmem>> -> memref<128x128xf32, #tpu.memory_space<vmem>>
      %dma_start3A_127 = arith.constant 0 : i32
      %dma_start3A_128 = tpu.memref_slice %arg9[%add3A_24, %dma_start3A_127] : memref<10240x128xf32, #tpu.memory_space<vmem_shared>> -> memref<128x128xf32, #tpu.memory_space<vmem_shared>>
      %dma_start3A_129 = arith.constant 0 : i32
      %dma_start3A_130 = tpu.memref_slice %arg9[%add3A_24, %dma_start3A_129] : memref<10240x128xf32, #tpu.memory_space<vmem_shared>> -> memref<128x128xf32, #tpu.memory_space<vmem_shared>>
      %dma_start3A_131 = arith.constant 0 : i32
      %dma_start3A_132 = arith.constant 0 : i32
      %dma_start3A_133 = tpu.memref_slice %arg8[%dma_start3A_131, %dma_start3A_132] : memref<320x128xf32, #tpu.memory_space<vmem>> -> memref<128x128xf32, #tpu.memory_space<vmem>>
      tpu.enqueue_dma source(%dma_start3A_133 : memref<128x128xf32, #tpu.memory_space<vmem>>) target(%dma_start3A_130 : memref<128x128xf32, #tpu.memory_space<vmem_shared>>) target_semaphore(%run_scoped3A : memref<!tpu.dma_semaphore, #tpu.memory_space<semaphore_mem>>)
      %dma_wait3A_134 = arith.constant 0 : i32
      %dma_wait3A_135 = arith.constant 0 : i32
      %dma_wait3A_136 = tpu.memref_slice %arg8[%dma_wait3A_134, %dma_wait3A_135] : memref<320x128xf32, #tpu.memory_space<vmem>> -> memref<128x128xf32, #tpu.memory_space<vmem>>
      %dma_wait3A_137 = arith.constant 0 : i32
      %dma_wait3A_138 = tpu.memref_slice %arg9[%add3A_24, %dma_wait3A_137] : memref<10240x128xf32, #tpu.memory_space<vmem_shared>> -> memref<128x128xf32, #tpu.memory_space<vmem_shared>>
      %dma_wait3A_139 = arith.constant 0 : i32
      %dma_wait3A_140 = tpu.memref_slice %arg9[%add3A_24, %dma_wait3A_139] : memref<10240x128xf32, #tpu.memory_space<vmem_shared>> -> memref<128x128xf32, #tpu.memory_space<vmem_shared>>
      %dma_wait3A_141 = arith.constant 0 : i32
      %dma_wait3A_142 = arith.constant 0 : i32
      %dma_wait3A_143 = tpu.memref_slice %arg8[%dma_wait3A_141, %dma_wait3A_142] : memref<320x128xf32, #tpu.memory_space<vmem>> -> memref<128x128xf32, #tpu.memory_space<vmem>>
      tpu.wait_dma2 semaphore(%run_scoped3A : memref<!tpu.dma_semaphore, #tpu.memory_space<semaphore_mem>>) src(%dma_wait3A_143 : memref<128x128xf32, #tpu.memory_space<vmem>>) dst(%dma_wait3A_140 : memref<128x128xf32, #tpu.memory_space<vmem_shared>>)
      tpu.yield
    }) : () -> ()
    %barrier3A = arith.constant 0 : index
    tpu.barrier barrier_id(%barrier3A)
    %mul3A_25 = arith.constant 128 : i32
    %mul3A_26 = arith.muli %add3A, %mul3A_25 : i32
    %add3A_27 = arith.constant 0 : i32
    %add3A_28 = arith.addi %mul3A_26, %add3A_27 : i32
    %dma_start3A = arith.constant 0 : i32
    %dma_start3A_29 = arith.constant 0 : i32
    %dma_start3A_30 = tpu.memref_slice %arg6[%dma_start3A, %dma_start3A_29] : memref<4x80xi32, #tpu.memory_space<vmem>> -> memref<2x80xi32, #tpu.memory_space<vmem>>
    %dma_start3A_31 = arith.constant 0 : i32
    %dma_start3A_32 = tpu.memref_slice %arg3[%add3A_28, %dma_start3A_31] : memref<4096x80xi32, #tpu.memory_space<hbm>> -> memref<2x80xi32, #tpu.memory_space<hbm>>
    %dma_start3A_33 = arith.constant 0 : i32
    %dma_start3A_34 = arith.constant 0 : i32
    %dma_start3A_35 = tpu.memref_slice %arg6[%dma_start3A_33, %dma_start3A_34] : memref<4x80xi32, #tpu.memory_space<vmem>> -> memref<2x80xi32, #tpu.memory_space<vmem>>
    %dma_start3A_36 = arith.constant 0 : i32
    %dma_start3A_37 = tpu.memref_slice %arg3[%add3A_28, %dma_start3A_36] : memref<4096x80xi32, #tpu.memory_space<hbm>> -> memref<2x80xi32, #tpu.memory_space<hbm>>
    tpu.enqueue_dma source(%dma_start3A_37 : memref<2x80xi32, #tpu.memory_space<hbm>>) target(%dma_start3A_35 : memref<2x80xi32, #tpu.memory_space<vmem>>) target_semaphore(%arg18 : memref<!tpu.dma_semaphore, #tpu.memory_space<semaphore_mem>>)
    %add3A_38 = arith.constant 0 : i32
    %add3A_39 = arith.addi %mul3A_26, %add3A_38 : i32
    %dma_start3A_40 = arith.constant 0 : i32
    %dma_start3A_41 = arith.constant 0 : i32
    %dma_start3A_42 = tpu.memref_slice %arg7[%dma_start3A_40, %dma_start3A_41] : memref<4x80xi32, #tpu.memory_space<vmem>> -> memref<2x80xi32, #tpu.memory_space<vmem>>
    %dma_start3A_43 = arith.constant 0 : i32
    %dma_start3A_44 = tpu.memref_slice %arg4[%add3A_39, %dma_start3A_43] : memref<4096x80xi32, #tpu.memory_space<hbm>> -> memref<2x80xi32, #tpu.memory_space<hbm>>
    %dma_start3A_45 = arith.constant 0 : i32
    %dma_start3A_46 = arith.constant 0 : i32
    %dma_start3A_47 = tpu.memref_slice %arg7[%dma_start3A_45, %dma_start3A_46] : memref<4x80xi32, #tpu.memory_space<vmem>> -> memref<2x80xi32, #tpu.memory_space<vmem>>
    %dma_start3A_48 = arith.constant 0 : i32
    %dma_start3A_49 = tpu.memref_slice %arg4[%add3A_39, %dma_start3A_48] : memref<4096x80xi32, #tpu.memory_space<hbm>> -> memref<2x80xi32, #tpu.memory_space<hbm>>
    tpu.enqueue_dma source(%dma_start3A_49 : memref<2x80xi32, #tpu.memory_space<hbm>>) target(%dma_start3A_47 : memref<2x80xi32, #tpu.memory_space<vmem>>) target_semaphore(%arg20 : memref<!tpu.dma_semaphore, #tpu.memory_space<semaphore_mem>>)
    %dma_wait3A = arith.constant 0 : i32
    %dma_wait3A_50 = arith.constant 0 : i32
    %dma_wait3A_51 = tpu.memref_slice %arg6[%dma_wait3A, %dma_wait3A_50] : memref<4x80xi32, #tpu.memory_space<vmem>> -> memref<2x80xi32, #tpu.memory_space<vmem>>
    %dma_wait3A_52 = arith.constant 0 : i32
    %dma_wait3A_53 = arith.constant 0 : i32
    %dma_wait3A_54 = tpu.memref_slice %arg3[%dma_wait3A_52, %dma_wait3A_53] : memref<4096x80xi32, #tpu.memory_space<hbm>> -> memref<2x80xi32, #tpu.memory_space<hbm>>
    %dma_wait3A_55 = arith.constant 0 : i32
    %dma_wait3A_56 = arith.constant 0 : i32
    %dma_wait3A_57 = tpu.memref_slice %arg6[%dma_wait3A_55, %dma_wait3A_56] : memref<4x80xi32, #tpu.memory_space<vmem>> -> memref<2x80xi32, #tpu.memory_space<vmem>>
    %dma_wait3A_58 = arith.constant 0 : i32
    %dma_wait3A_59 = arith.constant 0 : i32
    %dma_wait3A_60 = tpu.memref_slice %arg3[%dma_wait3A_58, %dma_wait3A_59] : memref<4096x80xi32, #tpu.memory_space<hbm>> -> memref<2x80xi32, #tpu.memory_space<hbm>>
    tpu.wait_dma2 semaphore(%arg18 : memref<!tpu.dma_semaphore, #tpu.memory_space<semaphore_mem>>) src(%dma_wait3A_60 : memref<2x80xi32, #tpu.memory_space<hbm>>) dst(%dma_wait3A_57 : memref<2x80xi32, #tpu.memory_space<vmem>>)
    %dma_start3A_61 = arith.constant 0 : i32
    %dma_start3A_62 = arith.constant 0 : i32
    %dma_start3A_63 = arith.constant 0 : i32
    %dma_start3A_64 = tpu.memref_slice %arg8[%dma_start3A_62, %dma_start3A_63] : memref<320x128xf32, #tpu.memory_space<vmem>> -> memref<80x128xf32, #tpu.memory_space<vmem>>
    %dma_start3A_65 = arith.constant 0 : i32
    %dma_start3A_66 = tpu.memref_slice %arg6[%dma_start3A_61, %dma_start3A_65] : memref<4x80xi32, #tpu.memory_space<vmem>> -> memref<1x80xi32, #tpu.memory_space<vmem>>
    %dma_start3A_67 = tpu.memref_squeeze %dma_start3A_66 : memref<1x80xi32, #tpu.memory_space<vmem>> -> memref<80xi32, #tpu.memory_space<vmem>>
    %dma_start3A_68 = arith.constant 0 : i32
    %dma_start3A_69 = arith.constant 0 : i32
    %dma_start3A_70 = tpu.memref_slice %arg2[%dma_start3A_68, %dma_start3A_69] : memref<10000x128xf32, #tpu.memory_space<hbm>> -> memref<10000x128xf32, #tpu.memory_space<hbm>>
    tpu.enqueue_indirect_dma source(%dma_start3A_70 : memref<10000x128xf32, #tpu.memory_space<hbm>>) target(%dma_start3A_64 : memref<80x128xf32, #tpu.memory_space<vmem>>) offsets(%dma_start3A_67 : memref<80xi32, #tpu.memory_space<vmem>>) semaphore(%arg10 : memref<!tpu.dma_semaphore, #tpu.memory_space<semaphore_mem>>)
    %dma_start3A_71 = arith.constant 1 : i32
    %dma_start3A_72 = arith.constant 80 : i32
    %dma_start3A_73 = arith.constant 0 : i32
    %dma_start3A_74 = tpu.memref_slice %arg8[%dma_start3A_72, %dma_start3A_73] : memref<320x128xf32, #tpu.memory_space<vmem>> -> memref<80x128xf32, #tpu.memory_space<vmem>>
    %dma_start3A_75 = arith.constant 0 : i32
    %dma_start3A_76 = tpu.memref_slice %arg6[%dma_start3A_71, %dma_start3A_75] : memref<4x80xi32, #tpu.memory_space<vmem>> -> memref<1x80xi32, #tpu.memory_space<vmem>>
    %dma_start3A_77 = tpu.memref_squeeze %dma_start3A_76 : memref<1x80xi32, #tpu.memory_space<vmem>> -> memref<80xi32, #tpu.memory_space<vmem>>
    %dma_start3A_78 = arith.constant 0 : i32
    %dma_start3A_79 = arith.constant 0 : i32
    %dma_start3A_80 = tpu.memref_slice %arg2[%dma_start3A_78, %dma_start3A_79] : memref<10000x128xf32, #tpu.memory_space<hbm>> -> memref<10000x128xf32, #tpu.memory_space<hbm>>
    tpu.enqueue_indirect_dma source(%dma_start3A_80 : memref<10000x128xf32, #tpu.memory_space<hbm>>) target(%dma_start3A_74 : memref<80x128xf32, #tpu.memory_space<vmem>>) offsets(%dma_start3A_77 : memref<80xi32, #tpu.memory_space<vmem>>) semaphore(%arg11 : memref<!tpu.dma_semaphore, #tpu.memory_space<semaphore_mem>>)
    %scan3A_81 = arith.constant 0 : i32
    %scan3A_82 = arith.constant 32 : i32
    %scan3A_83 = arith.addi %scan3A_81, %scan3A_82 : i32
    %scan3A_84 = arith.constant 1 : i32
    scf.for %scan3A_124 = %scan3A_81 to %scan3A_83 step %scan3A_84  : i32 {
      %mul3A_125 = arith.constant 2 : i32
      %mul3A_126 = arith.muli %mul3A_125, %scan3A_124 : i32
      %add3A_127 = arith.constant 1 : i32
      %add3A_128 = arith.addi %mul3A_126, %add3A_127 : i32
      %mul3A_129 = arith.constant 2 : i32
      %mul3A_130 = arith.muli %add3A_128, %mul3A_129 : i32
      %add3A_131 = arith.addi %mul3A_26, %mul3A_130 : i32
      %dma_start3A_132 = arith.constant 2 : i32
      %dma_start3A_133 = arith.constant 0 : i32
      %dma_start3A_134 = tpu.memref_slice %arg6[%dma_start3A_132, %dma_start3A_133] : memref<4x80xi32, #tpu.memory_space<vmem>> -> memref<2x80xi32, #tpu.memory_space<vmem>>
      %dma_start3A_135 = arith.constant 0 : i32
      %dma_start3A_136 = tpu.memref_slice %arg3[%add3A_131, %dma_start3A_135] : memref<4096x80xi32, #tpu.memory_space<hbm>> -> memref<2x80xi32, #tpu.memory_space<hbm>>
      %dma_start3A_137 = arith.constant 2 : i32
      %dma_start3A_138 = arith.constant 0 : i32
      %dma_start3A_139 = tpu.memref_slice %arg6[%dma_start3A_137, %dma_start3A_138] : memref<4x80xi32, #tpu.memory_space<vmem>> -> memref<2x80xi32, #tpu.memory_space<vmem>>
      %dma_start3A_140 = arith.constant 0 : i32
      %dma_start3A_141 = tpu.memref_slice %arg3[%add3A_131, %dma_start3A_140] : memref<4096x80xi32, #tpu.memory_space<hbm>> -> memref<2x80xi32, #tpu.memory_space<hbm>>
      tpu.enqueue_dma source(%dma_start3A_141 : memref<2x80xi32, #tpu.memory_space<hbm>>) target(%dma_start3A_139 : memref<2x80xi32, #tpu.memory_space<vmem>>) target_semaphore(%arg19 : memref<!tpu.dma_semaphore, #tpu.memory_space<semaphore_mem>>)
      %dma_wait3A_142 = arith.constant 0 : i32
      %dma_wait3A_143 = arith.constant 0 : i32
      %dma_wait3A_144 = arith.constant 0 : i32
      %dma_wait3A_145 = tpu.memref_slice %arg8[%dma_wait3A_143, %dma_wait3A_144] : memref<320x128xf32, #tpu.memory_space<vmem>> -> memref<80x128xf32, #tpu.memory_space<vmem>>
      %dma_wait3A_146 = arith.constant 0 : i32
      %dma_wait3A_147 = tpu.memref_slice %arg6[%dma_wait3A_142, %dma_wait3A_146] : memref<4x80xi32, #tpu.memory_space<vmem>> -> memref<1x80xi32, #tpu.memory_space<vmem>>
      %dma_wait3A_148 = tpu.memref_squeeze %dma_wait3A_147 : memref<1x80xi32, #tpu.memory_space<vmem>> -> memref<80xi32, #tpu.memory_space<vmem>>
      %dma_wait3A_149 = arith.constant 0 : i32
      %dma_wait3A_150 = arith.constant 0 : i32
      %dma_wait3A_151 = tpu.memref_slice %arg2[%dma_wait3A_149, %dma_wait3A_150] : memref<10000x128xf32, #tpu.memory_space<hbm>> -> memref<10000x128xf32, #tpu.memory_space<hbm>>
      tpu.wait_indirect_dma semaphore(%arg10 : memref<!tpu.dma_semaphore, #tpu.memory_space<semaphore_mem>>) src(%dma_wait3A_151 : memref<10000x128xf32, #tpu.memory_space<hbm>>) dst(%dma_wait3A_145 : memref<80x128xf32, #tpu.memory_space<vmem>>)
      %dma_wait3A_152 = arith.constant 1 : i32
      %dma_wait3A_153 = arith.constant 80 : i32
      %dma_wait3A_154 = arith.constant 0 : i32
      %dma_wait3A_155 = tpu.memref_slice %arg8[%dma_wait3A_153, %dma_wait3A_154] : memref<320x128xf32, #tpu.memory_space<vmem>> -> memref<80x128xf32, #tpu.memory_space<vmem>>
      %dma_wait3A_156 = arith.constant 0 : i32
      %dma_wait3A_157 = tpu.memref_slice %arg6[%dma_wait3A_152, %dma_wait3A_156] : memref<4x80xi32, #tpu.memory_space<vmem>> -> memref<1x80xi32, #tpu.memory_space<vmem>>
      %dma_wait3A_158 = tpu.memref_squeeze %dma_wait3A_157 : memref<1x80xi32, #tpu.memory_space<vmem>> -> memref<80xi32, #tpu.memory_space<vmem>>
      %dma_wait3A_159 = arith.constant 0 : i32
      %dma_wait3A_160 = arith.constant 0 : i32
      %dma_wait3A_161 = tpu.memref_slice %arg2[%dma_wait3A_159, %dma_wait3A_160] : memref<10000x128xf32, #tpu.memory_space<hbm>> -> memref<10000x128xf32, #tpu.memory_space<hbm>>
      tpu.wait_indirect_dma semaphore(%arg11 : memref<!tpu.dma_semaphore, #tpu.memory_space<semaphore_mem>>) src(%dma_wait3A_161 : memref<10000x128xf32, #tpu.memory_space<hbm>>) dst(%dma_wait3A_155 : memref<80x128xf32, #tpu.memory_space<vmem>>)
      %dma_wait3A_162 = arith.constant 0 : i32
      %dma_wait3A_163 = arith.constant 0 : i32
      %dma_wait3A_164 = tpu.memref_slice %arg7[%dma_wait3A_162, %dma_wait3A_163] : memref<4x80xi32, #tpu.memory_space<vmem>> -> memref<2x80xi32, #tpu.memory_space<vmem>>
      %dma_wait3A_165 = arith.constant 0 : i32
      %dma_wait3A_166 = arith.constant 0 : i32
      %dma_wait3A_167 = tpu.memref_slice %arg3[%dma_wait3A_165, %dma_wait3A_166] : memref<4096x80xi32, #tpu.memory_space<hbm>> -> memref<2x80xi32, #tpu.memory_space<hbm>>
      %dma_wait3A_168 = arith.constant 0 : i32
      %dma_wait3A_169 = arith.constant 0 : i32
      %dma_wait3A_170 = tpu.memref_slice %arg7[%dma_wait3A_168, %dma_wait3A_169] : memref<4x80xi32, #tpu.memory_space<vmem>> -> memref<2x80xi32, #tpu.memory_space<vmem>>
      %dma_wait3A_171 = arith.constant 0 : i32
      %dma_wait3A_172 = arith.constant 0 : i32
      %dma_wait3A_173 = tpu.memref_slice %arg3[%dma_wait3A_171, %dma_wait3A_172] : memref<4096x80xi32, #tpu.memory_space<hbm>> -> memref<2x80xi32, #tpu.memory_space<hbm>>
      tpu.wait_dma2 semaphore(%arg20 : memref<!tpu.dma_semaphore, #tpu.memory_space<semaphore_mem>>) src(%dma_wait3A_173 : memref<2x80xi32, #tpu.memory_space<hbm>>) dst(%dma_wait3A_170 : memref<2x80xi32, #tpu.memory_space<vmem>>)
      %dma_start3A_174 = arith.constant 0 : i32
      %dma_start3A_175 = arith.constant 0 : i32
      %dma_start3A_176 = arith.constant 0 : i32
      %dma_start3A_177 = tpu.memref_slice %arg8[%dma_start3A_175, %dma_start3A_176] : memref<320x128xf32, #tpu.memory_space<vmem>> -> memref<80x128xf32, #tpu.memory_space<vmem>>
      %dma_start3A_178 = arith.constant 0 : i32
      %dma_start3A_179 = tpu.memref_slice %arg7[%dma_start3A_174, %dma_start3A_178] : memref<4x80xi32, #tpu.memory_space<vmem>> -> memref<1x80xi32, #tpu.memory_space<vmem>>
      %dma_start3A_180 = tpu.memref_squeeze %dma_start3A_179 : memref<1x80xi32, #tpu.memory_space<vmem>> -> memref<80xi32, #tpu.memory_space<vmem>>
      %dma_start3A_181 = arith.constant 0 : i32
      %dma_start3A_182 = arith.constant 0 : i32
      %dma_start3A_183 = tpu.memref_slice %arg9[%dma_start3A_181, %dma_start3A_182] : memref<10240x128xf32, #tpu.memory_space<vmem_shared>> -> memref<10240x128xf32, #tpu.memory_space<vmem_shared>>
      tpu.enqueue_indirect_dma source(%dma_start3A_177 : memref<80x128xf32, #tpu.memory_space<vmem>>) target(%dma_start3A_183 : memref<10240x128xf32, #tpu.memory_space<vmem_shared>>) offsets(%dma_start3A_180 : memref<80xi32, #tpu.memory_space<vmem>>) semaphore(%arg14 : memref<!tpu.dma_semaphore, #tpu.memory_space<semaphore_mem>>) {add = true}
      %dma_start3A_184 = arith.constant 1 : i32
      %dma_start3A_185 = arith.constant 80 : i32
      %dma_start3A_186 = arith.constant 0 : i32
      %dma_start3A_187 = tpu.memref_slice %arg8[%dma_start3A_185, %dma_start3A_186] : memref<320x128xf32, #tpu.memory_space<vmem>> -> memref<80x128xf32, #tpu.memory_space<vmem>>
      %dma_start3A_188 = arith.constant 0 : i32
      %dma_start3A_189 = tpu.memref_slice %arg7[%dma_start3A_184, %dma_start3A_188] : memref<4x80xi32, #tpu.memory_space<vmem>> -> memref<1x80xi32, #tpu.memory_space<vmem>>
      %dma_start3A_190 = tpu.memref_squeeze %dma_start3A_189 : memref<1x80xi32, #tpu.memory_space<vmem>> -> memref<80xi32, #tpu.memory_space<vmem>>
      %dma_start3A_191 = arith.constant 0 : i32
      %dma_start3A_192 = arith.constant 0 : i32
      %dma_start3A_193 = tpu.memref_slice %arg9[%dma_start3A_191, %dma_start3A_192] : memref<10240x128xf32, #tpu.memory_space<vmem_shared>> -> memref<10240x128xf32, #tpu.memory_space<vmem_shared>>
      tpu.enqueue_indirect_dma source(%dma_start3A_187 : memref<80x128xf32, #tpu.memory_space<vmem>>) target(%dma_start3A_193 : memref<10240x128xf32, #tpu.memory_space<vmem_shared>>) offsets(%dma_start3A_190 : memref<80xi32, #tpu.memory_space<vmem>>) semaphore(%arg15 : memref<!tpu.dma_semaphore, #tpu.memory_space<semaphore_mem>>) {add = true}
      %gt3A = arith.constant 0 : i32
      %gt3A_194 = arith.cmpi sgt, %scan3A_124, %gt3A : i32
      %convert_element_type3A = arith.extui %gt3A_194 : i1 to i32
      %cond3A = arith.constant 0 : i32
      %cond3A_195 = arith.cmpi ne, %convert_element_type3A, %cond3A : i32
      scf.if %cond3A_195 {
        %dma_wait3A_324 = arith.constant 2 : i32
        %dma_wait3A_325 = arith.constant 160 : i32
        %dma_wait3A_326 = arith.constant 0 : i32
        %dma_wait3A_327 = tpu.memref_slice %arg8[%dma_wait3A_325, %dma_wait3A_326] : memref<320x128xf32, #tpu.memory_space<vmem>> -> memref<80x128xf32, #tpu.memory_space<vmem>>
        %dma_wait3A_328 = arith.constant 0 : i32
        %dma_wait3A_329 = tpu.memref_slice %arg7[%dma_wait3A_324, %dma_wait3A_328] : memref<4x80xi32, #tpu.memory_space<vmem>> -> memref<1x80xi32, #tpu.memory_space<vmem>>
        %dma_wait3A_330 = tpu.memref_squeeze %dma_wait3A_329 : memref<1x80xi32, #tpu.memory_space<vmem>> -> memref<80xi32, #tpu.memory_space<vmem>>
        %dma_wait3A_331 = arith.constant 0 : i32
        %dma_wait3A_332 = arith.constant 0 : i32
        %dma_wait3A_333 = tpu.memref_slice %arg9[%dma_wait3A_331, %dma_wait3A_332] : memref<10240x128xf32, #tpu.memory_space<vmem_shared>> -> memref<10240x128xf32, #tpu.memory_space<vmem_shared>>
        tpu.wait_indirect_dma semaphore(%arg16 : memref<!tpu.dma_semaphore, #tpu.memory_space<semaphore_mem>>) src(%dma_wait3A_327 : memref<80x128xf32, #tpu.memory_space<vmem>>) dst(%dma_wait3A_333 : memref<10240x128xf32, #tpu.memory_space<vmem_shared>>)
        %dma_wait3A_334 = arith.constant 3 : i32
        %dma_wait3A_335 = arith.constant 240 : i32
        %dma_wait3A_336 = arith.constant 0 : i32
        %dma_wait3A_337 = tpu.memref_slice %arg8[%dma_wait3A_335, %dma_wait3A_336] : memref<320x128xf32, #tpu.memory_space<vmem>> -> memref<80x128xf32, #tpu.memory_space<vmem>>
        %dma_wait3A_338 = arith.constant 0 : i32
        %dma_wait3A_339 = tpu.memref_slice %arg7[%dma_wait3A_334, %dma_wait3A_338] : memref<4x80xi32, #tpu.memory_space<vmem>> -> memref<1x80xi32, #tpu.memory_space<vmem>>
        %dma_wait3A_340 = tpu.memref_squeeze %dma_wait3A_339 : memref<1x80xi32, #tpu.memory_space<vmem>> -> memref<80xi32, #tpu.memory_space<vmem>>
        %dma_wait3A_341 = arith.constant 0 : i32
        %dma_wait3A_342 = arith.constant 0 : i32
        %dma_wait3A_343 = tpu.memref_slice %arg9[%dma_wait3A_341, %dma_wait3A_342] : memref<10240x128xf32, #tpu.memory_space<vmem_shared>> -> memref<10240x128xf32, #tpu.memory_space<vmem_shared>>
        tpu.wait_indirect_dma semaphore(%arg17 : memref<!tpu.dma_semaphore, #tpu.memory_space<semaphore_mem>>) src(%dma_wait3A_337 : memref<80x128xf32, #tpu.memory_space<vmem>>) dst(%dma_wait3A_343 : memref<10240x128xf32, #tpu.memory_space<vmem_shared>>)
      } else {
      }
      %add3A_196 = arith.constant 1 : i32
      %add3A_197 = arith.addi %mul3A_126, %add3A_196 : i32
      %mul3A_198 = arith.constant 2 : i32
      %mul3A_199 = arith.muli %add3A_197, %mul3A_198 : i32
      %add3A_200 = arith.addi %mul3A_26, %mul3A_199 : i32
      %dma_start3A_201 = arith.constant 2 : i32
      %dma_start3A_202 = arith.constant 0 : i32
      %dma_start3A_203 = tpu.memref_slice %arg7[%dma_start3A_201, %dma_start3A_202] : memref<4x80xi32, #tpu.memory_space<vmem>> -> memref<2x80xi32, #tpu.memory_space<vmem>>
      %dma_start3A_204 = arith.constant 0 : i32
      %dma_start3A_205 = tpu.memref_slice %arg4[%add3A_200, %dma_start3A_204] : memref<4096x80xi32, #tpu.memory_space<hbm>> -> memref<2x80xi32, #tpu.memory_space<hbm>>
      %dma_start3A_206 = arith.constant 2 : i32
      %dma_start3A_207 = arith.constant 0 : i32
      %dma_start3A_208 = tpu.memref_slice %arg7[%dma_start3A_206, %dma_start3A_207] : memref<4x80xi32, #tpu.memory_space<vmem>> -> memref<2x80xi32, #tpu.memory_space<vmem>>
      %dma_start3A_209 = arith.constant 0 : i32
      %dma_start3A_210 = tpu.memref_slice %arg4[%add3A_200, %dma_start3A_209] : memref<4096x80xi32, #tpu.memory_space<hbm>> -> memref<2x80xi32, #tpu.memory_space<hbm>>
      tpu.enqueue_dma source(%dma_start3A_210 : memref<2x80xi32, #tpu.memory_space<hbm>>) target(%dma_start3A_208 : memref<2x80xi32, #tpu.memory_space<vmem>>) target_semaphore(%arg21 : memref<!tpu.dma_semaphore, #tpu.memory_space<semaphore_mem>>)
      %dma_wait3A_211 = arith.constant 2 : i32
      %dma_wait3A_212 = arith.constant 0 : i32
      %dma_wait3A_213 = tpu.memref_slice %arg6[%dma_wait3A_211, %dma_wait3A_212] : memref<4x80xi32, #tpu.memory_space<vmem>> -> memref<2x80xi32, #tpu.memory_space<vmem>>
      %dma_wait3A_214 = arith.constant 0 : i32
      %dma_wait3A_215 = arith.constant 0 : i32
      %dma_wait3A_216 = tpu.memref_slice %arg3[%dma_wait3A_214, %dma_wait3A_215] : memref<4096x80xi32, #tpu.memory_space<hbm>> -> memref<2x80xi32, #tpu.memory_space<hbm>>
      %dma_wait3A_217 = arith.constant 2 : i32
      %dma_wait3A_218 = arith.constant 0 : i32
      %dma_wait3A_219 = tpu.memref_slice %arg6[%dma_wait3A_217, %dma_wait3A_218] : memref<4x80xi32, #tpu.memory_space<vmem>> -> memref<2x80xi32, #tpu.memory_space<vmem>>
      %dma_wait3A_220 = arith.constant 0 : i32
      %dma_wait3A_221 = arith.constant 0 : i32
      %dma_wait3A_222 = tpu.memref_slice %arg3[%dma_wait3A_220, %dma_wait3A_221] : memref<4096x80xi32, #tpu.memory_space<hbm>> -> memref<2x80xi32, #tpu.memory_space<hbm>>
      tpu.wait_dma2 semaphore(%arg19 : memref<!tpu.dma_semaphore, #tpu.memory_space<semaphore_mem>>) src(%dma_wait3A_222 : memref<2x80xi32, #tpu.memory_space<hbm>>) dst(%dma_wait3A_219 : memref<2x80xi32, #tpu.memory_space<vmem>>)
      %dma_start3A_223 = arith.constant 2 : i32
      %dma_start3A_224 = arith.constant 160 : i32
      %dma_start3A_225 = arith.constant 0 : i32
      %dma_start3A_226 = tpu.memref_slice %arg8[%dma_start3A_224, %dma_start3A_225] : memref<320x128xf32, #tpu.memory_space<vmem>> -> memref<80x128xf32, #tpu.memory_space<vmem>>
      %dma_start3A_227 = arith.constant 0 : i32
      %dma_start3A_228 = tpu.memref_slice %arg6[%dma_start3A_223, %dma_start3A_227] : memref<4x80xi32, #tpu.memory_space<vmem>> -> memref<1x80xi32, #tpu.memory_space<vmem>>
      %dma_start3A_229 = tpu.memref_squeeze %dma_start3A_228 : memref<1x80xi32, #tpu.memory_space<vmem>> -> memref<80xi32, #tpu.memory_space<vmem>>
      %dma_start3A_230 = arith.constant 0 : i32
      %dma_start3A_231 = arith.constant 0 : i32
      %dma_start3A_232 = tpu.memref_slice %arg2[%dma_start3A_230, %dma_start3A_231] : memref<10000x128xf32, #tpu.memory_space<hbm>> -> memref<10000x128xf32, #tpu.memory_space<hbm>>
      tpu.enqueue_indirect_dma source(%dma_start3A_232 : memref<10000x128xf32, #tpu.memory_space<hbm>>) target(%dma_start3A_226 : memref<80x128xf32, #tpu.memory_space<vmem>>) offsets(%dma_start3A_229 : memref<80xi32, #tpu.memory_space<vmem>>) semaphore(%arg12 : memref<!tpu.dma_semaphore, #tpu.memory_space<semaphore_mem>>)
      %dma_start3A_233 = arith.constant 3 : i32
      %dma_start3A_234 = arith.constant 240 : i32
      %dma_start3A_235 = arith.constant 0 : i32
      %dma_start3A_236 = tpu.memref_slice %arg8[%dma_start3A_234, %dma_start3A_235] : memref<320x128xf32, #tpu.memory_space<vmem>> -> memref<80x128xf32, #tpu.memory_space<vmem>>
      %dma_start3A_237 = arith.constant 0 : i32
      %dma_start3A_238 = tpu.memref_slice %arg6[%dma_start3A_233, %dma_start3A_237] : memref<4x80xi32, #tpu.memory_space<vmem>> -> memref<1x80xi32, #tpu.memory_space<vmem>>
      %dma_start3A_239 = tpu.memref_squeeze %dma_start3A_238 : memref<1x80xi32, #tpu.memory_space<vmem>> -> memref<80xi32, #tpu.memory_space<vmem>>
      %dma_start3A_240 = arith.constant 0 : i32
      %dma_start3A_241 = arith.constant 0 : i32
      %dma_start3A_242 = tpu.memref_slice %arg2[%dma_start3A_240, %dma_start3A_241] : memref<10000x128xf32, #tpu.memory_space<hbm>> -> memref<10000x128xf32, #tpu.memory_space<hbm>>
      tpu.enqueue_indirect_dma source(%dma_start3A_242 : memref<10000x128xf32, #tpu.memory_space<hbm>>) target(%dma_start3A_236 : memref<80x128xf32, #tpu.memory_space<vmem>>) offsets(%dma_start3A_239 : memref<80xi32, #tpu.memory_space<vmem>>) semaphore(%arg13 : memref<!tpu.dma_semaphore, #tpu.memory_space<semaphore_mem>>)
      %lt3A = arith.constant 31 : i32
      %lt3A_243 = arith.cmpi slt, %scan3A_124, %lt3A : i32
      %convert_element_type3A_244 = arith.extui %lt3A_243 : i1 to i32
      %cond3A_245 = arith.constant 0 : i32
      %cond3A_246 = arith.cmpi ne, %convert_element_type3A_244, %cond3A_245 : i32
      scf.if %cond3A_246 {
        %add3A_324 = arith.constant 2 : i32
        %add3A_325 = arith.addi %mul3A_126, %add3A_324 : i32
        %mul3A_326 = arith.constant 2 : i32
        %mul3A_327 = arith.muli %add3A_325, %mul3A_326 : i32
        %add3A_328 = arith.addi %mul3A_26, %mul3A_327 : i32
        %dma_start3A_329 = arith.constant 0 : i32
        %dma_start3A_330 = arith.constant 0 : i32
        %dma_start3A_331 = tpu.memref_slice %arg6[%dma_start3A_329, %dma_start3A_330] : memref<4x80xi32, #tpu.memory_space<vmem>> -> memref<2x80xi32, #tpu.memory_space<vmem>>
        %dma_start3A_332 = arith.constant 0 : i32
        %dma_start3A_333 = tpu.memref_slice %arg3[%add3A_328, %dma_start3A_332] : memref<4096x80xi32, #tpu.memory_space<hbm>> -> memref<2x80xi32, #tpu.memory_space<hbm>>
        %dma_start3A_334 = arith.constant 0 : i32
        %dma_start3A_335 = arith.constant 0 : i32
        %dma_start3A_336 = tpu.memref_slice %arg6[%dma_start3A_334, %dma_start3A_335] : memref<4x80xi32, #tpu.memory_space<vmem>> -> memref<2x80xi32, #tpu.memory_space<vmem>>
        %dma_start3A_337 = arith.constant 0 : i32
        %dma_start3A_338 = tpu.memref_slice %arg3[%add3A_328, %dma_start3A_337] : memref<4096x80xi32, #tpu.memory_space<hbm>> -> memref<2x80xi32, #tpu.memory_space<hbm>>
        tpu.enqueue_dma source(%dma_start3A_338 : memref<2x80xi32, #tpu.memory_space<hbm>>) target(%dma_start3A_336 : memref<2x80xi32, #tpu.memory_space<vmem>>) target_semaphore(%arg18 : memref<!tpu.dma_semaphore, #tpu.memory_space<semaphore_mem>>)
      } else {
      }
      %dma_wait3A_247 = arith.constant 2 : i32
      %dma_wait3A_248 = arith.constant 160 : i32
      %dma_wait3A_249 = arith.constant 0 : i32
      %dma_wait3A_250 = tpu.memref_slice %arg8[%dma_wait3A_248, %dma_wait3A_249] : memref<320x128xf32, #tpu.memory_space<vmem>> -> memref<80x128xf32, #tpu.memory_space<vmem>>
      %dma_wait3A_251 = arith.constant 0 : i32
      %dma_wait3A_252 = tpu.memref_slice %arg6[%dma_wait3A_247, %dma_wait3A_251] : memref<4x80xi32, #tpu.memory_space<vmem>> -> memref<1x80xi32, #tpu.memory_space<vmem>>
      %dma_wait3A_253 = tpu.memref_squeeze %dma_wait3A_252 : memref<1x80xi32, #tpu.memory_space<vmem>> -> memref<80xi32, #tpu.memory_space<vmem>>
      %dma_wait3A_254 = arith.constant 0 : i32
      %dma_wait3A_255 = arith.constant 0 : i32
      %dma_wait3A_256 = tpu.memref_slice %arg2[%dma_wait3A_254, %dma_wait3A_255] : memref<10000x128xf32, #tpu.memory_space<hbm>> -> memref<10000x128xf32, #tpu.memory_space<hbm>>
      tpu.wait_indirect_dma semaphore(%arg12 : memref<!tpu.dma_semaphore, #tpu.memory_space<semaphore_mem>>) src(%dma_wait3A_256 : memref<10000x128xf32, #tpu.memory_space<hbm>>) dst(%dma_wait3A_250 : memref<80x128xf32, #tpu.memory_space<vmem>>)
      %dma_wait3A_257 = arith.constant 3 : i32
      %dma_wait3A_258 = arith.constant 240 : i32
      %dma_wait3A_259 = arith.constant 0 : i32
      %dma_wait3A_260 = tpu.memref_slice %arg8[%dma_wait3A_258, %dma_wait3A_259] : memref<320x128xf32, #tpu.memory_space<vmem>> -> memref<80x128xf32, #tpu.memory_space<vmem>>
      %dma_wait3A_261 = arith.constant 0 : i32
      %dma_wait3A_262 = tpu.memref_slice %arg6[%dma_wait3A_257, %dma_wait3A_261] : memref<4x80xi32, #tpu.memory_space<vmem>> -> memref<1x80xi32, #tpu.memory_space<vmem>>
      %dma_wait3A_263 = tpu.memref_squeeze %dma_wait3A_262 : memref<1x80xi32, #tpu.memory_space<vmem>> -> memref<80xi32, #tpu.memory_space<vmem>>
      %dma_wait3A_264 = arith.constant 0 : i32
      %dma_wait3A_265 = arith.constant 0 : i32
      %dma_wait3A_266 = tpu.memref_slice %arg2[%dma_wait3A_264, %dma_wait3A_265] : memref<10000x128xf32, #tpu.memory_space<hbm>> -> memref<10000x128xf32, #tpu.memory_space<hbm>>
      tpu.wait_indirect_dma semaphore(%arg13 : memref<!tpu.dma_semaphore, #tpu.memory_space<semaphore_mem>>) src(%dma_wait3A_266 : memref<10000x128xf32, #tpu.memory_space<hbm>>) dst(%dma_wait3A_260 : memref<80x128xf32, #tpu.memory_space<vmem>>)
      %dma_wait3A_267 = arith.constant 2 : i32
      %dma_wait3A_268 = arith.constant 0 : i32
      %dma_wait3A_269 = tpu.memref_slice %arg7[%dma_wait3A_267, %dma_wait3A_268] : memref<4x80xi32, #tpu.memory_space<vmem>> -> memref<2x80xi32, #tpu.memory_space<vmem>>
      %dma_wait3A_270 = arith.constant 0 : i32
      %dma_wait3A_271 = arith.constant 0 : i32
      %dma_wait3A_272 = tpu.memref_slice %arg3[%dma_wait3A_270, %dma_wait3A_271] : memref<4096x80xi32, #tpu.memory_space<hbm>> -> memref<2x80xi32, #tpu.memory_space<hbm>>
      %dma_wait3A_273 = arith.constant 2 : i32
      %dma_wait3A_274 = arith.constant 0 : i32
      %dma_wait3A_275 = tpu.memref_slice %arg7[%dma_wait3A_273, %dma_wait3A_274] : memref<4x80xi32, #tpu.memory_space<vmem>> -> memref<2x80xi32, #tpu.memory_space<vmem>>
      %dma_wait3A_276 = arith.constant 0 : i32
      %dma_wait3A_277 = arith.constant 0 : i32
      %dma_wait3A_278 = tpu.memref_slice %arg3[%dma_wait3A_276, %dma_wait3A_277] : memref<4096x80xi32, #tpu.memory_space<hbm>> -> memref<2x80xi32, #tpu.memory_space<hbm>>
      tpu.wait_dma2 semaphore(%arg21 : memref<!tpu.dma_semaphore, #tpu.memory_space<semaphore_mem>>) src(%dma_wait3A_278 : memref<2x80xi32, #tpu.memory_space<hbm>>) dst(%dma_wait3A_275 : memref<2x80xi32, #tpu.memory_space<vmem>>)
      %dma_start3A_279 = arith.constant 2 : i32
      %dma_start3A_280 = arith.constant 160 : i32
      %dma_start3A_281 = arith.constant 0 : i32
      %dma_start3A_282 = tpu.memref_slice %arg8[%dma_start3A_280, %dma_start3A_281] : memref<320x128xf32, #tpu.memory_space<vmem>> -> memref<80x128xf32, #tpu.memory_space<vmem>>
      %dma_start3A_283 = arith.constant 0 : i32
      %dma_start3A_284 = tpu.memref_slice %arg7[%dma_start3A_279, %dma_start3A_283] : memref<4x80xi32, #tpu.memory_space<vmem>> -> memref<1x80xi32, #tpu.memory_space<vmem>>
      %dma_start3A_285 = tpu.memref_squeeze %dma_start3A_284 : memref<1x80xi32, #tpu.memory_space<vmem>> -> memref<80xi32, #tpu.memory_space<vmem>>
      %dma_start3A_286 = arith.constant 0 : i32
      %dma_start3A_287 = arith.constant 0 : i32
      %dma_start3A_288 = tpu.memref_slice %arg9[%dma_start3A_286, %dma_start3A_287] : memref<10240x128xf32, #tpu.memory_space<vmem_shared>> -> memref<10240x128xf32, #tpu.memory_space<vmem_shared>>
      tpu.enqueue_indirect_dma source(%dma_start3A_282 : memref<80x128xf32, #tpu.memory_space<vmem>>) target(%dma_start3A_288 : memref<10240x128xf32, #tpu.memory_space<vmem_shared>>) offsets(%dma_start3A_285 : memref<80xi32, #tpu.memory_space<vmem>>) semaphore(%arg16 : memref<!tpu.dma_semaphore, #tpu.memory_space<semaphore_mem>>) {add = true}
      %dma_start3A_289 = arith.constant 3 : i32
      %dma_start3A_290 = arith.constant 240 : i32
      %dma_start3A_291 = arith.constant 0 : i32
      %dma_start3A_292 = tpu.memref_slice %arg8[%dma_start3A_290, %dma_start3A_291] : memref<320x128xf32, #tpu.memory_space<vmem>> -> memref<80x128xf32, #tpu.memory_space<vmem>>
      %dma_start3A_293 = arith.constant 0 : i32
      %dma_start3A_294 = tpu.memref_slice %arg7[%dma_start3A_289, %dma_start3A_293] : memref<4x80xi32, #tpu.memory_space<vmem>> -> memref<1x80xi32, #tpu.memory_space<vmem>>
      %dma_start3A_295 = tpu.memref_squeeze %dma_start3A_294 : memref<1x80xi32, #tpu.memory_space<vmem>> -> memref<80xi32, #tpu.memory_space<vmem>>
      %dma_start3A_296 = arith.constant 0 : i32
      %dma_start3A_297 = arith.constant 0 : i32
      %dma_start3A_298 = tpu.memref_slice %arg9[%dma_start3A_296, %dma_start3A_297] : memref<10240x128xf32, #tpu.memory_space<vmem_shared>> -> memref<10240x128xf32, #tpu.memory_space<vmem_shared>>
      tpu.enqueue_indirect_dma source(%dma_start3A_292 : memref<80x128xf32, #tpu.memory_space<vmem>>) target(%dma_start3A_298 : memref<10240x128xf32, #tpu.memory_space<vmem_shared>>) offsets(%dma_start3A_295 : memref<80xi32, #tpu.memory_space<vmem>>) semaphore(%arg17 : memref<!tpu.dma_semaphore, #tpu.memory_space<semaphore_mem>>) {add = true}
      %dma_wait3A_299 = arith.constant 0 : i32
      %dma_wait3A_300 = arith.constant 0 : i32
      %dma_wait3A_301 = arith.constant 0 : i32
      %dma_wait3A_302 = tpu.memref_slice %arg8[%dma_wait3A_300, %dma_wait3A_301] : memref<320x128xf32, #tpu.memory_space<vmem>> -> memref<80x128xf32, #tpu.memory_space<vmem>>
      %dma_wait3A_303 = arith.constant 0 : i32
      %dma_wait3A_304 = tpu.memref_slice %arg7[%dma_wait3A_299, %dma_wait3A_303] : memref<4x80xi32, #tpu.memory_space<vmem>> -> memref<1x80xi32, #tpu.memory_space<vmem>>
      %dma_wait3A_305 = tpu.memref_squeeze %dma_wait3A_304 : memref<1x80xi32, #tpu.memory_space<vmem>> -> memref<80xi32, #tpu.memory_space<vmem>>
      %dma_wait3A_306 = arith.constant 0 : i32
      %dma_wait3A_307 = arith.constant 0 : i32
      %dma_wait3A_308 = tpu.memref_slice %arg9[%dma_wait3A_306, %dma_wait3A_307] : memref<10240x128xf32, #tpu.memory_space<vmem_shared>> -> memref<10240x128xf32, #tpu.memory_space<vmem_shared>>
      tpu.wait_indirect_dma semaphore(%arg14 : memref<!tpu.dma_semaphore, #tpu.memory_space<semaphore_mem>>) src(%dma_wait3A_302 : memref<80x128xf32, #tpu.memory_space<vmem>>) dst(%dma_wait3A_308 : memref<10240x128xf32, #tpu.memory_space<vmem_shared>>)
      %dma_wait3A_309 = arith.constant 1 : i32
      %dma_wait3A_310 = arith.constant 80 : i32
      %dma_wait3A_311 = arith.constant 0 : i32
      %dma_wait3A_312 = tpu.memref_slice %arg8[%dma_wait3A_310, %dma_wait3A_311] : memref<320x128xf32, #tpu.memory_space<vmem>> -> memref<80x128xf32, #tpu.memory_space<vmem>>
      %dma_wait3A_313 = arith.constant 0 : i32
      %dma_wait3A_314 = tpu.memref_slice %arg7[%dma_wait3A_309, %dma_wait3A_313] : memref<4x80xi32, #tpu.memory_space<vmem>> -> memref<1x80xi32, #tpu.memory_space<vmem>>
      %dma_wait3A_315 = tpu.memref_squeeze %dma_wait3A_314 : memref<1x80xi32, #tpu.memory_space<vmem>> -> memref<80xi32, #tpu.memory_space<vmem>>
      %dma_wait3A_316 = arith.constant 0 : i32
      %dma_wait3A_317 = arith.constant 0 : i32
      %dma_wait3A_318 = tpu.memref_slice %arg9[%dma_wait3A_316, %dma_wait3A_317] : memref<10240x128xf32, #tpu.memory_space<vmem_shared>> -> memref<10240x128xf32, #tpu.memory_space<vmem_shared>>
      tpu.wait_indirect_dma semaphore(%arg15 : memref<!tpu.dma_semaphore, #tpu.memory_space<semaphore_mem>>) src(%dma_wait3A_312 : memref<80x128xf32, #tpu.memory_space<vmem>>) dst(%dma_wait3A_318 : memref<10240x128xf32, #tpu.memory_space<vmem_shared>>)
      %lt3A_319 = arith.constant 31 : i32
      %lt3A_320 = arith.cmpi slt, %scan3A_124, %lt3A_319 : i32
      %convert_element_type3A_321 = arith.extui %lt3A_320 : i1 to i32
      %cond3A_322 = arith.constant 0 : i32
      %cond3A_323 = arith.cmpi ne, %convert_element_type3A_321, %cond3A_322 : i32
      scf.if %cond3A_323 {
        %add3A_324 = arith.constant 2 : i32
        %add3A_325 = arith.addi %mul3A_126, %add3A_324 : i32
        %mul3A_326 = arith.constant 2 : i32
        %mul3A_327 = arith.muli %add3A_325, %mul3A_326 : i32
        %add3A_328 = arith.addi %mul3A_26, %mul3A_327 : i32
        %dma_start3A_329 = arith.constant 0 : i32
        %dma_start3A_330 = arith.constant 0 : i32
        %dma_start3A_331 = tpu.memref_slice %arg7[%dma_start3A_329, %dma_start3A_330] : memref<4x80xi32, #tpu.memory_space<vmem>> -> memref<2x80xi32, #tpu.memory_space<vmem>>
        %dma_start3A_332 = arith.constant 0 : i32
        %dma_start3A_333 = tpu.memref_slice %arg4[%add3A_328, %dma_start3A_332] : memref<4096x80xi32, #tpu.memory_space<hbm>> -> memref<2x80xi32, #tpu.memory_space<hbm>>
        %dma_start3A_334 = arith.constant 0 : i32
        %dma_start3A_335 = arith.constant 0 : i32
        %dma_start3A_336 = tpu.memref_slice %arg7[%dma_start3A_334, %dma_start3A_335] : memref<4x80xi32, #tpu.memory_space<vmem>> -> memref<2x80xi32, #tpu.memory_space<vmem>>
        %dma_start3A_337 = arith.constant 0 : i32
        %dma_start3A_338 = tpu.memref_slice %arg4[%add3A_328, %dma_start3A_337] : memref<4096x80xi32, #tpu.memory_space<hbm>> -> memref<2x80xi32, #tpu.memory_space<hbm>>
        tpu.enqueue_dma source(%dma_start3A_338 : memref<2x80xi32, #tpu.memory_space<hbm>>) target(%dma_start3A_336 : memref<2x80xi32, #tpu.memory_space<vmem>>) target_semaphore(%arg20 : memref<!tpu.dma_semaphore, #tpu.memory_space<semaphore_mem>>)
        %dma_wait3A_339 = arith.constant 0 : i32
        %dma_wait3A_340 = arith.constant 0 : i32
        %dma_wait3A_341 = tpu.memref_slice %arg6[%dma_wait3A_339, %dma_wait3A_340] : memref<4x80xi32, #tpu.memory_space<vmem>> -> memref<2x80xi32, #tpu.memory_space<vmem>>
        %dma_wait3A_342 = arith.constant 0 : i32
        %dma_wait3A_343 = arith.constant 0 : i32
        %dma_wait3A_344 = tpu.memref_slice %arg3[%dma_wait3A_342, %dma_wait3A_343] : memref<4096x80xi32, #tpu.memory_space<hbm>> -> memref<2x80xi32, #tpu.memory_space<hbm>>
        %dma_wait3A_345 = arith.constant 0 : i32
        %dma_wait3A_346 = arith.constant 0 : i32
        %dma_wait3A_347 = tpu.memref_slice %arg6[%dma_wait3A_345, %dma_wait3A_346] : memref<4x80xi32, #tpu.memory_space<vmem>> -> memref<2x80xi32, #tpu.memory_space<vmem>>
        %dma_wait3A_348 = arith.constant 0 : i32
        %dma_wait3A_349 = arith.constant 0 : i32
        %dma_wait3A_350 = tpu.memref_slice %arg3[%dma_wait3A_348, %dma_wait3A_349] : memref<4096x80xi32, #tpu.memory_space<hbm>> -> memref<2x80xi32, #tpu.memory_space<hbm>>
        tpu.wait_dma2 semaphore(%arg18 : memref<!tpu.dma_semaphore, #tpu.memory_space<semaphore_mem>>) src(%dma_wait3A_350 : memref<2x80xi32, #tpu.memory_space<hbm>>) dst(%dma_wait3A_347 : memref<2x80xi32, #tpu.memory_space<vmem>>)
        %dma_start3A_351 = arith.constant 0 : i32
        %dma_start3A_352 = arith.constant 0 : i32
        %dma_start3A_353 = arith.constant 0 : i32
        %dma_start3A_354 = tpu.memref_slice %arg8[%dma_start3A_352, %dma_start3A_353] : memref<320x128xf32, #tpu.memory_space<vmem>> -> memref<80x128xf32, #tpu.memory_space<vmem>>
        %dma_start3A_355 = arith.constant 0 : i32
        %dma_start3A_356 = tpu.memref_slice %arg6[%dma_start3A_351, %dma_start3A_355] : memref<4x80xi32, #tpu.memory_space<vmem>> -> memref<1x80xi32, #tpu.memory_space<vmem>>
        %dma_start3A_357 = tpu.memref_squeeze %dma_start3A_356 : memref<1x80xi32, #tpu.memory_space<vmem>> -> memref<80xi32, #tpu.memory_space<vmem>>
        %dma_start3A_358 = arith.constant 0 : i32
        %dma_start3A_359 = arith.constant 0 : i32
        %dma_start3A_360 = tpu.memref_slice %arg2[%dma_start3A_358, %dma_start3A_359] : memref<10000x128xf32, #tpu.memory_space<hbm>> -> memref<10000x128xf32, #tpu.memory_space<hbm>>
        tpu.enqueue_indirect_dma source(%dma_start3A_360 : memref<10000x128xf32, #tpu.memory_space<hbm>>) target(%dma_start3A_354 : memref<80x128xf32, #tpu.memory_space<vmem>>) offsets(%dma_start3A_357 : memref<80xi32, #tpu.memory_space<vmem>>) semaphore(%arg10 : memref<!tpu.dma_semaphore, #tpu.memory_space<semaphore_mem>>)
        %dma_start3A_361 = arith.constant 1 : i32
        %dma_start3A_362 = arith.constant 80 : i32
        %dma_start3A_363 = arith.constant 0 : i32
        %dma_start3A_364 = tpu.memref_slice %arg8[%dma_start3A_362, %dma_start3A_363] : memref<320x128xf32, #tpu.memory_space<vmem>> -> memref<80x128xf32, #tpu.memory_space<vmem>>
        %dma_start3A_365 = arith.constant 0 : i32
        %dma_start3A_366 = tpu.memref_slice %arg6[%dma_start3A_361, %dma_start3A_365] : memref<4x80xi32, #tpu.memory_space<vmem>> -> memref<1x80xi32, #tpu.memory_space<vmem>>
        %dma_start3A_367 = tpu.memref_squeeze %dma_start3A_366 : memref<1x80xi32, #tpu.memory_space<vmem>> -> memref<80xi32, #tpu.memory_space<vmem>>
        %dma_start3A_368 = arith.constant 0 : i32
        %dma_start3A_369 = arith.constant 0 : i32
        %dma_start3A_370 = tpu.memref_slice %arg2[%dma_start3A_368, %dma_start3A_369] : memref<10000x128xf32, #tpu.memory_space<hbm>> -> memref<10000x128xf32, #tpu.memory_space<hbm>>
        tpu.enqueue_indirect_dma source(%dma_start3A_370 : memref<10000x128xf32, #tpu.memory_space<hbm>>) target(%dma_start3A_364 : memref<80x128xf32, #tpu.memory_space<vmem>>) offsets(%dma_start3A_367 : memref<80xi32, #tpu.memory_space<vmem>>) semaphore(%arg11 : memref<!tpu.dma_semaphore, #tpu.memory_space<semaphore_mem>>)
      } else {
      }
    }
    %scan3A_85 = arith.constant 32 : i32
    %dma_wait3A_86 = arith.constant 2 : i32
    %dma_wait3A_87 = arith.constant 160 : i32
    %dma_wait3A_88 = arith.constant 0 : i32
    %dma_wait3A_89 = tpu.memref_slice %arg8[%dma_wait3A_87, %dma_wait3A_88] : memref<320x128xf32, #tpu.memory_space<vmem>> -> memref<80x128xf32, #tpu.memory_space<vmem>>
    %dma_wait3A_90 = arith.constant 0 : i32
    %dma_wait3A_91 = tpu.memref_slice %arg7[%dma_wait3A_86, %dma_wait3A_90] : memref<4x80xi32, #tpu.memory_space<vmem>> -> memref<1x80xi32, #tpu.memory_space<vmem>>
    %dma_wait3A_92 = tpu.memref_squeeze %dma_wait3A_91 : memref<1x80xi32, #tpu.memory_space<vmem>> -> memref<80xi32, #tpu.memory_space<vmem>>
    %dma_wait3A_93 = arith.constant 0 : i32
    %dma_wait3A_94 = arith.constant 0 : i32
    %dma_wait3A_95 = tpu.memref_slice %arg9[%dma_wait3A_93, %dma_wait3A_94] : memref<10240x128xf32, #tpu.memory_space<vmem_shared>> -> memref<10240x128xf32, #tpu.memory_space<vmem_shared>>
    tpu.wait_indirect_dma semaphore(%arg16 : memref<!tpu.dma_semaphore, #tpu.memory_space<semaphore_mem>>) src(%dma_wait3A_89 : memref<80x128xf32, #tpu.memory_space<vmem>>) dst(%dma_wait3A_95 : memref<10240x128xf32, #tpu.memory_space<vmem_shared>>)
    %dma_wait3A_96 = arith.constant 3 : i32
    %dma_wait3A_97 = arith.constant 240 : i32
    %dma_wait3A_98 = arith.constant 0 : i32
    %dma_wait3A_99 = tpu.memref_slice %arg8[%dma_wait3A_97, %dma_wait3A_98] : memref<320x128xf32, #tpu.memory_space<vmem>> -> memref<80x128xf32, #tpu.memory_space<vmem>>
    %dma_wait3A_100 = arith.constant 0 : i32
    %dma_wait3A_101 = tpu.memref_slice %arg7[%dma_wait3A_96, %dma_wait3A_100] : memref<4x80xi32, #tpu.memory_space<vmem>> -> memref<1x80xi32, #tpu.memory_space<vmem>>
    %dma_wait3A_102 = tpu.memref_squeeze %dma_wait3A_101 : memref<1x80xi32, #tpu.memory_space<vmem>> -> memref<80xi32, #tpu.memory_space<vmem>>
    %dma_wait3A_103 = arith.constant 0 : i32
    %dma_wait3A_104 = arith.constant 0 : i32
    %dma_wait3A_105 = tpu.memref_slice %arg9[%dma_wait3A_103, %dma_wait3A_104] : memref<10240x128xf32, #tpu.memory_space<vmem_shared>> -> memref<10240x128xf32, #tpu.memory_space<vmem_shared>>
    tpu.wait_indirect_dma semaphore(%arg17 : memref<!tpu.dma_semaphore, #tpu.memory_space<semaphore_mem>>) src(%dma_wait3A_99 : memref<80x128xf32, #tpu.memory_space<vmem>>) dst(%dma_wait3A_105 : memref<10240x128xf32, #tpu.memory_space<vmem_shared>>)
    %barrier3A_106 = arith.constant 0 : index
    tpu.barrier barrier_id(%barrier3A_106)
    %mul3A_107 = arith.constant 10240 : i32
    %mul3A_108 = arith.muli %arg0, %mul3A_107 : i32
    %mul3A_109 = arith.constant 640 : i32
    %mul3A_110 = arith.muli %arg1, %mul3A_109 : i32
    %add3A_111 = arith.addi %mul3A_108, %mul3A_110 : i32
    %mul3A_112 = arith.constant 640 : i32
    %mul3A_113 = arith.muli %arg1, %mul3A_112 : i32
    %add3A_114 = arith.constant 0 : i32
    %add3A_115 = arith.addi %mul3A_113, %add3A_114 : i32
    "tpu.region"() ({
      %run_scoped3A = tpu.sem_alloc : memref<!tpu.dma_semaphore, #tpu.memory_space<semaphore_mem>>
      %dma_start3A_124 = arith.constant 0 : i32
      %dma_start3A_125 = arith.constant 0 : i32
      %dma_start3A_126 = tpu.memref_slice %arg8[%dma_start3A_124, %dma_start3A_125] : memref<320x128xf32, #tpu.memory_space<vmem>> -> memref<320x128xf32, #tpu.memory_space<vmem>>
      %dma_start3A_127 = arith.constant 0 : i32
      %dma_start3A_128 = tpu.memref_slice %arg9[%add3A_115, %dma_start3A_127] : memref<10240x128xf32, #tpu.memory_space<vmem_shared>> -> memref<320x128xf32, #tpu.memory_space<vmem_shared>>
      %dma_start3A_129 = arith.constant 0 : i32
      %dma_start3A_130 = arith.constant 0 : i32
      %dma_start3A_131 = tpu.memref_slice %arg8[%dma_start3A_129, %dma_start3A_130] : memref<320x128xf32, #tpu.memory_space<vmem>> -> memref<320x128xf32, #tpu.memory_space<vmem>>
      %dma_start3A_132 = arith.constant 0 : i32
      %dma_start3A_133 = tpu.memref_slice %arg9[%add3A_115, %dma_start3A_132] : memref<10240x128xf32, #tpu.memory_space<vmem_shared>> -> memref<320x128xf32, #tpu.memory_space<vmem_shared>>
      tpu.enqueue_dma source(%dma_start3A_133 : memref<320x128xf32, #tpu.memory_space<vmem_shared>>) target(%dma_start3A_131 : memref<320x128xf32, #tpu.memory_space<vmem>>) target_semaphore(%run_scoped3A : memref<!tpu.dma_semaphore, #tpu.memory_space<semaphore_mem>>)
      %dma_wait3A_134 = arith.constant 0 : i32
      %dma_wait3A_135 = arith.constant 0 : i32
      %dma_wait3A_136 = tpu.memref_slice %arg8[%dma_wait3A_134, %dma_wait3A_135] : memref<320x128xf32, #tpu.memory_space<vmem>> -> memref<320x128xf32, #tpu.memory_space<vmem>>
      %dma_wait3A_137 = arith.constant 0 : i32
      %dma_wait3A_138 = tpu.memref_slice %arg9[%add3A_115, %dma_wait3A_137] : memref<10240x128xf32, #tpu.memory_space<vmem_shared>> -> memref<320x128xf32, #tpu.memory_space<vmem_shared>>
      %dma_wait3A_139 = arith.constant 0 : i32
      %dma_wait3A_140 = arith.constant 0 : i32
      %dma_wait3A_141 = tpu.memref_slice %arg8[%dma_wait3A_139, %dma_wait3A_140] : memref<320x128xf32, #tpu.memory_space<vmem>> -> memref<320x128xf32, #tpu.memory_space<vmem>>
      %dma_wait3A_142 = arith.constant 0 : i32
      %dma_wait3A_143 = tpu.memref_slice %arg9[%add3A_115, %dma_wait3A_142] : memref<10240x128xf32, #tpu.memory_space<vmem_shared>> -> memref<320x128xf32, #tpu.memory_space<vmem_shared>>
      tpu.wait_dma2 semaphore(%run_scoped3A : memref<!tpu.dma_semaphore, #tpu.memory_space<semaphore_mem>>) src(%dma_wait3A_143 : memref<320x128xf32, #tpu.memory_space<vmem_shared>>) dst(%dma_wait3A_141 : memref<320x128xf32, #tpu.memory_space<vmem>>)
      tpu.yield
    }) : () -> ()
    %add3A_116 = arith.constant 0 : i32
    %add3A_117 = arith.addi %add3A_111, %add3A_116 : i32
    "tpu.region"() ({
      %run_scoped3A = tpu.sem_alloc : memref<!tpu.dma_semaphore, #tpu.memory_space<semaphore_mem>>
      %dma_start3A_124 = arith.constant 0 : i32
      %dma_start3A_125 = arith.constant 0 : i32
      %dma_start3A_126 = tpu.memref_slice %arg8[%dma_start3A_124, %dma_start3A_125] : memref<320x128xf32, #tpu.memory_space<vmem>> -> memref<320x128xf32, #tpu.memory_space<vmem>>
      %dma_start3A_127 = arith.constant 0 : i32
      %dma_start3A_128 = tpu.memref_slice %arg5[%add3A_117, %dma_start3A_127] : memref<20480x128xf32, #tpu.memory_space<hbm>> -> memref<320x128xf32, #tpu.memory_space<hbm>>
      %dma_start3A_129 = arith.constant 0 : i32
      %dma_start3A_130 = tpu.memref_slice %arg5[%add3A_117, %dma_start3A_129] : memref<20480x128xf32, #tpu.memory_space<hbm>> -> memref<320x128xf32, #tpu.memory_space<hbm>>
      %dma_start3A_131 = arith.constant 0 : i32
      %dma_start3A_132 = arith.constant 0 : i32
      %dma_start3A_133 = tpu.memref_slice %arg8[%dma_start3A_131, %dma_start3A_132] : memref<320x128xf32, #tpu.memory_space<vmem>> -> memref<320x128xf32, #tpu.memory_space<vmem>>
      tpu.enqueue_dma source(%dma_start3A_133 : memref<320x128xf32, #tpu.memory_space<vmem>>) target(%dma_start3A_130 : memref<320x128xf32, #tpu.memory_space<hbm>>) target_semaphore(%run_scoped3A : memref<!tpu.dma_semaphore, #tpu.memory_space<semaphore_mem>>)
      %dma_wait3A_134 = arith.constant 0 : i32
      %dma_wait3A_135 = arith.constant 0 : i32
      %dma_wait3A_136 = tpu.memref_slice %arg8[%dma_wait3A_134, %dma_wait3A_135] : memref<320x128xf32, #tpu.memory_space<vmem>> -> memref<320x128xf32, #tpu.memory_space<vmem>>
      %dma_wait3A_137 = arith.constant 0 : i32
      %dma_wait3A_138 = tpu.memref_slice %arg5[%add3A_117, %dma_wait3A_137] : memref<20480x128xf32, #tpu.memory_space<hbm>> -> memref<320x128xf32, #tpu.memory_space<hbm>>
      %dma_wait3A_139 = arith.constant 0 : i32
      %dma_wait3A_140 = tpu.memref_slice %arg5[%add3A_117, %dma_wait3A_139] : memref<20480x128xf32, #tpu.memory_space<hbm>> -> memref<320x128xf32, #tpu.memory_space<hbm>>
      %dma_wait3A_141 = arith.constant 0 : i32
      %dma_wait3A_142 = arith.constant 0 : i32
      %dma_wait3A_143 = tpu.memref_slice %arg8[%dma_wait3A_141, %dma_wait3A_142] : memref<320x128xf32, #tpu.memory_space<vmem>> -> memref<320x128xf32, #tpu.memory_space<vmem>>
      tpu.wait_dma2 semaphore(%run_scoped3A : memref<!tpu.dma_semaphore, #tpu.memory_space<semaphore_mem>>) src(%dma_wait3A_143 : memref<320x128xf32, #tpu.memory_space<vmem>>) dst(%dma_wait3A_140 : memref<320x128xf32, #tpu.memory_space<hbm>>)
      tpu.yield
    }) : () -> ()
    %mul3A_118 = arith.constant 640 : i32
    %mul3A_119 = arith.muli %arg1, %mul3A_118 : i32
    %add3A_120 = arith.constant 320 : i32
    %add3A_121 = arith.addi %mul3A_119, %add3A_120 : i32
    "tpu.region"() ({
      %run_scoped3A = tpu.sem_alloc : memref<!tpu.dma_semaphore, #tpu.memory_space<semaphore_mem>>
      %dma_start3A_124 = arith.constant 0 : i32
      %dma_start3A_125 = arith.constant 0 : i32
      %dma_start3A_126 = tpu.memref_slice %arg8[%dma_start3A_124, %dma_start3A_125] : memref<320x128xf32, #tpu.memory_space<vmem>> -> memref<320x128xf32, #tpu.memory_space<vmem>>
      %dma_start3A_127 = arith.constant 0 : i32
      %dma_start3A_128 = tpu.memref_slice %arg9[%add3A_121, %dma_start3A_127] : memref<10240x128xf32, #tpu.memory_space<vmem_shared>> -> memref<320x128xf32, #tpu.memory_space<vmem_shared>>
      %dma_start3A_129 = arith.constant 0 : i32
      %dma_start3A_130 = arith.constant 0 : i32
      %dma_start3A_131 = tpu.memref_slice %arg8[%dma_start3A_129, %dma_start3A_130] : memref<320x128xf32, #tpu.memory_space<vmem>> -> memref<320x128xf32, #tpu.memory_space<vmem>>
      %dma_start3A_132 = arith.constant 0 : i32
      %dma_start3A_133 = tpu.memref_slice %arg9[%add3A_121, %dma_start3A_132] : memref<10240x128xf32, #tpu.memory_space<vmem_shared>> -> memref<320x128xf32, #tpu.memory_space<vmem_shared>>
      tpu.enqueue_dma source(%dma_start3A_133 : memref<320x128xf32, #tpu.memory_space<vmem_shared>>) target(%dma_start3A_131 : memref<320x128xf32, #tpu.memory_space<vmem>>) target_semaphore(%run_scoped3A : memref<!tpu.dma_semaphore, #tpu.memory_space<semaphore_mem>>)
      %dma_wait3A_134 = arith.constant 0 : i32
      %dma_wait3A_135 = arith.constant 0 : i32
      %dma_wait3A_136 = tpu.memref_slice %arg8[%dma_wait3A_134, %dma_wait3A_135] : memref<320x128xf32, #tpu.memory_space<vmem>> -> memref<320x128xf32, #tpu.memory_space<vmem>>
      %dma_wait3A_137 = arith.constant 0 : i32
      %dma_wait3A_138 = tpu.memref_slice %arg9[%add3A_121, %dma_wait3A_137] : memref<10240x128xf32, #tpu.memory_space<vmem_shared>> -> memref<320x128xf32, #tpu.memory_space<vmem_shared>>
      %dma_wait3A_139 = arith.constant 0 : i32
      %dma_wait3A_140 = arith.constant 0 : i32
      %dma_wait3A_141 = tpu.memref_slice %arg8[%dma_wait3A_139, %dma_wait3A_140] : memref<320x128xf32, #tpu.memory_space<vmem>> -> memref<320x128xf32, #tpu.memory_space<vmem>>
      %dma_wait3A_142 = arith.constant 0 : i32
      %dma_wait3A_143 = tpu.memref_slice %arg9[%add3A_121, %dma_wait3A_142] : memref<10240x128xf32, #tpu.memory_space<vmem_shared>> -> memref<320x128xf32, #tpu.memory_space<vmem_shared>>
      tpu.wait_dma2 semaphore(%run_scoped3A : memref<!tpu.dma_semaphore, #tpu.memory_space<semaphore_mem>>) src(%dma_wait3A_143 : memref<320x128xf32, #tpu.memory_space<vmem_shared>>) dst(%dma_wait3A_141 : memref<320x128xf32, #tpu.memory_space<vmem>>)
      tpu.yield
    }) : () -> ()
    %add3A_122 = arith.constant 320 : i32
    %add3A_123 = arith.addi %add3A_111, %add3A_122 : i32
    "tpu.region"() ({
      %run_scoped3A = tpu.sem_alloc : memref<!tpu.dma_semaphore, #tpu.memory_space<semaphore_mem>>
      %dma_start3A_124 = arith.constant 0 : i32
      %dma_start3A_125 = arith.constant 0 : i32
      %dma_start3A_126 = tpu.memref_slice %arg8[%dma_start3A_124, %dma_start3A_125] : memref<320x128xf32, #tpu.memory_space<vmem>> -> memref<320x128xf32, #tpu.memory_space<vmem>>
      %dma_start3A_127 = arith.constant 0 : i32
      %dma_start3A_128 = tpu.memref_slice %arg5[%add3A_123, %dma_start3A_127] : memref<20480x128xf32, #tpu.memory_space<hbm>> -> memref<320x128xf32, #tpu.memory_space<hbm>>
      %dma_start3A_129 = arith.constant 0 : i32
      %dma_start3A_130 = tpu.memref_slice %arg5[%add3A_123, %dma_start3A_129] : memref<20480x128xf32, #tpu.memory_space<hbm>> -> memref<320x128xf32, #tpu.memory_space<hbm>>
      %dma_start3A_131 = arith.constant 0 : i32
      %dma_start3A_132 = arith.constant 0 : i32
      %dma_start3A_133 = tpu.memref_slice %arg8[%dma_start3A_131, %dma_start3A_132] : memref<320x128xf32, #tpu.memory_space<vmem>> -> memref<320x128xf32, #tpu.memory_space<vmem>>
      tpu.enqueue_dma source(%dma_start3A_133 : memref<320x128xf32, #tpu.memory_space<vmem>>) target(%dma_start3A_130 : memref<320x128xf32, #tpu.memory_space<hbm>>) target_semaphore(%run_scoped3A : memref<!tpu.dma_semaphore, #tpu.memory_space<semaphore_mem>>)
      %dma_wait3A_134 = arith.constant 0 : i32
      %dma_wait3A_135 = arith.constant 0 : i32
      %dma_wait3A_136 = tpu.memref_slice %arg8[%dma_wait3A_134, %dma_wait3A_135] : memref<320x128xf32, #tpu.memory_space<vmem>> -> memref<320x128xf32, #tpu.memory_space<vmem>>
      %dma_wait3A_137 = arith.constant 0 : i32
      %dma_wait3A_138 = tpu.memref_slice %arg5[%add3A_123, %dma_wait3A_137] : memref<20480x128xf32, #tpu.memory_space<hbm>> -> memref<320x128xf32, #tpu.memory_space<hbm>>
      %dma_wait3A_139 = arith.constant 0 : i32
      %dma_wait3A_140 = tpu.memref_slice %arg5[%add3A_123, %dma_wait3A_139] : memref<20480x128xf32, #tpu.memory_space<hbm>> -> memref<320x128xf32, #tpu.memory_space<hbm>>
      %dma_wait3A_141 = arith.constant 0 : i32
      %dma_wait3A_142 = arith.constant 0 : i32
      %dma_wait3A_143 = tpu.memref_slice %arg8[%dma_wait3A_141, %dma_wait3A_142] : memref<320x128xf32, #tpu.memory_space<vmem>> -> memref<320x128xf32, #tpu.memory_space<vmem>>
      tpu.wait_dma2 semaphore(%run_scoped3A : memref<!tpu.dma_semaphore, #tpu.memory_space<semaphore_mem>>) src(%dma_wait3A_143 : memref<320x128xf32, #tpu.memory_space<vmem>>) dst(%dma_wait3A_140 : memref<320x128xf32, #tpu.memory_space<hbm>>)
      tpu.yield
    }) : () -> ()
    return
  }
}

#map = affine_map<(d0, d1) -> (0, 0)>
module attributes {stable_mosaic.version = 14 : i64} {
  func.func @_sc_scatter(%arg0: i32, %arg1: i32, %arg2: memref<10000x128xf32, #tpu.memory_space<hbm>>, %arg3: memref<4096x80xi32, #tpu.memory_space<hbm>>, %arg4: memref<4096x80xi32, #tpu.memory_space<hbm>>, %arg5: memref<20480x128xf32, #tpu.memory_space<hbm>>, %arg6: memref<4x80xi32, #tpu.memory_space<vmem>>, %arg7: memref<4x80xi32, #tpu.memory_space<vmem>>, %arg8: memref<320x128xf32, #tpu.memory_space<vmem>>, %arg9: memref<10240x128xf32, #tpu.memory_space<vmem_shared>>, %arg10: memref<!tpu.dma_semaphore, #tpu.memory_space<semaphore_mem>>, %arg11: memref<!tpu.dma_semaphore, #tpu.memory_space<semaphore_mem>>, %arg12: memref<!tpu.dma_semaphore, #tpu.memory_space<semaphore_mem>>, %arg13: memref<!tpu.dma_semaphore, #tpu.memory_space<semaphore_mem>>, %arg14: memref<!tpu.dma_semaphore, #tpu.memory_space<semaphore_mem>>, %arg15: memref<!tpu.dma_semaphore, #tpu.memory_space<semaphore_mem>>, %arg16: memref<!tpu.dma_semaphore, #tpu.memory_space<semaphore_mem>>, %arg17: memref<!tpu.dma_semaphore, #tpu.memory_space<semaphore_mem>>, %arg18: memref<!tpu.dma_semaphore, #tpu.memory_space<semaphore_mem>>, %arg19: memref<!tpu.dma_semaphore, #tpu.memory_space<semaphore_mem>>, %arg20: memref<!tpu.dma_semaphore, #tpu.memory_space<semaphore_mem>>, %arg21: memref<!tpu.dma_semaphore, #tpu.memory_space<semaphore_mem>>) attributes {dimension_semantics = [#tpu.dimension_semantics<core_parallel>, #tpu.dimension_semantics<subcore_parallel>], iteration_bounds = array<i64: 2, 16>, scalar_prefetch = 0 : i64, scratch_operands = 16 : i64, tpu.core_type = #tpu.core_type<sc_vector_subcore>, window_params = [{transform_indices = #map}, {transform_indices = #map}, {transform_indices = #map}, {transform_indices = #map}]} {
    %mul3A = arith.constant 2 : i32
    %mul3A_0 = arith.muli %arg1, %mul3A : i32
    %add3A = arith.addi %mul3A_0, %arg0 : i32
    %scan3A = arith.constant 0 : i32
    %scan3A_1 = arith.constant 320 : i32
    %scan3A_2 = arith.addi %scan3A, %scan3A_1 : i32
    %scan3A_3 = arith.constant 1 : i32
    scf.for %scan3A_124 = %scan3A to %scan3A_2 step %scan3A_3  : i32 {
      %broadcast_in_dim3A = arith.constant 0.000000e+00 : f32
      %broadcast_in_dim3A_125 = vector.broadcast %broadcast_in_dim3A : f32 to vector<16xf32>
      %swap3A = arith.index_cast %scan3A_124 : i32 to index
      %swap3A_126 = arith.constant 0 : index
      %swap3A_127 = tpu.vector_load %arg8[%swap3A, %swap3A_126] {strides = array<i32>} : memref<320x128xf32, #tpu.memory_space<vmem>>, vector<1x16xf32>,
      %swap3A_128 = vector.shape_cast %swap3A_127 : vector<1x16xf32> to vector<16xf32>
      %swap3A_129 = vector.shape_cast %broadcast_in_dim3A_125 : vector<16xf32> to vector<1x16xf32>
      tpu.vector_store %arg8[%swap3A, %swap3A_126], %swap3A_129 {strides = array<i32>} : memref<320x128xf32, #tpu.memory_space<vmem>>, vector<1x16xf32>,
      %broadcast_in_dim3A_130 = arith.constant 0.000000e+00 : f32
      %broadcast_in_dim3A_131 = vector.broadcast %broadcast_in_dim3A_130 : f32 to vector<16xf32>
      %swap3A_132 = arith.index_cast %scan3A_124 : i32 to index
      %swap3A_133 = arith.constant 16 : index
      %swap3A_134 = tpu.vector_load %arg8[%swap3A_132, %swap3A_133] {strides = array<i32>} : memref<320x128xf32, #tpu.memory_space<vmem>>, vector<1x16xf32>,
      %swap3A_135 = vector.shape_cast %swap3A_134 : vector<1x16xf32> to vector<16xf32>
      %swap3A_136 = vector.shape_cast %broadcast_in_dim3A_131 : vector<16xf32> to vector<1x16xf32>
      tpu.vector_store %arg8[%swap3A_132, %swap3A_133], %swap3A_136 {strides = array<i32>} : memref<320x128xf32, #tpu.memory_space<vmem>>, vector<1x16xf32>,
      %broadcast_in_dim3A_137 = arith.constant 0.000000e+00 : f32
      %broadcast_in_dim3A_138 = vector.broadcast %broadcast_in_dim3A_137 : f32 to vector<16xf32>
      %swap3A_139 = arith.index_cast %scan3A_124 : i32 to index
      %swap3A_140 = arith.constant 32 : index
      %swap3A_141 = tpu.vector_load %arg8[%swap3A_139, %swap3A_140] {strides = array<i32>} : memref<320x128xf32, #tpu.memory_space<vmem>>, vector<1x16xf32>,
      %swap3A_142 = vector.shape_cast %swap3A_141 : vector<1x16xf32> to vector<16xf32>
      %swap3A_143 = vector.shape_cast %broadcast_in_dim3A_138 : vector<16xf32> to vector<1x16xf32>
      tpu.vector_store %arg8[%swap3A_139, %swap3A_140], %swap3A_143 {strides = array<i32>} : memref<320x128xf32, #tpu.memory_space<vmem>>, vector<1x16xf32>,
      %broadcast_in_dim3A_144 = arith.constant 0.000000e+00 : f32
      %broadcast_in_dim3A_145 = vector.broadcast %broadcast_in_dim3A_144 : f32 to vector<16xf32>
      %swap3A_146 = arith.index_cast %scan3A_124 : i32 to index
      %swap3A_147 = arith.constant 48 : index
      %swap3A_148 = tpu.vector_load %arg8[%swap3A_146, %swap3A_147] {strides = array<i32>} : memref<320x128xf32, #tpu.memory_space<vmem>>, vector<1x16xf32>,
      %swap3A_149 = vector.shape_cast %swap3A_148 : vector<1x16xf32> to vector<16xf32>
      %swap3A_150 = vector.shape_cast %broadcast_in_dim3A_145 : vector<16xf32> to vector<1x16xf32>
      tpu.vector_store %arg8[%swap3A_146, %swap3A_147], %swap3A_150 {strides = array<i32>} : memref<320x128xf32, #tpu.memory_space<vmem>>, vector<1x16xf32>,
      %broadcast_in_dim3A_151 = arith.constant 0.000000e+00 : f32
      %broadcast_in_dim3A_152 = vector.broadcast %broadcast_in_dim3A_151 : f32 to vector<16xf32>
      %swap3A_153 = arith.index_cast %scan3A_124 : i32 to index
      %swap3A_154 = arith.constant 64 : index
      %swap3A_155 = tpu.vector_load %arg8[%swap3A_153, %swap3A_154] {strides = array<i32>} : memref<320x128xf32, #tpu.memory_space<vmem>>, vector<1x16xf32>,
      %swap3A_156 = vector.shape_cast %swap3A_155 : vector<1x16xf32> to vector<16xf32>
      %swap3A_157 = vector.shape_cast %broadcast_in_dim3A_152 : vector<16xf32> to vector<1x16xf32>
      tpu.vector_store %arg8[%swap3A_153, %swap3A_154], %swap3A_157 {strides = array<i32>} : memref<320x128xf32, #tpu.memory_space<vmem>>, vector<1x16xf32>,
      %broadcast_in_dim3A_158 = arith.constant 0.000000e+00 : f32
      %broadcast_in_dim3A_159 = vector.broadcast %broadcast_in_dim3A_158 : f32 to vector<16xf32>
      %swap3A_160 = arith.index_cast %scan3A_124 : i32 to index
      %swap3A_161 = arith.constant 80 : index
      %swap3A_162 = tpu.vector_load %arg8[%swap3A_160, %swap3A_161] {strides = array<i32>} : memref<320x128xf32, #tpu.memory_space<vmem>>, vector<1x16xf32>,
      %swap3A_163 = vector.shape_cast %swap3A_162 : vector<1x16xf32> to vector<16xf32>
      %swap3A_164 = vector.shape_cast %broadcast_in_dim3A_159 : vector<16xf32> to vector<1x16xf32>
      tpu.vector_store %arg8[%swap3A_160, %swap3A_161], %swap3A_164 {strides = array<i32>} : memref<320x128xf32, #tpu.memory_space<vmem>>, vector<1x16xf32>,
      %broadcast_in_dim3A_165 = arith.constant 0.000000e+00 : f32
      %broadcast_in_dim3A_166 = vector.broadcast %broadcast_in_dim3A_165 : f32 to vector<16xf32>
      %swap3A_167 = arith.index_cast %scan3A_124 : i32 to index
      %swap3A_168 = arith.constant 96 : index
      %swap3A_169 = tpu.vector_load %arg8[%swap3A_167, %swap3A_168] {strides = array<i32>} : memref<320x128xf32, #tpu.memory_space<vmem>>, vector<1x16xf32>,
      %swap3A_170 = vector.shape_cast %swap3A_169 : vector<1x16xf32> to vector<16xf32>
      %swap3A_171 = vector.shape_cast %broadcast_in_dim3A_166 : vector<16xf32> to vector<1x16xf32>
      tpu.vector_store %arg8[%swap3A_167, %swap3A_168], %swap3A_171 {strides = array<i32>} : memref<320x128xf32, #tpu.memory_space<vmem>>, vector<1x16xf32>,
      %broadcast_in_dim3A_172 = arith.constant 0.000000e+00 : f32
      %broadcast_in_dim3A_173 = vector.broadcast %broadcast_in_dim3A_172 : f32 to vector<16xf32>
      %swap3A_174 = arith.index_cast %scan3A_124 : i32 to index
      %swap3A_175 = arith.constant 112 : index
      %swap3A_176 = tpu.vector_load %arg8[%swap3A_174, %swap3A_175] {strides = array<i32>} : memref<320x128xf32, #tpu.memory_space<vmem>>, vector<1x16xf32>,
      %swap3A_177 = vector.shape_cast %swap3A_176 : vector<1x16xf32> to vector<16xf32>
      %swap3A_178 = vector.shape_cast %broadcast_in_dim3A_173 : vector<16xf32> to vector<1x16xf32>
      tpu.vector_store %arg8[%swap3A_174, %swap3A_175], %swap3A_178 {strides = array<i32>} : memref<320x128xf32, #tpu.memory_space<vmem>>, vector<1x16xf32>,
    }
    %scan3A_4 = arith.constant 320 : i32
    %mul3A_5 = arith.constant 640 : i32
    %mul3A_6 = arith.muli %arg1, %mul3A_5 : i32
    %add3A_7 = arith.constant 0 : i32
    %add3A_8 = arith.addi %mul3A_6, %add3A_7 : i32
    "tpu.region"() ({
      %run_scoped3A = tpu.sem_alloc : memref<!tpu.dma_semaphore, #tpu.memory_space<semaphore_mem>>
      %dma_start3A_124 = arith.constant 0 : i32
      %dma_start3A_125 = arith.constant 0 : i32
      %dma_start3A_126 = tpu.memref_slice %arg8[%dma_start3A_124, %dma_start3A_125] : memref<320x128xf32, #tpu.memory_space<vmem>> -> memref<128x128xf32, #tpu.memory_space<vmem>>
      %dma_start3A_127 = arith.constant 0 : i32
      %dma_start3A_128 = tpu.memref_slice %arg9[%add3A_8, %dma_start3A_127] : memref<10240x128xf32, #tpu.memory_space<vmem_shared>> -> memref<128x128xf32, #tpu.memory_space<vmem_shared>>
      %dma_start3A_129 = arith.constant 0 : i32
      %dma_start3A_130 = tpu.memref_slice %arg9[%add3A_8, %dma_start3A_129] : memref<10240x128xf32, #tpu.memory_space<vmem_shared>> -> memref<128x128xf32, #tpu.memory_space<vmem_shared>>
      %dma_start3A_131 = arith.constant 0 : i32
      %dma_start3A_132 = arith.constant 0 : i32
      %dma_start3A_133 = tpu.memref_slice %arg8[%dma_start3A_131, %dma_start3A_132] : memref<320x128xf32, #tpu.memory_space<vmem>> -> memref<128x128xf32, #tpu.memory_space<vmem>>
      tpu.enqueue_dma source(%dma_start3A_133 : memref<128x128xf32, #tpu.memory_space<vmem>>) target(%dma_start3A_130 : memref<128x128xf32, #tpu.memory_space<vmem_shared>>) target_semaphore(%run_scoped3A : memref<!tpu.dma_semaphore, #tpu.memory_space<semaphore_mem>>)
      %dma_wait3A_134 = arith.constant 0 : i32
      %dma_wait3A_135 = arith.constant 0 : i32
      %dma_wait3A_136 = tpu.memref_slice %arg8[%dma_wait3A_134, %dma_wait3A_135] : memref<320x128xf32, #tpu.memory_space<vmem>> -> memref<128x128xf32, #tpu.memory_space<vmem>>
      %dma_wait3A_137 = arith.constant 0 : i32
      %dma_wait3A_138 = tpu.memref_slice %arg9[%add3A_8, %dma_wait3A_137] : memref<10240x128xf32, #tpu.memory_space<vmem_shared>> -> memref<128x128xf32, #tpu.memory_space<vmem_shared>>
      %dma_wait3A_139 = arith.constant 0 : i32
      %dma_wait3A_140 = tpu.memref_slice %arg9[%add3A_8, %dma_wait3A_139] : memref<10240x128xf32, #tpu.memory_space<vmem_shared>> -> memref<128x128xf32, #tpu.memory_space<vmem_shared>>
      %dma_wait3A_141 = arith.constant 0 : i32
      %dma_wait3A_142 = arith.constant 0 : i32
      %dma_wait3A_143 = tpu.memref_slice %arg8[%dma_wait3A_141, %dma_wait3A_142] : memref<320x128xf32, #tpu.memory_space<vmem>> -> memref<128x128xf32, #tpu.memory_space<vmem>>
      tpu.wait_dma2 semaphore(%run_scoped3A : memref<!tpu.dma_semaphore, #tpu.memory_space<semaphore_mem>>) src(%dma_wait3A_143 : memref<128x128xf32, #tpu.memory_space<vmem>>) dst(%dma_wait3A_140 : memref<128x128xf32, #tpu.memory_space<vmem_shared>>)
      tpu.yield
    }) : () -> ()
    %mul3A_9 = arith.constant 640 : i32
    %mul3A_10 = arith.muli %arg1, %mul3A_9 : i32
    %add3A_11 = arith.constant 128 : i32
    %add3A_12 = arith.addi %mul3A_10, %add3A_11 : i32
    "tpu.region"() ({
      %run_scoped3A = tpu.sem_alloc : memref<!tpu.dma_semaphore, #tpu.memory_space<semaphore_mem>>
      %dma_start3A_124 = arith.constant 0 : i32
      %dma_start3A_125 = arith.constant 0 : i32
      %dma_start3A_126 = tpu.memref_slice %arg8[%dma_start3A_124, %dma_start3A_125] : memref<320x128xf32, #tpu.memory_space<vmem>> -> memref<128x128xf32, #tpu.memory_space<vmem>>
      %dma_start3A_127 = arith.constant 0 : i32
      %dma_start3A_128 = tpu.memref_slice %arg9[%add3A_12, %dma_start3A_127] : memref<10240x128xf32, #tpu.memory_space<vmem_shared>> -> memref<128x128xf32, #tpu.memory_space<vmem_shared>>
      %dma_start3A_129 = arith.constant 0 : i32
      %dma_start3A_130 = tpu.memref_slice %arg9[%add3A_12, %dma_start3A_129] : memref<10240x128xf32, #tpu.memory_space<vmem_shared>> -> memref<128x128xf32, #tpu.memory_space<vmem_shared>>
      %dma_start3A_131 = arith.constant 0 : i32
      %dma_start3A_132 = arith.constant 0 : i32
      %dma_start3A_133 = tpu.memref_slice %arg8[%dma_start3A_131, %dma_start3A_132] : memref<320x128xf32, #tpu.memory_space<vmem>> -> memref<128x128xf32, #tpu.memory_space<vmem>>
      tpu.enqueue_dma source(%dma_start3A_133 : memref<128x128xf32, #tpu.memory_space<vmem>>) target(%dma_start3A_130 : memref<128x128xf32, #tpu.memory_space<vmem_shared>>) target_semaphore(%run_scoped3A : memref<!tpu.dma_semaphore, #tpu.memory_space<semaphore_mem>>)
      %dma_wait3A_134 = arith.constant 0 : i32
      %dma_wait3A_135 = arith.constant 0 : i32
      %dma_wait3A_136 = tpu.memref_slice %arg8[%dma_wait3A_134, %dma_wait3A_135] : memref<320x128xf32, #tpu.memory_space<vmem>> -> memref<128x128xf32, #tpu.memory_space<vmem>>
      %dma_wait3A_137 = arith.constant 0 : i32
      %dma_wait3A_138 = tpu.memref_slice %arg9[%add3A_12, %dma_wait3A_137] : memref<10240x128xf32, #tpu.memory_space<vmem_shared>> -> memref<128x128xf32, #tpu.memory_space<vmem_shared>>
      %dma_wait3A_139 = arith.constant 0 : i32
      %dma_wait3A_140 = tpu.memref_slice %arg9[%add3A_12, %dma_wait3A_139] : memref<10240x128xf32, #tpu.memory_space<vmem_shared>> -> memref<128x128xf32, #tpu.memory_space<vmem_shared>>
      %dma_wait3A_141 = arith.constant 0 : i32
      %dma_wait3A_142 = arith.constant 0 : i32
      %dma_wait3A_143 = tpu.memref_slice %arg8[%dma_wait3A_141, %dma_wait3A_142] : memref<320x128xf32, #tpu.memory_space<vmem>> -> memref<128x128xf32, #tpu.memory_space<vmem>>
      tpu.wait_dma2 semaphore(%run_scoped3A : memref<!tpu.dma_semaphore, #tpu.memory_space<semaphore_mem>>) src(%dma_wait3A_143 : memref<128x128xf32, #tpu.memory_space<vmem>>) dst(%dma_wait3A_140 : memref<128x128xf32, #tpu.memory_space<vmem_shared>>)
      tpu.yield
    }) : () -> ()
    %mul3A_13 = arith.constant 640 : i32
    %mul3A_14 = arith.muli %arg1, %mul3A_13 : i32
    %add3A_15 = arith.constant 256 : i32
    %add3A_16 = arith.addi %mul3A_14, %add3A_15 : i32
    "tpu.region"() ({
      %run_scoped3A = tpu.sem_alloc : memref<!tpu.dma_semaphore, #tpu.memory_space<semaphore_mem>>
      %dma_start3A_124 = arith.constant 0 : i32
      %dma_start3A_125 = arith.constant 0 : i32
      %dma_start3A_126 = tpu.memref_slice %arg8[%dma_start3A_124, %dma_start3A_125] : memref<320x128xf32, #tpu.memory_space<vmem>> -> memref<128x128xf32, #tpu.memory_space<vmem>>
      %dma_start3A_127 = arith.constant 0 : i32
      %dma_start3A_128 = tpu.memref_slice %arg9[%add3A_16, %dma_start3A_127] : memref<10240x128xf32, #tpu.memory_space<vmem_shared>> -> memref<128x128xf32, #tpu.memory_space<vmem_shared>>
      %dma_start3A_129 = arith.constant 0 : i32
      %dma_start3A_130 = tpu.memref_slice %arg9[%add3A_16, %dma_start3A_129] : memref<10240x128xf32, #tpu.memory_space<vmem_shared>> -> memref<128x128xf32, #tpu.memory_space<vmem_shared>>
      %dma_start3A_131 = arith.constant 0 : i32
      %dma_start3A_132 = arith.constant 0 : i32
      %dma_start3A_133 = tpu.memref_slice %arg8[%dma_start3A_131, %dma_start3A_132] : memref<320x128xf32, #tpu.memory_space<vmem>> -> memref<128x128xf32, #tpu.memory_space<vmem>>
      tpu.enqueue_dma source(%dma_start3A_133 : memref<128x128xf32, #tpu.memory_space<vmem>>) target(%dma_start3A_130 : memref<128x128xf32, #tpu.memory_space<vmem_shared>>) target_semaphore(%run_scoped3A : memref<!tpu.dma_semaphore, #tpu.memory_space<semaphore_mem>>)
      %dma_wait3A_134 = arith.constant 0 : i32
      %dma_wait3A_135 = arith.constant 0 : i32
      %dma_wait3A_136 = tpu.memref_slice %arg8[%dma_wait3A_134, %dma_wait3A_135] : memref<320x128xf32, #tpu.memory_space<vmem>> -> memref<128x128xf32, #tpu.memory_space<vmem>>
      %dma_wait3A_137 = arith.constant 0 : i32
      %dma_wait3A_138 = tpu.memref_slice %arg9[%add3A_16, %dma_wait3A_137] : memref<10240x128xf32, #tpu.memory_space<vmem_shared>> -> memref<128x128xf32, #tpu.memory_space<vmem_shared>>
      %dma_wait3A_139 = arith.constant 0 : i32
      %dma_wait3A_140 = tpu.memref_slice %arg9[%add3A_16, %dma_wait3A_139] : memref<10240x128xf32, #tpu.memory_space<vmem_shared>> -> memref<128x128xf32, #tpu.memory_space<vmem_shared>>
      %dma_wait3A_141 = arith.constant 0 : i32
      %dma_wait3A_142 = arith.constant 0 : i32
      %dma_wait3A_143 = tpu.memref_slice %arg8[%dma_wait3A_141, %dma_wait3A_142] : memref<320x128xf32, #tpu.memory_space<vmem>> -> memref<128x128xf32, #tpu.memory_space<vmem>>
      tpu.wait_dma2 semaphore(%run_scoped3A : memref<!tpu.dma_semaphore, #tpu.memory_space<semaphore_mem>>) src(%dma_wait3A_143 : memref<128x128xf32, #tpu.memory_space<vmem>>) dst(%dma_wait3A_140 : memref<128x128xf32, #tpu.memory_space<vmem_shared>>)
      tpu.yield
    }) : () -> ()
    %mul3A_17 = arith.constant 640 : i32
    %mul3A_18 = arith.muli %arg1, %mul3A_17 : i32
    %add3A_19 = arith.constant 384 : i32
    %add3A_20 = arith.addi %mul3A_18, %add3A_19 : i32
    "tpu.region"() ({
      %run_scoped3A = tpu.sem_alloc : memref<!tpu.dma_semaphore, #tpu.memory_space<semaphore_mem>>
      %dma_start3A_124 = arith.constant 0 : i32
      %dma_start3A_125 = arith.constant 0 : i32
      %dma_start3A_126 = tpu.memref_slice %arg8[%dma_start3A_124, %dma_start3A_125] : memref<320x128xf32, #tpu.memory_space<vmem>> -> memref<128x128xf32, #tpu.memory_space<vmem>>
      %dma_start3A_127 = arith.constant 0 : i32
      %dma_start3A_128 = tpu.memref_slice %arg9[%add3A_20, %dma_start3A_127] : memref<10240x128xf32, #tpu.memory_space<vmem_shared>> -> memref<128x128xf32, #tpu.memory_space<vmem_shared>>
      %dma_start3A_129 = arith.constant 0 : i32
      %dma_start3A_130 = tpu.memref_slice %arg9[%add3A_20, %dma_start3A_129] : memref<10240x128xf32, #tpu.memory_space<vmem_shared>> -> memref<128x128xf32, #tpu.memory_space<vmem_shared>>
      %dma_start3A_131 = arith.constant 0 : i32
      %dma_start3A_132 = arith.constant 0 : i32
      %dma_start3A_133 = tpu.memref_slice %arg8[%dma_start3A_131, %dma_start3A_132] : memref<320x128xf32, #tpu.memory_space<vmem>> -> memref<128x128xf32, #tpu.memory_space<vmem>>
      tpu.enqueue_dma source(%dma_start3A_133 : memref<128x128xf32, #tpu.memory_space<vmem>>) target(%dma_start3A_130 : memref<128x128xf32, #tpu.memory_space<vmem_shared>>) target_semaphore(%run_scoped3A : memref<!tpu.dma_semaphore, #tpu.memory_space<semaphore_mem>>)
      %dma_wait3A_134 = arith.constant 0 : i32
      %dma_wait3A_135 = arith.constant 0 : i32
      %dma_wait3A_136 = tpu.memref_slice %arg8[%dma_wait3A_134, %dma_wait3A_135] : memref<320x128xf32, #tpu.memory_space<vmem>> -> memref<128x128xf32, #tpu.memory_space<vmem>>
      %dma_wait3A_137 = arith.constant 0 : i32
      %dma_wait3A_138 = tpu.memref_slice %arg9[%add3A_20, %dma_wait3A_137] : memref<10240x128xf32, #tpu.memory_space<vmem_shared>> -> memref<128x128xf32, #tpu.memory_space<vmem_shared>>
      %dma_wait3A_139 = arith.constant 0 : i32
      %dma_wait3A_140 = tpu.memref_slice %arg9[%add3A_20, %dma_wait3A_139] : memref<10240x128xf32, #tpu.memory_space<vmem_shared>> -> memref<128x128xf32, #tpu.memory_space<vmem_shared>>
      %dma_wait3A_141 = arith.constant 0 : i32
      %dma_wait3A_142 = arith.constant 0 : i32
      %dma_wait3A_143 = tpu.memref_slice %arg8[%dma_wait3A_141, %dma_wait3A_142] : memref<320x128xf32, #tpu.memory_space<vmem>> -> memref<128x128xf32, #tpu.memory_space<vmem>>
      tpu.wait_dma2 semaphore(%run_scoped3A : memref<!tpu.dma_semaphore, #tpu.memory_space<semaphore_mem>>) src(%dma_wait3A_143 : memref<128x128xf32, #tpu.memory_space<vmem>>) dst(%dma_wait3A_140 : memref<128x128xf32, #tpu.memory_space<vmem_shared>>)
      tpu.yield
    }) : () -> ()
    %mul3A_21 = arith.constant 640 : i32
    %mul3A_22 = arith.muli %arg1, %mul3A_21 : i32
    %add3A_23 = arith.constant 512 : i32
    %add3A_24 = arith.addi %mul3A_22, %add3A_23 : i32
    "tpu.region"() ({
      %run_scoped3A = tpu.sem_alloc : memref<!tpu.dma_semaphore, #tpu.memory_space<semaphore_mem>>
      %dma_start3A_124 = arith.constant 0 : i32
      %dma_start3A_125 = arith.constant 0 : i32
      %dma_start3A_126 = tpu.memref_slice %arg8[%dma_start3A_124, %dma_start3A_125] : memref<320x128xf32, #tpu.memory_space<vmem>> -> memref<128x128xf32, #tpu.memory_space<vmem>>
      %dma_start3A_127 = arith.constant 0 : i32
      %dma_start3A_128 = tpu.memref_slice %arg9[%add3A_24, %dma_start3A_127] : memref<10240x128xf32, #tpu.memory_space<vmem_shared>> -> memref<128x128xf32, #tpu.memory_space<vmem_shared>>
      %dma_start3A_129 = arith.constant 0 : i32
      %dma_start3A_130 = tpu.memref_slice %arg9[%add3A_24, %dma_start3A_129] : memref<10240x128xf32, #tpu.memory_space<vmem_shared>> -> memref<128x128xf32, #tpu.memory_space<vmem_shared>>
      %dma_start3A_131 = arith.constant 0 : i32
      %dma_start3A_132 = arith.constant 0 : i32
      %dma_start3A_133 = tpu.memref_slice %arg8[%dma_start3A_131, %dma_start3A_132] : memref<320x128xf32, #tpu.memory_space<vmem>> -> memref<128x128xf32, #tpu.memory_space<vmem>>
      tpu.enqueue_dma source(%dma_start3A_133 : memref<128x128xf32, #tpu.memory_space<vmem>>) target(%dma_start3A_130 : memref<128x128xf32, #tpu.memory_space<vmem_shared>>) target_semaphore(%run_scoped3A : memref<!tpu.dma_semaphore, #tpu.memory_space<semaphore_mem>>)
      %dma_wait3A_134 = arith.constant 0 : i32
      %dma_wait3A_135 = arith.constant 0 : i32
      %dma_wait3A_136 = tpu.memref_slice %arg8[%dma_wait3A_134, %dma_wait3A_135] : memref<320x128xf32, #tpu.memory_space<vmem>> -> memref<128x128xf32, #tpu.memory_space<vmem>>
      %dma_wait3A_137 = arith.constant 0 : i32
      %dma_wait3A_138 = tpu.memref_slice %arg9[%add3A_24, %dma_wait3A_137] : memref<10240x128xf32, #tpu.memory_space<vmem_shared>> -> memref<128x128xf32, #tpu.memory_space<vmem_shared>>
      %dma_wait3A_139 = arith.constant 0 : i32
      %dma_wait3A_140 = tpu.memref_slice %arg9[%add3A_24, %dma_wait3A_139] : memref<10240x128xf32, #tpu.memory_space<vmem_shared>> -> memref<128x128xf32, #tpu.memory_space<vmem_shared>>
      %dma_wait3A_141 = arith.constant 0 : i32
      %dma_wait3A_142 = arith.constant 0 : i32
      %dma_wait3A_143 = tpu.memref_slice %arg8[%dma_wait3A_141, %dma_wait3A_142] : memref<320x128xf32, #tpu.memory_space<vmem>> -> memref<128x128xf32, #tpu.memory_space<vmem>>
      tpu.wait_dma2 semaphore(%run_scoped3A : memref<!tpu.dma_semaphore, #tpu.memory_space<semaphore_mem>>) src(%dma_wait3A_143 : memref<128x128xf32, #tpu.memory_space<vmem>>) dst(%dma_wait3A_140 : memref<128x128xf32, #tpu.memory_space<vmem_shared>>)
      tpu.yield
    }) : () -> ()
    %barrier3A = arith.constant 0 : index
    tpu.barrier barrier_id(%barrier3A)
    %mul3A_25 = arith.constant 128 : i32
    %mul3A_26 = arith.muli %add3A, %mul3A_25 : i32
    %add3A_27 = arith.constant 0 : i32
    %add3A_28 = arith.addi %mul3A_26, %add3A_27 : i32
    %dma_start3A = arith.constant 0 : i32
    %dma_start3A_29 = arith.constant 0 : i32
    %dma_start3A_30 = tpu.memref_slice %arg6[%dma_start3A, %dma_start3A_29] : memref<4x80xi32, #tpu.memory_space<vmem>> -> memref<2x80xi32, #tpu.memory_space<vmem>>
    %dma_start3A_31 = arith.constant 0 : i32
    %dma_start3A_32 = tpu.memref_slice %arg3[%add3A_28, %dma_start3A_31] : memref<4096x80xi32, #tpu.memory_space<hbm>> -> memref<2x80xi32, #tpu.memory_space<hbm>>
    %dma_start3A_33 = arith.constant 0 : i32
    %dma_start3A_34 = arith.constant 0 : i32
    %dma_start3A_35 = tpu.memref_slice %arg6[%dma_start3A_33, %dma_start3A_34] : memref<4x80xi32, #tpu.memory_space<vmem>> -> memref<2x80xi32, #tpu.memory_space<vmem>>
    %dma_start3A_36 = arith.constant 0 : i32
    %dma_start3A_37 = tpu.memref_slice %arg3[%add3A_28, %dma_start3A_36] : memref<4096x80xi32, #tpu.memory_space<hbm>> -> memref<2x80xi32, #tpu.memory_space<hbm>>
    tpu.enqueue_dma source(%dma_start3A_37 : memref<2x80xi32, #tpu.memory_space<hbm>>) target(%dma_start3A_35 : memref<2x80xi32, #tpu.memory_space<vmem>>) target_semaphore(%arg18 : memref<!tpu.dma_semaphore, #tpu.memory_space<semaphore_mem>>)
    %add3A_38 = arith.constant 0 : i32
    %add3A_39 = arith.addi %mul3A_26, %add3A_38 : i32
    %dma_start3A_40 = arith.constant 0 : i32
    %dma_start3A_41 = arith.constant 0 : i32
    %dma_start3A_42 = tpu.memref_slice %arg7[%dma_start3A_40, %dma_start3A_41] : memref<4x80xi32, #tpu.memory_space<vmem>> -> memref<2x80xi32, #tpu.memory_space<vmem>>
    %dma_start3A_43 = arith.constant 0 : i32
    %dma_start3A_44 = tpu.memref_slice %arg4[%add3A_39, %dma_start3A_43] : memref<4096x80xi32, #tpu.memory_space<hbm>> -> memref<2x80xi32, #tpu.memory_space<hbm>>
    %dma_start3A_45 = arith.constant 0 : i32
    %dma_start3A_46 = arith.constant 0 : i32
    %dma_start3A_47 = tpu.memref_slice %arg7[%dma_start3A_45, %dma_start3A_46] : memref<4x80xi32, #tpu.memory_space<vmem>> -> memref<2x80xi32, #tpu.memory_space<vmem>>
    %dma_start3A_48 = arith.constant 0 : i32
    %dma_start3A_49 = tpu.memref_slice %arg4[%add3A_39, %dma_start3A_48] : memref<4096x80xi32, #tpu.memory_space<hbm>> -> memref<2x80xi32, #tpu.memory_space<hbm>>
    tpu.enqueue_dma source(%dma_start3A_49 : memref<2x80xi32, #tpu.memory_space<hbm>>) target(%dma_start3A_47 : memref<2x80xi32, #tpu.memory_space<vmem>>) target_semaphore(%arg20 : memref<!tpu.dma_semaphore, #tpu.memory_space<semaphore_mem>>)
    %dma_wait3A = arith.constant 0 : i32
    %dma_wait3A_50 = arith.constant 0 : i32
    %dma_wait3A_51 = tpu.memref_slice %arg6[%dma_wait3A, %dma_wait3A_50] : memref<4x80xi32, #tpu.memory_space<vmem>> -> memref<2x80xi32, #tpu.memory_space<vmem>>
    %dma_wait3A_52 = arith.constant 0 : i32
    %dma_wait3A_53 = arith.constant 0 : i32
    %dma_wait3A_54 = tpu.memref_slice %arg3[%dma_wait3A_52, %dma_wait3A_53] : memref<4096x80xi32, #tpu.memory_space<hbm>> -> memref<2x80xi32, #tpu.memory_space<hbm>>
    %dma_wait3A_55 = arith.constant 0 : i32
    %dma_wait3A_56 = arith.constant 0 : i32
    %dma_wait3A_57 = tpu.memref_slice %arg6[%dma_wait3A_55, %dma_wait3A_56] : memref<4x80xi32, #tpu.memory_space<vmem>> -> memref<2x80xi32, #tpu.memory_space<vmem>>
    %dma_wait3A_58 = arith.constant 0 : i32
    %dma_wait3A_59 = arith.constant 0 : i32
    %dma_wait3A_60 = tpu.memref_slice %arg3[%dma_wait3A_58, %dma_wait3A_59] : memref<4096x80xi32, #tpu.memory_space<hbm>> -> memref<2x80xi32, #tpu.memory_space<hbm>>
    tpu.wait_dma2 semaphore(%arg18 : memref<!tpu.dma_semaphore, #tpu.memory_space<semaphore_mem>>) src(%dma_wait3A_60 : memref<2x80xi32, #tpu.memory_space<hbm>>) dst(%dma_wait3A_57 : memref<2x80xi32, #tpu.memory_space<vmem>>)
    %dma_start3A_61 = arith.constant 0 : i32
    %dma_start3A_62 = arith.constant 0 : i32
    %dma_start3A_63 = arith.constant 0 : i32
    %dma_start3A_64 = tpu.memref_slice %arg8[%dma_start3A_62, %dma_start3A_63] : memref<320x128xf32, #tpu.memory_space<vmem>> -> memref<80x128xf32, #tpu.memory_space<vmem>>
    %dma_start3A_65 = arith.constant 0 : i32
    %dma_start3A_66 = tpu.memref_slice %arg6[%dma_start3A_61, %dma_start3A_65] : memref<4x80xi32, #tpu.memory_space<vmem>> -> memref<1x80xi32, #tpu.memory_space<vmem>>
    %dma_start3A_67 = tpu.memref_squeeze %dma_start3A_66 : memref<1x80xi32, #tpu.memory_space<vmem>> -> memref<80xi32, #tpu.memory_space<vmem>>
    %dma_start3A_68 = arith.constant 0 : i32
    %dma_start3A_69 = arith.constant 0 : i32
    %dma_start3A_70 = tpu.memref_slice %arg2[%dma_start3A_68, %dma_start3A_69] : memref<10000x128xf32, #tpu.memory_space<hbm>> -> memref<10000x128xf32, #tpu.memory_space<hbm>>
    tpu.enqueue_indirect_dma source(%dma_start3A_70 : memref<10000x128xf32, #tpu.memory_space<hbm>>) target(%dma_start3A_64 : memref<80x128xf32, #tpu.memory_space<vmem>>) offsets(%dma_start3A_67 : memref<80xi32, #tpu.memory_space<vmem>>) semaphore(%arg10 : memref<!tpu.dma_semaphore, #tpu.memory_space<semaphore_mem>>)
    %dma_start3A_71 = arith.constant 1 : i32
    %dma_start3A_72 = arith.constant 80 : i32
    %dma_start3A_73 = arith.constant 0 : i32
    %dma_start3A_74 = tpu.memref_slice %arg8[%dma_start3A_72, %dma_start3A_73] : memref<320x128xf32, #tpu.memory_space<vmem>> -> memref<80x128xf32, #tpu.memory_space<vmem>>
    %dma_start3A_75 = arith.constant 0 : i32
    %dma_start3A_76 = tpu.memref_slice %arg6[%dma_start3A_71, %dma_start3A_75] : memref<4x80xi32, #tpu.memory_space<vmem>> -> memref<1x80xi32, #tpu.memory_space<vmem>>
    %dma_start3A_77 = tpu.memref_squeeze %dma_start3A_76 : memref<1x80xi32, #tpu.memory_space<vmem>> -> memref<80xi32, #tpu.memory_space<vmem>>
    %dma_start3A_78 = arith.constant 0 : i32
    %dma_start3A_79 = arith.constant 0 : i32
    %dma_start3A_80 = tpu.memref_slice %arg2[%dma_start3A_78, %dma_start3A_79] : memref<10000x128xf32, #tpu.memory_space<hbm>> -> memref<10000x128xf32, #tpu.memory_space<hbm>>
    tpu.enqueue_indirect_dma source(%dma_start3A_80 : memref<10000x128xf32, #tpu.memory_space<hbm>>) target(%dma_start3A_74 : memref<80x128xf32, #tpu.memory_space<vmem>>) offsets(%dma_start3A_77 : memref<80xi32, #tpu.memory_space<vmem>>) semaphore(%arg11 : memref<!tpu.dma_semaphore, #tpu.memory_space<semaphore_mem>>)
    %scan3A_81 = arith.constant 0 : i32
    %scan3A_82 = arith.constant 32 : i32
    %scan3A_83 = arith.addi %scan3A_81, %scan3A_82 : i32
    %scan3A_84 = arith.constant 1 : i32
    scf.for %scan3A_124 = %scan3A_81 to %scan3A_83 step %scan3A_84  : i32 {
      %mul3A_125 = arith.constant 2 : i32
      %mul3A_126 = arith.muli %mul3A_125, %scan3A_124 : i32
      %add3A_127 = arith.constant 1 : i32
      %add3A_128 = arith.addi %mul3A_126, %add3A_127 : i32
      %mul3A_129 = arith.constant 2 : i32
      %mul3A_130 = arith.muli %add3A_128, %mul3A_129 : i32
      %add3A_131 = arith.addi %mul3A_26, %mul3A_130 : i32
      %dma_start3A_132 = arith.constant 2 : i32
      %dma_start3A_133 = arith.constant 0 : i32
      %dma_start3A_134 = tpu.memref_slice %arg6[%dma_start3A_132, %dma_start3A_133] : memref<4x80xi32, #tpu.memory_space<vmem>> -> memref<2x80xi32, #tpu.memory_space<vmem>>
      %dma_start3A_135 = arith.constant 0 : i32
      %dma_start3A_136 = tpu.memref_slice %arg3[%add3A_131, %dma_start3A_135] : memref<4096x80xi32, #tpu.memory_space<hbm>> -> memref<2x80xi32, #tpu.memory_space<hbm>>
      %dma_start3A_137 = arith.constant 2 : i32
      %dma_start3A_138 = arith.constant 0 : i32
      %dma_start3A_139 = tpu.memref_slice %arg6[%dma_start3A_137, %dma_start3A_138] : memref<4x80xi32, #tpu.memory_space<vmem>> -> memref<2x80xi32, #tpu.memory_space<vmem>>
      %dma_start3A_140 = arith.constant 0 : i32
      %dma_start3A_141 = tpu.memref_slice %arg3[%add3A_131, %dma_start3A_140] : memref<4096x80xi32, #tpu.memory_space<hbm>> -> memref<2x80xi32, #tpu.memory_space<hbm>>
      tpu.enqueue_dma source(%dma_start3A_141 : memref<2x80xi32, #tpu.memory_space<hbm>>) target(%dma_start3A_139 : memref<2x80xi32, #tpu.memory_space<vmem>>) target_semaphore(%arg19 : memref<!tpu.dma_semaphore, #tpu.memory_space<semaphore_mem>>)
      %dma_wait3A_142 = arith.constant 0 : i32
      %dma_wait3A_143 = arith.constant 0 : i32
      %dma_wait3A_144 = arith.constant 0 : i32
      %dma_wait3A_145 = tpu.memref_slice %arg8[%dma_wait3A_143, %dma_wait3A_144] : memref<320x128xf32, #tpu.memory_space<vmem>> -> memref<80x128xf32, #tpu.memory_space<vmem>>
      %dma_wait3A_146 = arith.constant 0 : i32
      %dma_wait3A_147 = tpu.memref_slice %arg6[%dma_wait3A_142, %dma_wait3A_146] : memref<4x80xi32, #tpu.memory_space<vmem>> -> memref<1x80xi32, #tpu.memory_space<vmem>>
      %dma_wait3A_148 = tpu.memref_squeeze %dma_wait3A_147 : memref<1x80xi32, #tpu.memory_space<vmem>> -> memref<80xi32, #tpu.memory_space<vmem>>
      %dma_wait3A_149 = arith.constant 0 : i32
      %dma_wait3A_150 = arith.constant 0 : i32
      %dma_wait3A_151 = tpu.memref_slice %arg2[%dma_wait3A_149, %dma_wait3A_150] : memref<10000x128xf32, #tpu.memory_space<hbm>> -> memref<10000x128xf32, #tpu.memory_space<hbm>>
      tpu.wait_indirect_dma semaphore(%arg10 : memref<!tpu.dma_semaphore, #tpu.memory_space<semaphore_mem>>) src(%dma_wait3A_151 : memref<10000x128xf32, #tpu.memory_space<hbm>>) dst(%dma_wait3A_145 : memref<80x128xf32, #tpu.memory_space<vmem>>)
      %dma_wait3A_152 = arith.constant 1 : i32
      %dma_wait3A_153 = arith.constant 80 : i32
      %dma_wait3A_154 = arith.constant 0 : i32
      %dma_wait3A_155 = tpu.memref_slice %arg8[%dma_wait3A_153, %dma_wait3A_154] : memref<320x128xf32, #tpu.memory_space<vmem>> -> memref<80x128xf32, #tpu.memory_space<vmem>>
      %dma_wait3A_156 = arith.constant 0 : i32
      %dma_wait3A_157 = tpu.memref_slice %arg6[%dma_wait3A_152, %dma_wait3A_156] : memref<4x80xi32, #tpu.memory_space<vmem>> -> memref<1x80xi32, #tpu.memory_space<vmem>>
      %dma_wait3A_158 = tpu.memref_squeeze %dma_wait3A_157 : memref<1x80xi32, #tpu.memory_space<vmem>> -> memref<80xi32, #tpu.memory_space<vmem>>
      %dma_wait3A_159 = arith.constant 0 : i32
      %dma_wait3A_160 = arith.constant 0 : i32
      %dma_wait3A_161 = tpu.memref_slice %arg2[%dma_wait3A_159, %dma_wait3A_160] : memref<10000x128xf32, #tpu.memory_space<hbm>> -> memref<10000x128xf32, #tpu.memory_space<hbm>>
      tpu.wait_indirect_dma semaphore(%arg11 : memref<!tpu.dma_semaphore, #tpu.memory_space<semaphore_mem>>) src(%dma_wait3A_161 : memref<10000x128xf32, #tpu.memory_space<hbm>>) dst(%dma_wait3A_155 : memref<80x128xf32, #tpu.memory_space<vmem>>)
      %dma_wait3A_162 = arith.constant 0 : i32
      %dma_wait3A_163 = arith.constant 0 : i32
      %dma_wait3A_164 = tpu.memref_slice %arg7[%dma_wait3A_162, %dma_wait3A_163] : memref<4x80xi32, #tpu.memory_space<vmem>> -> memref<2x80xi32, #tpu.memory_space<vmem>>
      %dma_wait3A_165 = arith.constant 0 : i32
      %dma_wait3A_166 = arith.constant 0 : i32
      %dma_wait3A_167 = tpu.memref_slice %arg3[%dma_wait3A_165, %dma_wait3A_166] : memref<4096x80xi32, #tpu.memory_space<hbm>> -> memref<2x80xi32, #tpu.memory_space<hbm>>
      %dma_wait3A_168 = arith.constant 0 : i32
      %dma_wait3A_169 = arith.constant 0 : i32
      %dma_wait3A_170 = tpu.memref_slice %arg7[%dma_wait3A_168, %dma_wait3A_169] : memref<4x80xi32, #tpu.memory_space<vmem>> -> memref<2x80xi32, #tpu.memory_space<vmem>>
      %dma_wait3A_171 = arith.constant 0 : i32
      %dma_wait3A_172 = arith.constant 0 : i32
      %dma_wait3A_173 = tpu.memref_slice %arg3[%dma_wait3A_171, %dma_wait3A_172] : memref<4096x80xi32, #tpu.memory_space<hbm>> -> memref<2x80xi32, #tpu.memory_space<hbm>>
      tpu.wait_dma2 semaphore(%arg20 : memref<!tpu.dma_semaphore, #tpu.memory_space<semaphore_mem>>) src(%dma_wait3A_173 : memref<2x80xi32, #tpu.memory_space<hbm>>) dst(%dma_wait3A_170 : memref<2x80xi32, #tpu.memory_space<vmem>>)
      %dma_start3A_174 = arith.constant 0 : i32
      %dma_start3A_175 = arith.constant 0 : i32
      %dma_start3A_176 = arith.constant 0 : i32
      %dma_start3A_177 = tpu.memref_slice %arg8[%dma_start3A_175, %dma_start3A_176] : memref<320x128xf32, #tpu.memory_space<vmem>> -> memref<80x128xf32, #tpu.memory_space<vmem>>
      %dma_start3A_178 = arith.constant 0 : i32
      %dma_start3A_179 = tpu.memref_slice %arg7[%dma_start3A_174, %dma_start3A_178] : memref<4x80xi32, #tpu.memory_space<vmem>> -> memref<1x80xi32, #tpu.memory_space<vmem>>
      %dma_start3A_180 = tpu.memref_squeeze %dma_start3A_179 : memref<1x80xi32, #tpu.memory_space<vmem>> -> memref<80xi32, #tpu.memory_space<vmem>>
      %dma_start3A_181 = arith.constant 0 : i32
      %dma_start3A_182 = arith.constant 0 : i32
      %dma_start3A_183 = tpu.memref_slice %arg9[%dma_start3A_181, %dma_start3A_182] : memref<10240x128xf32, #tpu.memory_space<vmem_shared>> -> memref<10240x128xf32, #tpu.memory_space<vmem_shared>>
      tpu.enqueue_indirect_dma source(%dma_start3A_177 : memref<80x128xf32, #tpu.memory_space<vmem>>) target(%dma_start3A_183 : memref<10240x128xf32, #tpu.memory_space<vmem_shared>>) offsets(%dma_start3A_180 : memref<80xi32, #tpu.memory_space<vmem>>) semaphore(%arg14 : memref<!tpu.dma_semaphore, #tpu.memory_space<semaphore_mem>>) {add = true}
      %dma_start3A_184 = arith.constant 1 : i32
      %dma_start3A_185 = arith.constant 80 : i32
      %dma_start3A_186 = arith.constant 0 : i32
      %dma_start3A_187 = tpu.memref_slice %arg8[%dma_start3A_185, %dma_start3A_186] : memref<320x128xf32, #tpu.memory_space<vmem>> -> memref<80x128xf32, #tpu.memory_space<vmem>>
      %dma_start3A_188 = arith.constant 0 : i32
      %dma_start3A_189 = tpu.memref_slice %arg7[%dma_start3A_184, %dma_start3A_188] : memref<4x80xi32, #tpu.memory_space<vmem>> -> memref<1x80xi32, #tpu.memory_space<vmem>>
      %dma_start3A_190 = tpu.memref_squeeze %dma_start3A_189 : memref<1x80xi32, #tpu.memory_space<vmem>> -> memref<80xi32, #tpu.memory_space<vmem>>
      %dma_start3A_191 = arith.constant 0 : i32
      %dma_start3A_192 = arith.constant 0 : i32
      %dma_start3A_193 = tpu.memref_slice %arg9[%dma_start3A_191, %dma_start3A_192] : memref<10240x128xf32, #tpu.memory_space<vmem_shared>> -> memref<10240x128xf32, #tpu.memory_space<vmem_shared>>
      tpu.enqueue_indirect_dma source(%dma_start3A_187 : memref<80x128xf32, #tpu.memory_space<vmem>>) target(%dma_start3A_193 : memref<10240x128xf32, #tpu.memory_space<vmem_shared>>) offsets(%dma_start3A_190 : memref<80xi32, #tpu.memory_space<vmem>>) semaphore(%arg15 : memref<!tpu.dma_semaphore, #tpu.memory_space<semaphore_mem>>) {add = true}
      %gt3A = arith.constant 0 : i32
      %gt3A_194 = arith.cmpi sgt, %scan3A_124, %gt3A : i32
      %convert_element_type3A = arith.extui %gt3A_194 : i1 to i32
      %cond3A = arith.constant 0 : i32
      %cond3A_195 = arith.cmpi ne, %convert_element_type3A, %cond3A : i32
      scf.if %cond3A_195 {
        %dma_wait3A_324 = arith.constant 2 : i32
        %dma_wait3A_325 = arith.constant 160 : i32
        %dma_wait3A_326 = arith.constant 0 : i32
        %dma_wait3A_327 = tpu.memref_slice %arg8[%dma_wait3A_325, %dma_wait3A_326] : memref<320x128xf32, #tpu.memory_space<vmem>> -> memref<80x128xf32, #tpu.memory_space<vmem>>
        %dma_wait3A_328 = arith.constant 0 : i32
        %dma_wait3A_329 = tpu.memref_slice %arg7[%dma_wait3A_324, %dma_wait3A_328] : memref<4x80xi32, #tpu.memory_space<vmem>> -> memref<1x80xi32, #tpu.memory_space<vmem>>
        %dma_wait3A_330 = tpu.memref_squeeze %dma_wait3A_329 : memref<1x80xi32, #tpu.memory_space<vmem>> -> memref<80xi32, #tpu.memory_space<vmem>>
        %dma_wait3A_331 = arith.constant 0 : i32
        %dma_wait3A_332 = arith.constant 0 : i32
        %dma_wait3A_333 = tpu.memref_slice %arg9[%dma_wait3A_331, %dma_wait3A_332] : memref<10240x128xf32, #tpu.memory_space<vmem_shared>> -> memref<10240x128xf32, #tpu.memory_space<vmem_shared>>
        tpu.wait_indirect_dma semaphore(%arg16 : memref<!tpu.dma_semaphore, #tpu.memory_space<semaphore_mem>>) src(%dma_wait3A_327 : memref<80x128xf32, #tpu.memory_space<vmem>>) dst(%dma_wait3A_333 : memref<10240x128xf32, #tpu.memory_space<vmem_shared>>)
        %dma_wait3A_334 = arith.constant 3 : i32
        %dma_wait3A_335 = arith.constant 240 : i32
        %dma_wait3A_336 = arith.constant 0 : i32
        %dma_wait3A_337 = tpu.memref_slice %arg8[%dma_wait3A_335, %dma_wait3A_336] : memref<320x128xf32, #tpu.memory_space<vmem>> -> memref<80x128xf32, #tpu.memory_space<vmem>>
        %dma_wait3A_338 = arith.constant 0 : i32
        %dma_wait3A_339 = tpu.memref_slice %arg7[%dma_wait3A_334, %dma_wait3A_338] : memref<4x80xi32, #tpu.memory_space<vmem>> -> memref<1x80xi32, #tpu.memory_space<vmem>>
        %dma_wait3A_340 = tpu.memref_squeeze %dma_wait3A_339 : memref<1x80xi32, #tpu.memory_space<vmem>> -> memref<80xi32, #tpu.memory_space<vmem>>
        %dma_wait3A_341 = arith.constant 0 : i32
        %dma_wait3A_342 = arith.constant 0 : i32
        %dma_wait3A_343 = tpu.memref_slice %arg9[%dma_wait3A_341, %dma_wait3A_342] : memref<10240x128xf32, #tpu.memory_space<vmem_shared>> -> memref<10240x128xf32, #tpu.memory_space<vmem_shared>>
        tpu.wait_indirect_dma semaphore(%arg17 : memref<!tpu.dma_semaphore, #tpu.memory_space<semaphore_mem>>) src(%dma_wait3A_337 : memref<80x128xf32, #tpu.memory_space<vmem>>) dst(%dma_wait3A_343 : memref<10240x128xf32, #tpu.memory_space<vmem_shared>>)
      } else {
      }
      %add3A_196 = arith.constant 1 : i32
      %add3A_197 = arith.addi %mul3A_126, %add3A_196 : i32
      %mul3A_198 = arith.constant 2 : i32
      %mul3A_199 = arith.muli %add3A_197, %mul3A_198 : i32
      %add3A_200 = arith.addi %mul3A_26, %mul3A_199 : i32
      %dma_start3A_201 = arith.constant 2 : i32
      %dma_start3A_202 = arith.constant 0 : i32
      %dma_start3A_203 = tpu.memref_slice %arg7[%dma_start3A_201, %dma_start3A_202] : memref<4x80xi32, #tpu.memory_space<vmem>> -> memref<2x80xi32, #tpu.memory_space<vmem>>
      %dma_start3A_204 = arith.constant 0 : i32
      %dma_start3A_205 = tpu.memref_slice %arg4[%add3A_200, %dma_start3A_204] : memref<4096x80xi32, #tpu.memory_space<hbm>> -> memref<2x80xi32, #tpu.memory_space<hbm>>
      %dma_start3A_206 = arith.constant 2 : i32
      %dma_start3A_207 = arith.constant 0 : i32
      %dma_start3A_208 = tpu.memref_slice %arg7[%dma_start3A_206, %dma_start3A_207] : memref<4x80xi32, #tpu.memory_space<vmem>> -> memref<2x80xi32, #tpu.memory_space<vmem>>
      %dma_start3A_209 = arith.constant 0 : i32
      %dma_start3A_210 = tpu.memref_slice %arg4[%add3A_200, %dma_start3A_209] : memref<4096x80xi32, #tpu.memory_space<hbm>> -> memref<2x80xi32, #tpu.memory_space<hbm>>
      tpu.enqueue_dma source(%dma_start3A_210 : memref<2x80xi32, #tpu.memory_space<hbm>>) target(%dma_start3A_208 : memref<2x80xi32, #tpu.memory_space<vmem>>) target_semaphore(%arg21 : memref<!tpu.dma_semaphore, #tpu.memory_space<semaphore_mem>>)
      %dma_wait3A_211 = arith.constant 2 : i32
      %dma_wait3A_212 = arith.constant 0 : i32
      %dma_wait3A_213 = tpu.memref_slice %arg6[%dma_wait3A_211, %dma_wait3A_212] : memref<4x80xi32, #tpu.memory_space<vmem>> -> memref<2x80xi32, #tpu.memory_space<vmem>>
      %dma_wait3A_214 = arith.constant 0 : i32
      %dma_wait3A_215 = arith.constant 0 : i32
      %dma_wait3A_216 = tpu.memref_slice %arg3[%dma_wait3A_214, %dma_wait3A_215] : memref<4096x80xi32, #tpu.memory_space<hbm>> -> memref<2x80xi32, #tpu.memory_space<hbm>>
      %dma_wait3A_217 = arith.constant 2 : i32
      %dma_wait3A_218 = arith.constant 0 : i32
      %dma_wait3A_219 = tpu.memref_slice %arg6[%dma_wait3A_217, %dma_wait3A_218] : memref<4x80xi32, #tpu.memory_space<vmem>> -> memref<2x80xi32, #tpu.memory_space<vmem>>
      %dma_wait3A_220 = arith.constant 0 : i32
      %dma_wait3A_221 = arith.constant 0 : i32
      %dma_wait3A_222 = tpu.memref_slice %arg3[%dma_wait3A_220, %dma_wait3A_221] : memref<4096x80xi32, #tpu.memory_space<hbm>> -> memref<2x80xi32, #tpu.memory_space<hbm>>
      tpu.wait_dma2 semaphore(%arg19 : memref<!tpu.dma_semaphore, #tpu.memory_space<semaphore_mem>>) src(%dma_wait3A_222 : memref<2x80xi32, #tpu.memory_space<hbm>>) dst(%dma_wait3A_219 : memref<2x80xi32, #tpu.memory_space<vmem>>)
      %dma_start3A_223 = arith.constant 2 : i32
      %dma_start3A_224 = arith.constant 160 : i32
      %dma_start3A_225 = arith.constant 0 : i32
      %dma_start3A_226 = tpu.memref_slice %arg8[%dma_start3A_224, %dma_start3A_225] : memref<320x128xf32, #tpu.memory_space<vmem>> -> memref<80x128xf32, #tpu.memory_space<vmem>>
      %dma_start3A_227 = arith.constant 0 : i32
      %dma_start3A_228 = tpu.memref_slice %arg6[%dma_start3A_223, %dma_start3A_227] : memref<4x80xi32, #tpu.memory_space<vmem>> -> memref<1x80xi32, #tpu.memory_space<vmem>>
      %dma_start3A_229 = tpu.memref_squeeze %dma_start3A_228 : memref<1x80xi32, #tpu.memory_space<vmem>> -> memref<80xi32, #tpu.memory_space<vmem>>
      %dma_start3A_230 = arith.constant 0 : i32
      %dma_start3A_231 = arith.constant 0 : i32
      %dma_start3A_232 = tpu.memref_slice %arg2[%dma_start3A_230, %dma_start3A_231] : memref<10000x128xf32, #tpu.memory_space<hbm>> -> memref<10000x128xf32, #tpu.memory_space<hbm>>
      tpu.enqueue_indirect_dma source(%dma_start3A_232 : memref<10000x128xf32, #tpu.memory_space<hbm>>) target(%dma_start3A_226 : memref<80x128xf32, #tpu.memory_space<vmem>>) offsets(%dma_start3A_229 : memref<80xi32, #tpu.memory_space<vmem>>) semaphore(%arg12 : memref<!tpu.dma_semaphore, #tpu.memory_space<semaphore_mem>>)
      %dma_start3A_233 = arith.constant 3 : i32
      %dma_start3A_234 = arith.constant 240 : i32
      %dma_start3A_235 = arith.constant 0 : i32
      %dma_start3A_236 = tpu.memref_slice %arg8[%dma_start3A_234, %dma_start3A_235] : memref<320x128xf32, #tpu.memory_space<vmem>> -> memref<80x128xf32, #tpu.memory_space<vmem>>
      %dma_start3A_237 = arith.constant 0 : i32
      %dma_start3A_238 = tpu.memref_slice %arg6[%dma_start3A_233, %dma_start3A_237] : memref<4x80xi32, #tpu.memory_space<vmem>> -> memref<1x80xi32, #tpu.memory_space<vmem>>
      %dma_start3A_239 = tpu.memref_squeeze %dma_start3A_238 : memref<1x80xi32, #tpu.memory_space<vmem>> -> memref<80xi32, #tpu.memory_space<vmem>>
      %dma_start3A_240 = arith.constant 0 : i32
      %dma_start3A_241 = arith.constant 0 : i32
      %dma_start3A_242 = tpu.memref_slice %arg2[%dma_start3A_240, %dma_start3A_241] : memref<10000x128xf32, #tpu.memory_space<hbm>> -> memref<10000x128xf32, #tpu.memory_space<hbm>>
      tpu.enqueue_indirect_dma source(%dma_start3A_242 : memref<10000x128xf32, #tpu.memory_space<hbm>>) target(%dma_start3A_236 : memref<80x128xf32, #tpu.memory_space<vmem>>) offsets(%dma_start3A_239 : memref<80xi32, #tpu.memory_space<vmem>>) semaphore(%arg13 : memref<!tpu.dma_semaphore, #tpu.memory_space<semaphore_mem>>)
      %lt3A = arith.constant 31 : i32
      %lt3A_243 = arith.cmpi slt, %scan3A_124, %lt3A : i32
      %convert_element_type3A_244 = arith.extui %lt3A_243 : i1 to i32
      %cond3A_245 = arith.constant 0 : i32
      %cond3A_246 = arith.cmpi ne, %convert_element_type3A_244, %cond3A_245 : i32
      scf.if %cond3A_246 {
        %add3A_324 = arith.constant 2 : i32
        %add3A_325 = arith.addi %mul3A_126, %add3A_324 : i32
        %mul3A_326 = arith.constant 2 : i32
        %mul3A_327 = arith.muli %add3A_325, %mul3A_326 : i32
        %add3A_328 = arith.addi %mul3A_26, %mul3A_327 : i32
        %dma_start3A_329 = arith.constant 0 : i32
        %dma_start3A_330 = arith.constant 0 : i32
        %dma_start3A_331 = tpu.memref_slice %arg6[%dma_start3A_329, %dma_start3A_330] : memref<4x80xi32, #tpu.memory_space<vmem>> -> memref<2x80xi32, #tpu.memory_space<vmem>>
        %dma_start3A_332 = arith.constant 0 : i32
        %dma_start3A_333 = tpu.memref_slice %arg3[%add3A_328, %dma_start3A_332] : memref<4096x80xi32, #tpu.memory_space<hbm>> -> memref<2x80xi32, #tpu.memory_space<hbm>>
        %dma_start3A_334 = arith.constant 0 : i32
        %dma_start3A_335 = arith.constant 0 : i32
        %dma_start3A_336 = tpu.memref_slice %arg6[%dma_start3A_334, %dma_start3A_335] : memref<4x80xi32, #tpu.memory_space<vmem>> -> memref<2x80xi32, #tpu.memory_space<vmem>>
        %dma_start3A_337 = arith.constant 0 : i32
        %dma_start3A_338 = tpu.memref_slice %arg3[%add3A_328, %dma_start3A_337] : memref<4096x80xi32, #tpu.memory_space<hbm>> -> memref<2x80xi32, #tpu.memory_space<hbm>>
        tpu.enqueue_dma source(%dma_start3A_338 : memref<2x80xi32, #tpu.memory_space<hbm>>) target(%dma_start3A_336 : memref<2x80xi32, #tpu.memory_space<vmem>>) target_semaphore(%arg18 : memref<!tpu.dma_semaphore, #tpu.memory_space<semaphore_mem>>)
      } else {
      }
      %dma_wait3A_247 = arith.constant 2 : i32
      %dma_wait3A_248 = arith.constant 160 : i32
      %dma_wait3A_249 = arith.constant 0 : i32
      %dma_wait3A_250 = tpu.memref_slice %arg8[%dma_wait3A_248, %dma_wait3A_249] : memref<320x128xf32, #tpu.memory_space<vmem>> -> memref<80x128xf32, #tpu.memory_space<vmem>>
      %dma_wait3A_251 = arith.constant 0 : i32
      %dma_wait3A_252 = tpu.memref_slice %arg6[%dma_wait3A_247, %dma_wait3A_251] : memref<4x80xi32, #tpu.memory_space<vmem>> -> memref<1x80xi32, #tpu.memory_space<vmem>>
      %dma_wait3A_253 = tpu.memref_squeeze %dma_wait3A_252 : memref<1x80xi32, #tpu.memory_space<vmem>> -> memref<80xi32, #tpu.memory_space<vmem>>
      %dma_wait3A_254 = arith.constant 0 : i32
      %dma_wait3A_255 = arith.constant 0 : i32
      %dma_wait3A_256 = tpu.memref_slice %arg2[%dma_wait3A_254, %dma_wait3A_255] : memref<10000x128xf32, #tpu.memory_space<hbm>> -> memref<10000x128xf32, #tpu.memory_space<hbm>>
      tpu.wait_indirect_dma semaphore(%arg12 : memref<!tpu.dma_semaphore, #tpu.memory_space<semaphore_mem>>) src(%dma_wait3A_256 : memref<10000x128xf32, #tpu.memory_space<hbm>>) dst(%dma_wait3A_250 : memref<80x128xf32, #tpu.memory_space<vmem>>)
      %dma_wait3A_257 = arith.constant 3 : i32
      %dma_wait3A_258 = arith.constant 240 : i32
      %dma_wait3A_259 = arith.constant 0 : i32
      %dma_wait3A_260 = tpu.memref_slice %arg8[%dma_wait3A_258, %dma_wait3A_259] : memref<320x128xf32, #tpu.memory_space<vmem>> -> memref<80x128xf32, #tpu.memory_space<vmem>>
      %dma_wait3A_261 = arith.constant 0 : i32
      %dma_wait3A_262 = tpu.memref_slice %arg6[%dma_wait3A_257, %dma_wait3A_261] : memref<4x80xi32, #tpu.memory_space<vmem>> -> memref<1x80xi32, #tpu.memory_space<vmem>>
      %dma_wait3A_263 = tpu.memref_squeeze %dma_wait3A_262 : memref<1x80xi32, #tpu.memory_space<vmem>> -> memref<80xi32, #tpu.memory_space<vmem>>
      %dma_wait3A_264 = arith.constant 0 : i32
      %dma_wait3A_265 = arith.constant 0 : i32
      %dma_wait3A_266 = tpu.memref_slice %arg2[%dma_wait3A_264, %dma_wait3A_265] : memref<10000x128xf32, #tpu.memory_space<hbm>> -> memref<10000x128xf32, #tpu.memory_space<hbm>>
      tpu.wait_indirect_dma semaphore(%arg13 : memref<!tpu.dma_semaphore, #tpu.memory_space<semaphore_mem>>) src(%dma_wait3A_266 : memref<10000x128xf32, #tpu.memory_space<hbm>>) dst(%dma_wait3A_260 : memref<80x128xf32, #tpu.memory_space<vmem>>)
      %dma_wait3A_267 = arith.constant 2 : i32
      %dma_wait3A_268 = arith.constant 0 : i32
      %dma_wait3A_269 = tpu.memref_slice %arg7[%dma_wait3A_267, %dma_wait3A_268] : memref<4x80xi32, #tpu.memory_space<vmem>> -> memref<2x80xi32, #tpu.memory_space<vmem>>
      %dma_wait3A_270 = arith.constant 0 : i32
      %dma_wait3A_271 = arith.constant 0 : i32
      %dma_wait3A_272 = tpu.memref_slice %arg3[%dma_wait3A_270, %dma_wait3A_271] : memref<4096x80xi32, #tpu.memory_space<hbm>> -> memref<2x80xi32, #tpu.memory_space<hbm>>
      %dma_wait3A_273 = arith.constant 2 : i32
      %dma_wait3A_274 = arith.constant 0 : i32
      %dma_wait3A_275 = tpu.memref_slice %arg7[%dma_wait3A_273, %dma_wait3A_274] : memref<4x80xi32, #tpu.memory_space<vmem>> -> memref<2x80xi32, #tpu.memory_space<vmem>>
      %dma_wait3A_276 = arith.constant 0 : i32
      %dma_wait3A_277 = arith.constant 0 : i32
      %dma_wait3A_278 = tpu.memref_slice %arg3[%dma_wait3A_276, %dma_wait3A_277] : memref<4096x80xi32, #tpu.memory_space<hbm>> -> memref<2x80xi32, #tpu.memory_space<hbm>>
      tpu.wait_dma2 semaphore(%arg21 : memref<!tpu.dma_semaphore, #tpu.memory_space<semaphore_mem>>) src(%dma_wait3A_278 : memref<2x80xi32, #tpu.memory_space<hbm>>) dst(%dma_wait3A_275 : memref<2x80xi32, #tpu.memory_space<vmem>>)
      %dma_start3A_279 = arith.constant 2 : i32
      %dma_start3A_280 = arith.constant 160 : i32
      %dma_start3A_281 = arith.constant 0 : i32
      %dma_start3A_282 = tpu.memref_slice %arg8[%dma_start3A_280, %dma_start3A_281] : memref<320x128xf32, #tpu.memory_space<vmem>> -> memref<80x128xf32, #tpu.memory_space<vmem>>
      %dma_start3A_283 = arith.constant 0 : i32
      %dma_start3A_284 = tpu.memref_slice %arg7[%dma_start3A_279, %dma_start3A_283] : memref<4x80xi32, #tpu.memory_space<vmem>> -> memref<1x80xi32, #tpu.memory_space<vmem>>
      %dma_start3A_285 = tpu.memref_squeeze %dma_start3A_284 : memref<1x80xi32, #tpu.memory_space<vmem>> -> memref<80xi32, #tpu.memory_space<vmem>>
      %dma_start3A_286 = arith.constant 0 : i32
      %dma_start3A_287 = arith.constant 0 : i32
      %dma_start3A_288 = tpu.memref_slice %arg9[%dma_start3A_286, %dma_start3A_287] : memref<10240x128xf32, #tpu.memory_space<vmem_shared>> -> memref<10240x128xf32, #tpu.memory_space<vmem_shared>>
      tpu.enqueue_indirect_dma source(%dma_start3A_282 : memref<80x128xf32, #tpu.memory_space<vmem>>) target(%dma_start3A_288 : memref<10240x128xf32, #tpu.memory_space<vmem_shared>>) offsets(%dma_start3A_285 : memref<80xi32, #tpu.memory_space<vmem>>) semaphore(%arg16 : memref<!tpu.dma_semaphore, #tpu.memory_space<semaphore_mem>>) {add = true}
      %dma_start3A_289 = arith.constant 3 : i32
      %dma_start3A_290 = arith.constant 240 : i32
      %dma_start3A_291 = arith.constant 0 : i32
      %dma_start3A_292 = tpu.memref_slice %arg8[%dma_start3A_290, %dma_start3A_291] : memref<320x128xf32, #tpu.memory_space<vmem>> -> memref<80x128xf32, #tpu.memory_space<vmem>>
      %dma_start3A_293 = arith.constant 0 : i32
      %dma_start3A_294 = tpu.memref_slice %arg7[%dma_start3A_289, %dma_start3A_293] : memref<4x80xi32, #tpu.memory_space<vmem>> -> memref<1x80xi32, #tpu.memory_space<vmem>>
      %dma_start3A_295 = tpu.memref_squeeze %dma_start3A_294 : memref<1x80xi32, #tpu.memory_space<vmem>> -> memref<80xi32, #tpu.memory_space<vmem>>
      %dma_start3A_296 = arith.constant 0 : i32
      %dma_start3A_297 = arith.constant 0 : i32
      %dma_start3A_298 = tpu.memref_slice %arg9[%dma_start3A_296, %dma_start3A_297] : memref<10240x128xf32, #tpu.memory_space<vmem_shared>> -> memref<10240x128xf32, #tpu.memory_space<vmem_shared>>
      tpu.enqueue_indirect_dma source(%dma_start3A_292 : memref<80x128xf32, #tpu.memory_space<vmem>>) target(%dma_start3A_298 : memref<10240x128xf32, #tpu.memory_space<vmem_shared>>) offsets(%dma_start3A_295 : memref<80xi32, #tpu.memory_space<vmem>>) semaphore(%arg17 : memref<!tpu.dma_semaphore, #tpu.memory_space<semaphore_mem>>) {add = true}
      %dma_wait3A_299 = arith.constant 0 : i32
      %dma_wait3A_300 = arith.constant 0 : i32
      %dma_wait3A_301 = arith.constant 0 : i32
      %dma_wait3A_302 = tpu.memref_slice %arg8[%dma_wait3A_300, %dma_wait3A_301] : memref<320x128xf32, #tpu.memory_space<vmem>> -> memref<80x128xf32, #tpu.memory_space<vmem>>
      %dma_wait3A_303 = arith.constant 0 : i32
      %dma_wait3A_304 = tpu.memref_slice %arg7[%dma_wait3A_299, %dma_wait3A_303] : memref<4x80xi32, #tpu.memory_space<vmem>> -> memref<1x80xi32, #tpu.memory_space<vmem>>
      %dma_wait3A_305 = tpu.memref_squeeze %dma_wait3A_304 : memref<1x80xi32, #tpu.memory_space<vmem>> -> memref<80xi32, #tpu.memory_space<vmem>>
      %dma_wait3A_306 = arith.constant 0 : i32
      %dma_wait3A_307 = arith.constant 0 : i32
      %dma_wait3A_308 = tpu.memref_slice %arg9[%dma_wait3A_306, %dma_wait3A_307] : memref<10240x128xf32, #tpu.memory_space<vmem_shared>> -> memref<10240x128xf32, #tpu.memory_space<vmem_shared>>
      tpu.wait_indirect_dma semaphore(%arg14 : memref<!tpu.dma_semaphore, #tpu.memory_space<semaphore_mem>>) src(%dma_wait3A_302 : memref<80x128xf32, #tpu.memory_space<vmem>>) dst(%dma_wait3A_308 : memref<10240x128xf32, #tpu.memory_space<vmem_shared>>)
      %dma_wait3A_309 = arith.constant 1 : i32
      %dma_wait3A_310 = arith.constant 80 : i32
      %dma_wait3A_311 = arith.constant 0 : i32
      %dma_wait3A_312 = tpu.memref_slice %arg8[%dma_wait3A_310, %dma_wait3A_311] : memref<320x128xf32, #tpu.memory_space<vmem>> -> memref<80x128xf32, #tpu.memory_space<vmem>>
      %dma_wait3A_313 = arith.constant 0 : i32
      %dma_wait3A_314 = tpu.memref_slice %arg7[%dma_wait3A_309, %dma_wait3A_313] : memref<4x80xi32, #tpu.memory_space<vmem>> -> memref<1x80xi32, #tpu.memory_space<vmem>>
      %dma_wait3A_315 = tpu.memref_squeeze %dma_wait3A_314 : memref<1x80xi32, #tpu.memory_space<vmem>> -> memref<80xi32, #tpu.memory_space<vmem>>
      %dma_wait3A_316 = arith.constant 0 : i32
      %dma_wait3A_317 = arith.constant 0 : i32
      %dma_wait3A_318 = tpu.memref_slice %arg9[%dma_wait3A_316, %dma_wait3A_317] : memref<10240x128xf32, #tpu.memory_space<vmem_shared>> -> memref<10240x128xf32, #tpu.memory_space<vmem_shared>>
      tpu.wait_indirect_dma semaphore(%arg15 : memref<!tpu.dma_semaphore, #tpu.memory_space<semaphore_mem>>) src(%dma_wait3A_312 : memref<80x128xf32, #tpu.memory_space<vmem>>) dst(%dma_wait3A_318 : memref<10240x128xf32, #tpu.memory_space<vmem_shared>>)
      %lt3A_319 = arith.constant 31 : i32
      %lt3A_320 = arith.cmpi slt, %scan3A_124, %lt3A_319 : i32
      %convert_element_type3A_321 = arith.extui %lt3A_320 : i1 to i32
      %cond3A_322 = arith.constant 0 : i32
      %cond3A_323 = arith.cmpi ne, %convert_element_type3A_321, %cond3A_322 : i32
      scf.if %cond3A_323 {
        %add3A_324 = arith.constant 2 : i32
        %add3A_325 = arith.addi %mul3A_126, %add3A_324 : i32
        %mul3A_326 = arith.constant 2 : i32
        %mul3A_327 = arith.muli %add3A_325, %mul3A_326 : i32
        %add3A_328 = arith.addi %mul3A_26, %mul3A_327 : i32
        %dma_start3A_329 = arith.constant 0 : i32
        %dma_start3A_330 = arith.constant 0 : i32
        %dma_start3A_331 = tpu.memref_slice %arg7[%dma_start3A_329, %dma_start3A_330] : memref<4x80xi32, #tpu.memory_space<vmem>> -> memref<2x80xi32, #tpu.memory_space<vmem>>
        %dma_start3A_332 = arith.constant 0 : i32
        %dma_start3A_333 = tpu.memref_slice %arg4[%add3A_328, %dma_start3A_332] : memref<4096x80xi32, #tpu.memory_space<hbm>> -> memref<2x80xi32, #tpu.memory_space<hbm>>
        %dma_start3A_334 = arith.constant 0 : i32
        %dma_start3A_335 = arith.constant 0 : i32
        %dma_start3A_336 = tpu.memref_slice %arg7[%dma_start3A_334, %dma_start3A_335] : memref<4x80xi32, #tpu.memory_space<vmem>> -> memref<2x80xi32, #tpu.memory_space<vmem>>
        %dma_start3A_337 = arith.constant 0 : i32
        %dma_start3A_338 = tpu.memref_slice %arg4[%add3A_328, %dma_start3A_337] : memref<4096x80xi32, #tpu.memory_space<hbm>> -> memref<2x80xi32, #tpu.memory_space<hbm>>
        tpu.enqueue_dma source(%dma_start3A_338 : memref<2x80xi32, #tpu.memory_space<hbm>>) target(%dma_start3A_336 : memref<2x80xi32, #tpu.memory_space<vmem>>) target_semaphore(%arg20 : memref<!tpu.dma_semaphore, #tpu.memory_space<semaphore_mem>>)
        %dma_wait3A_339 = arith.constant 0 : i32
        %dma_wait3A_340 = arith.constant 0 : i32
        %dma_wait3A_341 = tpu.memref_slice %arg6[%dma_wait3A_339, %dma_wait3A_340] : memref<4x80xi32, #tpu.memory_space<vmem>> -> memref<2x80xi32, #tpu.memory_space<vmem>>
        %dma_wait3A_342 = arith.constant 0 : i32
        %dma_wait3A_343 = arith.constant 0 : i32
        %dma_wait3A_344 = tpu.memref_slice %arg3[%dma_wait3A_342, %dma_wait3A_343] : memref<4096x80xi32, #tpu.memory_space<hbm>> -> memref<2x80xi32, #tpu.memory_space<hbm>>
        %dma_wait3A_345 = arith.constant 0 : i32
        %dma_wait3A_346 = arith.constant 0 : i32
        %dma_wait3A_347 = tpu.memref_slice %arg6[%dma_wait3A_345, %dma_wait3A_346] : memref<4x80xi32, #tpu.memory_space<vmem>> -> memref<2x80xi32, #tpu.memory_space<vmem>>
        %dma_wait3A_348 = arith.constant 0 : i32
        %dma_wait3A_349 = arith.constant 0 : i32
        %dma_wait3A_350 = tpu.memref_slice %arg3[%dma_wait3A_348, %dma_wait3A_349] : memref<4096x80xi32, #tpu.memory_space<hbm>> -> memref<2x80xi32, #tpu.memory_space<hbm>>
        tpu.wait_dma2 semaphore(%arg18 : memref<!tpu.dma_semaphore, #tpu.memory_space<semaphore_mem>>) src(%dma_wait3A_350 : memref<2x80xi32, #tpu.memory_space<hbm>>) dst(%dma_wait3A_347 : memref<2x80xi32, #tpu.memory_space<vmem>>)
        %dma_start3A_351 = arith.constant 0 : i32
        %dma_start3A_352 = arith.constant 0 : i32
        %dma_start3A_353 = arith.constant 0 : i32
        %dma_start3A_354 = tpu.memref_slice %arg8[%dma_start3A_352, %dma_start3A_353] : memref<320x128xf32, #tpu.memory_space<vmem>> -> memref<80x128xf32, #tpu.memory_space<vmem>>
        %dma_start3A_355 = arith.constant 0 : i32
        %dma_start3A_356 = tpu.memref_slice %arg6[%dma_start3A_351, %dma_start3A_355] : memref<4x80xi32, #tpu.memory_space<vmem>> -> memref<1x80xi32, #tpu.memory_space<vmem>>
        %dma_start3A_357 = tpu.memref_squeeze %dma_start3A_356 : memref<1x80xi32, #tpu.memory_space<vmem>> -> memref<80xi32, #tpu.memory_space<vmem>>
        %dma_start3A_358 = arith.constant 0 : i32
        %dma_start3A_359 = arith.constant 0 : i32
        %dma_start3A_360 = tpu.memref_slice %arg2[%dma_start3A_358, %dma_start3A_359] : memref<10000x128xf32, #tpu.memory_space<hbm>> -> memref<10000x128xf32, #tpu.memory_space<hbm>>
        tpu.enqueue_indirect_dma source(%dma_start3A_360 : memref<10000x128xf32, #tpu.memory_space<hbm>>) target(%dma_start3A_354 : memref<80x128xf32, #tpu.memory_space<vmem>>) offsets(%dma_start3A_357 : memref<80xi32, #tpu.memory_space<vmem>>) semaphore(%arg10 : memref<!tpu.dma_semaphore, #tpu.memory_space<semaphore_mem>>)
        %dma_start3A_361 = arith.constant 1 : i32
        %dma_start3A_362 = arith.constant 80 : i32
        %dma_start3A_363 = arith.constant 0 : i32
        %dma_start3A_364 = tpu.memref_slice %arg8[%dma_start3A_362, %dma_start3A_363] : memref<320x128xf32, #tpu.memory_space<vmem>> -> memref<80x128xf32, #tpu.memory_space<vmem>>
        %dma_start3A_365 = arith.constant 0 : i32
        %dma_start3A_366 = tpu.memref_slice %arg6[%dma_start3A_361, %dma_start3A_365] : memref<4x80xi32, #tpu.memory_space<vmem>> -> memref<1x80xi32, #tpu.memory_space<vmem>>
        %dma_start3A_367 = tpu.memref_squeeze %dma_start3A_366 : memref<1x80xi32, #tpu.memory_space<vmem>> -> memref<80xi32, #tpu.memory_space<vmem>>
        %dma_start3A_368 = arith.constant 0 : i32
        %dma_start3A_369 = arith.constant 0 : i32
        %dma_start3A_370 = tpu.memref_slice %arg2[%dma_start3A_368, %dma_start3A_369] : memref<10000x128xf32, #tpu.memory_space<hbm>> -> memref<10000x128xf32, #tpu.memory_space<hbm>>
        tpu.enqueue_indirect_dma source(%dma_start3A_370 : memref<10000x128xf32, #tpu.memory_space<hbm>>) target(%dma_start3A_364 : memref<80x128xf32, #tpu.memory_space<vmem>>) offsets(%dma_start3A_367 : memref<80xi32, #tpu.memory_space<vmem>>) semaphore(%arg11 : memref<!tpu.dma_semaphore, #tpu.memory_space<semaphore_mem>>)
      } else {
      }
    }
    %scan3A_85 = arith.constant 32 : i32
    %dma_wait3A_86 = arith.constant 2 : i32
    %dma_wait3A_87 = arith.constant 160 : i32
    %dma_wait3A_88 = arith.constant 0 : i32
    %dma_wait3A_89 = tpu.memref_slice %arg8[%dma_wait3A_87, %dma_wait3A_88] : memref<320x128xf32, #tpu.memory_space<vmem>> -> memref<80x128xf32, #tpu.memory_space<vmem>>
    %dma_wait3A_90 = arith.constant 0 : i32
    %dma_wait3A_91 = tpu.memref_slice %arg7[%dma_wait3A_86, %dma_wait3A_90] : memref<4x80xi32, #tpu.memory_space<vmem>> -> memref<1x80xi32, #tpu.memory_space<vmem>>
    %dma_wait3A_92 = tpu.memref_squeeze %dma_wait3A_91 : memref<1x80xi32, #tpu.memory_space<vmem>> -> memref<80xi32, #tpu.memory_space<vmem>>
    %dma_wait3A_93 = arith.constant 0 : i32
    %dma_wait3A_94 = arith.constant 0 : i32
    %dma_wait3A_95 = tpu.memref_slice %arg9[%dma_wait3A_93, %dma_wait3A_94] : memref<10240x128xf32, #tpu.memory_space<vmem_shared>> -> memref<10240x128xf32, #tpu.memory_space<vmem_shared>>
    tpu.wait_indirect_dma semaphore(%arg16 : memref<!tpu.dma_semaphore, #tpu.memory_space<semaphore_mem>>) src(%dma_wait3A_89 : memref<80x128xf32, #tpu.memory_space<vmem>>) dst(%dma_wait3A_95 : memref<10240x128xf32, #tpu.memory_space<vmem_shared>>)
    %dma_wait3A_96 = arith.constant 3 : i32
    %dma_wait3A_97 = arith.constant 240 : i32
    %dma_wait3A_98 = arith.constant 0 : i32
    %dma_wait3A_99 = tpu.memref_slice %arg8[%dma_wait3A_97, %dma_wait3A_98] : memref<320x128xf32, #tpu.memory_space<vmem>> -> memref<80x128xf32, #tpu.memory_space<vmem>>
    %dma_wait3A_100 = arith.constant 0 : i32
    %dma_wait3A_101 = tpu.memref_slice %arg7[%dma_wait3A_96, %dma_wait3A_100] : memref<4x80xi32, #tpu.memory_space<vmem>> -> memref<1x80xi32, #tpu.memory_space<vmem>>
    %dma_wait3A_102 = tpu.memref_squeeze %dma_wait3A_101 : memref<1x80xi32, #tpu.memory_space<vmem>> -> memref<80xi32, #tpu.memory_space<vmem>>
    %dma_wait3A_103 = arith.constant 0 : i32
    %dma_wait3A_104 = arith.constant 0 : i32
    %dma_wait3A_105 = tpu.memref_slice %arg9[%dma_wait3A_103, %dma_wait3A_104] : memref<10240x128xf32, #tpu.memory_space<vmem_shared>> -> memref<10240x128xf32, #tpu.memory_space<vmem_shared>>
    tpu.wait_indirect_dma semaphore(%arg17 : memref<!tpu.dma_semaphore, #tpu.memory_space<semaphore_mem>>) src(%dma_wait3A_99 : memref<80x128xf32, #tpu.memory_space<vmem>>) dst(%dma_wait3A_105 : memref<10240x128xf32, #tpu.memory_space<vmem_shared>>)
    %barrier3A_106 = arith.constant 0 : index
    tpu.barrier barrier_id(%barrier3A_106)
    %mul3A_107 = arith.constant 10240 : i32
    %mul3A_108 = arith.muli %arg0, %mul3A_107 : i32
    %mul3A_109 = arith.constant 640 : i32
    %mul3A_110 = arith.muli %arg1, %mul3A_109 : i32
    %add3A_111 = arith.addi %mul3A_108, %mul3A_110 : i32
    %mul3A_112 = arith.constant 640 : i32
    %mul3A_113 = arith.muli %arg1, %mul3A_112 : i32
    %add3A_114 = arith.constant 0 : i32
    %add3A_115 = arith.addi %mul3A_113, %add3A_114 : i32
    "tpu.region"() ({
      %run_scoped3A = tpu.sem_alloc : memref<!tpu.dma_semaphore, #tpu.memory_space<semaphore_mem>>
      %dma_start3A_124 = arith.constant 0 : i32
      %dma_start3A_125 = arith.constant 0 : i32
      %dma_start3A_126 = tpu.memref_slice %arg8[%dma_start3A_124, %dma_start3A_125] : memref<320x128xf32, #tpu.memory_space<vmem>> -> memref<320x128xf32, #tpu.memory_space<vmem>>
      %dma_start3A_127 = arith.constant 0 : i32
      %dma_start3A_128 = tpu.memref_slice %arg9[%add3A_115, %dma_start3A_127] : memref<10240x128xf32, #tpu.memory_space<vmem_shared>> -> memref<320x128xf32, #tpu.memory_space<vmem_shared>>
      %dma_start3A_129 = arith.constant 0 : i32
      %dma_start3A_130 = arith.constant 0 : i32
      %dma_start3A_131 = tpu.memref_slice %arg8[%dma_start3A_129, %dma_start3A_130] : memref<320x128xf32, #tpu.memory_space<vmem>> -> memref<320x128xf32, #tpu.memory_space<vmem>>
      %dma_start3A_132 = arith.constant 0 : i32
      %dma_start3A_133 = tpu.memref_slice %arg9[%add3A_115, %dma_start3A_132] : memref<10240x128xf32, #tpu.memory_space<vmem_shared>> -> memref<320x128xf32, #tpu.memory_space<vmem_shared>>
      tpu.enqueue_dma source(%dma_start3A_133 : memref<320x128xf32, #tpu.memory_space<vmem_shared>>) target(%dma_start3A_131 : memref<320x128xf32, #tpu.memory_space<vmem>>) target_semaphore(%run_scoped3A : memref<!tpu.dma_semaphore, #tpu.memory_space<semaphore_mem>>)
      %dma_wait3A_134 = arith.constant 0 : i32
      %dma_wait3A_135 = arith.constant 0 : i32
      %dma_wait3A_136 = tpu.memref_slice %arg8[%dma_wait3A_134, %dma_wait3A_135] : memref<320x128xf32, #tpu.memory_space<vmem>> -> memref<320x128xf32, #tpu.memory_space<vmem>>
      %dma_wait3A_137 = arith.constant 0 : i32
      %dma_wait3A_138 = tpu.memref_slice %arg9[%add3A_115, %dma_wait3A_137] : memref<10240x128xf32, #tpu.memory_space<vmem_shared>> -> memref<320x128xf32, #tpu.memory_space<vmem_shared>>
      %dma_wait3A_139 = arith.constant 0 : i32
      %dma_wait3A_140 = arith.constant 0 : i32
      %dma_wait3A_141 = tpu.memref_slice %arg8[%dma_wait3A_139, %dma_wait3A_140] : memref<320x128xf32, #tpu.memory_space<vmem>> -> memref<320x128xf32, #tpu.memory_space<vmem>>
      %dma_wait3A_142 = arith.constant 0 : i32
      %dma_wait3A_143 = tpu.memref_slice %arg9[%add3A_115, %dma_wait3A_142] : memref<10240x128xf32, #tpu.memory_space<vmem_shared>> -> memref<320x128xf32, #tpu.memory_space<vmem_shared>>
      tpu.wait_dma2 semaphore(%run_scoped3A : memref<!tpu.dma_semaphore, #tpu.memory_space<semaphore_mem>>) src(%dma_wait3A_143 : memref<320x128xf32, #tpu.memory_space<vmem_shared>>) dst(%dma_wait3A_141 : memref<320x128xf32, #tpu.memory_space<vmem>>)
      tpu.yield
    }) : () -> ()
    %add3A_116 = arith.constant 0 : i32
    %add3A_117 = arith.addi %add3A_111, %add3A_116 : i32
    "tpu.region"() ({
      %run_scoped3A = tpu.sem_alloc : memref<!tpu.dma_semaphore, #tpu.memory_space<semaphore_mem>>
      %dma_start3A_124 = arith.constant 0 : i32
      %dma_start3A_125 = arith.constant 0 : i32
      %dma_start3A_126 = tpu.memref_slice %arg8[%dma_start3A_124, %dma_start3A_125] : memref<320x128xf32, #tpu.memory_space<vmem>> -> memref<320x128xf32, #tpu.memory_space<vmem>>
      %dma_start3A_127 = arith.constant 0 : i32
      %dma_start3A_128 = tpu.memref_slice %arg5[%add3A_117, %dma_start3A_127] : memref<20480x128xf32, #tpu.memory_space<hbm>> -> memref<320x128xf32, #tpu.memory_space<hbm>>
      %dma_start3A_129 = arith.constant 0 : i32
      %dma_start3A_130 = tpu.memref_slice %arg5[%add3A_117, %dma_start3A_129] : memref<20480x128xf32, #tpu.memory_space<hbm>> -> memref<320x128xf32, #tpu.memory_space<hbm>>
      %dma_start3A_131 = arith.constant 0 : i32
      %dma_start3A_132 = arith.constant 0 : i32
      %dma_start3A_133 = tpu.memref_slice %arg8[%dma_start3A_131, %dma_start3A_132] : memref<320x128xf32, #tpu.memory_space<vmem>> -> memref<320x128xf32, #tpu.memory_space<vmem>>
      tpu.enqueue_dma source(%dma_start3A_133 : memref<320x128xf32, #tpu.memory_space<vmem>>) target(%dma_start3A_130 : memref<320x128xf32, #tpu.memory_space<hbm>>) target_semaphore(%run_scoped3A : memref<!tpu.dma_semaphore, #tpu.memory_space<semaphore_mem>>)
      %dma_wait3A_134 = arith.constant 0 : i32
      %dma_wait3A_135 = arith.constant 0 : i32
      %dma_wait3A_136 = tpu.memref_slice %arg8[%dma_wait3A_134, %dma_wait3A_135] : memref<320x128xf32, #tpu.memory_space<vmem>> -> memref<320x128xf32, #tpu.memory_space<vmem>>
      %dma_wait3A_137 = arith.constant 0 : i32
      %dma_wait3A_138 = tpu.memref_slice %arg5[%add3A_117, %dma_wait3A_137] : memref<20480x128xf32, #tpu.memory_space<hbm>> -> memref<320x128xf32, #tpu.memory_space<hbm>>
      %dma_wait3A_139 = arith.constant 0 : i32
      %dma_wait3A_140 = tpu.memref_slice %arg5[%add3A_117, %dma_wait3A_139] : memref<20480x128xf32, #tpu.memory_space<hbm>> -> memref<320x128xf32, #tpu.memory_space<hbm>>
      %dma_wait3A_141 = arith.constant 0 : i32
      %dma_wait3A_142 = arith.constant 0 : i32
      %dma_wait3A_143 = tpu.memref_slice %arg8[%dma_wait3A_141, %dma_wait3A_142] : memref<320x128xf32, #tpu.memory_space<vmem>> -> memref<320x128xf32, #tpu.memory_space<vmem>>
      tpu.wait_dma2 semaphore(%run_scoped3A : memref<!tpu.dma_semaphore, #tpu.memory_space<semaphore_mem>>) src(%dma_wait3A_143 : memref<320x128xf32, #tpu.memory_space<vmem>>) dst(%dma_wait3A_140 : memref<320x128xf32, #tpu.memory_space<hbm>>)
      tpu.yield
    }) : () -> ()
    %mul3A_118 = arith.constant 640 : i32
    %mul3A_119 = arith.muli %arg1, %mul3A_118 : i32
    %add3A_120 = arith.constant 320 : i32
    %add3A_121 = arith.addi %mul3A_119, %add3A_120 : i32
    "tpu.region"() ({
      %run_scoped3A = tpu.sem_alloc : memref<!tpu.dma_semaphore, #tpu.memory_space<semaphore_mem>>
      %dma_start3A_124 = arith.constant 0 : i32
      %dma_start3A_125 = arith.constant 0 : i32
      %dma_start3A_126 = tpu.memref_slice %arg8[%dma_start3A_124, %dma_start3A_125] : memref<320x128xf32, #tpu.memory_space<vmem>> -> memref<320x128xf32, #tpu.memory_space<vmem>>
      %dma_start3A_127 = arith.constant 0 : i32
      %dma_start3A_128 = tpu.memref_slice %arg9[%add3A_121, %dma_start3A_127] : memref<10240x128xf32, #tpu.memory_space<vmem_shared>> -> memref<320x128xf32, #tpu.memory_space<vmem_shared>>
      %dma_start3A_129 = arith.constant 0 : i32
      %dma_start3A_130 = arith.constant 0 : i32
      %dma_start3A_131 = tpu.memref_slice %arg8[%dma_start3A_129, %dma_start3A_130] : memref<320x128xf32, #tpu.memory_space<vmem>> -> memref<320x128xf32, #tpu.memory_space<vmem>>
      %dma_start3A_132 = arith.constant 0 : i32
      %dma_start3A_133 = tpu.memref_slice %arg9[%add3A_121, %dma_start3A_132] : memref<10240x128xf32, #tpu.memory_space<vmem_shared>> -> memref<320x128xf32, #tpu.memory_space<vmem_shared>>
      tpu.enqueue_dma source(%dma_start3A_133 : memref<320x128xf32, #tpu.memory_space<vmem_shared>>) target(%dma_start3A_131 : memref<320x128xf32, #tpu.memory_space<vmem>>) target_semaphore(%run_scoped3A : memref<!tpu.dma_semaphore, #tpu.memory_space<semaphore_mem>>)
      %dma_wait3A_134 = arith.constant 0 : i32
      %dma_wait3A_135 = arith.constant 0 : i32
      %dma_wait3A_136 = tpu.memref_slice %arg8[%dma_wait3A_134, %dma_wait3A_135] : memref<320x128xf32, #tpu.memory_space<vmem>> -> memref<320x128xf32, #tpu.memory_space<vmem>>
      %dma_wait3A_137 = arith.constant 0 : i32
      %dma_wait3A_138 = tpu.memref_slice %arg9[%add3A_121, %dma_wait3A_137] : memref<10240x128xf32, #tpu.memory_space<vmem_shared>> -> memref<320x128xf32, #tpu.memory_space<vmem_shared>>
      %dma_wait3A_139 = arith.constant 0 : i32
      %dma_wait3A_140 = arith.constant 0 : i32
      %dma_wait3A_141 = tpu.memref_slice %arg8[%dma_wait3A_139, %dma_wait3A_140] : memref<320x128xf32, #tpu.memory_space<vmem>> -> memref<320x128xf32, #tpu.memory_space<vmem>>
      %dma_wait3A_142 = arith.constant 0 : i32
      %dma_wait3A_143 = tpu.memref_slice %arg9[%add3A_121, %dma_wait3A_142] : memref<10240x128xf32, #tpu.memory_space<vmem_shared>> -> memref<320x128xf32, #tpu.memory_space<vmem_shared>>
      tpu.wait_dma2 semaphore(%run_scoped3A : memref<!tpu.dma_semaphore, #tpu.memory_space<semaphore_mem>>) src(%dma_wait3A_143 : memref<320x128xf32, #tpu.memory_space<vmem_shared>>) dst(%dma_wait3A_141 : memref<320x128xf32, #tpu.memory_space<vmem>>)
      tpu.yield
    }) : () -> ()
    %add3A_122 = arith.constant 320 : i32
    %add3A_123 = arith.addi %add3A_111, %add3A_122 : i32
    "tpu.region"() ({
      %run_scoped3A = tpu.sem_alloc : memref<!tpu.dma_semaphore, #tpu.memory_space<semaphore_mem>>
      %dma_start3A_124 = arith.constant 0 : i32
      %dma_start3A_125 = arith.constant 0 : i32
      %dma_start3A_126 = tpu.memref_slice %arg8[%dma_start3A_124, %dma_start3A_125] : memref<320x128xf32, #tpu.memory_space<vmem>> -> memref<320x128xf32, #tpu.memory_space<vmem>>
      %dma_start3A_127 = arith.constant 0 : i32
      %dma_start3A_128 = tpu.memref_slice %arg5[%add3A_123, %dma_start3A_127] : memref<20480x128xf32, #tpu.memory_space<hbm>> -> memref<320x128xf32, #tpu.memory_space<hbm>>
      %dma_start3A_129 = arith.constant 0 : i32
      %dma_start3A_130 = tpu.memref_slice %arg5[%add3A_123, %dma_start3A_129] : memref<20480x128xf32, #tpu.memory_space<hbm>> -> memref<320x128xf32, #tpu.memory_space<hbm>>
      %dma_start3A_131 = arith.constant 0 : i32
      %dma_start3A_132 = arith.constant 0 : i32
      %dma_start3A_133 = tpu.memref_slice %arg8[%dma_start3A_131, %dma_start3A_132] : memref<320x128xf32, #tpu.memory_space<vmem>> -> memref<320x128xf32, #tpu.memory_space<vmem>>
      tpu.enqueue_dma source(%dma_start3A_133 : memref<320x128xf32, #tpu.memory_space<vmem>>) target(%dma_start3A_130 : memref<320x128xf32, #tpu.memory_space<hbm>>) target_semaphore(%run_scoped3A : memref<!tpu.dma_semaphore, #tpu.memory_space<semaphore_mem>>)
      %dma_wait3A_134 = arith.constant 0 : i32
      %dma_wait3A_135 = arith.constant 0 : i32
      %dma_wait3A_136 = tpu.memref_slice %arg8[%dma_wait3A_134, %dma_wait3A_135] : memref<320x128xf32, #tpu.memory_space<vmem>> -> memref<320x128xf32, #tpu.memory_space<vmem>>
      %dma_wait3A_137 = arith.constant 0 : i32
      %dma_wait3A_138 = tpu.memref_slice %arg5[%add3A_123, %dma_wait3A_137] : memref<20480x128xf32, #tpu.memory_space<hbm>> -> memref<320x128xf32, #tpu.memory_space<hbm>>
      %dma_wait3A_139 = arith.constant 0 : i32
      %dma_wait3A_140 = tpu.memref_slice %arg5[%add3A_123, %dma_wait3A_139] : memref<20480x128xf32, #tpu.memory_space<hbm>> -> memref<320x128xf32, #tpu.memory_space<hbm>>
      %dma_wait3A_141 = arith.constant 0 : i32
      %dma_wait3A_142 = arith.constant 0 : i32
      %dma_wait3A_143 = tpu.memref_slice %arg8[%dma_wait3A_141, %dma_wait3A_142] : memref<320x128xf32, #tpu.memory_space<vmem>> -> memref<320x128xf32, #tpu.memory_space<vmem>>
      tpu.wait_dma2 semaphore(%run_scoped3A : memref<!tpu.dma_semaphore, #tpu.memory_space<semaphore_mem>>) src(%dma_wait3A_143 : memref<320x128xf32, #tpu.memory_space<vmem>>) dst(%dma_wait3A_140 : memref<320x128xf32, #tpu.memory_space<hbm>>)
      tpu.yield
    }) : () -> ()
    return
  }
}

#map = affine_map<(d0, d1) -> (0, 0)>
module attributes {stable_mosaic.version = 14 : i64} {
  func.func @_sc_scatter(%arg0: i32, %arg1: i32, %arg2: memref<10000x128xf32, #tpu.memory_space<hbm>>, %arg3: memref<4096x80xi32, #tpu.memory_space<hbm>>, %arg4: memref<4096x80xi32, #tpu.memory_space<hbm>>, %arg5: memref<20480x128xf32, #tpu.memory_space<hbm>>, %arg6: memref<4x80xi32, #tpu.memory_space<vmem>>, %arg7: memref<4x80xi32, #tpu.memory_space<vmem>>, %arg8: memref<320x128xf32, #tpu.memory_space<vmem>>, %arg9: memref<10240x128xf32, #tpu.memory_space<vmem_shared>>, %arg10: memref<!tpu.dma_semaphore, #tpu.memory_space<semaphore_mem>>, %arg11: memref<!tpu.dma_semaphore, #tpu.memory_space<semaphore_mem>>, %arg12: memref<!tpu.dma_semaphore, #tpu.memory_space<semaphore_mem>>, %arg13: memref<!tpu.dma_semaphore, #tpu.memory_space<semaphore_mem>>, %arg14: memref<!tpu.dma_semaphore, #tpu.memory_space<semaphore_mem>>, %arg15: memref<!tpu.dma_semaphore, #tpu.memory_space<semaphore_mem>>, %arg16: memref<!tpu.dma_semaphore, #tpu.memory_space<semaphore_mem>>, %arg17: memref<!tpu.dma_semaphore, #tpu.memory_space<semaphore_mem>>, %arg18: memref<!tpu.dma_semaphore, #tpu.memory_space<semaphore_mem>>, %arg19: memref<!tpu.dma_semaphore, #tpu.memory_space<semaphore_mem>>, %arg20: memref<!tpu.dma_semaphore, #tpu.memory_space<semaphore_mem>>, %arg21: memref<!tpu.dma_semaphore, #tpu.memory_space<semaphore_mem>>) attributes {dimension_semantics = [#tpu.dimension_semantics<core_parallel>, #tpu.dimension_semantics<subcore_parallel>], iteration_bounds = array<i64: 2, 16>, scalar_prefetch = 0 : i64, scratch_operands = 16 : i64, tpu.core_type = #tpu.core_type<sc_vector_subcore>, window_params = [{transform_indices = #map}, {transform_indices = #map}, {transform_indices = #map}, {transform_indices = #map}]} {
    %mul3A = arith.constant 2 : i32
    %mul3A_0 = arith.muli %arg1, %mul3A : i32
    %add3A = arith.addi %mul3A_0, %arg0 : i32
    %scan3A = arith.constant 0 : i32
    %scan3A_1 = arith.constant 320 : i32
    %scan3A_2 = arith.addi %scan3A, %scan3A_1 : i32
    %scan3A_3 = arith.constant 1 : i32
    scf.for %scan3A_124 = %scan3A to %scan3A_2 step %scan3A_3  : i32 {
      %broadcast_in_dim3A = arith.constant 0.000000e+00 : f32
      %broadcast_in_dim3A_125 = vector.broadcast %broadcast_in_dim3A : f32 to vector<16xf32>
      %swap3A = arith.index_cast %scan3A_124 : i32 to index
      %swap3A_126 = arith.constant 0 : index
      %swap3A_127 = tpu.vector_load %arg8[%swap3A, %swap3A_126] {strides = array<i32>} : memref<320x128xf32, #tpu.memory_space<vmem>>, vector<1x16xf32>,
      %swap3A_128 = vector.shape_cast %swap3A_127 : vector<1x16xf32> to vector<16xf32>
      %swap3A_129 = vector.shape_cast %broadcast_in_dim3A_125 : vector<16xf32> to vector<1x16xf32>
      tpu.vector_store %arg8[%swap3A, %swap3A_126], %swap3A_129 {strides = array<i32>} : memref<320x128xf32, #tpu.memory_space<vmem>>, vector<1x16xf32>,
      %broadcast_in_dim3A_130 = arith.constant 0.000000e+00 : f32
      %broadcast_in_dim3A_131 = vector.broadcast %broadcast_in_dim3A_130 : f32 to vector<16xf32>
      %swap3A_132 = arith.index_cast %scan3A_124 : i32 to index
      %swap3A_133 = arith.constant 16 : index
      %swap3A_134 = tpu.vector_load %arg8[%swap3A_132, %swap3A_133] {strides = array<i32>} : memref<320x128xf32, #tpu.memory_space<vmem>>, vector<1x16xf32>,
      %swap3A_135 = vector.shape_cast %swap3A_134 : vector<1x16xf32> to vector<16xf32>
      %swap3A_136 = vector.shape_cast %broadcast_in_dim3A_131 : vector<16xf32> to vector<1x16xf32>
      tpu.vector_store %arg8[%swap3A_132, %swap3A_133], %swap3A_136 {strides = array<i32>} : memref<320x128xf32, #tpu.memory_space<vmem>>, vector<1x16xf32>,
      %broadcast_in_dim3A_137 = arith.constant 0.000000e+00 : f32
      %broadcast_in_dim3A_138 = vector.broadcast %broadcast_in_dim3A_137 : f32 to vector<16xf32>
      %swap3A_139 = arith.index_cast %scan3A_124 : i32 to index
      %swap3A_140 = arith.constant 32 : index
      %swap3A_141 = tpu.vector_load %arg8[%swap3A_139, %swap3A_140] {strides = array<i32>} : memref<320x128xf32, #tpu.memory_space<vmem>>, vector<1x16xf32>,
      %swap3A_142 = vector.shape_cast %swap3A_141 : vector<1x16xf32> to vector<16xf32>
      %swap3A_143 = vector.shape_cast %broadcast_in_dim3A_138 : vector<16xf32> to vector<1x16xf32>
      tpu.vector_store %arg8[%swap3A_139, %swap3A_140], %swap3A_143 {strides = array<i32>} : memref<320x128xf32, #tpu.memory_space<vmem>>, vector<1x16xf32>,
      %broadcast_in_dim3A_144 = arith.constant 0.000000e+00 : f32
      %broadcast_in_dim3A_145 = vector.broadcast %broadcast_in_dim3A_144 : f32 to vector<16xf32>
      %swap3A_146 = arith.index_cast %scan3A_124 : i32 to index
      %swap3A_147 = arith.constant 48 : index
      %swap3A_148 = tpu.vector_load %arg8[%swap3A_146, %swap3A_147] {strides = array<i32>} : memref<320x128xf32, #tpu.memory_space<vmem>>, vector<1x16xf32>,
      %swap3A_149 = vector.shape_cast %swap3A_148 : vector<1x16xf32> to vector<16xf32>
      %swap3A_150 = vector.shape_cast %broadcast_in_dim3A_145 : vector<16xf32> to vector<1x16xf32>
      tpu.vector_store %arg8[%swap3A_146, %swap3A_147], %swap3A_150 {strides = array<i32>} : memref<320x128xf32, #tpu.memory_space<vmem>>, vector<1x16xf32>,
      %broadcast_in_dim3A_151 = arith.constant 0.000000e+00 : f32
      %broadcast_in_dim3A_152 = vector.broadcast %broadcast_in_dim3A_151 : f32 to vector<16xf32>
      %swap3A_153 = arith.index_cast %scan3A_124 : i32 to index
      %swap3A_154 = arith.constant 64 : index
      %swap3A_155 = tpu.vector_load %arg8[%swap3A_153, %swap3A_154] {strides = array<i32>} : memref<320x128xf32, #tpu.memory_space<vmem>>, vector<1x16xf32>,
      %swap3A_156 = vector.shape_cast %swap3A_155 : vector<1x16xf32> to vector<16xf32>
      %swap3A_157 = vector.shape_cast %broadcast_in_dim3A_152 : vector<16xf32> to vector<1x16xf32>
      tpu.vector_store %arg8[%swap3A_153, %swap3A_154], %swap3A_157 {strides = array<i32>} : memref<320x128xf32, #tpu.memory_space<vmem>>, vector<1x16xf32>,
      %broadcast_in_dim3A_158 = arith.constant 0.000000e+00 : f32
      %broadcast_in_dim3A_159 = vector.broadcast %broadcast_in_dim3A_158 : f32 to vector<16xf32>
      %swap3A_160 = arith.index_cast %scan3A_124 : i32 to index
      %swap3A_161 = arith.constant 80 : index
      %swap3A_162 = tpu.vector_load %arg8[%swap3A_160, %swap3A_161] {strides = array<i32>} : memref<320x128xf32, #tpu.memory_space<vmem>>, vector<1x16xf32>,
      %swap3A_163 = vector.shape_cast %swap3A_162 : vector<1x16xf32> to vector<16xf32>
      %swap3A_164 = vector.shape_cast %broadcast_in_dim3A_159 : vector<16xf32> to vector<1x16xf32>
      tpu.vector_store %arg8[%swap3A_160, %swap3A_161], %swap3A_164 {strides = array<i32>} : memref<320x128xf32, #tpu.memory_space<vmem>>, vector<1x16xf32>,
      %broadcast_in_dim3A_165 = arith.constant 0.000000e+00 : f32
      %broadcast_in_dim3A_166 = vector.broadcast %broadcast_in_dim3A_165 : f32 to vector<16xf32>
      %swap3A_167 = arith.index_cast %scan3A_124 : i32 to index
      %swap3A_168 = arith.constant 96 : index
      %swap3A_169 = tpu.vector_load %arg8[%swap3A_167, %swap3A_168] {strides = array<i32>} : memref<320x128xf32, #tpu.memory_space<vmem>>, vector<1x16xf32>,
      %swap3A_170 = vector.shape_cast %swap3A_169 : vector<1x16xf32> to vector<16xf32>
      %swap3A_171 = vector.shape_cast %broadcast_in_dim3A_166 : vector<16xf32> to vector<1x16xf32>
      tpu.vector_store %arg8[%swap3A_167, %swap3A_168], %swap3A_171 {strides = array<i32>} : memref<320x128xf32, #tpu.memory_space<vmem>>, vector<1x16xf32>,
      %broadcast_in_dim3A_172 = arith.constant 0.000000e+00 : f32
      %broadcast_in_dim3A_173 = vector.broadcast %broadcast_in_dim3A_172 : f32 to vector<16xf32>
      %swap3A_174 = arith.index_cast %scan3A_124 : i32 to index
      %swap3A_175 = arith.constant 112 : index
      %swap3A_176 = tpu.vector_load %arg8[%swap3A_174, %swap3A_175] {strides = array<i32>} : memref<320x128xf32, #tpu.memory_space<vmem>>, vector<1x16xf32>,
      %swap3A_177 = vector.shape_cast %swap3A_176 : vector<1x16xf32> to vector<16xf32>
      %swap3A_178 = vector.shape_cast %broadcast_in_dim3A_173 : vector<16xf32> to vector<1x16xf32>
      tpu.vector_store %arg8[%swap3A_174, %swap3A_175], %swap3A_178 {strides = array<i32>} : memref<320x128xf32, #tpu.memory_space<vmem>>, vector<1x16xf32>,
    }
    %scan3A_4 = arith.constant 320 : i32
    %mul3A_5 = arith.constant 640 : i32
    %mul3A_6 = arith.muli %arg1, %mul3A_5 : i32
    %add3A_7 = arith.constant 0 : i32
    %add3A_8 = arith.addi %mul3A_6, %add3A_7 : i32
    "tpu.region"() ({
      %run_scoped3A = tpu.sem_alloc : memref<!tpu.dma_semaphore, #tpu.memory_space<semaphore_mem>>
      %dma_start3A_124 = arith.constant 0 : i32
      %dma_start3A_125 = arith.constant 0 : i32
      %dma_start3A_126 = tpu.memref_slice %arg8[%dma_start3A_124, %dma_start3A_125] : memref<320x128xf32, #tpu.memory_space<vmem>> -> memref<128x128xf32, #tpu.memory_space<vmem>>
      %dma_start3A_127 = arith.constant 0 : i32
      %dma_start3A_128 = tpu.memref_slice %arg9[%add3A_8, %dma_start3A_127] : memref<10240x128xf32, #tpu.memory_space<vmem_shared>> -> memref<128x128xf32, #tpu.memory_space<vmem_shared>>
      %dma_start3A_129 = arith.constant 0 : i32
      %dma_start3A_130 = tpu.memref_slice %arg9[%add3A_8, %dma_start3A_129] : memref<10240x128xf32, #tpu.memory_space<vmem_shared>> -> memref<128x128xf32, #tpu.memory_space<vmem_shared>>
      %dma_start3A_131 = arith.constant 0 : i32
      %dma_start3A_132 = arith.constant 0 : i32
      %dma_start3A_133 = tpu.memref_slice %arg8[%dma_start3A_131, %dma_start3A_132] : memref<320x128xf32, #tpu.memory_space<vmem>> -> memref<128x128xf32, #tpu.memory_space<vmem>>
      tpu.enqueue_dma source(%dma_start3A_133 : memref<128x128xf32, #tpu.memory_space<vmem>>) target(%dma_start3A_130 : memref<128x128xf32, #tpu.memory_space<vmem_shared>>) target_semaphore(%run_scoped3A : memref<!tpu.dma_semaphore, #tpu.memory_space<semaphore_mem>>)
      %dma_wait3A_134 = arith.constant 0 : i32
      %dma_wait3A_135 = arith.constant 0 : i32
      %dma_wait3A_136 = tpu.memref_slice %arg8[%dma_wait3A_134, %dma_wait3A_135] : memref<320x128xf32, #tpu.memory_space<vmem>> -> memref<128x128xf32, #tpu.memory_space<vmem>>
      %dma_wait3A_137 = arith.constant 0 : i32
      %dma_wait3A_138 = tpu.memref_slice %arg9[%add3A_8, %dma_wait3A_137] : memref<10240x128xf32, #tpu.memory_space<vmem_shared>> -> memref<128x128xf32, #tpu.memory_space<vmem_shared>>
      %dma_wait3A_139 = arith.constant 0 : i32
      %dma_wait3A_140 = tpu.memref_slice %arg9[%add3A_8, %dma_wait3A_139] : memref<10240x128xf32, #tpu.memory_space<vmem_shared>> -> memref<128x128xf32, #tpu.memory_space<vmem_shared>>
      %dma_wait3A_141 = arith.constant 0 : i32
      %dma_wait3A_142 = arith.constant 0 : i32
      %dma_wait3A_143 = tpu.memref_slice %arg8[%dma_wait3A_141, %dma_wait3A_142] : memref<320x128xf32, #tpu.memory_space<vmem>> -> memref<128x128xf32, #tpu.memory_space<vmem>>
      tpu.wait_dma2 semaphore(%run_scoped3A : memref<!tpu.dma_semaphore, #tpu.memory_space<semaphore_mem>>) src(%dma_wait3A_143 : memref<128x128xf32, #tpu.memory_space<vmem>>) dst(%dma_wait3A_140 : memref<128x128xf32, #tpu.memory_space<vmem_shared>>)
      tpu.yield
    }) : () -> ()
    %mul3A_9 = arith.constant 640 : i32
    %mul3A_10 = arith.muli %arg1, %mul3A_9 : i32
    %add3A_11 = arith.constant 128 : i32
    %add3A_12 = arith.addi %mul3A_10, %add3A_11 : i32
    "tpu.region"() ({
      %run_scoped3A = tpu.sem_alloc : memref<!tpu.dma_semaphore, #tpu.memory_space<semaphore_mem>>
      %dma_start3A_124 = arith.constant 0 : i32
      %dma_start3A_125 = arith.constant 0 : i32
      %dma_start3A_126 = tpu.memref_slice %arg8[%dma_start3A_124, %dma_start3A_125] : memref<320x128xf32, #tpu.memory_space<vmem>> -> memref<128x128xf32, #tpu.memory_space<vmem>>
      %dma_start3A_127 = arith.constant 0 : i32
      %dma_start3A_128 = tpu.memref_slice %arg9[%add3A_12, %dma_start3A_127] : memref<10240x128xf32, #tpu.memory_space<vmem_shared>> -> memref<128x128xf32, #tpu.memory_space<vmem_shared>>
      %dma_start3A_129 = arith.constant 0 : i32
      %dma_start3A_130 = tpu.memref_slice %arg9[%add3A_12, %dma_start3A_129] : memref<10240x128xf32, #tpu.memory_space<vmem_shared>> -> memref<128x128xf32, #tpu.memory_space<vmem_shared>>
      %dma_start3A_131 = arith.constant 0 : i32
      %dma_start3A_132 = arith.constant 0 : i32
      %dma_start3A_133 = tpu.memref_slice %arg8[%dma_start3A_131, %dma_start3A_132] : memref<320x128xf32, #tpu.memory_space<vmem>> -> memref<128x128xf32, #tpu.memory_space<vmem>>
      tpu.enqueue_dma source(%dma_start3A_133 : memref<128x128xf32, #tpu.memory_space<vmem>>) target(%dma_start3A_130 : memref<128x128xf32, #tpu.memory_space<vmem_shared>>) target_semaphore(%run_scoped3A : memref<!tpu.dma_semaphore, #tpu.memory_space<semaphore_mem>>)
      %dma_wait3A_134 = arith.constant 0 : i32
      %dma_wait3A_135 = arith.constant 0 : i32
      %dma_wait3A_136 = tpu.memref_slice %arg8[%dma_wait3A_134, %dma_wait3A_135] : memref<320x128xf32, #tpu.memory_space<vmem>> -> memref<128x128xf32, #tpu.memory_space<vmem>>
      %dma_wait3A_137 = arith.constant 0 : i32
      %dma_wait3A_138 = tpu.memref_slice %arg9[%add3A_12, %dma_wait3A_137] : memref<10240x128xf32, #tpu.memory_space<vmem_shared>> -> memref<128x128xf32, #tpu.memory_space<vmem_shared>>
      %dma_wait3A_139 = arith.constant 0 : i32
      %dma_wait3A_140 = tpu.memref_slice %arg9[%add3A_12, %dma_wait3A_139] : memref<10240x128xf32, #tpu.memory_space<vmem_shared>> -> memref<128x128xf32, #tpu.memory_space<vmem_shared>>
      %dma_wait3A_141 = arith.constant 0 : i32
      %dma_wait3A_142 = arith.constant 0 : i32
      %dma_wait3A_143 = tpu.memref_slice %arg8[%dma_wait3A_141, %dma_wait3A_142] : memref<320x128xf32, #tpu.memory_space<vmem>> -> memref<128x128xf32, #tpu.memory_space<vmem>>
      tpu.wait_dma2 semaphore(%run_scoped3A : memref<!tpu.dma_semaphore, #tpu.memory_space<semaphore_mem>>) src(%dma_wait3A_143 : memref<128x128xf32, #tpu.memory_space<vmem>>) dst(%dma_wait3A_140 : memref<128x128xf32, #tpu.memory_space<vmem_shared>>)
      tpu.yield
    }) : () -> ()
    %mul3A_13 = arith.constant 640 : i32
    %mul3A_14 = arith.muli %arg1, %mul3A_13 : i32
    %add3A_15 = arith.constant 256 : i32
    %add3A_16 = arith.addi %mul3A_14, %add3A_15 : i32
    "tpu.region"() ({
      %run_scoped3A = tpu.sem_alloc : memref<!tpu.dma_semaphore, #tpu.memory_space<semaphore_mem>>
      %dma_start3A_124 = arith.constant 0 : i32
      %dma_start3A_125 = arith.constant 0 : i32
      %dma_start3A_126 = tpu.memref_slice %arg8[%dma_start3A_124, %dma_start3A_125] : memref<320x128xf32, #tpu.memory_space<vmem>> -> memref<128x128xf32, #tpu.memory_space<vmem>>
      %dma_start3A_127 = arith.constant 0 : i32
      %dma_start3A_128 = tpu.memref_slice %arg9[%add3A_16, %dma_start3A_127] : memref<10240x128xf32, #tpu.memory_space<vmem_shared>> -> memref<128x128xf32, #tpu.memory_space<vmem_shared>>
      %dma_start3A_129 = arith.constant 0 : i32
      %dma_start3A_130 = tpu.memref_slice %arg9[%add3A_16, %dma_start3A_129] : memref<10240x128xf32, #tpu.memory_space<vmem_shared>> -> memref<128x128xf32, #tpu.memory_space<vmem_shared>>
      %dma_start3A_131 = arith.constant 0 : i32
      %dma_start3A_132 = arith.constant 0 : i32
      %dma_start3A_133 = tpu.memref_slice %arg8[%dma_start3A_131, %dma_start3A_132] : memref<320x128xf32, #tpu.memory_space<vmem>> -> memref<128x128xf32, #tpu.memory_space<vmem>>
      tpu.enqueue_dma source(%dma_start3A_133 : memref<128x128xf32, #tpu.memory_space<vmem>>) target(%dma_start3A_130 : memref<128x128xf32, #tpu.memory_space<vmem_shared>>) target_semaphore(%run_scoped3A : memref<!tpu.dma_semaphore, #tpu.memory_space<semaphore_mem>>)
      %dma_wait3A_134 = arith.constant 0 : i32
      %dma_wait3A_135 = arith.constant 0 : i32
      %dma_wait3A_136 = tpu.memref_slice %arg8[%dma_wait3A_134, %dma_wait3A_135] : memref<320x128xf32, #tpu.memory_space<vmem>> -> memref<128x128xf32, #tpu.memory_space<vmem>>
      %dma_wait3A_137 = arith.constant 0 : i32
      %dma_wait3A_138 = tpu.memref_slice %arg9[%add3A_16, %dma_wait3A_137] : memref<10240x128xf32, #tpu.memory_space<vmem_shared>> -> memref<128x128xf32, #tpu.memory_space<vmem_shared>>
      %dma_wait3A_139 = arith.constant 0 : i32
      %dma_wait3A_140 = tpu.memref_slice %arg9[%add3A_16, %dma_wait3A_139] : memref<10240x128xf32, #tpu.memory_space<vmem_shared>> -> memref<128x128xf32, #tpu.memory_space<vmem_shared>>
      %dma_wait3A_141 = arith.constant 0 : i32
      %dma_wait3A_142 = arith.constant 0 : i32
      %dma_wait3A_143 = tpu.memref_slice %arg8[%dma_wait3A_141, %dma_wait3A_142] : memref<320x128xf32, #tpu.memory_space<vmem>> -> memref<128x128xf32, #tpu.memory_space<vmem>>
      tpu.wait_dma2 semaphore(%run_scoped3A : memref<!tpu.dma_semaphore, #tpu.memory_space<semaphore_mem>>) src(%dma_wait3A_143 : memref<128x128xf32, #tpu.memory_space<vmem>>) dst(%dma_wait3A_140 : memref<128x128xf32, #tpu.memory_space<vmem_shared>>)
      tpu.yield
    }) : () -> ()
    %mul3A_17 = arith.constant 640 : i32
    %mul3A_18 = arith.muli %arg1, %mul3A_17 : i32
    %add3A_19 = arith.constant 384 : i32
    %add3A_20 = arith.addi %mul3A_18, %add3A_19 : i32
    "tpu.region"() ({
      %run_scoped3A = tpu.sem_alloc : memref<!tpu.dma_semaphore, #tpu.memory_space<semaphore_mem>>
      %dma_start3A_124 = arith.constant 0 : i32
      %dma_start3A_125 = arith.constant 0 : i32
      %dma_start3A_126 = tpu.memref_slice %arg8[%dma_start3A_124, %dma_start3A_125] : memref<320x128xf32, #tpu.memory_space<vmem>> -> memref<128x128xf32, #tpu.memory_space<vmem>>
      %dma_start3A_127 = arith.constant 0 : i32
      %dma_start3A_128 = tpu.memref_slice %arg9[%add3A_20, %dma_start3A_127] : memref<10240x128xf32, #tpu.memory_space<vmem_shared>> -> memref<128x128xf32, #tpu.memory_space<vmem_shared>>
      %dma_start3A_129 = arith.constant 0 : i32
      %dma_start3A_130 = tpu.memref_slice %arg9[%add3A_20, %dma_start3A_129] : memref<10240x128xf32, #tpu.memory_space<vmem_shared>> -> memref<128x128xf32, #tpu.memory_space<vmem_shared>>
      %dma_start3A_131 = arith.constant 0 : i32
      %dma_start3A_132 = arith.constant 0 : i32
      %dma_start3A_133 = tpu.memref_slice %arg8[%dma_start3A_131, %dma_start3A_132] : memref<320x128xf32, #tpu.memory_space<vmem>> -> memref<128x128xf32, #tpu.memory_space<vmem>>
      tpu.enqueue_dma source(%dma_start3A_133 : memref<128x128xf32, #tpu.memory_space<vmem>>) target(%dma_start3A_130 : memref<128x128xf32, #tpu.memory_space<vmem_shared>>) target_semaphore(%run_scoped3A : memref<!tpu.dma_semaphore, #tpu.memory_space<semaphore_mem>>)
      %dma_wait3A_134 = arith.constant 0 : i32
      %dma_wait3A_135 = arith.constant 0 : i32
      %dma_wait3A_136 = tpu.memref_slice %arg8[%dma_wait3A_134, %dma_wait3A_135] : memref<320x128xf32, #tpu.memory_space<vmem>> -> memref<128x128xf32, #tpu.memory_space<vmem>>
      %dma_wait3A_137 = arith.constant 0 : i32
      %dma_wait3A_138 = tpu.memref_slice %arg9[%add3A_20, %dma_wait3A_137] : memref<10240x128xf32, #tpu.memory_space<vmem_shared>> -> memref<128x128xf32, #tpu.memory_space<vmem_shared>>
      %dma_wait3A_139 = arith.constant 0 : i32
      %dma_wait3A_140 = tpu.memref_slice %arg9[%add3A_20, %dma_wait3A_139] : memref<10240x128xf32, #tpu.memory_space<vmem_shared>> -> memref<128x128xf32, #tpu.memory_space<vmem_shared>>
      %dma_wait3A_141 = arith.constant 0 : i32
      %dma_wait3A_142 = arith.constant 0 : i32
      %dma_wait3A_143 = tpu.memref_slice %arg8[%dma_wait3A_141, %dma_wait3A_142] : memref<320x128xf32, #tpu.memory_space<vmem>> -> memref<128x128xf32, #tpu.memory_space<vmem>>
      tpu.wait_dma2 semaphore(%run_scoped3A : memref<!tpu.dma_semaphore, #tpu.memory_space<semaphore_mem>>) src(%dma_wait3A_143 : memref<128x128xf32, #tpu.memory_space<vmem>>) dst(%dma_wait3A_140 : memref<128x128xf32, #tpu.memory_space<vmem_shared>>)
      tpu.yield
    }) : () -> ()
    %mul3A_21 = arith.constant 640 : i32
    %mul3A_22 = arith.muli %arg1, %mul3A_21 : i32
    %add3A_23 = arith.constant 512 : i32
    %add3A_24 = arith.addi %mul3A_22, %add3A_23 : i32
    "tpu.region"() ({
      %run_scoped3A = tpu.sem_alloc : memref<!tpu.dma_semaphore, #tpu.memory_space<semaphore_mem>>
      %dma_start3A_124 = arith.constant 0 : i32
      %dma_start3A_125 = arith.constant 0 : i32
      %dma_start3A_126 = tpu.memref_slice %arg8[%dma_start3A_124, %dma_start3A_125] : memref<320x128xf32, #tpu.memory_space<vmem>> -> memref<128x128xf32, #tpu.memory_space<vmem>>
      %dma_start3A_127 = arith.constant 0 : i32
      %dma_start3A_128 = tpu.memref_slice %arg9[%add3A_24, %dma_start3A_127] : memref<10240x128xf32, #tpu.memory_space<vmem_shared>> -> memref<128x128xf32, #tpu.memory_space<vmem_shared>>
      %dma_start3A_129 = arith.constant 0 : i32
      %dma_start3A_130 = tpu.memref_slice %arg9[%add3A_24, %dma_start3A_129] : memref<10240x128xf32, #tpu.memory_space<vmem_shared>> -> memref<128x128xf32, #tpu.memory_space<vmem_shared>>
      %dma_start3A_131 = arith.constant 0 : i32
      %dma_start3A_132 = arith.constant 0 : i32
      %dma_start3A_133 = tpu.memref_slice %arg8[%dma_start3A_131, %dma_start3A_132] : memref<320x128xf32, #tpu.memory_space<vmem>> -> memref<128x128xf32, #tpu.memory_space<vmem>>
      tpu.enqueue_dma source(%dma_start3A_133 : memref<128x128xf32, #tpu.memory_space<vmem>>) target(%dma_start3A_130 : memref<128x128xf32, #tpu.memory_space<vmem_shared>>) target_semaphore(%run_scoped3A : memref<!tpu.dma_semaphore, #tpu.memory_space<semaphore_mem>>)
      %dma_wait3A_134 = arith.constant 0 : i32
      %dma_wait3A_135 = arith.constant 0 : i32
      %dma_wait3A_136 = tpu.memref_slice %arg8[%dma_wait3A_134, %dma_wait3A_135] : memref<320x128xf32, #tpu.memory_space<vmem>> -> memref<128x128xf32, #tpu.memory_space<vmem>>
      %dma_wait3A_137 = arith.constant 0 : i32
      %dma_wait3A_138 = tpu.memref_slice %arg9[%add3A_24, %dma_wait3A_137] : memref<10240x128xf32, #tpu.memory_space<vmem_shared>> -> memref<128x128xf32, #tpu.memory_space<vmem_shared>>
      %dma_wait3A_139 = arith.constant 0 : i32
      %dma_wait3A_140 = tpu.memref_slice %arg9[%add3A_24, %dma_wait3A_139] : memref<10240x128xf32, #tpu.memory_space<vmem_shared>> -> memref<128x128xf32, #tpu.memory_space<vmem_shared>>
      %dma_wait3A_141 = arith.constant 0 : i32
      %dma_wait3A_142 = arith.constant 0 : i32
      %dma_wait3A_143 = tpu.memref_slice %arg8[%dma_wait3A_141, %dma_wait3A_142] : memref<320x128xf32, #tpu.memory_space<vmem>> -> memref<128x128xf32, #tpu.memory_space<vmem>>
      tpu.wait_dma2 semaphore(%run_scoped3A : memref<!tpu.dma_semaphore, #tpu.memory_space<semaphore_mem>>) src(%dma_wait3A_143 : memref<128x128xf32, #tpu.memory_space<vmem>>) dst(%dma_wait3A_140 : memref<128x128xf32, #tpu.memory_space<vmem_shared>>)
      tpu.yield
    }) : () -> ()
    %barrier3A = arith.constant 0 : index
    tpu.barrier barrier_id(%barrier3A)
    %mul3A_25 = arith.constant 128 : i32
    %mul3A_26 = arith.muli %add3A, %mul3A_25 : i32
    %add3A_27 = arith.constant 0 : i32
    %add3A_28 = arith.addi %mul3A_26, %add3A_27 : i32
    %dma_start3A = arith.constant 0 : i32
    %dma_start3A_29 = arith.constant 0 : i32
    %dma_start3A_30 = tpu.memref_slice %arg6[%dma_start3A, %dma_start3A_29] : memref<4x80xi32, #tpu.memory_space<vmem>> -> memref<2x80xi32, #tpu.memory_space<vmem>>
    %dma_start3A_31 = arith.constant 0 : i32
    %dma_start3A_32 = tpu.memref_slice %arg3[%add3A_28, %dma_start3A_31] : memref<4096x80xi32, #tpu.memory_space<hbm>> -> memref<2x80xi32, #tpu.memory_space<hbm>>
    %dma_start3A_33 = arith.constant 0 : i32
    %dma_start3A_34 = arith.constant 0 : i32
    %dma_start3A_35 = tpu.memref_slice %arg6[%dma_start3A_33, %dma_start3A_34] : memref<4x80xi32, #tpu.memory_space<vmem>> -> memref<2x80xi32, #tpu.memory_space<vmem>>
    %dma_start3A_36 = arith.constant 0 : i32
    %dma_start3A_37 = tpu.memref_slice %arg3[%add3A_28, %dma_start3A_36] : memref<4096x80xi32, #tpu.memory_space<hbm>> -> memref<2x80xi32, #tpu.memory_space<hbm>>
    tpu.enqueue_dma source(%dma_start3A_37 : memref<2x80xi32, #tpu.memory_space<hbm>>) target(%dma_start3A_35 : memref<2x80xi32, #tpu.memory_space<vmem>>) target_semaphore(%arg18 : memref<!tpu.dma_semaphore, #tpu.memory_space<semaphore_mem>>)
    %add3A_38 = arith.constant 0 : i32
    %add3A_39 = arith.addi %mul3A_26, %add3A_38 : i32
    %dma_start3A_40 = arith.constant 0 : i32
    %dma_start3A_41 = arith.constant 0 : i32
    %dma_start3A_42 = tpu.memref_slice %arg7[%dma_start3A_40, %dma_start3A_41] : memref<4x80xi32, #tpu.memory_space<vmem>> -> memref<2x80xi32, #tpu.memory_space<vmem>>
    %dma_start3A_43 = arith.constant 0 : i32
    %dma_start3A_44 = tpu.memref_slice %arg4[%add3A_39, %dma_start3A_43] : memref<4096x80xi32, #tpu.memory_space<hbm>> -> memref<2x80xi32, #tpu.memory_space<hbm>>
    %dma_start3A_45 = arith.constant 0 : i32
    %dma_start3A_46 = arith.constant 0 : i32
    %dma_start3A_47 = tpu.memref_slice %arg7[%dma_start3A_45, %dma_start3A_46] : memref<4x80xi32, #tpu.memory_space<vmem>> -> memref<2x80xi32, #tpu.memory_space<vmem>>
    %dma_start3A_48 = arith.constant 0 : i32
    %dma_start3A_49 = tpu.memref_slice %arg4[%add3A_39, %dma_start3A_48] : memref<4096x80xi32, #tpu.memory_space<hbm>> -> memref<2x80xi32, #tpu.memory_space<hbm>>
    tpu.enqueue_dma source(%dma_start3A_49 : memref<2x80xi32, #tpu.memory_space<hbm>>) target(%dma_start3A_47 : memref<2x80xi32, #tpu.memory_space<vmem>>) target_semaphore(%arg20 : memref<!tpu.dma_semaphore, #tpu.memory_space<semaphore_mem>>)
    %dma_wait3A = arith.constant 0 : i32
    %dma_wait3A_50 = arith.constant 0 : i32
    %dma_wait3A_51 = tpu.memref_slice %arg6[%dma_wait3A, %dma_wait3A_50] : memref<4x80xi32, #tpu.memory_space<vmem>> -> memref<2x80xi32, #tpu.memory_space<vmem>>
    %dma_wait3A_52 = arith.constant 0 : i32
    %dma_wait3A_53 = arith.constant 0 : i32
    %dma_wait3A_54 = tpu.memref_slice %arg3[%dma_wait3A_52, %dma_wait3A_53] : memref<4096x80xi32, #tpu.memory_space<hbm>> -> memref<2x80xi32, #tpu.memory_space<hbm>>
    %dma_wait3A_55 = arith.constant 0 : i32
    %dma_wait3A_56 = arith.constant 0 : i32
    %dma_wait3A_57 = tpu.memref_slice %arg6[%dma_wait3A_55, %dma_wait3A_56] : memref<4x80xi32, #tpu.memory_space<vmem>> -> memref<2x80xi32, #tpu.memory_space<vmem>>
    %dma_wait3A_58 = arith.constant 0 : i32
    %dma_wait3A_59 = arith.constant 0 : i32
    %dma_wait3A_60 = tpu.memref_slice %arg3[%dma_wait3A_58, %dma_wait3A_59] : memref<4096x80xi32, #tpu.memory_space<hbm>> -> memref<2x80xi32, #tpu.memory_space<hbm>>
    tpu.wait_dma2 semaphore(%arg18 : memref<!tpu.dma_semaphore, #tpu.memory_space<semaphore_mem>>) src(%dma_wait3A_60 : memref<2x80xi32, #tpu.memory_space<hbm>>) dst(%dma_wait3A_57 : memref<2x80xi32, #tpu.memory_space<vmem>>)
    %dma_start3A_61 = arith.constant 0 : i32
    %dma_start3A_62 = arith.constant 0 : i32
    %dma_start3A_63 = arith.constant 0 : i32
    %dma_start3A_64 = tpu.memref_slice %arg8[%dma_start3A_62, %dma_start3A_63] : memref<320x128xf32, #tpu.memory_space<vmem>> -> memref<80x128xf32, #tpu.memory_space<vmem>>
    %dma_start3A_65 = arith.constant 0 : i32
    %dma_start3A_66 = tpu.memref_slice %arg6[%dma_start3A_61, %dma_start3A_65] : memref<4x80xi32, #tpu.memory_space<vmem>> -> memref<1x80xi32, #tpu.memory_space<vmem>>
    %dma_start3A_67 = tpu.memref_squeeze %dma_start3A_66 : memref<1x80xi32, #tpu.memory_space<vmem>> -> memref<80xi32, #tpu.memory_space<vmem>>
    %dma_start3A_68 = arith.constant 0 : i32
    %dma_start3A_69 = arith.constant 0 : i32
    %dma_start3A_70 = tpu.memref_slice %arg2[%dma_start3A_68, %dma_start3A_69] : memref<10000x128xf32, #tpu.memory_space<hbm>> -> memref<10000x128xf32, #tpu.memory_space<hbm>>
    tpu.enqueue_indirect_dma source(%dma_start3A_70 : memref<10000x128xf32, #tpu.memory_space<hbm>>) target(%dma_start3A_64 : memref<80x128xf32, #tpu.memory_space<vmem>>) offsets(%dma_start3A_67 : memref<80xi32, #tpu.memory_space<vmem>>) semaphore(%arg10 : memref<!tpu.dma_semaphore, #tpu.memory_space<semaphore_mem>>)
    %dma_start3A_71 = arith.constant 1 : i32
    %dma_start3A_72 = arith.constant 80 : i32
    %dma_start3A_73 = arith.constant 0 : i32
    %dma_start3A_74 = tpu.memref_slice %arg8[%dma_start3A_72, %dma_start3A_73] : memref<320x128xf32, #tpu.memory_space<vmem>> -> memref<80x128xf32, #tpu.memory_space<vmem>>
    %dma_start3A_75 = arith.constant 0 : i32
    %dma_start3A_76 = tpu.memref_slice %arg6[%dma_start3A_71, %dma_start3A_75] : memref<4x80xi32, #tpu.memory_space<vmem>> -> memref<1x80xi32, #tpu.memory_space<vmem>>
    %dma_start3A_77 = tpu.memref_squeeze %dma_start3A_76 : memref<1x80xi32, #tpu.memory_space<vmem>> -> memref<80xi32, #tpu.memory_space<vmem>>
    %dma_start3A_78 = arith.constant 0 : i32
    %dma_start3A_79 = arith.constant 0 : i32
    %dma_start3A_80 = tpu.memref_slice %arg2[%dma_start3A_78, %dma_start3A_79] : memref<10000x128xf32, #tpu.memory_space<hbm>> -> memref<10000x128xf32, #tpu.memory_space<hbm>>
    tpu.enqueue_indirect_dma source(%dma_start3A_80 : memref<10000x128xf32, #tpu.memory_space<hbm>>) target(%dma_start3A_74 : memref<80x128xf32, #tpu.memory_space<vmem>>) offsets(%dma_start3A_77 : memref<80xi32, #tpu.memory_space<vmem>>) semaphore(%arg11 : memref<!tpu.dma_semaphore, #tpu.memory_space<semaphore_mem>>)
    %scan3A_81 = arith.constant 0 : i32
    %scan3A_82 = arith.constant 32 : i32
    %scan3A_83 = arith.addi %scan3A_81, %scan3A_82 : i32
    %scan3A_84 = arith.constant 1 : i32
    scf.for %scan3A_124 = %scan3A_81 to %scan3A_83 step %scan3A_84  : i32 {
      %mul3A_125 = arith.constant 2 : i32
      %mul3A_126 = arith.muli %mul3A_125, %scan3A_124 : i32
      %add3A_127 = arith.constant 1 : i32
      %add3A_128 = arith.addi %mul3A_126, %add3A_127 : i32
      %mul3A_129 = arith.constant 2 : i32
      %mul3A_130 = arith.muli %add3A_128, %mul3A_129 : i32
      %add3A_131 = arith.addi %mul3A_26, %mul3A_130 : i32
      %dma_start3A_132 = arith.constant 2 : i32
      %dma_start3A_133 = arith.constant 0 : i32
      %dma_start3A_134 = tpu.memref_slice %arg6[%dma_start3A_132, %dma_start3A_133] : memref<4x80xi32, #tpu.memory_space<vmem>> -> memref<2x80xi32, #tpu.memory_space<vmem>>
      %dma_start3A_135 = arith.constant 0 : i32
      %dma_start3A_136 = tpu.memref_slice %arg3[%add3A_131, %dma_start3A_135] : memref<4096x80xi32, #tpu.memory_space<hbm>> -> memref<2x80xi32, #tpu.memory_space<hbm>>
      %dma_start3A_137 = arith.constant 2 : i32
      %dma_start3A_138 = arith.constant 0 : i32
      %dma_start3A_139 = tpu.memref_slice %arg6[%dma_start3A_137, %dma_start3A_138] : memref<4x80xi32, #tpu.memory_space<vmem>> -> memref<2x80xi32, #tpu.memory_space<vmem>>
      %dma_start3A_140 = arith.constant 0 : i32
      %dma_start3A_141 = tpu.memref_slice %arg3[%add3A_131, %dma_start3A_140] : memref<4096x80xi32, #tpu.memory_space<hbm>> -> memref<2x80xi32, #tpu.memory_space<hbm>>
      tpu.enqueue_dma source(%dma_start3A_141 : memref<2x80xi32, #tpu.memory_space<hbm>>) target(%dma_start3A_139 : memref<2x80xi32, #tpu.memory_space<vmem>>) target_semaphore(%arg19 : memref<!tpu.dma_semaphore, #tpu.memory_space<semaphore_mem>>)
      %dma_wait3A_142 = arith.constant 0 : i32
      %dma_wait3A_143 = arith.constant 0 : i32
      %dma_wait3A_144 = arith.constant 0 : i32
      %dma_wait3A_145 = tpu.memref_slice %arg8[%dma_wait3A_143, %dma_wait3A_144] : memref<320x128xf32, #tpu.memory_space<vmem>> -> memref<80x128xf32, #tpu.memory_space<vmem>>
      %dma_wait3A_146 = arith.constant 0 : i32
      %dma_wait3A_147 = tpu.memref_slice %arg6[%dma_wait3A_142, %dma_wait3A_146] : memref<4x80xi32, #tpu.memory_space<vmem>> -> memref<1x80xi32, #tpu.memory_space<vmem>>
      %dma_wait3A_148 = tpu.memref_squeeze %dma_wait3A_147 : memref<1x80xi32, #tpu.memory_space<vmem>> -> memref<80xi32, #tpu.memory_space<vmem>>
      %dma_wait3A_149 = arith.constant 0 : i32
      %dma_wait3A_150 = arith.constant 0 : i32
      %dma_wait3A_151 = tpu.memref_slice %arg2[%dma_wait3A_149, %dma_wait3A_150] : memref<10000x128xf32, #tpu.memory_space<hbm>> -> memref<10000x128xf32, #tpu.memory_space<hbm>>
      tpu.wait_indirect_dma semaphore(%arg10 : memref<!tpu.dma_semaphore, #tpu.memory_space<semaphore_mem>>) src(%dma_wait3A_151 : memref<10000x128xf32, #tpu.memory_space<hbm>>) dst(%dma_wait3A_145 : memref<80x128xf32, #tpu.memory_space<vmem>>)
      %dma_wait3A_152 = arith.constant 1 : i32
      %dma_wait3A_153 = arith.constant 80 : i32
      %dma_wait3A_154 = arith.constant 0 : i32
      %dma_wait3A_155 = tpu.memref_slice %arg8[%dma_wait3A_153, %dma_wait3A_154] : memref<320x128xf32, #tpu.memory_space<vmem>> -> memref<80x128xf32, #tpu.memory_space<vmem>>
      %dma_wait3A_156 = arith.constant 0 : i32
      %dma_wait3A_157 = tpu.memref_slice %arg6[%dma_wait3A_152, %dma_wait3A_156] : memref<4x80xi32, #tpu.memory_space<vmem>> -> memref<1x80xi32, #tpu.memory_space<vmem>>
      %dma_wait3A_158 = tpu.memref_squeeze %dma_wait3A_157 : memref<1x80xi32, #tpu.memory_space<vmem>> -> memref<80xi32, #tpu.memory_space<vmem>>
      %dma_wait3A_159 = arith.constant 0 : i32
      %dma_wait3A_160 = arith.constant 0 : i32
      %dma_wait3A_161 = tpu.memref_slice %arg2[%dma_wait3A_159, %dma_wait3A_160] : memref<10000x128xf32, #tpu.memory_space<hbm>> -> memref<10000x128xf32, #tpu.memory_space<hbm>>
      tpu.wait_indirect_dma semaphore(%arg11 : memref<!tpu.dma_semaphore, #tpu.memory_space<semaphore_mem>>) src(%dma_wait3A_161 : memref<10000x128xf32, #tpu.memory_space<hbm>>) dst(%dma_wait3A_155 : memref<80x128xf32, #tpu.memory_space<vmem>>)
      %dma_wait3A_162 = arith.constant 0 : i32
      %dma_wait3A_163 = arith.constant 0 : i32
      %dma_wait3A_164 = tpu.memref_slice %arg7[%dma_wait3A_162, %dma_wait3A_163] : memref<4x80xi32, #tpu.memory_space<vmem>> -> memref<2x80xi32, #tpu.memory_space<vmem>>
      %dma_wait3A_165 = arith.constant 0 : i32
      %dma_wait3A_166 = arith.constant 0 : i32
      %dma_wait3A_167 = tpu.memref_slice %arg3[%dma_wait3A_165, %dma_wait3A_166] : memref<4096x80xi32, #tpu.memory_space<hbm>> -> memref<2x80xi32, #tpu.memory_space<hbm>>
      %dma_wait3A_168 = arith.constant 0 : i32
      %dma_wait3A_169 = arith.constant 0 : i32
      %dma_wait3A_170 = tpu.memref_slice %arg7[%dma_wait3A_168, %dma_wait3A_169] : memref<4x80xi32, #tpu.memory_space<vmem>> -> memref<2x80xi32, #tpu.memory_space<vmem>>
      %dma_wait3A_171 = arith.constant 0 : i32
      %dma_wait3A_172 = arith.constant 0 : i32
      %dma_wait3A_173 = tpu.memref_slice %arg3[%dma_wait3A_171, %dma_wait3A_172] : memref<4096x80xi32, #tpu.memory_space<hbm>> -> memref<2x80xi32, #tpu.memory_space<hbm>>
      tpu.wait_dma2 semaphore(%arg20 : memref<!tpu.dma_semaphore, #tpu.memory_space<semaphore_mem>>) src(%dma_wait3A_173 : memref<2x80xi32, #tpu.memory_space<hbm>>) dst(%dma_wait3A_170 : memref<2x80xi32, #tpu.memory_space<vmem>>)
      %dma_start3A_174 = arith.constant 0 : i32
      %dma_start3A_175 = arith.constant 0 : i32
      %dma_start3A_176 = arith.constant 0 : i32
      %dma_start3A_177 = tpu.memref_slice %arg8[%dma_start3A_175, %dma_start3A_176] : memref<320x128xf32, #tpu.memory_space<vmem>> -> memref<80x128xf32, #tpu.memory_space<vmem>>
      %dma_start3A_178 = arith.constant 0 : i32
      %dma_start3A_179 = tpu.memref_slice %arg7[%dma_start3A_174, %dma_start3A_178] : memref<4x80xi32, #tpu.memory_space<vmem>> -> memref<1x80xi32, #tpu.memory_space<vmem>>
      %dma_start3A_180 = tpu.memref_squeeze %dma_start3A_179 : memref<1x80xi32, #tpu.memory_space<vmem>> -> memref<80xi32, #tpu.memory_space<vmem>>
      %dma_start3A_181 = arith.constant 0 : i32
      %dma_start3A_182 = arith.constant 0 : i32
      %dma_start3A_183 = tpu.memref_slice %arg9[%dma_start3A_181, %dma_start3A_182] : memref<10240x128xf32, #tpu.memory_space<vmem_shared>> -> memref<10240x128xf32, #tpu.memory_space<vmem_shared>>
      tpu.enqueue_indirect_dma source(%dma_start3A_177 : memref<80x128xf32, #tpu.memory_space<vmem>>) target(%dma_start3A_183 : memref<10240x128xf32, #tpu.memory_space<vmem_shared>>) offsets(%dma_start3A_180 : memref<80xi32, #tpu.memory_space<vmem>>) semaphore(%arg14 : memref<!tpu.dma_semaphore, #tpu.memory_space<semaphore_mem>>) {add = true}
      %dma_start3A_184 = arith.constant 1 : i32
      %dma_start3A_185 = arith.constant 80 : i32
      %dma_start3A_186 = arith.constant 0 : i32
      %dma_start3A_187 = tpu.memref_slice %arg8[%dma_start3A_185, %dma_start3A_186] : memref<320x128xf32, #tpu.memory_space<vmem>> -> memref<80x128xf32, #tpu.memory_space<vmem>>
      %dma_start3A_188 = arith.constant 0 : i32
      %dma_start3A_189 = tpu.memref_slice %arg7[%dma_start3A_184, %dma_start3A_188] : memref<4x80xi32, #tpu.memory_space<vmem>> -> memref<1x80xi32, #tpu.memory_space<vmem>>
      %dma_start3A_190 = tpu.memref_squeeze %dma_start3A_189 : memref<1x80xi32, #tpu.memory_space<vmem>> -> memref<80xi32, #tpu.memory_space<vmem>>
      %dma_start3A_191 = arith.constant 0 : i32
      %dma_start3A_192 = arith.constant 0 : i32
      %dma_start3A_193 = tpu.memref_slice %arg9[%dma_start3A_191, %dma_start3A_192] : memref<10240x128xf32, #tpu.memory_space<vmem_shared>> -> memref<10240x128xf32, #tpu.memory_space<vmem_shared>>
      tpu.enqueue_indirect_dma source(%dma_start3A_187 : memref<80x128xf32, #tpu.memory_space<vmem>>) target(%dma_start3A_193 : memref<10240x128xf32, #tpu.memory_space<vmem_shared>>) offsets(%dma_start3A_190 : memref<80xi32, #tpu.memory_space<vmem>>) semaphore(%arg15 : memref<!tpu.dma_semaphore, #tpu.memory_space<semaphore_mem>>) {add = true}
      %gt3A = arith.constant 0 : i32
      %gt3A_194 = arith.cmpi sgt, %scan3A_124, %gt3A : i32
      %convert_element_type3A = arith.extui %gt3A_194 : i1 to i32
      %cond3A = arith.constant 0 : i32
      %cond3A_195 = arith.cmpi ne, %convert_element_type3A, %cond3A : i32
      scf.if %cond3A_195 {
        %dma_wait3A_324 = arith.constant 2 : i32
        %dma_wait3A_325 = arith.constant 160 : i32
        %dma_wait3A_326 = arith.constant 0 : i32
        %dma_wait3A_327 = tpu.memref_slice %arg8[%dma_wait3A_325, %dma_wait3A_326] : memref<320x128xf32, #tpu.memory_space<vmem>> -> memref<80x128xf32, #tpu.memory_space<vmem>>
        %dma_wait3A_328 = arith.constant 0 : i32
        %dma_wait3A_329 = tpu.memref_slice %arg7[%dma_wait3A_324, %dma_wait3A_328] : memref<4x80xi32, #tpu.memory_space<vmem>> -> memref<1x80xi32, #tpu.memory_space<vmem>>
        %dma_wait3A_330 = tpu.memref_squeeze %dma_wait3A_329 : memref<1x80xi32, #tpu.memory_space<vmem>> -> memref<80xi32, #tpu.memory_space<vmem>>
        %dma_wait3A_331 = arith.constant 0 : i32
        %dma_wait3A_332 = arith.constant 0 : i32
        %dma_wait3A_333 = tpu.memref_slice %arg9[%dma_wait3A_331, %dma_wait3A_332] : memref<10240x128xf32, #tpu.memory_space<vmem_shared>> -> memref<10240x128xf32, #tpu.memory_space<vmem_shared>>
        tpu.wait_indirect_dma semaphore(%arg16 : memref<!tpu.dma_semaphore, #tpu.memory_space<semaphore_mem>>) src(%dma_wait3A_327 : memref<80x128xf32, #tpu.memory_space<vmem>>) dst(%dma_wait3A_333 : memref<10240x128xf32, #tpu.memory_space<vmem_shared>>)
        %dma_wait3A_334 = arith.constant 3 : i32
        %dma_wait3A_335 = arith.constant 240 : i32
        %dma_wait3A_336 = arith.constant 0 : i32
        %dma_wait3A_337 = tpu.memref_slice %arg8[%dma_wait3A_335, %dma_wait3A_336] : memref<320x128xf32, #tpu.memory_space<vmem>> -> memref<80x128xf32, #tpu.memory_space<vmem>>
        %dma_wait3A_338 = arith.constant 0 : i32
        %dma_wait3A_339 = tpu.memref_slice %arg7[%dma_wait3A_334, %dma_wait3A_338] : memref<4x80xi32, #tpu.memory_space<vmem>> -> memref<1x80xi32, #tpu.memory_space<vmem>>
        %dma_wait3A_340 = tpu.memref_squeeze %dma_wait3A_339 : memref<1x80xi32, #tpu.memory_space<vmem>> -> memref<80xi32, #tpu.memory_space<vmem>>
        %dma_wait3A_341 = arith.constant 0 : i32
        %dma_wait3A_342 = arith.constant 0 : i32
        %dma_wait3A_343 = tpu.memref_slice %arg9[%dma_wait3A_341, %dma_wait3A_342] : memref<10240x128xf32, #tpu.memory_space<vmem_shared>> -> memref<10240x128xf32, #tpu.memory_space<vmem_shared>>
        tpu.wait_indirect_dma semaphore(%arg17 : memref<!tpu.dma_semaphore, #tpu.memory_space<semaphore_mem>>) src(%dma_wait3A_337 : memref<80x128xf32, #tpu.memory_space<vmem>>) dst(%dma_wait3A_343 : memref<10240x128xf32, #tpu.memory_space<vmem_shared>>)
      } else {
      }
      %add3A_196 = arith.constant 1 : i32
      %add3A_197 = arith.addi %mul3A_126, %add3A_196 : i32
      %mul3A_198 = arith.constant 2 : i32
      %mul3A_199 = arith.muli %add3A_197, %mul3A_198 : i32
      %add3A_200 = arith.addi %mul3A_26, %mul3A_199 : i32
      %dma_start3A_201 = arith.constant 2 : i32
      %dma_start3A_202 = arith.constant 0 : i32
      %dma_start3A_203 = tpu.memref_slice %arg7[%dma_start3A_201, %dma_start3A_202] : memref<4x80xi32, #tpu.memory_space<vmem>> -> memref<2x80xi32, #tpu.memory_space<vmem>>
      %dma_start3A_204 = arith.constant 0 : i32
      %dma_start3A_205 = tpu.memref_slice %arg4[%add3A_200, %dma_start3A_204] : memref<4096x80xi32, #tpu.memory_space<hbm>> -> memref<2x80xi32, #tpu.memory_space<hbm>>
      %dma_start3A_206 = arith.constant 2 : i32
      %dma_start3A_207 = arith.constant 0 : i32
      %dma_start3A_208 = tpu.memref_slice %arg7[%dma_start3A_206, %dma_start3A_207] : memref<4x80xi32, #tpu.memory_space<vmem>> -> memref<2x80xi32, #tpu.memory_space<vmem>>
      %dma_start3A_209 = arith.constant 0 : i32
      %dma_start3A_210 = tpu.memref_slice %arg4[%add3A_200, %dma_start3A_209] : memref<4096x80xi32, #tpu.memory_space<hbm>> -> memref<2x80xi32, #tpu.memory_space<hbm>>
      tpu.enqueue_dma source(%dma_start3A_210 : memref<2x80xi32, #tpu.memory_space<hbm>>) target(%dma_start3A_208 : memref<2x80xi32, #tpu.memory_space<vmem>>) target_semaphore(%arg21 : memref<!tpu.dma_semaphore, #tpu.memory_space<semaphore_mem>>)
      %dma_wait3A_211 = arith.constant 2 : i32
      %dma_wait3A_212 = arith.constant 0 : i32
      %dma_wait3A_213 = tpu.memref_slice %arg6[%dma_wait3A_211, %dma_wait3A_212] : memref<4x80xi32, #tpu.memory_space<vmem>> -> memref<2x80xi32, #tpu.memory_space<vmem>>
      %dma_wait3A_214 = arith.constant 0 : i32
      %dma_wait3A_215 = arith.constant 0 : i32
      %dma_wait3A_216 = tpu.memref_slice %arg3[%dma_wait3A_214, %dma_wait3A_215] : memref<4096x80xi32, #tpu.memory_space<hbm>> -> memref<2x80xi32, #tpu.memory_space<hbm>>
      %dma_wait3A_217 = arith.constant 2 : i32
      %dma_wait3A_218 = arith.constant 0 : i32
      %dma_wait3A_219 = tpu.memref_slice %arg6[%dma_wait3A_217, %dma_wait3A_218] : memref<4x80xi32, #tpu.memory_space<vmem>> -> memref<2x80xi32, #tpu.memory_space<vmem>>
      %dma_wait3A_220 = arith.constant 0 : i32
      %dma_wait3A_221 = arith.constant 0 : i32
      %dma_wait3A_222 = tpu.memref_slice %arg3[%dma_wait3A_220, %dma_wait3A_221] : memref<4096x80xi32, #tpu.memory_space<hbm>> -> memref<2x80xi32, #tpu.memory_space<hbm>>
      tpu.wait_dma2 semaphore(%arg19 : memref<!tpu.dma_semaphore, #tpu.memory_space<semaphore_mem>>) src(%dma_wait3A_222 : memref<2x80xi32, #tpu.memory_space<hbm>>) dst(%dma_wait3A_219 : memref<2x80xi32, #tpu.memory_space<vmem>>)
      %dma_start3A_223 = arith.constant 2 : i32
      %dma_start3A_224 = arith.constant 160 : i32
      %dma_start3A_225 = arith.constant 0 : i32
      %dma_start3A_226 = tpu.memref_slice %arg8[%dma_start3A_224, %dma_start3A_225] : memref<320x128xf32, #tpu.memory_space<vmem>> -> memref<80x128xf32, #tpu.memory_space<vmem>>
      %dma_start3A_227 = arith.constant 0 : i32
      %dma_start3A_228 = tpu.memref_slice %arg6[%dma_start3A_223, %dma_start3A_227] : memref<4x80xi32, #tpu.memory_space<vmem>> -> memref<1x80xi32, #tpu.memory_space<vmem>>
      %dma_start3A_229 = tpu.memref_squeeze %dma_start3A_228 : memref<1x80xi32, #tpu.memory_space<vmem>> -> memref<80xi32, #tpu.memory_space<vmem>>
      %dma_start3A_230 = arith.constant 0 : i32
      %dma_start3A_231 = arith.constant 0 : i32
      %dma_start3A_232 = tpu.memref_slice %arg2[%dma_start3A_230, %dma_start3A_231] : memref<10000x128xf32, #tpu.memory_space<hbm>> -> memref<10000x128xf32, #tpu.memory_space<hbm>>
      tpu.enqueue_indirect_dma source(%dma_start3A_232 : memref<10000x128xf32, #tpu.memory_space<hbm>>) target(%dma_start3A_226 : memref<80x128xf32, #tpu.memory_space<vmem>>) offsets(%dma_start3A_229 : memref<80xi32, #tpu.memory_space<vmem>>) semaphore(%arg12 : memref<!tpu.dma_semaphore, #tpu.memory_space<semaphore_mem>>)
      %dma_start3A_233 = arith.constant 3 : i32
      %dma_start3A_234 = arith.constant 240 : i32
      %dma_start3A_235 = arith.constant 0 : i32
      %dma_start3A_236 = tpu.memref_slice %arg8[%dma_start3A_234, %dma_start3A_235] : memref<320x128xf32, #tpu.memory_space<vmem>> -> memref<80x128xf32, #tpu.memory_space<vmem>>
      %dma_start3A_237 = arith.constant 0 : i32
      %dma_start3A_238 = tpu.memref_slice %arg6[%dma_start3A_233, %dma_start3A_237] : memref<4x80xi32, #tpu.memory_space<vmem>> -> memref<1x80xi32, #tpu.memory_space<vmem>>
      %dma_start3A_239 = tpu.memref_squeeze %dma_start3A_238 : memref<1x80xi32, #tpu.memory_space<vmem>> -> memref<80xi32, #tpu.memory_space<vmem>>
      %dma_start3A_240 = arith.constant 0 : i32
      %dma_start3A_241 = arith.constant 0 : i32
      %dma_start3A_242 = tpu.memref_slice %arg2[%dma_start3A_240, %dma_start3A_241] : memref<10000x128xf32, #tpu.memory_space<hbm>> -> memref<10000x128xf32, #tpu.memory_space<hbm>>
      tpu.enqueue_indirect_dma source(%dma_start3A_242 : memref<10000x128xf32, #tpu.memory_space<hbm>>) target(%dma_start3A_236 : memref<80x128xf32, #tpu.memory_space<vmem>>) offsets(%dma_start3A_239 : memref<80xi32, #tpu.memory_space<vmem>>) semaphore(%arg13 : memref<!tpu.dma_semaphore, #tpu.memory_space<semaphore_mem>>)
      %lt3A = arith.constant 31 : i32
      %lt3A_243 = arith.cmpi slt, %scan3A_124, %lt3A : i32
      %convert_element_type3A_244 = arith.extui %lt3A_243 : i1 to i32
      %cond3A_245 = arith.constant 0 : i32
      %cond3A_246 = arith.cmpi ne, %convert_element_type3A_244, %cond3A_245 : i32
      scf.if %cond3A_246 {
        %add3A_324 = arith.constant 2 : i32
        %add3A_325 = arith.addi %mul3A_126, %add3A_324 : i32
        %mul3A_326 = arith.constant 2 : i32
        %mul3A_327 = arith.muli %add3A_325, %mul3A_326 : i32
        %add3A_328 = arith.addi %mul3A_26, %mul3A_327 : i32
        %dma_start3A_329 = arith.constant 0 : i32
        %dma_start3A_330 = arith.constant 0 : i32
        %dma_start3A_331 = tpu.memref_slice %arg6[%dma_start3A_329, %dma_start3A_330] : memref<4x80xi32, #tpu.memory_space<vmem>> -> memref<2x80xi32, #tpu.memory_space<vmem>>
        %dma_start3A_332 = arith.constant 0 : i32
        %dma_start3A_333 = tpu.memref_slice %arg3[%add3A_328, %dma_start3A_332] : memref<4096x80xi32, #tpu.memory_space<hbm>> -> memref<2x80xi32, #tpu.memory_space<hbm>>
        %dma_start3A_334 = arith.constant 0 : i32
        %dma_start3A_335 = arith.constant 0 : i32
        %dma_start3A_336 = tpu.memref_slice %arg6[%dma_start3A_334, %dma_start3A_335] : memref<4x80xi32, #tpu.memory_space<vmem>> -> memref<2x80xi32, #tpu.memory_space<vmem>>
        %dma_start3A_337 = arith.constant 0 : i32
        %dma_start3A_338 = tpu.memref_slice %arg3[%add3A_328, %dma_start3A_337] : memref<4096x80xi32, #tpu.memory_space<hbm>> -> memref<2x80xi32, #tpu.memory_space<hbm>>
        tpu.enqueue_dma source(%dma_start3A_338 : memref<2x80xi32, #tpu.memory_space<hbm>>) target(%dma_start3A_336 : memref<2x80xi32, #tpu.memory_space<vmem>>) target_semaphore(%arg18 : memref<!tpu.dma_semaphore, #tpu.memory_space<semaphore_mem>>)
      } else {
      }
      %dma_wait3A_247 = arith.constant 2 : i32
      %dma_wait3A_248 = arith.constant 160 : i32
      %dma_wait3A_249 = arith.constant 0 : i32
      %dma_wait3A_250 = tpu.memref_slice %arg8[%dma_wait3A_248, %dma_wait3A_249] : memref<320x128xf32, #tpu.memory_space<vmem>> -> memref<80x128xf32, #tpu.memory_space<vmem>>
      %dma_wait3A_251 = arith.constant 0 : i32
      %dma_wait3A_252 = tpu.memref_slice %arg6[%dma_wait3A_247, %dma_wait3A_251] : memref<4x80xi32, #tpu.memory_space<vmem>> -> memref<1x80xi32, #tpu.memory_space<vmem>>
      %dma_wait3A_253 = tpu.memref_squeeze %dma_wait3A_252 : memref<1x80xi32, #tpu.memory_space<vmem>> -> memref<80xi32, #tpu.memory_space<vmem>>
      %dma_wait3A_254 = arith.constant 0 : i32
      %dma_wait3A_255 = arith.constant 0 : i32
      %dma_wait3A_256 = tpu.memref_slice %arg2[%dma_wait3A_254, %dma_wait3A_255] : memref<10000x128xf32, #tpu.memory_space<hbm>> -> memref<10000x128xf32, #tpu.memory_space<hbm>>
      tpu.wait_indirect_dma semaphore(%arg12 : memref<!tpu.dma_semaphore, #tpu.memory_space<semaphore_mem>>) src(%dma_wait3A_256 : memref<10000x128xf32, #tpu.memory_space<hbm>>) dst(%dma_wait3A_250 : memref<80x128xf32, #tpu.memory_space<vmem>>)
      %dma_wait3A_257 = arith.constant 3 : i32
      %dma_wait3A_258 = arith.constant 240 : i32
      %dma_wait3A_259 = arith.constant 0 : i32
      %dma_wait3A_260 = tpu.memref_slice %arg8[%dma_wait3A_258, %dma_wait3A_259] : memref<320x128xf32, #tpu.memory_space<vmem>> -> memref<80x128xf32, #tpu.memory_space<vmem>>
      %dma_wait3A_261 = arith.constant 0 : i32
      %dma_wait3A_262 = tpu.memref_slice %arg6[%dma_wait3A_257, %dma_wait3A_261] : memref<4x80xi32, #tpu.memory_space<vmem>> -> memref<1x80xi32, #tpu.memory_space<vmem>>
      %dma_wait3A_263 = tpu.memref_squeeze %dma_wait3A_262 : memref<1x80xi32, #tpu.memory_space<vmem>> -> memref<80xi32, #tpu.memory_space<vmem>>
      %dma_wait3A_264 = arith.constant 0 : i32
      %dma_wait3A_265 = arith.constant 0 : i32
      %dma_wait3A_266 = tpu.memref_slice %arg2[%dma_wait3A_264, %dma_wait3A_265] : memref<10000x128xf32, #tpu.memory_space<hbm>> -> memref<10000x128xf32, #tpu.memory_space<hbm>>
      tpu.wait_indirect_dma semaphore(%arg13 : memref<!tpu.dma_semaphore, #tpu.memory_space<semaphore_mem>>) src(%dma_wait3A_266 : memref<10000x128xf32, #tpu.memory_space<hbm>>) dst(%dma_wait3A_260 : memref<80x128xf32, #tpu.memory_space<vmem>>)
      %dma_wait3A_267 = arith.constant 2 : i32
      %dma_wait3A_268 = arith.constant 0 : i32
      %dma_wait3A_269 = tpu.memref_slice %arg7[%dma_wait3A_267, %dma_wait3A_268] : memref<4x80xi32, #tpu.memory_space<vmem>> -> memref<2x80xi32, #tpu.memory_space<vmem>>
      %dma_wait3A_270 = arith.constant 0 : i32
      %dma_wait3A_271 = arith.constant 0 : i32
      %dma_wait3A_272 = tpu.memref_slice %arg3[%dma_wait3A_270, %dma_wait3A_271] : memref<4096x80xi32, #tpu.memory_space<hbm>> -> memref<2x80xi32, #tpu.memory_space<hbm>>
      %dma_wait3A_273 = arith.constant 2 : i32
      %dma_wait3A_274 = arith.constant 0 : i32
      %dma_wait3A_275 = tpu.memref_slice %arg7[%dma_wait3A_273, %dma_wait3A_274] : memref<4x80xi32, #tpu.memory_space<vmem>> -> memref<2x80xi32, #tpu.memory_space<vmem>>
      %dma_wait3A_276 = arith.constant 0 : i32
      %dma_wait3A_277 = arith.constant 0 : i32
      %dma_wait3A_278 = tpu.memref_slice %arg3[%dma_wait3A_276, %dma_wait3A_277] : memref<4096x80xi32, #tpu.memory_space<hbm>> -> memref<2x80xi32, #tpu.memory_space<hbm>>
      tpu.wait_dma2 semaphore(%arg21 : memref<!tpu.dma_semaphore, #tpu.memory_space<semaphore_mem>>) src(%dma_wait3A_278 : memref<2x80xi32, #tpu.memory_space<hbm>>) dst(%dma_wait3A_275 : memref<2x80xi32, #tpu.memory_space<vmem>>)
      %dma_start3A_279 = arith.constant 2 : i32
      %dma_start3A_280 = arith.constant 160 : i32
      %dma_start3A_281 = arith.constant 0 : i32
      %dma_start3A_282 = tpu.memref_slice %arg8[%dma_start3A_280, %dma_start3A_281] : memref<320x128xf32, #tpu.memory_space<vmem>> -> memref<80x128xf32, #tpu.memory_space<vmem>>
      %dma_start3A_283 = arith.constant 0 : i32
      %dma_start3A_284 = tpu.memref_slice %arg7[%dma_start3A_279, %dma_start3A_283] : memref<4x80xi32, #tpu.memory_space<vmem>> -> memref<1x80xi32, #tpu.memory_space<vmem>>
      %dma_start3A_285 = tpu.memref_squeeze %dma_start3A_284 : memref<1x80xi32, #tpu.memory_space<vmem>> -> memref<80xi32, #tpu.memory_space<vmem>>
      %dma_start3A_286 = arith.constant 0 : i32
      %dma_start3A_287 = arith.constant 0 : i32
      %dma_start3A_288 = tpu.memref_slice %arg9[%dma_start3A_286, %dma_start3A_287] : memref<10240x128xf32, #tpu.memory_space<vmem_shared>> -> memref<10240x128xf32, #tpu.memory_space<vmem_shared>>
      tpu.enqueue_indirect_dma source(%dma_start3A_282 : memref<80x128xf32, #tpu.memory_space<vmem>>) target(%dma_start3A_288 : memref<10240x128xf32, #tpu.memory_space<vmem_shared>>) offsets(%dma_start3A_285 : memref<80xi32, #tpu.memory_space<vmem>>) semaphore(%arg16 : memref<!tpu.dma_semaphore, #tpu.memory_space<semaphore_mem>>) {add = true}
      %dma_start3A_289 = arith.constant 3 : i32
      %dma_start3A_290 = arith.constant 240 : i32
      %dma_start3A_291 = arith.constant 0 : i32
      %dma_start3A_292 = tpu.memref_slice %arg8[%dma_start3A_290, %dma_start3A_291] : memref<320x128xf32, #tpu.memory_space<vmem>> -> memref<80x128xf32, #tpu.memory_space<vmem>>
      %dma_start3A_293 = arith.constant 0 : i32
      %dma_start3A_294 = tpu.memref_slice %arg7[%dma_start3A_289, %dma_start3A_293] : memref<4x80xi32, #tpu.memory_space<vmem>> -> memref<1x80xi32, #tpu.memory_space<vmem>>
      %dma_start3A_295 = tpu.memref_squeeze %dma_start3A_294 : memref<1x80xi32, #tpu.memory_space<vmem>> -> memref<80xi32, #tpu.memory_space<vmem>>
      %dma_start3A_296 = arith.constant 0 : i32
      %dma_start3A_297 = arith.constant 0 : i32
      %dma_start3A_298 = tpu.memref_slice %arg9[%dma_start3A_296, %dma_start3A_297] : memref<10240x128xf32, #tpu.memory_space<vmem_shared>> -> memref<10240x128xf32, #tpu.memory_space<vmem_shared>>
      tpu.enqueue_indirect_dma source(%dma_start3A_292 : memref<80x128xf32, #tpu.memory_space<vmem>>) target(%dma_start3A_298 : memref<10240x128xf32, #tpu.memory_space<vmem_shared>>) offsets(%dma_start3A_295 : memref<80xi32, #tpu.memory_space<vmem>>) semaphore(%arg17 : memref<!tpu.dma_semaphore, #tpu.memory_space<semaphore_mem>>) {add = true}
      %dma_wait3A_299 = arith.constant 0 : i32
      %dma_wait3A_300 = arith.constant 0 : i32
      %dma_wait3A_301 = arith.constant 0 : i32
      %dma_wait3A_302 = tpu.memref_slice %arg8[%dma_wait3A_300, %dma_wait3A_301] : memref<320x128xf32, #tpu.memory_space<vmem>> -> memref<80x128xf32, #tpu.memory_space<vmem>>
      %dma_wait3A_303 = arith.constant 0 : i32
      %dma_wait3A_304 = tpu.memref_slice %arg7[%dma_wait3A_299, %dma_wait3A_303] : memref<4x80xi32, #tpu.memory_space<vmem>> -> memref<1x80xi32, #tpu.memory_space<vmem>>
      %dma_wait3A_305 = tpu.memref_squeeze %dma_wait3A_304 : memref<1x80xi32, #tpu.memory_space<vmem>> -> memref<80xi32, #tpu.memory_space<vmem>>
      %dma_wait3A_306 = arith.constant 0 : i32
      %dma_wait3A_307 = arith.constant 0 : i32
      %dma_wait3A_308 = tpu.memref_slice %arg9[%dma_wait3A_306, %dma_wait3A_307] : memref<10240x128xf32, #tpu.memory_space<vmem_shared>> -> memref<10240x128xf32, #tpu.memory_space<vmem_shared>>
      tpu.wait_indirect_dma semaphore(%arg14 : memref<!tpu.dma_semaphore, #tpu.memory_space<semaphore_mem>>) src(%dma_wait3A_302 : memref<80x128xf32, #tpu.memory_space<vmem>>) dst(%dma_wait3A_308 : memref<10240x128xf32, #tpu.memory_space<vmem_shared>>)
      %dma_wait3A_309 = arith.constant 1 : i32
      %dma_wait3A_310 = arith.constant 80 : i32
      %dma_wait3A_311 = arith.constant 0 : i32
      %dma_wait3A_312 = tpu.memref_slice %arg8[%dma_wait3A_310, %dma_wait3A_311] : memref<320x128xf32, #tpu.memory_space<vmem>> -> memref<80x128xf32, #tpu.memory_space<vmem>>
      %dma_wait3A_313 = arith.constant 0 : i32
      %dma_wait3A_314 = tpu.memref_slice %arg7[%dma_wait3A_309, %dma_wait3A_313] : memref<4x80xi32, #tpu.memory_space<vmem>> -> memref<1x80xi32, #tpu.memory_space<vmem>>
      %dma_wait3A_315 = tpu.memref_squeeze %dma_wait3A_314 : memref<1x80xi32, #tpu.memory_space<vmem>> -> memref<80xi32, #tpu.memory_space<vmem>>
      %dma_wait3A_316 = arith.constant 0 : i32
      %dma_wait3A_317 = arith.constant 0 : i32
      %dma_wait3A_318 = tpu.memref_slice %arg9[%dma_wait3A_316, %dma_wait3A_317] : memref<10240x128xf32, #tpu.memory_space<vmem_shared>> -> memref<10240x128xf32, #tpu.memory_space<vmem_shared>>
      tpu.wait_indirect_dma semaphore(%arg15 : memref<!tpu.dma_semaphore, #tpu.memory_space<semaphore_mem>>) src(%dma_wait3A_312 : memref<80x128xf32, #tpu.memory_space<vmem>>) dst(%dma_wait3A_318 : memref<10240x128xf32, #tpu.memory_space<vmem_shared>>)
      %lt3A_319 = arith.constant 31 : i32
      %lt3A_320 = arith.cmpi slt, %scan3A_124, %lt3A_319 : i32
      %convert_element_type3A_321 = arith.extui %lt3A_320 : i1 to i32
      %cond3A_322 = arith.constant 0 : i32
      %cond3A_323 = arith.cmpi ne, %convert_element_type3A_321, %cond3A_322 : i32
      scf.if %cond3A_323 {
        %add3A_324 = arith.constant 2 : i32
        %add3A_325 = arith.addi %mul3A_126, %add3A_324 : i32
        %mul3A_326 = arith.constant 2 : i32
        %mul3A_327 = arith.muli %add3A_325, %mul3A_326 : i32
        %add3A_328 = arith.addi %mul3A_26, %mul3A_327 : i32
        %dma_start3A_329 = arith.constant 0 : i32
        %dma_start3A_330 = arith.constant 0 : i32
        %dma_start3A_331 = tpu.memref_slice %arg7[%dma_start3A_329, %dma_start3A_330] : memref<4x80xi32, #tpu.memory_space<vmem>> -> memref<2x80xi32, #tpu.memory_space<vmem>>
        %dma_start3A_332 = arith.constant 0 : i32
        %dma_start3A_333 = tpu.memref_slice %arg4[%add3A_328, %dma_start3A_332] : memref<4096x80xi32, #tpu.memory_space<hbm>> -> memref<2x80xi32, #tpu.memory_space<hbm>>
        %dma_start3A_334 = arith.constant 0 : i32
        %dma_start3A_335 = arith.constant 0 : i32
        %dma_start3A_336 = tpu.memref_slice %arg7[%dma_start3A_334, %dma_start3A_335] : memref<4x80xi32, #tpu.memory_space<vmem>> -> memref<2x80xi32, #tpu.memory_space<vmem>>
        %dma_start3A_337 = arith.constant 0 : i32
        %dma_start3A_338 = tpu.memref_slice %arg4[%add3A_328, %dma_start3A_337] : memref<4096x80xi32, #tpu.memory_space<hbm>> -> memref<2x80xi32, #tpu.memory_space<hbm>>
        tpu.enqueue_dma source(%dma_start3A_338 : memref<2x80xi32, #tpu.memory_space<hbm>>) target(%dma_start3A_336 : memref<2x80xi32, #tpu.memory_space<vmem>>) target_semaphore(%arg20 : memref<!tpu.dma_semaphore, #tpu.memory_space<semaphore_mem>>)
        %dma_wait3A_339 = arith.constant 0 : i32
        %dma_wait3A_340 = arith.constant 0 : i32
        %dma_wait3A_341 = tpu.memref_slice %arg6[%dma_wait3A_339, %dma_wait3A_340] : memref<4x80xi32, #tpu.memory_space<vmem>> -> memref<2x80xi32, #tpu.memory_space<vmem>>
        %dma_wait3A_342 = arith.constant 0 : i32
        %dma_wait3A_343 = arith.constant 0 : i32
        %dma_wait3A_344 = tpu.memref_slice %arg3[%dma_wait3A_342, %dma_wait3A_343] : memref<4096x80xi32, #tpu.memory_space<hbm>> -> memref<2x80xi32, #tpu.memory_space<hbm>>
        %dma_wait3A_345 = arith.constant 0 : i32
        %dma_wait3A_346 = arith.constant 0 : i32
        %dma_wait3A_347 = tpu.memref_slice %arg6[%dma_wait3A_345, %dma_wait3A_346] : memref<4x80xi32, #tpu.memory_space<vmem>> -> memref<2x80xi32, #tpu.memory_space<vmem>>
        %dma_wait3A_348 = arith.constant 0 : i32
        %dma_wait3A_349 = arith.constant 0 : i32
        %dma_wait3A_350 = tpu.memref_slice %arg3[%dma_wait3A_348, %dma_wait3A_349] : memref<4096x80xi32, #tpu.memory_space<hbm>> -> memref<2x80xi32, #tpu.memory_space<hbm>>
        tpu.wait_dma2 semaphore(%arg18 : memref<!tpu.dma_semaphore, #tpu.memory_space<semaphore_mem>>) src(%dma_wait3A_350 : memref<2x80xi32, #tpu.memory_space<hbm>>) dst(%dma_wait3A_347 : memref<2x80xi32, #tpu.memory_space<vmem>>)
        %dma_start3A_351 = arith.constant 0 : i32
        %dma_start3A_352 = arith.constant 0 : i32
        %dma_start3A_353 = arith.constant 0 : i32
        %dma_start3A_354 = tpu.memref_slice %arg8[%dma_start3A_352, %dma_start3A_353] : memref<320x128xf32, #tpu.memory_space<vmem>> -> memref<80x128xf32, #tpu.memory_space<vmem>>
        %dma_start3A_355 = arith.constant 0 : i32
        %dma_start3A_356 = tpu.memref_slice %arg6[%dma_start3A_351, %dma_start3A_355] : memref<4x80xi32, #tpu.memory_space<vmem>> -> memref<1x80xi32, #tpu.memory_space<vmem>>
        %dma_start3A_357 = tpu.memref_squeeze %dma_start3A_356 : memref<1x80xi32, #tpu.memory_space<vmem>> -> memref<80xi32, #tpu.memory_space<vmem>>
        %dma_start3A_358 = arith.constant 0 : i32
        %dma_start3A_359 = arith.constant 0 : i32
        %dma_start3A_360 = tpu.memref_slice %arg2[%dma_start3A_358, %dma_start3A_359] : memref<10000x128xf32, #tpu.memory_space<hbm>> -> memref<10000x128xf32, #tpu.memory_space<hbm>>
        tpu.enqueue_indirect_dma source(%dma_start3A_360 : memref<10000x128xf32, #tpu.memory_space<hbm>>) target(%dma_start3A_354 : memref<80x128xf32, #tpu.memory_space<vmem>>) offsets(%dma_start3A_357 : memref<80xi32, #tpu.memory_space<vmem>>) semaphore(%arg10 : memref<!tpu.dma_semaphore, #tpu.memory_space<semaphore_mem>>)
        %dma_start3A_361 = arith.constant 1 : i32
        %dma_start3A_362 = arith.constant 80 : i32
        %dma_start3A_363 = arith.constant 0 : i32
        %dma_start3A_364 = tpu.memref_slice %arg8[%dma_start3A_362, %dma_start3A_363] : memref<320x128xf32, #tpu.memory_space<vmem>> -> memref<80x128xf32, #tpu.memory_space<vmem>>
        %dma_start3A_365 = arith.constant 0 : i32
        %dma_start3A_366 = tpu.memref_slice %arg6[%dma_start3A_361, %dma_start3A_365] : memref<4x80xi32, #tpu.memory_space<vmem>> -> memref<1x80xi32, #tpu.memory_space<vmem>>
        %dma_start3A_367 = tpu.memref_squeeze %dma_start3A_366 : memref<1x80xi32, #tpu.memory_space<vmem>> -> memref<80xi32, #tpu.memory_space<vmem>>
        %dma_start3A_368 = arith.constant 0 : i32
        %dma_start3A_369 = arith.constant 0 : i32
        %dma_start3A_370 = tpu.memref_slice %arg2[%dma_start3A_368, %dma_start3A_369] : memref<10000x128xf32, #tpu.memory_space<hbm>> -> memref<10000x128xf32, #tpu.memory_space<hbm>>
        tpu.enqueue_indirect_dma source(%dma_start3A_370 : memref<10000x128xf32, #tpu.memory_space<hbm>>) target(%dma_start3A_364 : memref<80x128xf32, #tpu.memory_space<vmem>>) offsets(%dma_start3A_367 : memref<80xi32, #tpu.memory_space<vmem>>) semaphore(%arg11 : memref<!tpu.dma_semaphore, #tpu.memory_space<semaphore_mem>>)
      } else {
      }
    }
    %scan3A_85 = arith.constant 32 : i32
    %dma_wait3A_86 = arith.constant 2 : i32
    %dma_wait3A_87 = arith.constant 160 : i32
    %dma_wait3A_88 = arith.constant 0 : i32
    %dma_wait3A_89 = tpu.memref_slice %arg8[%dma_wait3A_87, %dma_wait3A_88] : memref<320x128xf32, #tpu.memory_space<vmem>> -> memref<80x128xf32, #tpu.memory_space<vmem>>
    %dma_wait3A_90 = arith.constant 0 : i32
    %dma_wait3A_91 = tpu.memref_slice %arg7[%dma_wait3A_86, %dma_wait3A_90] : memref<4x80xi32, #tpu.memory_space<vmem>> -> memref<1x80xi32, #tpu.memory_space<vmem>>
    %dma_wait3A_92 = tpu.memref_squeeze %dma_wait3A_91 : memref<1x80xi32, #tpu.memory_space<vmem>> -> memref<80xi32, #tpu.memory_space<vmem>>
    %dma_wait3A_93 = arith.constant 0 : i32
    %dma_wait3A_94 = arith.constant 0 : i32
    %dma_wait3A_95 = tpu.memref_slice %arg9[%dma_wait3A_93, %dma_wait3A_94] : memref<10240x128xf32, #tpu.memory_space<vmem_shared>> -> memref<10240x128xf32, #tpu.memory_space<vmem_shared>>
    tpu.wait_indirect_dma semaphore(%arg16 : memref<!tpu.dma_semaphore, #tpu.memory_space<semaphore_mem>>) src(%dma_wait3A_89 : memref<80x128xf32, #tpu.memory_space<vmem>>) dst(%dma_wait3A_95 : memref<10240x128xf32, #tpu.memory_space<vmem_shared>>)
    %dma_wait3A_96 = arith.constant 3 : i32
    %dma_wait3A_97 = arith.constant 240 : i32
    %dma_wait3A_98 = arith.constant 0 : i32
    %dma_wait3A_99 = tpu.memref_slice %arg8[%dma_wait3A_97, %dma_wait3A_98] : memref<320x128xf32, #tpu.memory_space<vmem>> -> memref<80x128xf32, #tpu.memory_space<vmem>>
    %dma_wait3A_100 = arith.constant 0 : i32
    %dma_wait3A_101 = tpu.memref_slice %arg7[%dma_wait3A_96, %dma_wait3A_100] : memref<4x80xi32, #tpu.memory_space<vmem>> -> memref<1x80xi32, #tpu.memory_space<vmem>>
    %dma_wait3A_102 = tpu.memref_squeeze %dma_wait3A_101 : memref<1x80xi32, #tpu.memory_space<vmem>> -> memref<80xi32, #tpu.memory_space<vmem>>
    %dma_wait3A_103 = arith.constant 0 : i32
    %dma_wait3A_104 = arith.constant 0 : i32
    %dma_wait3A_105 = tpu.memref_slice %arg9[%dma_wait3A_103, %dma_wait3A_104] : memref<10240x128xf32, #tpu.memory_space<vmem_shared>> -> memref<10240x128xf32, #tpu.memory_space<vmem_shared>>
    tpu.wait_indirect_dma semaphore(%arg17 : memref<!tpu.dma_semaphore, #tpu.memory_space<semaphore_mem>>) src(%dma_wait3A_99 : memref<80x128xf32, #tpu.memory_space<vmem>>) dst(%dma_wait3A_105 : memref<10240x128xf32, #tpu.memory_space<vmem_shared>>)
    %barrier3A_106 = arith.constant 0 : index
    tpu.barrier barrier_id(%barrier3A_106)
    %mul3A_107 = arith.constant 10240 : i32
    %mul3A_108 = arith.muli %arg0, %mul3A_107 : i32
    %mul3A_109 = arith.constant 640 : i32
    %mul3A_110 = arith.muli %arg1, %mul3A_109 : i32
    %add3A_111 = arith.addi %mul3A_108, %mul3A_110 : i32
    %mul3A_112 = arith.constant 640 : i32
    %mul3A_113 = arith.muli %arg1, %mul3A_112 : i32
    %add3A_114 = arith.constant 0 : i32
    %add3A_115 = arith.addi %mul3A_113, %add3A_114 : i32
    "tpu.region"() ({
      %run_scoped3A = tpu.sem_alloc : memref<!tpu.dma_semaphore, #tpu.memory_space<semaphore_mem>>
      %dma_start3A_124 = arith.constant 0 : i32
      %dma_start3A_125 = arith.constant 0 : i32
      %dma_start3A_126 = tpu.memref_slice %arg8[%dma_start3A_124, %dma_start3A_125] : memref<320x128xf32, #tpu.memory_space<vmem>> -> memref<320x128xf32, #tpu.memory_space<vmem>>
      %dma_start3A_127 = arith.constant 0 : i32
      %dma_start3A_128 = tpu.memref_slice %arg9[%add3A_115, %dma_start3A_127] : memref<10240x128xf32, #tpu.memory_space<vmem_shared>> -> memref<320x128xf32, #tpu.memory_space<vmem_shared>>
      %dma_start3A_129 = arith.constant 0 : i32
      %dma_start3A_130 = arith.constant 0 : i32
      %dma_start3A_131 = tpu.memref_slice %arg8[%dma_start3A_129, %dma_start3A_130] : memref<320x128xf32, #tpu.memory_space<vmem>> -> memref<320x128xf32, #tpu.memory_space<vmem>>
      %dma_start3A_132 = arith.constant 0 : i32
      %dma_start3A_133 = tpu.memref_slice %arg9[%add3A_115, %dma_start3A_132] : memref<10240x128xf32, #tpu.memory_space<vmem_shared>> -> memref<320x128xf32, #tpu.memory_space<vmem_shared>>
      tpu.enqueue_dma source(%dma_start3A_133 : memref<320x128xf32, #tpu.memory_space<vmem_shared>>) target(%dma_start3A_131 : memref<320x128xf32, #tpu.memory_space<vmem>>) target_semaphore(%run_scoped3A : memref<!tpu.dma_semaphore, #tpu.memory_space<semaphore_mem>>)
      %dma_wait3A_134 = arith.constant 0 : i32
      %dma_wait3A_135 = arith.constant 0 : i32
      %dma_wait3A_136 = tpu.memref_slice %arg8[%dma_wait3A_134, %dma_wait3A_135] : memref<320x128xf32, #tpu.memory_space<vmem>> -> memref<320x128xf32, #tpu.memory_space<vmem>>
      %dma_wait3A_137 = arith.constant 0 : i32
      %dma_wait3A_138 = tpu.memref_slice %arg9[%add3A_115, %dma_wait3A_137] : memref<10240x128xf32, #tpu.memory_space<vmem_shared>> -> memref<320x128xf32, #tpu.memory_space<vmem_shared>>
      %dma_wait3A_139 = arith.constant 0 : i32
      %dma_wait3A_140 = arith.constant 0 : i32
      %dma_wait3A_141 = tpu.memref_slice %arg8[%dma_wait3A_139, %dma_wait3A_140] : memref<320x128xf32, #tpu.memory_space<vmem>> -> memref<320x128xf32, #tpu.memory_space<vmem>>
      %dma_wait3A_142 = arith.constant 0 : i32
      %dma_wait3A_143 = tpu.memref_slice %arg9[%add3A_115, %dma_wait3A_142] : memref<10240x128xf32, #tpu.memory_space<vmem_shared>> -> memref<320x128xf32, #tpu.memory_space<vmem_shared>>
      tpu.wait_dma2 semaphore(%run_scoped3A : memref<!tpu.dma_semaphore, #tpu.memory_space<semaphore_mem>>) src(%dma_wait3A_143 : memref<320x128xf32, #tpu.memory_space<vmem_shared>>) dst(%dma_wait3A_141 : memref<320x128xf32, #tpu.memory_space<vmem>>)
      tpu.yield
    }) : () -> ()
    %add3A_116 = arith.constant 0 : i32
    %add3A_117 = arith.addi %add3A_111, %add3A_116 : i32
    "tpu.region"() ({
      %run_scoped3A = tpu.sem_alloc : memref<!tpu.dma_semaphore, #tpu.memory_space<semaphore_mem>>
      %dma_start3A_124 = arith.constant 0 : i32
      %dma_start3A_125 = arith.constant 0 : i32
      %dma_start3A_126 = tpu.memref_slice %arg8[%dma_start3A_124, %dma_start3A_125] : memref<320x128xf32, #tpu.memory_space<vmem>> -> memref<320x128xf32, #tpu.memory_space<vmem>>
      %dma_start3A_127 = arith.constant 0 : i32
      %dma_start3A_128 = tpu.memref_slice %arg5[%add3A_117, %dma_start3A_127] : memref<20480x128xf32, #tpu.memory_space<hbm>> -> memref<320x128xf32, #tpu.memory_space<hbm>>
      %dma_start3A_129 = arith.constant 0 : i32
      %dma_start3A_130 = tpu.memref_slice %arg5[%add3A_117, %dma_start3A_129] : memref<20480x128xf32, #tpu.memory_space<hbm>> -> memref<320x128xf32, #tpu.memory_space<hbm>>
      %dma_start3A_131 = arith.constant 0 : i32
      %dma_start3A_132 = arith.constant 0 : i32
      %dma_start3A_133 = tpu.memref_slice %arg8[%dma_start3A_131, %dma_start3A_132] : memref<320x128xf32, #tpu.memory_space<vmem>> -> memref<320x128xf32, #tpu.memory_space<vmem>>
      tpu.enqueue_dma source(%dma_start3A_133 : memref<320x128xf32, #tpu.memory_space<vmem>>) target(%dma_start3A_130 : memref<320x128xf32, #tpu.memory_space<hbm>>) target_semaphore(%run_scoped3A : memref<!tpu.dma_semaphore, #tpu.memory_space<semaphore_mem>>)
      %dma_wait3A_134 = arith.constant 0 : i32
      %dma_wait3A_135 = arith.constant 0 : i32
      %dma_wait3A_136 = tpu.memref_slice %arg8[%dma_wait3A_134, %dma_wait3A_135] : memref<320x128xf32, #tpu.memory_space<vmem>> -> memref<320x128xf32, #tpu.memory_space<vmem>>
      %dma_wait3A_137 = arith.constant 0 : i32
      %dma_wait3A_138 = tpu.memref_slice %arg5[%add3A_117, %dma_wait3A_137] : memref<20480x128xf32, #tpu.memory_space<hbm>> -> memref<320x128xf32, #tpu.memory_space<hbm>>
      %dma_wait3A_139 = arith.constant 0 : i32
      %dma_wait3A_140 = tpu.memref_slice %arg5[%add3A_117, %dma_wait3A_139] : memref<20480x128xf32, #tpu.memory_space<hbm>> -> memref<320x128xf32, #tpu.memory_space<hbm>>
      %dma_wait3A_141 = arith.constant 0 : i32
      %dma_wait3A_142 = arith.constant 0 : i32
      %dma_wait3A_143 = tpu.memref_slice %arg8[%dma_wait3A_141, %dma_wait3A_142] : memref<320x128xf32, #tpu.memory_space<vmem>> -> memref<320x128xf32, #tpu.memory_space<vmem>>
      tpu.wait_dma2 semaphore(%run_scoped3A : memref<!tpu.dma_semaphore, #tpu.memory_space<semaphore_mem>>) src(%dma_wait3A_143 : memref<320x128xf32, #tpu.memory_space<vmem>>) dst(%dma_wait3A_140 : memref<320x128xf32, #tpu.memory_space<hbm>>)
      tpu.yield
    }) : () -> ()
    %mul3A_118 = arith.constant 640 : i32
    %mul3A_119 = arith.muli %arg1, %mul3A_118 : i32
    %add3A_120 = arith.constant 320 : i32
    %add3A_121 = arith.addi %mul3A_119, %add3A_120 : i32
    "tpu.region"() ({
      %run_scoped3A = tpu.sem_alloc : memref<!tpu.dma_semaphore, #tpu.memory_space<semaphore_mem>>
      %dma_start3A_124 = arith.constant 0 : i32
      %dma_start3A_125 = arith.constant 0 : i32
      %dma_start3A_126 = tpu.memref_slice %arg8[%dma_start3A_124, %dma_start3A_125] : memref<320x128xf32, #tpu.memory_space<vmem>> -> memref<320x128xf32, #tpu.memory_space<vmem>>
      %dma_start3A_127 = arith.constant 0 : i32
      %dma_start3A_128 = tpu.memref_slice %arg9[%add3A_121, %dma_start3A_127] : memref<10240x128xf32, #tpu.memory_space<vmem_shared>> -> memref<320x128xf32, #tpu.memory_space<vmem_shared>>
      %dma_start3A_129 = arith.constant 0 : i32
      %dma_start3A_130 = arith.constant 0 : i32
      %dma_start3A_131 = tpu.memref_slice %arg8[%dma_start3A_129, %dma_start3A_130] : memref<320x128xf32, #tpu.memory_space<vmem>> -> memref<320x128xf32, #tpu.memory_space<vmem>>
      %dma_start3A_132 = arith.constant 0 : i32
      %dma_start3A_133 = tpu.memref_slice %arg9[%add3A_121, %dma_start3A_132] : memref<10240x128xf32, #tpu.memory_space<vmem_shared>> -> memref<320x128xf32, #tpu.memory_space<vmem_shared>>
      tpu.enqueue_dma source(%dma_start3A_133 : memref<320x128xf32, #tpu.memory_space<vmem_shared>>) target(%dma_start3A_131 : memref<320x128xf32, #tpu.memory_space<vmem>>) target_semaphore(%run_scoped3A : memref<!tpu.dma_semaphore, #tpu.memory_space<semaphore_mem>>)
      %dma_wait3A_134 = arith.constant 0 : i32
      %dma_wait3A_135 = arith.constant 0 : i32
      %dma_wait3A_136 = tpu.memref_slice %arg8[%dma_wait3A_134, %dma_wait3A_135] : memref<320x128xf32, #tpu.memory_space<vmem>> -> memref<320x128xf32, #tpu.memory_space<vmem>>
      %dma_wait3A_137 = arith.constant 0 : i32
      %dma_wait3A_138 = tpu.memref_slice %arg9[%add3A_121, %dma_wait3A_137] : memref<10240x128xf32, #tpu.memory_space<vmem_shared>> -> memref<320x128xf32, #tpu.memory_space<vmem_shared>>
      %dma_wait3A_139 = arith.constant 0 : i32
      %dma_wait3A_140 = arith.constant 0 : i32
      %dma_wait3A_141 = tpu.memref_slice %arg8[%dma_wait3A_139, %dma_wait3A_140] : memref<320x128xf32, #tpu.memory_space<vmem>> -> memref<320x128xf32, #tpu.memory_space<vmem>>
      %dma_wait3A_142 = arith.constant 0 : i32
      %dma_wait3A_143 = tpu.memref_slice %arg9[%add3A_121, %dma_wait3A_142] : memref<10240x128xf32, #tpu.memory_space<vmem_shared>> -> memref<320x128xf32, #tpu.memory_space<vmem_shared>>
      tpu.wait_dma2 semaphore(%run_scoped3A : memref<!tpu.dma_semaphore, #tpu.memory_space<semaphore_mem>>) src(%dma_wait3A_143 : memref<320x128xf32, #tpu.memory_space<vmem_shared>>) dst(%dma_wait3A_141 : memref<320x128xf32, #tpu.memory_space<vmem>>)
      tpu.yield
    }) : () -> ()
    %add3A_122 = arith.constant 320 : i32
    %add3A_123 = arith.addi %add3A_111, %add3A_122 : i32
    "tpu.region"() ({
      %run_scoped3A = tpu.sem_alloc : memref<!tpu.dma_semaphore, #tpu.memory_space<semaphore_mem>>
      %dma_start3A_124 = arith.constant 0 : i32
      %dma_start3A_125 = arith.constant 0 : i32
      %dma_start3A_126 = tpu.memref_slice %arg8[%dma_start3A_124, %dma_start3A_125] : memref<320x128xf32, #tpu.memory_space<vmem>> -> memref<320x128xf32, #tpu.memory_space<vmem>>
      %dma_start3A_127 = arith.constant 0 : i32
      %dma_start3A_128 = tpu.memref_slice %arg5[%add3A_123, %dma_start3A_127] : memref<20480x128xf32, #tpu.memory_space<hbm>> -> memref<320x128xf32, #tpu.memory_space<hbm>>
      %dma_start3A_129 = arith.constant 0 : i32
      %dma_start3A_130 = tpu.memref_slice %arg5[%add3A_123, %dma_start3A_129] : memref<20480x128xf32, #tpu.memory_space<hbm>> -> memref<320x128xf32, #tpu.memory_space<hbm>>
      %dma_start3A_131 = arith.constant 0 : i32
      %dma_start3A_132 = arith.constant 0 : i32
      %dma_start3A_133 = tpu.memref_slice %arg8[%dma_start3A_131, %dma_start3A_132] : memref<320x128xf32, #tpu.memory_space<vmem>> -> memref<320x128xf32, #tpu.memory_space<vmem>>
      tpu.enqueue_dma source(%dma_start3A_133 : memref<320x128xf32, #tpu.memory_space<vmem>>) target(%dma_start3A_130 : memref<320x128xf32, #tpu.memory_space<hbm>>) target_semaphore(%run_scoped3A : memref<!tpu.dma_semaphore, #tpu.memory_space<semaphore_mem>>)
      %dma_wait3A_134 = arith.constant 0 : i32
      %dma_wait3A_135 = arith.constant 0 : i32
      %dma_wait3A_136 = tpu.memref_slice %arg8[%dma_wait3A_134, %dma_wait3A_135] : memref<320x128xf32, #tpu.memory_space<vmem>> -> memref<320x128xf32, #tpu.memory_space<vmem>>
      %dma_wait3A_137 = arith.constant 0 : i32
      %dma_wait3A_138 = tpu.memref_slice %arg5[%add3A_123, %dma_wait3A_137] : memref<20480x128xf32, #tpu.memory_space<hbm>> -> memref<320x128xf32, #tpu.memory_space<hbm>>
      %dma_wait3A_139 = arith.constant 0 : i32
      %dma_wait3A_140 = tpu.memref_slice %arg5[%add3A_123, %dma_wait3A_139] : memref<20480x128xf32, #tpu.memory_space<hbm>> -> memref<320x128xf32, #tpu.memory_space<hbm>>
      %dma_wait3A_141 = arith.constant 0 : i32
      %dma_wait3A_142 = arith.constant 0 : i32
      %dma_wait3A_143 = tpu.memref_slice %arg8[%dma_wait3A_141, %dma_wait3A_142] : memref<320x128xf32, #tpu.memory_space<vmem>> -> memref<320x128xf32, #tpu.memory_space<vmem>>
      tpu.wait_dma2 semaphore(%run_scoped3A : memref<!tpu.dma_semaphore, #tpu.memory_space<semaphore_mem>>) src(%dma_wait3A_143 : memref<320x128xf32, #tpu.memory_space<vmem>>) dst(%dma_wait3A_140 : memref<320x128xf32, #tpu.memory_space<hbm>>)
      tpu.yield
    }) : () -> ()
    return
  }
}

module attributes {stable_mosaic.version = 14 : i64} {
  func.func @_k0_body(%arg0: i32, %arg1: memref<2000x128xf32, #tpu.memory_space<vmem>>, %arg2: memref<128x128xf32, #tpu.memory_space<vmem>>, %arg3: memref<1x128xf32, #tpu.memory_space<vmem>>, %arg4: memref<128x128xf32, #tpu.memory_space<vmem>>, %arg5: memref<2000x1xf32, #tpu.memory_space<vmem>>, %arg6: memref<2000x128xf32, #tpu.memory_space<vmem>>, %arg7: memref<2000x128xf32, #tpu.memory_space<vmem>>) attributes {dimension_semantics = [#tpu.dimension_semantics<arbitrary>], iteration_bounds = array<i64: 5>, scalar_prefetch = 0 : i64, scratch_operands = 0 : i64, tpu.core_type = #tpu.core_type<tc>, window_params = [{transform_indices = @transform_0, window_bounds = array<i64: 2000, 128>}, {pipeline_mode = #tpu.pipeline_mode<synchronous>, transform_indices = @transform_1, window_bounds = array<i64: 128, 128>}, {pipeline_mode = #tpu.pipeline_mode<synchronous>, transform_indices = @transform_2, window_bounds = array<i64: 1, 128>}, {pipeline_mode = #tpu.pipeline_mode<synchronous>, transform_indices = @transform_3, window_bounds = array<i64: 128, 128>}, {transform_indices = @transform_4, window_bounds = array<i64: 2000, 1>}, {transform_indices = @transform_5, window_bounds = array<i64: 2000, 128>}, {transform_indices = @transform_6, window_bounds = array<i64: 2000, 128>}]} {
    %get3A = arith.constant 0 : index
    %get3A_0 = arith.constant 0 : index
    %get3A_1 = vector.load %arg1[%get3A, %get3A_0] : memref<2000x128xf32, #tpu.memory_space<vmem>>, vector<2000x128xf32>
    %get3A_2 = arith.constant 0 : index
    %get3A_3 = arith.constant 0 : index
    %get3A_4 = vector.load %arg2[%get3A_2, %get3A_3] : memref<128x128xf32, #tpu.memory_space<vmem>>, vector<128x128xf32>
    %dot_general3A = arith.constant dense<0.000000e+00> : vector<2000x128xf32>
    %dot_general3A_5 = tpu.matmul %get3A_1, %get3A_4, %dot_general3A {dimension_numbers = #tpu.dot_dimension_numbers<[1], [0], [0], [1], [0, 0, 1, 1], [], []>, transpose_lhs_hint = false} : vector<2000x128xf32>, vector<128x128xf32>, vector<2000x128xf32> -> vector<2000x128xf32>
    %get3A_6 = arith.constant 0 : index
    %get3A_7 = arith.constant 0 : index
    %get3A_8 = vector.load %arg3[%get3A_6, %get3A_7] : memref<1x128xf32, #tpu.memory_space<vmem>>, vector<1x128xf32>
    %add3A = vector.broadcast %get3A_8 : vector<1x128xf32> to vector<2000x128xf32>
    %add3A_9 = arith.addf %dot_general3A_5, %add3A : vector<2000x128xf32>
    %max3A = arith.constant 0.000000e+00 : f32
    %max3A_10 = vector.broadcast %max3A : f32 to vector<2000x128xf32>
    %max3A_11 = arith.maximumf %add3A_9, %max3A_10 : vector<2000x128xf32>
    %swap3A = arith.constant 0 : index
    %swap3A_12 = arith.constant 0 : index
    %swap3A_13 = vector.load %arg6[%swap3A, %swap3A_12] : memref<2000x128xf32, #tpu.memory_space<vmem>>, vector<2000x128xf32>
    tpu.vector_store %arg6[%swap3A, %swap3A_12], %max3A_11 {strides = array<i32>} : memref<2000x128xf32, #tpu.memory_space<vmem>>, vector<2000x128xf32>,
    %get3A_14 = arith.constant 0 : index
    %get3A_15 = arith.constant 0 : index
    %get3A_16 = vector.load %arg4[%get3A_14, %get3A_15] : memref<128x128xf32, #tpu.memory_space<vmem>>, vector<128x128xf32>
    %dot_general3A_17 = arith.constant dense<0.000000e+00> : vector<2000x128xf32>
    %dot_general3A_18 = tpu.matmul %max3A_11, %get3A_16, %dot_general3A_17 {dimension_numbers = #tpu.dot_dimension_numbers<[1], [0], [0], [1], [0, 0, 1, 1], [], []>, transpose_lhs_hint = false} : vector<2000x128xf32>, vector<128x128xf32>, vector<2000x128xf32> -> vector<2000x128xf32>
    %get3A_19 = arith.constant 0 : index
    %get3A_20 = arith.constant 0 : index
    %get3A_21 = vector.load %arg5[%get3A_19, %get3A_20] : memref<2000x1xf32, #tpu.memory_space<vmem>>, vector<2000x1xf32>
    %mul3A = vector.broadcast %get3A_21 : vector<2000x1xf32> to vector<2000x128xf32>
    %mul3A_22 = arith.mulf %dot_general3A_18, %mul3A : vector<2000x128xf32>
    %swap3A_23 = arith.constant 0 : index
    %swap3A_24 = arith.constant 0 : index
    %swap3A_25 = vector.load %arg7[%swap3A_23, %swap3A_24] : memref<2000x128xf32, #tpu.memory_space<vmem>>, vector<2000x128xf32>
    tpu.vector_store %arg7[%swap3A_23, %swap3A_24], %mul3A_22 {strides = array<i32>} : memref<2000x128xf32, #tpu.memory_space<vmem>>, vector<2000x128xf32>,
    return
  }
  func.func @transform_0(%arg0: i32) -> (i32, i32) {
    %c0_i32 = arith.constant 0 : i32
    %c0_i32_0 = arith.constant 0 : i32
    return %arg0, %c0_i32 : i32, i32
  }
  func.func @transform_1(%arg0: i32) -> (i32, i32) {
    %c0_i32 = arith.constant 0 : i32
    %c0_i32_0 = arith.constant 0 : i32
    %c0_i32_1 = arith.constant 0 : i32
    return %c0_i32, %c0_i32_0 : i32, i32
  }
  func.func @transform_2(%arg0: i32) -> (i32, i32) {
    %c0_i32 = arith.constant 0 : i32
    %c0_i32_0 = arith.constant 0 : i32
    %c0_i32_1 = arith.constant 0 : i32
    return %c0_i32, %c0_i32_0 : i32, i32
  }
  func.func @transform_3(%arg0: i32) -> (i32, i32) {
    %c0_i32 = arith.constant 0 : i32
    %c0_i32_0 = arith.constant 0 : i32
    %c0_i32_1 = arith.constant 0 : i32
    return %c0_i32, %c0_i32_0 : i32, i32
  }
  func.func @transform_4(%arg0: i32) -> (i32, i32) {
    %c0_i32 = arith.constant 0 : i32
    %c0_i32_0 = arith.constant 0 : i32
    return %arg0, %c0_i32 : i32, i32
  }
  func.func @transform_5(%arg0: i32) -> (i32, i32) {
    %c0_i32 = arith.constant 0 : i32
    %c0_i32_0 = arith.constant 0 : i32
    return %arg0, %c0_i32 : i32, i32
  }
  func.func @transform_6(%arg0: i32) -> (i32, i32) {
    %c0_i32 = arith.constant 0 : i32
    %c0_i32_0 = arith.constant 0 : i32
    return %arg0, %c0_i32 : i32, i32
  }
}

module attributes {stable_mosaic.version = 14 : i64} {
  func.func @_klayer_body(%arg0: i32, %arg1: memref<2x2000x128xf32, #tpu.memory_space<vmem>>, %arg2: memref<2000x128xf32, #tpu.memory_space<vmem>>, %arg3: memref<2000x128xf32, #tpu.memory_space<vmem>>, %arg4: memref<2000x1xf32, #tpu.memory_space<vmem>>, %arg5: memref<1x128xf32, #tpu.memory_space<vmem>>, %arg6: memref<1x128xf32, #tpu.memory_space<vmem>>, %arg7: memref<1x128xf32, #tpu.memory_space<vmem>>, %arg8: memref<128x128xf32, #tpu.memory_space<vmem>>, %arg9: memref<2000x128xf32, #tpu.memory_space<vmem>>, %arg10: memref<2000x128xf32, #tpu.memory_space<vmem>>) attributes {dimension_semantics = [#tpu.dimension_semantics<arbitrary>], iteration_bounds = array<i64: 5>, scalar_prefetch = 0 : i64, scratch_operands = 0 : i64, tpu.core_type = #tpu.core_type<tc>, window_params = [{transform_indices = @transform_0, window_bounds = array<i64: 2, 2000, 128>}, {transform_indices = @transform_1, window_bounds = array<i64: 2000, 128>}, {transform_indices = @transform_2, window_bounds = array<i64: 2000, 128>}, {transform_indices = @transform_3, window_bounds = array<i64: 2000, 1>}, {pipeline_mode = #tpu.pipeline_mode<synchronous>, transform_indices = @transform_4, window_bounds = array<i64: 1, 128>}, {pipeline_mode = #tpu.pipeline_mode<synchronous>, transform_indices = @transform_5, window_bounds = array<i64: 1, 128>}, {pipeline_mode = #tpu.pipeline_mode<synchronous>, transform_indices = @transform_6, window_bounds = array<i64: 1, 128>}, {pipeline_mode = #tpu.pipeline_mode<synchronous>, transform_indices = @transform_7, window_bounds = array<i64: 128, 128>}, {transform_indices = @transform_8, window_bounds = array<i64: 2000, 128>}, {transform_indices = @transform_9, window_bounds = array<i64: 2000, 128>}]} {
    %get3A = arith.constant 0 : index
    %get3A_0 = arith.constant 0 : index
    %get3A_1 = vector.load %arg4[%get3A, %get3A_0] : memref<2000x1xf32, #tpu.memory_space<vmem>>, vector<2000x1xf32>
    %get3A_2 = arith.constant 0 : index
    %get3A_3 = arith.constant 0 : index
    %get3A_4 = arith.constant 0 : index
    %get3A_5 = vector.load %arg1[%get3A_2, %get3A_3, %get3A_4] : memref<2x2000x128xf32, #tpu.memory_space<vmem>>, vector<1x2000x128xf32>
    %get3A_6 = vector.shape_cast %get3A_5 : vector<1x2000x128xf32> to vector<2000x128xf32>
    %get3A_7 = arith.constant 1 : index
    %get3A_8 = arith.constant 0 : index
    %get3A_9 = arith.constant 0 : index
    %get3A_10 = vector.load %arg1[%get3A_7, %get3A_8, %get3A_9] : memref<2x2000x128xf32, #tpu.memory_space<vmem>>, vector<1x2000x128xf32>
    %get3A_11 = vector.shape_cast %get3A_10 : vector<1x2000x128xf32> to vector<2000x128xf32>
    %add3A = arith.addf %get3A_6, %get3A_11 : vector<2000x128xf32>
    %get3A_12 = arith.constant 0 : index
    %get3A_13 = arith.constant 0 : index
    %get3A_14 = vector.load %arg2[%get3A_12, %get3A_13] : memref<2000x128xf32, #tpu.memory_space<vmem>>, vector<2000x128xf32>
    %get3A_15 = arith.constant 0 : index
    %get3A_16 = arith.constant 0 : index
    %get3A_17 = vector.load %arg3[%get3A_15, %get3A_16] : memref<2000x128xf32, #tpu.memory_space<vmem>>, vector<2000x128xf32>
    %get3A_18 = arith.constant 0 : index
    %get3A_19 = arith.constant 0 : index
    %get3A_20 = vector.load %arg5[%get3A_18, %get3A_19] : memref<1x128xf32, #tpu.memory_space<vmem>>, vector<1x128xf32>
    %get3A_21 = arith.constant 0 : index
    %get3A_22 = arith.constant 0 : index
    %get3A_23 = vector.load %arg6[%get3A_21, %get3A_22] : memref<1x128xf32, #tpu.memory_space<vmem>>, vector<1x128xf32>
    %get3A_24 = arith.constant 0 : index
    %get3A_25 = arith.constant 0 : index
    %get3A_26 = vector.load %arg7[%get3A_24, %get3A_25] : memref<1x128xf32, #tpu.memory_space<vmem>>, vector<1x128xf32>
    %add3A_27 = arith.addf %add3A, %get3A_14 : vector<2000x128xf32>
    %mul3A = vector.broadcast %get3A_1 : vector<2000x1xf32> to vector<2000x128xf32>
    %mul3A_28 = arith.mulf %add3A_27, %mul3A : vector<2000x128xf32>
    %add3A_29 = vector.broadcast %get3A_20 : vector<1x128xf32> to vector<2000x128xf32>
    %add3A_30 = arith.addf %mul3A_28, %add3A_29 : vector<2000x128xf32>
    %reduce_sum3A = arith.constant dense<0.000000e+00> : vector<2000xf32>
    %reduce_sum3A_31 = vector.multi_reduction <add>, %add3A_30, %reduce_sum3A [1] : vector<2000x128xf32> to vector<2000xf32>
    %broadcast_in_dim3A = vector.shape_cast %reduce_sum3A_31 : vector<2000xf32> to vector<2000x1xf32>
    %div3A = arith.constant 1.280000e+02 : f32
    %div3A_32 = vector.broadcast %div3A : f32 to vector<2000x1xf32>
    %div3A_33 = arith.divf %broadcast_in_dim3A, %div3A_32 : vector<2000x1xf32>
    %sub3A = vector.broadcast %div3A_33 : vector<2000x1xf32> to vector<2000x128xf32>
    %sub3A_34 = arith.subf %add3A_30, %sub3A : vector<2000x128xf32>
    %sub3A_35 = vector.broadcast %div3A_33 : vector<2000x1xf32> to vector<2000x128xf32>
    %sub3A_36 = arith.subf %add3A_30, %sub3A_35 : vector<2000x128xf32>
    %mul3A_37 = arith.mulf %sub3A_34, %sub3A_36 : vector<2000x128xf32>
    %reduce_sum3A_38 = arith.constant dense<0.000000e+00> : vector<2000xf32>
    %reduce_sum3A_39 = vector.multi_reduction <add>, %mul3A_37, %reduce_sum3A_38 [1] : vector<2000x128xf32> to vector<2000xf32>
    %broadcast_in_dim3A_40 = vector.shape_cast %reduce_sum3A_39 : vector<2000xf32> to vector<2000x1xf32>
    %div3A_41 = arith.constant 1.280000e+02 : f32
    %div3A_42 = vector.broadcast %div3A_41 : f32 to vector<2000x1xf32>
    %div3A_43 = arith.divf %broadcast_in_dim3A_40, %div3A_42 : vector<2000x1xf32>
    %sub3A_44 = vector.broadcast %div3A_33 : vector<2000x1xf32> to vector<2000x128xf32>
    %sub3A_45 = arith.subf %add3A_30, %sub3A_44 : vector<2000x128xf32>
    %add3A_46 = arith.constant 9.99999974E-6 : f32
    %add3A_47 = vector.broadcast %add3A_46 : f32 to vector<2000x1xf32>
    %add3A_48 = arith.addf %div3A_43, %add3A_47 : vector<2000x1xf32>
    %rsqrt3A = math.rsqrt %add3A_48 : vector<2000x1xf32>
    %mul3A_49 = vector.broadcast %rsqrt3A : vector<2000x1xf32> to vector<2000x128xf32>
    %mul3A_50 = arith.mulf %sub3A_45, %mul3A_49 : vector<2000x128xf32>
    %mul3A_51 = vector.broadcast %get3A_23 : vector<1x128xf32> to vector<2000x128xf32>
    %mul3A_52 = arith.mulf %mul3A_50, %mul3A_51 : vector<2000x128xf32>
    %add3A_53 = vector.broadcast %get3A_26 : vector<1x128xf32> to vector<2000x128xf32>
    %add3A_54 = arith.addf %mul3A_52, %add3A_53 : vector<2000x128xf32>
    %max3A = arith.constant 0.000000e+00 : f32
    %max3A_55 = vector.broadcast %max3A : f32 to vector<2000x128xf32>
    %max3A_56 = arith.maximumf %add3A_54, %max3A_55 : vector<2000x128xf32>
    %add3A_57 = arith.addf %max3A_56, %get3A_17 : vector<2000x128xf32>
    %swap3A = arith.constant 0 : index
    %swap3A_58 = arith.constant 0 : index
    %swap3A_59 = vector.load %arg9[%swap3A, %swap3A_58] : memref<2000x128xf32, #tpu.memory_space<vmem>>, vector<2000x128xf32>
    tpu.vector_store %arg9[%swap3A, %swap3A_58], %add3A_57 {strides = array<i32>} : memref<2000x128xf32, #tpu.memory_space<vmem>>, vector<2000x128xf32>,
    %get3A_60 = arith.constant 0 : index
    %get3A_61 = arith.constant 0 : index
    %get3A_62 = vector.load %arg8[%get3A_60, %get3A_61] : memref<128x128xf32, #tpu.memory_space<vmem>>, vector<128x128xf32>
    %dot_general3A = arith.constant dense<0.000000e+00> : vector<2000x128xf32>
    %dot_general3A_63 = tpu.matmul %add3A_57, %get3A_62, %dot_general3A {dimension_numbers = #tpu.dot_dimension_numbers<[1], [0], [0], [1], [0, 0, 1, 1], [], []>, transpose_lhs_hint = false} : vector<2000x128xf32>, vector<128x128xf32>, vector<2000x128xf32> -> vector<2000x128xf32>
    %mul3A_64 = vector.broadcast %get3A_1 : vector<2000x1xf32> to vector<2000x128xf32>
    %mul3A_65 = arith.mulf %dot_general3A_63, %mul3A_64 : vector<2000x128xf32>
    %swap3A_66 = arith.constant 0 : index
    %swap3A_67 = arith.constant 0 : index
    %swap3A_68 = vector.load %arg10[%swap3A_66, %swap3A_67] : memref<2000x128xf32, #tpu.memory_space<vmem>>, vector<2000x128xf32>
    tpu.vector_store %arg10[%swap3A_66, %swap3A_67], %mul3A_65 {strides = array<i32>} : memref<2000x128xf32, #tpu.memory_space<vmem>>, vector<2000x128xf32>,
    return
  }
  func.func @transform_0(%arg0: i32) -> (i32, i32, i32) {
    %c0_i32 = arith.constant 0 : i32
    %c0_i32_0 = arith.constant 0 : i32
    %c0_i32_1 = arith.constant 0 : i32
    return %c0_i32, %arg0, %c0_i32_0 : i32, i32, i32
  }
  func.func @transform_1(%arg0: i32) -> (i32, i32) {
    %c0_i32 = arith.constant 0 : i32
    %c0_i32_0 = arith.constant 0 : i32
    return %arg0, %c0_i32 : i32, i32
  }
  func.func @transform_2(%arg0: i32) -> (i32, i32) {
    %c0_i32 = arith.constant 0 : i32
    %c0_i32_0 = arith.constant 0 : i32
    return %arg0, %c0_i32 : i32, i32
  }
  func.func @transform_3(%arg0: i32) -> (i32, i32) {
    %c0_i32 = arith.constant 0 : i32
    %c0_i32_0 = arith.constant 0 : i32
    return %arg0, %c0_i32 : i32, i32
  }
  func.func @transform_4(%arg0: i32) -> (i32, i32) {
    %c0_i32 = arith.constant 0 : i32
    %c0_i32_0 = arith.constant 0 : i32
    %c0_i32_1 = arith.constant 0 : i32
    return %c0_i32, %c0_i32_0 : i32, i32
  }
  func.func @transform_5(%arg0: i32) -> (i32, i32) {
    %c0_i32 = arith.constant 0 : i32
    %c0_i32_0 = arith.constant 0 : i32
    %c0_i32_1 = arith.constant 0 : i32
    return %c0_i32, %c0_i32_0 : i32, i32
  }
  func.func @transform_6(%arg0: i32) -> (i32, i32) {
    %c0_i32 = arith.constant 0 : i32
    %c0_i32_0 = arith.constant 0 : i32
    %c0_i32_1 = arith.constant 0 : i32
    return %c0_i32, %c0_i32_0 : i32, i32
  }
  func.func @transform_7(%arg0: i32) -> (i32, i32) {
    %c0_i32 = arith.constant 0 : i32
    %c0_i32_0 = arith.constant 0 : i32
    %c0_i32_1 = arith.constant 0 : i32
    return %c0_i32, %c0_i32_0 : i32, i32
  }
  func.func @transform_8(%arg0: i32) -> (i32, i32) {
    %c0_i32 = arith.constant 0 : i32
    %c0_i32_0 = arith.constant 0 : i32
    return %arg0, %c0_i32 : i32, i32
  }
  func.func @transform_9(%arg0: i32) -> (i32, i32) {
    %c0_i32 = arith.constant 0 : i32
    %c0_i32_0 = arith.constant 0 : i32
    return %arg0, %c0_i32 : i32, i32
  }
}

module attributes {stable_mosaic.version = 14 : i64} {
  func.func @_kfinal_body(%arg0: i32, %arg1: memref<2x2000x128xf32, #tpu.memory_space<vmem>>, %arg2: memref<2000x128xf32, #tpu.memory_space<vmem>>, %arg3: memref<2000x128xf32, #tpu.memory_space<vmem>>, %arg4: memref<2000x1xf32, #tpu.memory_space<vmem>>, %arg5: memref<1x128xf32, #tpu.memory_space<vmem>>, %arg6: memref<1x128xf32, #tpu.memory_space<vmem>>, %arg7: memref<1x128xf32, #tpu.memory_space<vmem>>, %arg8: memref<128x128xf32, #tpu.memory_space<vmem>>, %arg9: memref<1x128xf32, #tpu.memory_space<vmem>>, %arg10: memref<2000x128xf32, #tpu.memory_space<vmem>>) attributes {dimension_semantics = [#tpu.dimension_semantics<arbitrary>], iteration_bounds = array<i64: 5>, scalar_prefetch = 0 : i64, scratch_operands = 0 : i64, tpu.core_type = #tpu.core_type<tc>, window_params = [{transform_indices = @transform_0, window_bounds = array<i64: 2, 2000, 128>}, {transform_indices = @transform_1, window_bounds = array<i64: 2000, 128>}, {transform_indices = @transform_2, window_bounds = array<i64: 2000, 128>}, {transform_indices = @transform_3, window_bounds = array<i64: 2000, 1>}, {pipeline_mode = #tpu.pipeline_mode<synchronous>, transform_indices = @transform_4, window_bounds = array<i64: 1, 128>}, {pipeline_mode = #tpu.pipeline_mode<synchronous>, transform_indices = @transform_5, window_bounds = array<i64: 1, 128>}, {pipeline_mode = #tpu.pipeline_mode<synchronous>, transform_indices = @transform_6, window_bounds = array<i64: 1, 128>}, {pipeline_mode = #tpu.pipeline_mode<synchronous>, transform_indices = @transform_7, window_bounds = array<i64: 128, 128>}, {pipeline_mode = #tpu.pipeline_mode<synchronous>, transform_indices = @transform_8, window_bounds = array<i64: 1, 128>}, {transform_indices = @transform_9, window_bounds = array<i64: 2000, 128>}]} {
    %get3A = arith.constant 0 : index
    %get3A_0 = arith.constant 0 : index
    %get3A_1 = arith.constant 0 : index
    %get3A_2 = vector.load %arg1[%get3A, %get3A_0, %get3A_1] : memref<2x2000x128xf32, #tpu.memory_space<vmem>>, vector<1x2000x128xf32>
    %get3A_3 = vector.shape_cast %get3A_2 : vector<1x2000x128xf32> to vector<2000x128xf32>
    %get3A_4 = arith.constant 1 : index
    %get3A_5 = arith.constant 0 : index
    %get3A_6 = arith.constant 0 : index
    %get3A_7 = vector.load %arg1[%get3A_4, %get3A_5, %get3A_6] : memref<2x2000x128xf32, #tpu.memory_space<vmem>>, vector<1x2000x128xf32>
    %get3A_8 = vector.shape_cast %get3A_7 : vector<1x2000x128xf32> to vector<2000x128xf32>
    %add3A = arith.addf %get3A_3, %get3A_8 : vector<2000x128xf32>
    %get3A_9 = arith.constant 0 : index
    %get3A_10 = arith.constant 0 : index
    %get3A_11 = vector.load %arg2[%get3A_9, %get3A_10] : memref<2000x128xf32, #tpu.memory_space<vmem>>, vector<2000x128xf32>
    %get3A_12 = arith.constant 0 : index
    %get3A_13 = arith.constant 0 : index
    %get3A_14 = vector.load %arg3[%get3A_12, %get3A_13] : memref<2000x128xf32, #tpu.memory_space<vmem>>, vector<2000x128xf32>
    %get3A_15 = arith.constant 0 : index
    %get3A_16 = arith.constant 0 : index
    %get3A_17 = vector.load %arg4[%get3A_15, %get3A_16] : memref<2000x1xf32, #tpu.memory_space<vmem>>, vector<2000x1xf32>
    %get3A_18 = arith.constant 0 : index
    %get3A_19 = arith.constant 0 : index
    %get3A_20 = vector.load %arg5[%get3A_18, %get3A_19] : memref<1x128xf32, #tpu.memory_space<vmem>>, vector<1x128xf32>
    %get3A_21 = arith.constant 0 : index
    %get3A_22 = arith.constant 0 : index
    %get3A_23 = vector.load %arg6[%get3A_21, %get3A_22] : memref<1x128xf32, #tpu.memory_space<vmem>>, vector<1x128xf32>
    %get3A_24 = arith.constant 0 : index
    %get3A_25 = arith.constant 0 : index
    %get3A_26 = vector.load %arg7[%get3A_24, %get3A_25] : memref<1x128xf32, #tpu.memory_space<vmem>>, vector<1x128xf32>
    %add3A_27 = arith.addf %add3A, %get3A_11 : vector<2000x128xf32>
    %mul3A = vector.broadcast %get3A_17 : vector<2000x1xf32> to vector<2000x128xf32>
    %mul3A_28 = arith.mulf %add3A_27, %mul3A : vector<2000x128xf32>
    %add3A_29 = vector.broadcast %get3A_20 : vector<1x128xf32> to vector<2000x128xf32>
    %add3A_30 = arith.addf %mul3A_28, %add3A_29 : vector<2000x128xf32>
    %reduce_sum3A = arith.constant dense<0.000000e+00> : vector<2000xf32>
    %reduce_sum3A_31 = vector.multi_reduction <add>, %add3A_30, %reduce_sum3A [1] : vector<2000x128xf32> to vector<2000xf32>
    %broadcast_in_dim3A = vector.shape_cast %reduce_sum3A_31 : vector<2000xf32> to vector<2000x1xf32>
    %div3A = arith.constant 1.280000e+02 : f32
    %div3A_32 = vector.broadcast %div3A : f32 to vector<2000x1xf32>
    %div3A_33 = arith.divf %broadcast_in_dim3A, %div3A_32 : vector<2000x1xf32>
    %sub3A = vector.broadcast %div3A_33 : vector<2000x1xf32> to vector<2000x128xf32>
    %sub3A_34 = arith.subf %add3A_30, %sub3A : vector<2000x128xf32>
    %sub3A_35 = vector.broadcast %div3A_33 : vector<2000x1xf32> to vector<2000x128xf32>
    %sub3A_36 = arith.subf %add3A_30, %sub3A_35 : vector<2000x128xf32>
    %mul3A_37 = arith.mulf %sub3A_34, %sub3A_36 : vector<2000x128xf32>
    %reduce_sum3A_38 = arith.constant dense<0.000000e+00> : vector<2000xf32>
    %reduce_sum3A_39 = vector.multi_reduction <add>, %mul3A_37, %reduce_sum3A_38 [1] : vector<2000x128xf32> to vector<2000xf32>
    %broadcast_in_dim3A_40 = vector.shape_cast %reduce_sum3A_39 : vector<2000xf32> to vector<2000x1xf32>
    %div3A_41 = arith.constant 1.280000e+02 : f32
    %div3A_42 = vector.broadcast %div3A_41 : f32 to vector<2000x1xf32>
    %div3A_43 = arith.divf %broadcast_in_dim3A_40, %div3A_42 : vector<2000x1xf32>
    %sub3A_44 = vector.broadcast %div3A_33 : vector<2000x1xf32> to vector<2000x128xf32>
    %sub3A_45 = arith.subf %add3A_30, %sub3A_44 : vector<2000x128xf32>
    %add3A_46 = arith.constant 9.99999974E-6 : f32
    %add3A_47 = vector.broadcast %add3A_46 : f32 to vector<2000x1xf32>
    %add3A_48 = arith.addf %div3A_43, %add3A_47 : vector<2000x1xf32>
    %rsqrt3A = math.rsqrt %add3A_48 : vector<2000x1xf32>
    %mul3A_49 = vector.broadcast %rsqrt3A : vector<2000x1xf32> to vector<2000x128xf32>
    %mul3A_50 = arith.mulf %sub3A_45, %mul3A_49 : vector<2000x128xf32>
    %mul3A_51 = vector.broadcast %get3A_23 : vector<1x128xf32> to vector<2000x128xf32>
    %mul3A_52 = arith.mulf %mul3A_50, %mul3A_51 : vector<2000x128xf32>
    %add3A_53 = vector.broadcast %get3A_26 : vector<1x128xf32> to vector<2000x128xf32>
    %add3A_54 = arith.addf %mul3A_52, %add3A_53 : vector<2000x128xf32>
    %max3A = arith.constant 0.000000e+00 : f32
    %max3A_55 = vector.broadcast %max3A : f32 to vector<2000x128xf32>
    %max3A_56 = arith.maximumf %add3A_54, %max3A_55 : vector<2000x128xf32>
    %add3A_57 = arith.addf %max3A_56, %get3A_14 : vector<2000x128xf32>
    %get3A_58 = arith.constant 0 : index
    %get3A_59 = arith.constant 0 : index
    %get3A_60 = vector.load %arg8[%get3A_58, %get3A_59] : memref<128x128xf32, #tpu.memory_space<vmem>>, vector<128x128xf32>
    %dot_general3A = arith.constant dense<0.000000e+00> : vector<2000x128xf32>
    %dot_general3A_61 = tpu.matmul %add3A_57, %get3A_60, %dot_general3A {dimension_numbers = #tpu.dot_dimension_numbers<[1], [0], [0], [1], [0, 0, 1, 1], [], []>, transpose_lhs_hint = false} : vector<2000x128xf32>, vector<128x128xf32>, vector<2000x128xf32> -> vector<2000x128xf32>
    %get3A_62 = arith.constant 0 : index
    %get3A_63 = arith.constant 0 : index
    %get3A_64 = vector.load %arg9[%get3A_62, %get3A_63] : memref<1x128xf32, #tpu.memory_space<vmem>>, vector<1x128xf32>
    %add3A_65 = vector.broadcast %get3A_64 : vector<1x128xf32> to vector<2000x128xf32>
    %add3A_66 = arith.addf %dot_general3A_61, %add3A_65 : vector<2000x128xf32>
    %swap3A = arith.constant 0 : index
    %swap3A_67 = arith.constant 0 : index
    %swap3A_68 = vector.load %arg10[%swap3A, %swap3A_67] : memref<2000x128xf32, #tpu.memory_space<vmem>>, vector<2000x128xf32>
    tpu.vector_store %arg10[%swap3A, %swap3A_67], %add3A_66 {strides = array<i32>} : memref<2000x128xf32, #tpu.memory_space<vmem>>, vector<2000x128xf32>,
    return
  }
  func.func @transform_0(%arg0: i32) -> (i32, i32, i32) {
    %c0_i32 = arith.constant 0 : i32
    %c0_i32_0 = arith.constant 0 : i32
    %c0_i32_1 = arith.constant 0 : i32
    return %c0_i32, %arg0, %c0_i32_0 : i32, i32, i32
  }
  func.func @transform_1(%arg0: i32) -> (i32, i32) {
    %c0_i32 = arith.constant 0 : i32
    %c0_i32_0 = arith.constant 0 : i32
    return %arg0, %c0_i32 : i32, i32
  }
  func.func @transform_2(%arg0: i32) -> (i32, i32) {
    %c0_i32 = arith.constant 0 : i32
    %c0_i32_0 = arith.constant 0 : i32
    return %arg0, %c0_i32 : i32, i32
  }
  func.func @transform_3(%arg0: i32) -> (i32, i32) {
    %c0_i32 = arith.constant 0 : i32
    %c0_i32_0 = arith.constant 0 : i32
    return %arg0, %c0_i32 : i32, i32
  }
  func.func @transform_4(%arg0: i32) -> (i32, i32) {
    %c0_i32 = arith.constant 0 : i32
    %c0_i32_0 = arith.constant 0 : i32
    %c0_i32_1 = arith.constant 0 : i32
    return %c0_i32, %c0_i32_0 : i32, i32
  }
  func.func @transform_5(%arg0: i32) -> (i32, i32) {
    %c0_i32 = arith.constant 0 : i32
    %c0_i32_0 = arith.constant 0 : i32
    %c0_i32_1 = arith.constant 0 : i32
    return %c0_i32, %c0_i32_0 : i32, i32
  }
  func.func @transform_6(%arg0: i32) -> (i32, i32) {
    %c0_i32 = arith.constant 0 : i32
    %c0_i32_0 = arith.constant 0 : i32
    %c0_i32_1 = arith.constant 0 : i32
    return %c0_i32, %c0_i32_0 : i32, i32
  }
  func.func @transform_7(%arg0: i32) -> (i32, i32) {
    %c0_i32 = arith.constant 0 : i32
    %c0_i32_0 = arith.constant 0 : i32
    %c0_i32_1 = arith.constant 0 : i32
    return %c0_i32, %c0_i32_0 : i32, i32
  }
  func.func @transform_8(%arg0: i32) -> (i32, i32) {
    %c0_i32 = arith.constant 0 : i32
    %c0_i32_0 = arith.constant 0 : i32
    %c0_i32_1 = arith.constant 0 : i32
    return %c0_i32, %c0_i32_0 : i32, i32
  }
  func.func @transform_9(%arg0: i32) -> (i32, i32) {
    %c0_i32 = arith.constant 0 : i32
    %c0_i32_0 = arith.constant 0 : i32
    return %arg0, %c0_i32 : i32, i32
  }
}

</mosaic_0001>

<sc_bundles>
// kernel: kernel.10.cloned.1.call-start
scs
__scs_entry_jumppad:
0x0: {  	(pc) =	sbr.rel $0x88, $3  }
0x1: {  	(tag) =	ssettag $0x0;
	lr =	simm.s32 $0x1  }
0x2: {  	[smem:$0x3F97] =	sst lr;
	_ =	strace $0xD0000000  }
0x3: {  	_ = 	snop  }
0x4: {  	_ = 	snop  }
0x5: {  	_ = 	snop  }
0x6: {  	_ = 	snop  }
0x7: {  	_ = 	snop  }
__scs_overlays_trampoline_lowered:
0x8: {  	[smem:$0x3FA6] =	sst s0  }
0x9: {  	[smem:$0x3FA7] =	sst s1  }
0xa: {  	[smem:$0x3FA8] =	sst s2  }
0xb: {  	[smem:$0x3FA9] =	sst s3  }
0xc: {  	[smem:$0x3FAA] =	sst s4  }
0xd: {  	[smem:$0x3FAB] =	sst s5  }
0xe: {  	[smem:$0x3FAC] =	sst s6  }
0xf: {  	[smem:$0x3FAD] =	sst s7  }
0x10: {  	[smem:$0x3FAE] =	sst s8  }
0x11: {  	[smem:$0x3FAF] =	sst s9;
	s0 =	simm.s32 @!p0 $0x0  }
0x12: {  	s1 =	sld [smem:$0x3F95];
	s0 =	simm.s32 @p0 $0x1  }
0x13: {  	[smem:$0x3FB0] =	sst s0;
	s0 =	simm.s32 @!p1 $0x0  }
0x14: {  	s2 =	sld [smem:$0x3F94];
	s0 =	simm.s32 @p1 $0x1  }
0x15: {  	[smem:$0x3FB1] =	sst s0;
	s0 =	simm.s32 @!p2 $0x0  }
0x16: {  	s3 =	sld [smem:$0x3FDB];
	s0 =	simm.s32 @p2 $0x1  }
0x17: {  	s4 =	simm.s32 $0x1BF5;
	[smem:$0x3FB3] =	sst s0  }
0x18: {  	s0 =	sld [smem:$0x3F96];
	_ =	swait.ge [sflag:s4], $0x0  }
0x19: {  	s7 =	sld [smem:$0x3F97]  }
0x1a: {  	s8 =	sadd.s32 $0xFFFFE003, lr  }
0x1b: {  	s9 =	sadd.s32 $0xFFFFFEF7, lr;
	s5 =	simm.s32 $0xFFFFFFFF;
	p2 =	slt.u32 s8, $0xFFFFF086  }
0x1c: {  	p1 =	slt.u32 s9, $0xF7A;
	s5 =	simm.s32 @!p2 $0x0  }
0x1d: {  	s5 =	simm.s32 @p1 $0x1;
	p0 =	seq.s32 s7, s2  }
0x1e: {  	s7 =	smul.u32 @!p0 $0xF7A, s2;
	p2 =	seq.s32 @!p0 s5, $0x0  }
0x1f: {  	s9 =	smul.u32 $0xF7A, s1;
	s8 =	simm.s32 @!p0 $0x1BF5;
	p2 =	por !p2, p0  }
0x20: {  	[sflag:s8] =	ssyncset.s32 @!p0 $0xFFFFF086;
	s6 =	sadd.s32 @!p0 s3, s7;
	s7 =	simm.s32 @!p0 $0x108  }
0x21: {  	s3 =	sadd.s32 s3, s9;
	s6 =	sadd.s32 @!p0 $0x88, s6;
	s7 =	simm.s32 @p2 $0x1082  }
0x22: {  	[simem:s7], [sflag:s8] =	dma.local @!p0 [hbm:s6], $0xF7A  }
0x23: {  	s9 =	sor.u32 $0xD0000000, s2;
	s6 =	simm.s32 $0x108;
	_ =	swait.ge @!p0 [sflag:s8], $0x0  }
0x24: {  	s3 =	sadd.s32 $0x88, s3;
	s6 =	simm.s32 @!p1 $0x1082;
	[sflag:s4] =	ssyncset.s32 $0xFFFFF086  }
0x25: {  	[simem:s6], [sflag:s4] =	dma.local [hbm:s3], $0xF7A  }
0x26: {  	[smem:$0x3F97] =	sst s1;
	(tag) =	ssettag s2;
	_ =	strace s9  }
0x27: {  	s1 =	sld [smem:$0x3FA7]  }
0x28: {  	s2 =	sld [smem:$0x3FA8]  }
0x29: {  	s4 =	sld [smem:$0x3FAA]  }
0x2a: {  	p0 =	seq.s32 s5, $0x0;
	s5 =	sld [smem:$0x3FAB]  }
0x2b: {  	s6 =	sld [smem:$0x3FAC]  }
0x2c: {  	s7 =	sld [smem:$0x3FAD]  }
0x2d: {  	s3 =	simm.s32 $0x108;
	s8 =	sld [smem:$0x3FAE]  }
0x2e: {  	s3 =	simm.s32 @!p0 $0x1082;
	s9 =	sld [smem:$0x3FAF]  }
0x2f: {  	lr =	sadd.s32 s0, s3;
	s0 =	sld [smem:$0x3FA6]  }
0x30: {  	s3 =	sld [smem:$0x3FA9]  }
0x31: {  	[smem:$0x3FB2] =	sst s10  }
0x32: {  	s10 =	sld [smem:$0x3FB0];
	_ =	sdelay $0x3  }
0x33: {  	p0 =	seq.s32 s10, $0x1;
	s10 =	sld [smem:$0x3FB2];
	_ =	sdelay $0x3  }
0x34: {  	[smem:$0x3FB2] =	sst s10  }
0x35: {  	s10 =	sld [smem:$0x3FB1];
	_ =	sdelay $0x3  }
0x36: {  	p1 =	seq.s32 s10, $0x1;
	s10 =	sld [smem:$0x3FB2];
	_ =	sdelay $0x3  }
0x37: {  	[smem:$0x3FB2] =	sst s10  }
0x38: {  	s10 =	sld [smem:$0x3FB3]  }
0x39: {  	_ = 	snop;
	(pc) =	sbr.ind lr, $3  }
0x3a: {  	_ = 	snop  }
0x3b: {  	_ = 	snop  }
0x3c: {  	p2 =	seq.s32 s10, $0x1;
	s10 =	sld [smem:$0x3FB2]  }
0x3d: {  	_ =	shalt  }
0x3e: {  	_ =	shalt  }
0x3f: {  	_ =	shalt  }
0x40: {  	_ =	shalt  }
0x41: {  	_ =	shalt  }
0x42: {  	_ =	shalt  }
0x43: {  	_ =	shalt  }
0x44: {  	_ =	shalt  }
0x45: {  	_ =	shalt  }
0x46: {  	_ =	shalt  }
0x47: {  	_ =	shalt  }
0x48: {  	_ =	shalt  }
0x49: {  	_ =	shalt  }
0x4a: {  	_ =	shalt  }
0x4b: {  	_ =	shalt  }
0x4c: {  	_ =	shalt  }
0x4d: {  	_ =	shalt  }
0x4e: {  	_ =	shalt  }
0x4f: {  	_ =	shalt  }
0x50: {  	_ =	shalt  }
0x51: {  	_ =	shalt  }
0x52: {  	_ =	shalt  }
0x53: {  	_ =	shalt  }
0x54: {  	_ =	shalt  }
0x55: {  	_ =	shalt  }
0x56: {  	_ =	shalt  }
0x57: {  	_ =	shalt  }
0x58: {  	_ =	shalt  }
0x59: {  	_ =	shalt  }
0x5a: {  	_ =	shalt  }
0x5b: {  	_ =	shalt  }
0x5c: {  	_ =	shalt  }
0x5d: {  	_ =	shalt  }
0x5e: {  	_ =	shalt  }
0x5f: {  	_ =	shalt  }
0x60: {  	_ =	shalt  }
0x61: {  	_ =	shalt  }
0x62: {  	_ =	shalt  }
0x63: {  	_ =	shalt  }
0x64: {  	_ =	shalt  }
0x65: {  	_ =	shalt  }
0x66: {  	_ =	shalt  }
0x67: {  	_ =	shalt  }
0x68: {  	_ =	shalt  }
0x69: {  	_ =	shalt  }
0x6a: {  	_ =	shalt  }
0x6b: {  	_ =	shalt  }
0x6c: {  	_ =	shalt  }
0x6d: {  	_ =	shalt  }
0x6e: {  	_ =	shalt  }
0x6f: {  	_ =	shalt  }
0x70: {  	_ =	shalt  }
0x71: {  	_ =	shalt  }
0x72: {  	_ =	shalt  }
0x73: {  	_ =	shalt  }
0x74: {  	_ =	shalt  }
0x75: {  	_ =	shalt  }
0x76: {  	_ =	shalt  }
0x77: {  	_ =	shalt  }
0x78: {  	_ =	shalt  }
0x79: {  	_ =	shalt  }
0x7a: {  	_ =	shalt  }
0x7b: {  	_ =	shalt  }
0x7c: {  	_ =	shalt  }
0x7d: {  	_ =	shalt  }
0x7e: {  	_ =	shalt  }
0x7f: {  	_ =	shalt  }
0x80: {  	_ =	shalt  }
0x81: {  	_ =	shalt  }
0x82: {  	_ =	shalt  }
0x83: {  	_ =	shalt  }
0x84: {  	_ =	shalt  }
0x85: {  	_ =	shalt  }
0x86: {  	_ =	shalt  }
0x87: {  	_ =	shalt  }
.Lfunc_end0:
.L_simem_size_0:
called_computation_lowered:
.L_overlay_start_0:
0x88: {  	s2 =	sld [smem:$0x3FD9]  }
0x89: {  	s3 =	sld [smem:$0x3FFE];
	_ =	sdelay $0x1  }
0x8a: {  	s1 =	srdreg.scid  }
0x8b: {  	s0 =	sand.u32 $0x1, s1  }
0x8c: {  	s17 =	sshll.u32 s0, $0xA;
	s2 =	sadd.s32 s3, s2  }
0x8d: {  	s2 =	sadd.s32 s2, s17  }
0x8e: {  	[smem:$0x3FBE] =	sst s2  }
0x8f: {  	_ = 	snop  }
0x90: {  	s2 =	sld [smem:$0x3FD0];
	(tm) =	ssettm $0x1  }
0x91: {  	s18 =	sld [smem:$0x3FFB];
	_ =	sdelay $0x3  }
0x92: {  	_ =	strace s18  }
0x93: {  	s3 =	sld [smem:$0x3FFC];
	_ =	sdelay $0x3  }
0x94: {  	_ =	strace s3  }
0x95: {  	s3 =	sld [smem:$0x3FFD];
	_ =	sdelay $0x3  }
0x96: {  	_ =	strace s3  }
0x97: {  	_ =	strace $0x8FFFFFFF  }
0x98: {  	s19 =	sld [smem:$0x3FDB];
	_ =	sdelay $0x1  }
0x99: {  	s4 =	simm.s32 $_scs_section_size  }
0x9a: {  	s5 =	simm.s32 $_size__tile_overlayer_lowered;
	s6 =	simm.s32 $_tile_overlayer_lowered  }
0x9b: {  	s22 =	simm.s32 $0x1BFF;
	s21 =	sshll.u32 s6, $0x1;
	s3 =	sadd.s32 s4, s19  }
0x9c: {  	s7 =	simm.s32 $0x0;
	s20 =	sshll.u32 s5, $0x1;
	s5 =	sadd.s32 s21, s3  }
0x9d: {  	[timem:s7], [sflag:s22] =	dma.local [hbm:s5], s20  }
0x9e: {  	_ =	swait.ge [sflag:s22], s20  }
0x9f: {  	s4 =	ssub.s32 $0x0, s20;
	[sflag:s22] =	ssyncset.done $0x0  }
0xa0: {  	[sflag:s22] =	ssyncadd.s32 s4;
	_ =	sdelay $0x1  }
0xa1: {  	s23 =	simm.s32 $0x1B8B  }
0xa2: {  	_ =	swait.ge [sflag:s23], $0x1  }
0xa3: {  	[sflag:s23] =	ssyncset.done $0x0  }
0xa4: {  	s25 =	simm.s32 $0x1B8E;
	s24 =	sld [smem:$0x3FFE];
	[sflag:s23] =	ssyncadd.s32 $0xFFFFFFFF  }
0xa5: {  	s26 =	simm.s32 $execute0_lowered;
	[smem:$0x3FD2] =	sst s25  }
0xa6: {  	s5 =	sshll.u32 s26, $0x1;
	_ =	strace $0x80000046;
	[dreg:$0x1] =	wrdreg $0xFFFFFFFF  }
0xa7: {  	s28 =	simm.s32 $_size_execute0_lowered;
	s3 =	sadd.s32 s3, s5;
	[dreg:$0x0] =	wrdreg $0x0  }
0xa8: {  	s5 =	sshll.u32 s28, $0x1;
	[dreg:$0x2] =	wrdreg s3  }
0xa9: {  	[dreg:$0x3] =	wrdreg s5  }
0xaa: {  	[dreg:$0x4] =	wrdreg $0xC0  }
0xab: {  	_ =	task [dreg:s7], $0x5FFFF  }
0xac: {  	[dreg:$0x1] =	wrdreg $0xFFFFFFFF  }
0xad: {  	[dreg:$0x0] =	wrdreg $0x60  }
0xae: {  	[dreg:$0x2] =	wrdreg s2  }
0xaf: {  	[dreg:$0x3] =	wrdreg s24  }
0xb0: {  	[dreg:$0x4] =	wrdreg $0x2B000  }
0xb1: {  	[dreg:$0x5] =	wrdreg $0x9  }
0xb2: {  	_ =	task.clear_ibuf [dreg:s7], $0x6FFFF;
	_ =	strace $0x90000046  }
0xb3: {  	s29 =	simm.s32 $0x9;
	_ =	strace $0x80000048  }
0xb4: {  	_ =	swait.ge [sflag:s29], $0x1  }
0xb5: {  	[sflag:s29] =	ssyncadd.s32 $0xFFFFFFFF  }
0xb6: {  	_ =	strace $0x90000048  }
0xb7: {  	_ =	sfence  }
0xb8: {  	s30 =	sld [smem:$0x0];
	_ =	sdelay $0x2  }
0xb9: {  	s31 =	sshll.u32 s1, $0xD;
	s1 =	sshrl.u32 s1, $0x2  }
0xba: {  	s3 =	sand.u32 $0x4000, s31;
	s1 =	sadd.s32 s1, s30  }
0xbb: {  	s0 =	sor.u32 s3, s0;
	s1 =	sshll.u32 s1, $0x11  }
0xbc: {  	s0 =	sor.u32 s1, s0  }
0xbd: {  	s0 =	sadd.s32 $0x8F2B, s0  }
0xbe: {  	[sflag:s0] =	ssyncadd.remote.s32 $0x1  }
0xbf: {  	_ =	sfence.sel $0xFFFF  }
0xc0: {  	[dreg:$0x0] =	wrdreg $0xFFFFFFFF;
	(pc) =	sbr.abs _section_cstart, $3  }
0xc1: {  	[dreg:$0x1] =	wrdreg $0xFFFFFFFF  }
0xc2: {  	_ =	task.clear_ibuf [dreg:s7], $0x2FFFF;
	_ =	strace $0x9FFFFFFF  }
0xc3: {  	(tm) =	ssettm $0x7FFFFFFF  }
tec
execute0_lowered:
.L_overlay_start_1:
0x0: {  	(tag) =	ssettag $0x1  }
0x1: {  	s4 =	rddreg [dreg:$0x0]  }
0x2: {  	s5 =	rddreg [dreg:$0x1]  }
0x3: {  	s2 =	rddreg [dreg:$0x2];
	s3 =	srdreg.scid  }
0x4: {  	s1 =	stileid.u32;
	s0 =	rddreg [dreg:$0x3];
	s11 =	simm.s32 $0x2A80  }
0x5: {  	s12 =	simm.s32 $0x1;
	s13 =	simm.s32 $0x0;
	s6 =	sand.u32 $0x1, s3  }
0x6: {  	s7 =	smul.u32 $0x280, s1;
	s3 =	simm.s32 $0x0;
	s9 =	sshll.u32 s1, $0x1  }
0x7: {  	s8 =	smul.u32 $0x2800, s6;
	s9 =	sor.u32 s6, s9;
	s6 =	ssub.s32 $0x2, s6  }
0x8: {  	[smem:$0x7FF] =	sst s3;
	s9 =	smul.u32 $0x500, s9;
	s10 =	sshrl.u32 s6, $0x1  }
0x9: {  	_ =	strace $0x80000047;
	s8 =	sadd.s32 s7, s8;
	s10 =	ssub.s32 s6, s10  }
0xa: {  	s8 =	sshrl.u32 s8, $0x3;
	s4 =	sadd.s32 s4, s9;
	s9 =	simm.s32 $0x2800  }
0xb: {  	s8 =	sadd.s32 s8, s5;
	s5 =	sadd.s32 s7, s2;
	s7 =	smax.u32 s10, $0x1  }
0xc: {  	v0 =	vimm.f32 $0.0e+00;
	v1 =	vimm.f32 $1.000000000e+00;
	s10 =	simm.s32 $0x7D;
	s6 =	sadd.s32 $0x5600, s8;
	s8 =	simm.s32 $0x2  }
.LBB2_1:
0xd: {  	[tilespmem:s3], [sflag:$0x2] =	stream.linear.gather [hbm4b:s4+s3], $0x2800, $0x38;
	[tilespmem:$0x2D80] =	vst v63  }
0xe: {  	_ =	swait.ge [sflag:s8], $0x2800  }
0xf: {  	[sflag:s8] =	ssyncset.done $0x0  }
0x10: {  	[sflag:s8] =	ssyncadd.s32 $0xFFFFD800  }
0x11: {  	[tilespmem:$0x2800] =	vst v0  }
0x12: {  	[tilespmem:$0x2810] =	vst v0  }
0x13: {  	[tilespmem:$0x2820] =	vst v0  }
0x14: {  	[tilespmem:$0x2830] =	vst v0  }
0x15: {  	[tilespmem:$0x2840] =	vst v0  }
0x16: {  	[tilespmem:$0x2850] =	vst v0  }
0x17: {  	[tilespmem:$0x2860] =	vst v0  }
0x18: {  	[tilespmem:$0x2870] =	vst v0  }
0x19: {  	[tilespmem:$0x2880] =	vst v0  }
0x1a: {  	[tilespmem:$0x2890] =	vst v0  }
0x1b: {  	[tilespmem:$0x28A0] =	vst v0  }
0x1c: {  	[tilespmem:$0x28B0] =	vst v0  }
0x1d: {  	[tilespmem:$0x28C0] =	vst v0  }
0x1e: {  	[tilespmem:$0x28D0] =	vst v0  }
0x1f: {  	[tilespmem:$0x28E0] =	vst v0  }
0x20: {  	[tilespmem:$0x28F0] =	vst v0  }
0x21: {  	[tilespmem:$0x2900] =	vst v0  }
0x22: {  	[tilespmem:$0x2910] =	vst v0  }
0x23: {  	[tilespmem:$0x2920] =	vst v0  }
0x24: {  	[tilespmem:$0x2930] =	vst v0  }
0x25: {  	[tilespmem:$0x2940] =	vst v0  }
0x26: {  	[tilespmem:$0x2950] =	vst v0  }
0x27: {  	[tilespmem:$0x2960] =	vst v0  }
0x28: {  	[tilespmem:$0x2970] =	vst v0  }
0x29: {  	[tilespmem:$0x2980] =	vst v0  }
0x2a: {  	[tilespmem:$0x2990] =	vst v0  }
0x2b: {  	[tilespmem:$0x29A0] =	vst v0  }
0x2c: {  	[tilespmem:$0x29B0] =	vst v0  }
0x2d: {  	[tilespmem:$0x29C0] =	vst v0  }
0x2e: {  	[tilespmem:$0x29D0] =	vst v0  }
0x2f: {  	[tilespmem:$0x29E0] =	vst v0  }
0x30: {  	[tilespmem:$0x29F0] =	vst v0  }
0x31: {  	[tilespmem:$0x2A00] =	vst v0  }
0x32: {  	[tilespmem:$0x2A10] =	vst v0  }
0x33: {  	[tilespmem:$0x2A20] =	vst v0  }
0x34: {  	[tilespmem:$0x2A30] =	vst v0  }
0x35: {  	[tilespmem:$0x2A40] =	vst v0  }
0x36: {  	[tilespmem:$0x2A50] =	vst v0  }
0x37: {  	[tilespmem:$0x2A60] =	vst v0  }
0x38: {  	[tilespmem:$0x2A70] =	vst v0  }
0x39: {  	[tilespmem:$0x2A80] =	vst v1  }
0x3a: {  	[tilespmem:$0x2A90] =	vst v1  }
0x3b: {  	[tilespmem:$0x2AA0] =	vst v1  }
0x3c: {  	[tilespmem:$0x2AB0] =	vst v1  }
0x3d: {  	[tilespmem:$0x2AC0] =	vst v1  }
0x3e: {  	[tilespmem:$0x2AD0] =	vst v1  }
0x3f: {  	[tilespmem:$0x2AE0] =	vst v1  }
0x40: {  	[tilespmem:$0x2AF0] =	vst v1  }
0x41: {  	[spmem:s5] =	stream.linear.scatter [tilespmem:s9], [sflag:$0x2], $0x280, $0x38;
	[tilespmem:$0x2D80] =	vst v63  }
0x42: {  	_ =	swait.ge [sflag:s8], $0x280  }
0x43: {  	[sflag:s8] =	ssyncset.done $0x0  }
0x44: {  	p0 =	por $0x1, $0x1;
	[sflag:s8] =	ssyncadd.s32 $0xFFFFFD80  }
0x45: {  	s16 =	simm.s32 @!p0 $0x1;
	[bflag:$0x0] =	sbarrier.arrive $0xFFFF  }
0x46: {  	[spmem:s2] =	stream.indirect.scatter.add.f32 [tilespmem:s11], [sflag:$0x1], $0x1, s3, s10, $0xb8;
	[tilespmem:$0x2D80] =	vst v63  }
0x47: {  	_ =	swait.ge @!p0 [sflag:s16], $0x7D  }
0x48: {  	s14 =	simm.s32 $0x1;
	s15 =	simm.s32 $0x0;
	[sflag:s16] =	ssyncset.done @!p0 $0x0  }
.LBB2_2:
0x49: {  	[sflag:s16] =	ssyncadd.s32 @!p0 $0xFFFFFF83  }
0x4a: {  	s15 =	sadd.s32 $0x80, s15;
	s16 =	smov.u32 s14;
	s14 =	sadd.s32 $0x1, s14  }
0x4b: {  	p1 =	sne.s32 s14, $0x50  }
0x4c: {  	[spmem:s2] =	stream.indirect.scatter.add.f32 [tilespmem:s11], [sflag:$0x1], $0x1, s15, s10, $0xb8;
	[tilespmem:$0x2D80] =	vst v63  }
.Ltmp0:
0x4d: {  	_ = 	snop;
	(pc) =	sbr.rel @p1 .LBB2_2-.Ltmp0, $4  }
0x4e: {  	p0 =	slt.u32 s16, $0x8  }
0x4f: {  	s16 =	simm.s32 @!p0 $0x1  }
0x50: {  	_ =	swait.ge @!p0 [sflag:s16], $0x7D  }
0x51: {  	[sflag:s16] =	ssyncset.done @!p0 $0x0  }
0x52: {  	[sflag:s16] =	ssyncadd.s32 @!p0 $0xFFFFFF83  }
0x53: {  	_ =	swait.ge [sflag:s12], $0x7D  }
0x54: {  	[sflag:s12] =	ssyncset.done $0x0  }
0x55: {  	[sflag:s12] =	ssyncadd.s32 $0xFFFFFF83  }
0x56: {  	_ =	swait.ge [sflag:s12], $0x7D  }
0x57: {  	[sflag:s12] =	ssyncset.done $0x0  }
0x58: {  	[sflag:s12] =	ssyncadd.s32 $0xFFFFFF83  }
0x59: {  	_ =	swait.ge [sflag:s12], $0x7D  }
0x5a: {  	[sflag:s12] =	ssyncset.done $0x0  }
0x5b: {  	[sflag:s12] =	ssyncadd.s32 $0xFFFFFF83  }
0x5c: {  	_ =	swait.ge [sflag:s12], $0x7D  }
0x5d: {  	[sflag:s12] =	ssyncset.done $0x0  }
0x5e: {  	[sflag:s12] =	ssyncadd.s32 $0xFFFFFF83  }
0x5f: {  	_ =	swait.ge [sflag:s12], $0x7D  }
0x60: {  	[sflag:s12] =	ssyncset.done $0x0  }
0x61: {  	[sflag:s12] =	ssyncadd.s32 $0xFFFFFF83  }
0x62: {  	_ =	swait.ge [sflag:s12], $0x7D  }
0x63: {  	[sflag:s12] =	ssyncset.done $0x0  }
0x64: {  	[sflag:s12] =	ssyncadd.s32 $0xFFFFFF83  }
0x65: {  	_ =	swait.ge [sflag:s12], $0x7D  }
0x66: {  	[sflag:s12] =	ssyncset.done $0x0  }
0x67: {  	[sflag:s12] =	ssyncadd.s32 $0xFFFFFF83  }
0x68: {  	_ =	swait.ge [sflag:s12], $0x7D  }
0x69: {  	[sflag:s12] =	ssyncset.done $0x0  }
0x6a: {  	[sflag:s12] =	ssyncadd.s32 $0xFFFFFF83  }
0x6b: {  	[bflag:$0x0] =	sbarrier.arrive $0xFFFF  }
0x6c: {  	[tilespmem:s9], [sflag:$0x2] =	stream.linear.gather [spmem:s5], $0x280, $0x38;
	[tilespmem:$0x2D80] =	vst v63  }
0x6d: {  	s13 =	sadd.s32 $0x1, s13;
	_ =	swait.ge [sflag:s8], $0x280  }
0x6e: {  	p0 =	sne.s32 s13, s7;
	[sflag:s8] =	ssyncset.done $0x0  }
.Ltmp1:
0x6f: {  	[sflag:s8] =	ssyncadd.s32 $0xFFFFFD80;
	(pc) =	sbr.rel @p0 .LBB2_1-.Ltmp1, $4  }
0x70: {  	[hbm4b:s6+s3] =	stream.linear.scatter [tilespmem:s9], [sflag:$0x2], $0x280, $0x38;
	[tilespmem:$0x2D80] =	vst v63  }
0x71: {  	_ =	swait.ge [sflag:s8], $0x280  }
0x72: {  	[sflag:s8] =	ssyncset.done $0x0  }
0x73: {  	[sflag:s8] =	ssyncadd.s32 $0xFFFFFD80  }
0x74: {  	_ =	sfence.sel $0x180000  }
0x75: {  	[bflag:$0x0] =	sbarrier.arrive $0xFFFF  }
0x76: {  	p0 =	sne.s32 s1, $0x0;
	_ =	strace $0x90000047  }
0x77: {  	s0 =	sadd.s32 @!p0 $0x100000, s0;
	[bflag:$0x2] =	sbarrier.arrive $0xFFFF  }
0x78: {  	[sflag:s0] =	ssyncadd.tile.s32 @!p0 $0x1;
	_ =	shalt  }
.Lfunc_end2:
_tile_overlayer_lowered:
.L_overlay_start_2:
0x79: {  	(tag) =	ssettag $0x2  }
0x7a: {  	s0 =	rddreg [dreg:$0x0];
	s2 =	stileid.u32  }
0x7b: {  	s1 =	rddreg [dreg:$0x1];
	p0 =	sne.s32 s2, $0x0  }
0x7c: {  	s3 =	rddreg [dreg:$0x2];
	[bflag:$0x3] =	sbarrier.arrive $0xFFFF;
	s2 =	simm.s32 @!p0 $0x1C02  }
0x7d: {  	[timem:s3], [sflag:s2] =	dma.local @!p0 [hbm:s0], s1  }
0x7e: {  	s0 =	simm.s32 @!p0 $0x2  }
0x7f: {  	_ =	swait.ge @!p0 [sflag:s0], s1  }
0x80: {  	s1 =	ssub.s32 @!p0 $0x0, s1;
	[sflag:s0] =	ssyncset.done @!p0 $0x0  }
0x81: {  	[sflag:s0] =	ssyncadd.s32 @!p0 s1  }
0x82: {  	[bflag:$0x3] =	sbarrier.arrive $0xFFFF  }
0x83: {  	_ =	shalt  }

// kernel: kernel.13.cloned.1.call-start
scs
__scs_entry_jumppad:
0x0: {  	(pc) =	sbr.rel $0x88, $3  }
0x1: {  	(tag) =	ssettag $0x0;
	lr =	simm.s32 $0x1  }
0x2: {  	[smem:$0x3F97] =	sst lr;
	_ =	strace $0xD0000000  }
0x3: {  	_ = 	snop  }
0x4: {  	_ = 	snop  }
0x5: {  	_ = 	snop  }
0x6: {  	_ = 	snop  }
0x7: {  	_ = 	snop  }
__scs_overlays_trampoline_lowered:
0x8: {  	[smem:$0x3FA6] =	sst s0  }
0x9: {  	[smem:$0x3FA7] =	sst s1  }
0xa: {  	[smem:$0x3FA8] =	sst s2  }
0xb: {  	[smem:$0x3FA9] =	sst s3  }
0xc: {  	[smem:$0x3FAA] =	sst s4  }
0xd: {  	[smem:$0x3FAB] =	sst s5  }
0xe: {  	[smem:$0x3FAC] =	sst s6  }
0xf: {  	[smem:$0x3FAD] =	sst s7  }
0x10: {  	[smem:$0x3FAE] =	sst s8  }
0x11: {  	[smem:$0x3FAF] =	sst s9;
	s0 =	simm.s32 @!p0 $0x0  }
0x12: {  	s1 =	sld [smem:$0x3F95];
	s0 =	simm.s32 @p0 $0x1  }
0x13: {  	[smem:$0x3FB0] =	sst s0;
	s0 =	simm.s32 @!p1 $0x0  }
0x14: {  	s2 =	sld [smem:$0x3F94];
	s0 =	simm.s32 @p1 $0x1  }
0x15: {  	[smem:$0x3FB1] =	sst s0;
	s0 =	simm.s32 @!p2 $0x0  }
0x16: {  	s3 =	sld [smem:$0x3FDB];
	s0 =	simm.s32 @p2 $0x1  }
0x17: {  	s4 =	simm.s32 $0x1BF5;
	[smem:$0x3FB3] =	sst s0  }
0x18: {  	s0 =	sld [smem:$0x3F96];
	_ =	swait.ge [sflag:s4], $0x0  }
0x19: {  	s7 =	sld [smem:$0x3F97]  }
0x1a: {  	s8 =	sadd.s32 $0xFFFFE003, lr  }
0x1b: {  	s9 =	sadd.s32 $0xFFFFFEF7, lr;
	s5 =	simm.s32 $0xFFFFFFFF;
	p2 =	slt.u32 s8, $0xFFFFF086  }
0x1c: {  	p1 =	slt.u32 s9, $0xF7A;
	s5 =	simm.s32 @!p2 $0x0  }
0x1d: {  	s5 =	simm.s32 @p1 $0x1;
	p0 =	seq.s32 s7, s2  }
0x1e: {  	s7 =	smul.u32 @!p0 $0xF7A, s2;
	p2 =	seq.s32 @!p0 s5, $0x0  }
0x1f: {  	s9 =	smul.u32 $0xF7A, s1;
	s8 =	simm.s32 @!p0 $0x1BF5;
	p2 =	por !p2, p0  }
0x20: {  	[sflag:s8] =	ssyncset.s32 @!p0 $0xFFFFF086;
	s6 =	sadd.s32 @!p0 s3, s7;
	s7 =	simm.s32 @!p0 $0x108  }
0x21: {  	s3 =	sadd.s32 s3, s9;
	s6 =	sadd.s32 @!p0 $0x88, s6;
	s7 =	simm.s32 @p2 $0x1082  }
0x22: {  	[simem:s7], [sflag:s8] =	dma.local @!p0 [hbm:s6], $0xF7A  }
0x23: {  	s9 =	sor.u32 $0xD0000000, s2;
	s6 =	simm.s32 $0x108;
	_ =	swait.ge @!p0 [sflag:s8], $0x0  }
0x24: {  	s3 =	sadd.s32 $0x88, s3;
	s6 =	simm.s32 @!p1 $0x1082;
	[sflag:s4] =	ssyncset.s32 $0xFFFFF086  }
0x25: {  	[simem:s6], [sflag:s4] =	dma.local [hbm:s3], $0xF7A  }
0x26: {  	[smem:$0x3F97] =	sst s1;
	(tag) =	ssettag s2;
	_ =	strace s9  }
0x27: {  	s1 =	sld [smem:$0x3FA7]  }
0x28: {  	s2 =	sld [smem:$0x3FA8]  }
0x29: {  	s4 =	sld [smem:$0x3FAA]  }
0x2a: {  	p0 =	seq.s32 s5, $0x0;
	s5 =	sld [smem:$0x3FAB]  }
0x2b: {  	s6 =	sld [smem:$0x3FAC]  }
0x2c: {  	s7 =	sld [smem:$0x3FAD]  }
0x2d: {  	s3 =	simm.s32 $0x108;
	s8 =	sld [smem:$0x3FAE]  }
0x2e: {  	s3 =	simm.s32 @!p0 $0x1082;
	s9 =	sld [smem:$0x3FAF]  }
0x2f: {  	lr =	sadd.s32 s0, s3;
	s0 =	sld [smem:$0x3FA6]  }
0x30: {  	s3 =	sld [smem:$0x3FA9]  }
0x31: {  	[smem:$0x3FB2] =	sst s10  }
0x32: {  	s10 =	sld [smem:$0x3FB0];
	_ =	sdelay $0x3  }
0x33: {  	p0 =	seq.s32 s10, $0x1;
	s10 =	sld [smem:$0x3FB2];
	_ =	sdelay $0x3  }
0x34: {  	[smem:$0x3FB2] =	sst s10  }
0x35: {  	s10 =	sld [smem:$0x3FB1];
	_ =	sdelay $0x3  }
0x36: {  	p1 =	seq.s32 s10, $0x1;
	s10 =	sld [smem:$0x3FB2];
	_ =	sdelay $0x3  }
0x37: {  	[smem:$0x3FB2] =	sst s10  }
0x38: {  	s10 =	sld [smem:$0x3FB3]  }
0x39: {  	_ = 	snop;
	(pc) =	sbr.ind lr, $3  }
0x3a: {  	_ = 	snop  }
0x3b: {  	_ = 	snop  }
0x3c: {  	p2 =	seq.s32 s10, $0x1;
	s10 =	sld [smem:$0x3FB2]  }
0x3d: {  	_ =	shalt  }
0x3e: {  	_ =	shalt  }
0x3f: {  	_ =	shalt  }
0x40: {  	_ =	shalt  }
0x41: {  	_ =	shalt  }
0x42: {  	_ =	shalt  }
0x43: {  	_ =	shalt  }
0x44: {  	_ =	shalt  }
0x45: {  	_ =	shalt  }
0x46: {  	_ =	shalt  }
0x47: {  	_ =	shalt  }
0x48: {  	_ =	shalt  }
0x49: {  	_ =	shalt  }
0x4a: {  	_ =	shalt  }
0x4b: {  	_ =	shalt  }
0x4c: {  	_ =	shalt  }
0x4d: {  	_ =	shalt  }
0x4e: {  	_ =	shalt  }
0x4f: {  	_ =	shalt  }
0x50: {  	_ =	shalt  }
0x51: {  	_ =	shalt  }
0x52: {  	_ =	shalt  }
0x53: {  	_ =	shalt  }
0x54: {  	_ =	shalt  }
0x55: {  	_ =	shalt  }
0x56: {  	_ =	shalt  }
0x57: {  	_ =	shalt  }
0x58: {  	_ =	shalt  }
0x59: {  	_ =	shalt  }
0x5a: {  	_ =	shalt  }
0x5b: {  	_ =	shalt  }
0x5c: {  	_ =	shalt  }
0x5d: {  	_ =	shalt  }
0x5e: {  	_ =	shalt  }
0x5f: {  	_ =	shalt  }
0x60: {  	_ =	shalt  }
0x61: {  	_ =	shalt  }
0x62: {  	_ =	shalt  }
0x63: {  	_ =	shalt  }
0x64: {  	_ =	shalt  }
0x65: {  	_ =	shalt  }
0x66: {  	_ =	shalt  }
0x67: {  	_ =	shalt  }
0x68: {  	_ =	shalt  }
0x69: {  	_ =	shalt  }
0x6a: {  	_ =	shalt  }
0x6b: {  	_ =	shalt  }
0x6c: {  	_ =	shalt  }
0x6d: {  	_ =	shalt  }
0x6e: {  	_ =	shalt  }
0x6f: {  	_ =	shalt  }
0x70: {  	_ =	shalt  }
0x71: {  	_ =	shalt  }
0x72: {  	_ =	shalt  }
0x73: {  	_ =	shalt  }
0x74: {  	_ =	shalt  }
0x75: {  	_ =	shalt  }
0x76: {  	_ =	shalt  }
0x77: {  	_ =	shalt  }
0x78: {  	_ =	shalt  }
0x79: {  	_ =	shalt  }
0x7a: {  	_ =	shalt  }
0x7b: {  	_ =	shalt  }
0x7c: {  	_ =	shalt  }
0x7d: {  	_ =	shalt  }
0x7e: {  	_ =	shalt  }
0x7f: {  	_ =	shalt  }
0x80: {  	_ =	shalt  }
0x81: {  	_ =	shalt  }
0x82: {  	_ =	shalt  }
0x83: {  	_ =	shalt  }
0x84: {  	_ =	shalt  }
0x85: {  	_ =	shalt  }
0x86: {  	_ =	shalt  }
0x87: {  	_ =	shalt  }
.Lfunc_end0:
.L_simem_size_0:
called_computation.1_lowered:
.L_overlay_start_0:
0x88: {  	s2 =	sld [smem:$0x3FD9]  }
0x89: {  	s3 =	sld [smem:$0x3FFE];
	_ =	sdelay $0x1  }
0x8a: {  	s1 =	srdreg.scid  }
0x8b: {  	s0 =	sand.u32 $0x1, s1  }
0x8c: {  	s17 =	sshll.u32 s0, $0xA;
	s2 =	sadd.s32 s3, s2  }
0x8d: {  	s2 =	sadd.s32 s2, s17  }
0x8e: {  	[smem:$0x3FBE] =	sst s2  }
0x8f: {  	_ = 	snop  }
0x90: {  	s2 =	sld [smem:$0x3FD0];
	(tm) =	ssettm $0x1  }
0x91: {  	s18 =	sld [smem:$0x3FFB];
	_ =	sdelay $0x3  }
0x92: {  	_ =	strace s18  }
0x93: {  	s3 =	sld [smem:$0x3FFC];
	_ =	sdelay $0x3  }
0x94: {  	_ =	strace s3  }
0x95: {  	s3 =	sld [smem:$0x3FFD];
	_ =	sdelay $0x3  }
0x96: {  	_ =	strace s3  }
0x97: {  	_ =	strace $0x8FFFFFFF  }
0x98: {  	s19 =	sld [smem:$0x3FDB];
	_ =	sdelay $0x1  }
0x99: {  	s4 =	simm.s32 $_scs_section_size  }
0x9a: {  	s5 =	simm.s32 $_size__tile_overlayer_lowered;
	s6 =	simm.s32 $_tile_overlayer_lowered  }
0x9b: {  	s22 =	simm.s32 $0x1BFF;
	s21 =	sshll.u32 s6, $0x1;
	s3 =	sadd.s32 s4, s19  }
0x9c: {  	s7 =	simm.s32 $0x0;
	s20 =	sshll.u32 s5, $0x1;
	s5 =	sadd.s32 s21, s3  }
0x9d: {  	[timem:s7], [sflag:s22] =	dma.local [hbm:s5], s20  }
0x9e: {  	_ =	swait.ge [sflag:s22], s20  }
0x9f: {  	s4 =	ssub.s32 $0x0, s20;
	[sflag:s22] =	ssyncset.done $0x0  }
0xa0: {  	[sflag:s22] =	ssyncadd.s32 s4;
	_ =	sdelay $0x1  }
0xa1: {  	s23 =	simm.s32 $0x1B8B  }
0xa2: {  	_ =	swait.ge [sflag:s23], $0x1  }
0xa3: {  	[sflag:s23] =	ssyncset.done $0x0  }
0xa4: {  	s25 =	simm.s32 $0x1B8E;
	s24 =	sld [smem:$0x3FFE];
	[sflag:s23] =	ssyncadd.s32 $0xFFFFFFFF  }
0xa5: {  	s26 =	simm.s32 $execute0_lowered;
	[smem:$0x3FD2] =	sst s25  }
0xa6: {  	s5 =	sshll.u32 s26, $0x1;
	_ =	strace $0x80000049;
	[dreg:$0x1] =	wrdreg $0xFFFFFFFF  }
0xa7: {  	s28 =	simm.s32 $_size_execute0_lowered;
	s3 =	sadd.s32 s3, s5;
	[dreg:$0x0] =	wrdreg $0x0  }
0xa8: {  	s5 =	sshll.u32 s28, $0x1;
	[dreg:$0x2] =	wrdreg s3  }
0xa9: {  	[dreg:$0x3] =	wrdreg s5  }
0xaa: {  	[dreg:$0x4] =	wrdreg $0xC0  }
0xab: {  	_ =	task [dreg:s7], $0x5FFFF  }
0xac: {  	[dreg:$0x1] =	wrdreg $0xFFFFFFFF  }
0xad: {  	[dreg:$0x0] =	wrdreg $0x60  }
0xae: {  	[dreg:$0x2] =	wrdreg s2  }
0xaf: {  	[dreg:$0x3] =	wrdreg s24  }
0xb0: {  	[dreg:$0x4] =	wrdreg $0xA4000  }
0xb1: {  	[dreg:$0x5] =	wrdreg $0x9  }
0xb2: {  	_ =	task.clear_ibuf [dreg:s7], $0x6FFFF;
	_ =	strace $0x90000049  }
0xb3: {  	s29 =	simm.s32 $0x9;
	_ =	strace $0x8000004B  }
0xb4: {  	_ =	swait.ge [sflag:s29], $0x1  }
0xb5: {  	[sflag:s29] =	ssyncadd.s32 $0xFFFFFFFF  }
0xb6: {  	_ =	strace $0x9000004B  }
0xb7: {  	_ =	sfence  }
0xb8: {  	s30 =	sld [smem:$0x0];
	_ =	sdelay $0x2  }
0xb9: {  	s31 =	sshll.u32 s1, $0xD;
	s1 =	sshrl.u32 s1, $0x2  }
0xba: {  	s3 =	sand.u32 $0x4000, s31;
	s1 =	sadd.s32 s1, s30  }
0xbb: {  	s0 =	sor.u32 s3, s0;
	s1 =	sshll.u32 s1, $0x11  }
0xbc: {  	s0 =	sor.u32 s1, s0  }
0xbd: {  	s0 =	sadd.s32 $0x8F2B, s0  }
0xbe: {  	[sflag:s0] =	ssyncadd.remote.s32 $0x1  }
0xbf: {  	_ =	sfence.sel $0xFFFF  }
0xc0: {  	[dreg:$0x0] =	wrdreg $0xFFFFFFFF;
	(pc) =	sbr.abs _section_cstart, $3  }
0xc1: {  	[dreg:$0x1] =	wrdreg $0xFFFFFFFF  }
0xc2: {  	_ =	task.clear_ibuf [dreg:s7], $0x2FFFF;
	_ =	strace $0x9FFFFFFF  }
0xc3: {  	(tm) =	ssettm $0x7FFFFFFF  }
tec
execute0_lowered:
.L_overlay_start_1:
0x0: {  	(tag) =	ssettag $0x1  }
0x1: {  	s1 =	rddreg [dreg:$0x0]  }
0x2: {  	s0 =	rddreg [dreg:$0x1]  }
0x3: {  	s3 =	rddreg [dreg:$0x2];
	s2 =	srdreg.scid  }
0x4: {  	s11 =	stileid.u32;
	s4 =	simm.s32 $0x0;
	s28 =	simm.s32 $0x2C00  }
0x5: {  	s29 =	simm.s32 $0x100;
	s30 =	simm.s32 $0x1;
	s31 =	simm.s32 $0x2  }
0x6: {  	s12 =	simm.s32 $0x180;
	s15 =	simm.s32 $0x7C00;
	s16 =	simm.s32 $0x3  }
0x7: {  	s13 =	simm.s32 $0x380;
	s14 =	simm.s32 $0x5;
	s6 =	smul.u32 $0x280, s11  }
0x8: {  	s2 =	sand.u32 $0x1, s2;
	[smem:$0x7FF] =	sst s4;
	s9 =	smul.u32 $0x50000, s11  }
0x9: {  	s5 =	sadd.s32 $0x6000, s0;
	s19 =	sshll.u32 s11, $0xC;
	s11 =	simm.s32 $0x5400  }
0xa: {  	s7 =	smul.u32 $0x2800, s2;
	_ =	strace $0x8000004A;
	s18 =	sshrl.u32 s9, $0x2  }
0xb: {  	s8 =	ssub.s32 $0x2, s2;
	s2 =	sshll.u32 s2, $0xB;
	s9 =	sadd.s32 s18, s3  }
0xc: {  	s10 =	sshrl.u32 s8, $0x1;
	s20 =	sadd.s32 $0x4000, s9;
	[dreg:$0x4] =	wrdreg s9  }
0xd: {  	s7 =	sadd.s32 s6, s7;
	s21 =	sadd.s32 $0x8000, s9;
	[dreg:$0x5] =	wrdreg s20  }
0xe: {  	s6 =	sadd.s32 $0x16000, s0;
	s22 =	sadd.s32 $0xC000, s9;
	[dreg:$0x6] =	wrdreg s21  }
0xf: {  	s17 =	ssub.s32 s8, s10;
	s23 =	sadd.s32 $0x10000, s9;
	[dreg:$0x7] =	wrdreg s22  }
0x10: {  	s10 =	sor.u32 s2, s19;
	s9 =	sadd.s32 $0xA000, s9;
	[dreg:$0x8] =	wrdreg s23  }
0x11: {  	s18 =	simm.s32 $0xC;
	s26 =	smax.u32 s17, $0x1;
	[dreg:$0xc] =	wrdreg s9  }
0x12: {  	s7 =	sshll.u32 s7, $0x4;
	s24 =	sadd.s32 s5, s10;
	[dreg:$0xe] =	wrdreg s26  }
0x13: {  	s8 =	sadd.s32 s6, s10;
	s17 =	simm.s32 $0x4;
	[dreg:$0x9] =	wrdreg s24  }
0x14: {  	s0 =	sadd.s32 s7, s0;
	s19 =	sadd.s32 $0x20, s24;
	[dreg:$0xa] =	wrdreg s8  }
.Ltmp0:
0x15: {  	s20 =	sadd.s32 $0x20, s8;
	s21 =	simm.s32 $0x400;
	(pc) =	sbr.rel .LBB2_1-.Ltmp0, $4  }
0x16: {  	s23 =	simm.s32 $0x200;
	s24 =	simm.s32 $0x9;
	s8 =	simm.s32 $0x300  }
0x17: {  	s9 =	simm.s32 $0xA;
	s7 =	simm.s32 $0x6;
	s25 =	sadd.s32 $0x4D200, s0  }
0x18: {  	s26 =	simm.s32 $0x0;
	s0 =	sadd.s32 $0x4E600, s0;
	[dreg:$0xb] =	wrdreg s25  }
0x19: {  	v0 =	vimm.f32 $0.0e+00;
	[dreg:$0xd] =	wrdreg s0;
	s25 =	simm.s32 $0x50;
	s0 =	simm.s32 $0xB  }
.LBB2_6:
0x1a: {  	s2 =	simm.s32 $0x7  }
0x1b: {  	_ =	swait.ge [sflag:s2], $0x2800  }
0x1c: {  	[sflag:s2] =	ssyncset.done $0x0  }
0x1d: {  	s26 =	simm.s32 $0x8;
	[sflag:s2] =	ssyncadd.s32 $0xFFFFD800  }
0x1e: {  	_ =	swait.ge [sflag:s26], $0x2800  }
0x1f: {  	[sflag:s26] =	ssyncset.done $0x0  }
0x20: {  	[sflag:s26] =	ssyncadd.s32 $0xFFFFD800  }
0x21: {  	[bflag:$0x0] =	sbarrier.arrive $0xFFFF  }
0x22: {  	s22 =	rddreg [dreg:$0x4]  }
0x23: {  	[tilespmem:s21], [sflag:$0xD] =	stream.linear.gather [spmem:s22], $0xA000, $0x38;
	[tilespmem:$0x1E400] =	vst v63  }
0x24: {  	s22 =	simm.s32 $0xD  }
0x25: {  	_ =	swait.ge [sflag:s22], $0xA000  }
0x26: {  	[sflag:s22] =	ssyncset.done $0x0  }
0x27: {  	s26 =	rddreg [dreg:$0xb];
	[sflag:s22] =	ssyncadd.s32 $0xFFFF6000  }
0x28: {  	[hbm4b:s26+s4] =	stream.linear.scatter [tilespmem:s21], [sflag:$0xD], $0xA000, $0x38;
	[tilespmem:$0x1E400] =	vst v63  }
0x29: {  	_ =	swait.ge [sflag:s22], $0xA000  }
0x2a: {  	[sflag:s22] =	ssyncset.done $0x0  }
0x2b: {  	s26 =	rddreg [dreg:$0xc];
	[sflag:s22] =	ssyncadd.s32 $0xFFFF6000  }
0x2c: {  	[tilespmem:s21], [sflag:$0xD] =	stream.linear.gather [spmem:s26], $0xA000, $0x38;
	[tilespmem:$0x1E400] =	vst v63  }
0x2d: {  	_ =	swait.ge [sflag:s22], $0xA000  }
0x2e: {  	[sflag:s22] =	ssyncset.done $0x0  }
0x2f: {  	s26 =	rddreg [dreg:$0xd];
	[sflag:s22] =	ssyncadd.s32 $0xFFFF6000  }
0x30: {  	[hbm4b:s26+s4] =	stream.linear.scatter [tilespmem:s21], [sflag:$0xD], $0xA000, $0x38;
	[tilespmem:$0x1E400] =	vst v63  }
0x31: {  	_ =	swait.ge [sflag:s22], $0xA000  }
0x32: {  	s26 =	rddreg [dreg:$0xf]  }
0x33: {  	s2 =	rddreg [dreg:$0xe];
	s26 =	sadd.s32 $0x1, s26  }
0x34: {  	p0 =	sne.s32 s26, s2  }
.Ltmp1:
0x35: {  	_ = 	snop;
	(pc) =	sbr.rel @!p0 .LBB2_7-.Ltmp1, $3  }
0x36: {  	_ =	sdelay $0x1  }
0x37: {  	[sflag:s22] =	ssyncset.done $0x0  }
0x38: {  	[sflag:s22] =	ssyncadd.s32 $0xFFFF6000  }
.LBB2_1:
0x39: {  	[dreg:$0xf] =	wrdreg s26;
	s22 =	simm.s32 $0x0;
	s26 =	simm.s32 $0x200  }
.LBB2_2:
0x3a: {  	p0 =	sne.s32 s26, $0x27E00;
	[tilespmem:s22+$0x470] =	vst v0  }
0x3b: {  	[tilespmem:s22+$0x400] =	vst v0  }
0x3c: {  	[tilespmem:s22+$0x410] =	vst v0  }
.Ltmp2:
0x3d: {  	[tilespmem:s22+$0x420] =	vst v0;
	(pc) =	sbr.rel @p0 .LBB2_2-.Ltmp2, $4  }
0x3e: {  	[tilespmem:s22+$0x430] =	vst v0  }
0x3f: {  	[tilespmem:s22+$0x440] =	vst v0  }
0x40: {  	[tilespmem:s22+$0x450] =	vst v0  }
0x41: {  	[tilespmem:s22+$0x460] =	vst v0;
	s22 =	sshra.s32 s26, $0x2;
	s26 =	sadd.s32 $0x200, s26  }
0x42: {  	[tilespmem:s22+$0x470] =	vst v0  }
0x43: {  	[tilespmem:s22+$0x400] =	vst v0  }
0x44: {  	[tilespmem:s22+$0x410] =	vst v0  }
0x45: {  	[tilespmem:s22+$0x420] =	vst v0  }
0x46: {  	[tilespmem:s22+$0x430] =	vst v0  }
0x47: {  	[tilespmem:s22+$0x440] =	vst v0  }
0x48: {  	[tilespmem:s22+$0x450] =	vst v0  }
0x49: {  	[tilespmem:s22+$0x460] =	vst v0;
	s2 =	rddreg [dreg:$0x4];
	s22 =	simm.s32 $0xD  }
0x4a: {  	[spmem:s2] =	stream.linear.scatter [tilespmem:s21], [sflag:$0xD], $0x4000, $0x38;
	[tilespmem:$0x1E400] =	vst v63  }
0x4b: {  	_ =	swait.ge [sflag:s22], $0x4000  }
0x4c: {  	[sflag:s22] =	ssyncset.done $0x0  }
0x4d: {  	s26 =	rddreg [dreg:$0x5];
	[sflag:s22] =	ssyncadd.s32 $0xFFFFC000  }
0x4e: {  	[spmem:s26] =	stream.linear.scatter [tilespmem:s21], [sflag:$0xD], $0x4000, $0x38;
	[tilespmem:$0x1E400] =	vst v63  }
0x4f: {  	_ =	swait.ge [sflag:s22], $0x4000  }
0x50: {  	[sflag:s22] =	ssyncset.done $0x0  }
0x51: {  	s26 =	rddreg [dreg:$0x6];
	[sflag:s22] =	ssyncadd.s32 $0xFFFFC000  }
0x52: {  	[spmem:s26] =	stream.linear.scatter [tilespmem:s21], [sflag:$0xD], $0x4000, $0x38;
	[tilespmem:$0x1E400] =	vst v63  }
0x53: {  	_ =	swait.ge [sflag:s22], $0x4000  }
0x54: {  	[sflag:s22] =	ssyncset.done $0x0  }
0x55: {  	s26 =	rddreg [dreg:$0x7];
	[sflag:s22] =	ssyncadd.s32 $0xFFFFC000  }
0x56: {  	[spmem:s26] =	stream.linear.scatter [tilespmem:s21], [sflag:$0xD], $0x4000, $0x38;
	[tilespmem:$0x1E400] =	vst v63  }
0x57: {  	_ =	swait.ge [sflag:s22], $0x4000  }
0x58: {  	[sflag:s22] =	ssyncset.done $0x0  }
0x59: {  	s26 =	rddreg [dreg:$0x8];
	[sflag:s22] =	ssyncadd.s32 $0xFFFFC000  }
0x5a: {  	[spmem:s26] =	stream.linear.scatter [tilespmem:s21], [sflag:$0xD], $0x4000, $0x38;
	[tilespmem:$0x1E400] =	vst v63  }
0x5b: {  	_ =	swait.ge [sflag:s22], $0x4000  }
0x5c: {  	[sflag:s22] =	ssyncset.done $0x0  }
0x5d: {  	[sflag:s22] =	ssyncadd.s32 $0xFFFFC000  }
0x5e: {  	[bflag:$0x0] =	sbarrier.arrive $0xFFFF  }
0x5f: {  	s26 =	rddreg [dreg:$0x9]  }
0x60: {  	[tilespmem:s4], [sflag:$0x9] =	stream.linear.gather [hbm4b:s26+s4], $0x100, $0x38;
	[tilespmem:$0x1E400] =	vst v63  }
0x61: {  	s22 =	rddreg [dreg:$0xa]  }
0x62: {  	[tilespmem:s23], [sflag:$0xB] =	stream.linear.gather [hbm4b:s22+s4], $0x100, $0x38;
	[tilespmem:$0x1E400] =	vst v63  }
0x63: {  	_ =	swait.ge [sflag:s24], $0x100  }
0x64: {  	[sflag:s24] =	ssyncset.done $0x0  }
0x65: {  	[sflag:s24] =	ssyncadd.s32 $0xFFFFFF00  }
0x66: {  	[tilespmem:s21], [sflag:$0x1] =	stream.indirect.gather [hbm4b:s1+s25], $0x80, s4, s25, $0xb8;
	[tilespmem:$0x1E400] =	vst v63  }
0x67: {  	s26 =	simm.s32 $0x80;
	s22 =	simm.s32 $0x40  }
0x68: {  	[tilespmem:s28], [sflag:$0x2] =	stream.indirect.gather [hbm4b:s1+s25], $0x80, s26, s25, $0xb8;
	[tilespmem:$0x1E400] =	vst v63  }
.LBB2_4:
0x69: {  	s26 =	sadd.s32 s22, s19  }
0x6a: {  	s26 =	sadd.s32 $0xFFFFFFC0, s26  }
0x6b: {  	[tilespmem:s29], [sflag:$0xA] =	stream.linear.gather [hbm4b:s26+s4], $0x100, $0x38;
	[tilespmem:$0x1E400] =	vst v63  }
0x6c: {  	_ =	swait.ge [sflag:s30], $0x2800  }
0x6d: {  	[sflag:s30] =	ssyncset.done $0x0  }
0x6e: {  	[sflag:s30] =	ssyncadd.s32 $0xFFFFD800  }
0x6f: {  	_ =	swait.ge [sflag:s31], $0x2800  }
0x70: {  	[sflag:s31] =	ssyncset.done $0x0  }
0x71: {  	[sflag:s31] =	ssyncadd.s32 $0xFFFFD800  }
0x72: {  	_ =	swait.ge [sflag:s0], $0x100  }
0x73: {  	[sflag:s0] =	ssyncset.done $0x0  }
0x74: {  	p0 =	seq.s32 s22, $0x40;
	[sflag:s0] =	ssyncadd.s32 $0xFFFFFF00  }
0x75: {  	[spmem:s3] =	stream.indirect.scatter.add.f32 [tilespmem:s21], [sflag:$0x5], $0x80, s23, s25, $0xb8;
	[tilespmem:$0x1E400] =	vst v63  }
0x76: {  	s2 =	simm.s32 $0x280;
	s26 =	simm.s32 @!p0 $0x7  }
0x77: {  	[spmem:s3] =	stream.indirect.scatter.add.f32 [tilespmem:s28], [sflag:$0x6], $0x80, s2, s25, $0xb8;
	[tilespmem:$0x1E400] =	vst v63  }
0x78: {  	_ =	swait.ge @!p0 [sflag:s26], $0x2800  }
0x79: {  	[sflag:s26] =	ssyncset.done @!p0 $0x0  }
0x7a: {  	[sflag:s26] =	ssyncadd.s32 @!p0 $0xFFFFD800;
	s26 =	simm.s32 @!p0 $0x8  }
0x7b: {  	_ =	swait.ge @!p0 [sflag:s26], $0x2800  }
0x7c: {  	s2 =	sadd.s32 s22, s20;
	[sflag:s26] =	ssyncset.done @!p0 $0x0  }
0x7d: {  	s2 =	sadd.s32 $0xFFFFFFC0, s2;
	[sflag:s26] =	ssyncadd.s32 @!p0 $0xFFFFD800  }
0x7e: {  	[tilespmem:s8], [sflag:$0xC] =	stream.linear.gather [hbm4b:s2+s4], $0x100, $0x38;
	[tilespmem:$0x1E400] =	vst v63  }
0x7f: {  	_ =	swait.ge [sflag:s9], $0x100  }
0x80: {  	p0 =	seq.s32 s22, $0x800;
	[sflag:s9] =	ssyncset.done $0x0  }
0x81: {  	s2 =	sadd.s32 @!p0 s22, s10;
	s26 =	sand.u32 @!p0 $0x40, s22;
	[sflag:s9] =	ssyncadd.s32 $0xFFFFFF00  }
0x82: {  	[tilespmem:s11], [sflag:$0x3] =	stream.indirect.gather [hbm4b:s1+s25], $0x80, s29, s25, $0xb8;
	[tilespmem:$0x1E400] =	vst v63  }
0x83: {  	s2 =	sand.u32 @!p0 $0x1FF80, s2;
	s26 =	sadd.s32 @!p0 s5, s26  }
0x84: {  	[tilespmem:s15], [sflag:$0x4] =	stream.indirect.gather [hbm4b:s1+s25], $0x80, s12, s25, $0xb8;
	[tilespmem:$0x1E400] =	vst v63  }
0x85: {  	s2 =	sadd.s32 @!p0 s2, s26;
	s26 =	simm.s32 @!p0 $0x0  }
0x86: {  	[tilespmem:s26], [sflag:$0x9] =	stream.linear.gather @!p0 [hbm4b:s2+s26], $0x100, $0x38;
	[tilespmem:$0x1E400] =	vst v63  }
0x87: {  	_ =	swait.ge [sflag:s16], $0x2800  }
0x88: {  	[sflag:s16] =	ssyncset.done $0x0  }
0x89: {  	[sflag:s16] =	ssyncadd.s32 $0xFFFFD800  }
0x8a: {  	_ =	swait.ge [sflag:s17], $0x2800  }
0x8b: {  	[sflag:s17] =	ssyncset.done $0x0  }
0x8c: {  	[sflag:s17] =	ssyncadd.s32 $0xFFFFD800  }
0x8d: {  	_ =	swait.ge [sflag:s18], $0x100  }
0x8e: {  	[sflag:s18] =	ssyncset.done $0x0  }
0x8f: {  	[sflag:s18] =	ssyncadd.s32 $0xFFFFFF00  }
0x90: {  	[spmem:s3] =	stream.indirect.scatter.add.f32 [tilespmem:s11], [sflag:$0x7], $0x80, s8, s25, $0xb8;
	[tilespmem:$0x1E400] =	vst v63  }
0x91: {  	_ = 	snop  }
0x92: {  	[spmem:s3] =	stream.indirect.scatter.add.f32 [tilespmem:s15], [sflag:$0x8], $0x80, s13, s25, $0xb8;
	[tilespmem:$0x1E400] =	vst v63  }
0x93: {  	_ =	swait.ge [sflag:s14], $0x2800  }
.Ltmp3:
0x94: {  	[sflag:s14] =	ssyncset.done $0x0;
	(pc) =	sbr.rel @p0 .LBB2_6-.Ltmp3, $4  }
0x95: {  	[sflag:s14] =	ssyncadd.s32 $0xFFFFD800  }
0x96: {  	_ =	swait.ge [sflag:s7], $0x2800  }
0x97: {  	[sflag:s7] =	ssyncset.done $0x0  }
0x98: {  	[sflag:s7] =	ssyncadd.s32 $0xFFFFD800  }
0x99: {  	s2 =	sadd.s32 s22, s10;
	s26 =	sand.u32 $0x40, s22  }
0x9a: {  	s2 =	sand.u32 $0x1FF80, s2;
	s26 =	sadd.s32 s6, s26  }
0x9b: {  	s2 =	sadd.s32 s2, s26  }
0x9c: {  	[tilespmem:s23], [sflag:$0xB] =	stream.linear.gather [hbm4b:s2+s4], $0x100, $0x38;
	[tilespmem:$0x1E400] =	vst v63  }
0x9d: {  	_ =	swait.ge [sflag:s24], $0x100  }
.Ltmp4:
0x9e: {  	[sflag:s24] =	ssyncset.done $0x0;
	(pc) =	sbr.rel .LBB2_4-.Ltmp4, $4  }
0x9f: {  	[sflag:s24] =	ssyncadd.s32 $0xFFFFFF00  }
0xa0: {  	[tilespmem:s21], [sflag:$0x1] =	stream.indirect.gather [hbm4b:s1+s25], $0x80, s4, s25, $0xb8;
	[tilespmem:$0x1E400] =	vst v63  }
0xa1: {  	s22 =	sadd.s32 $0x40, s22;
	s26 =	simm.s32 $0x80  }
0xa2: {  	[tilespmem:s28], [sflag:$0x2] =	stream.indirect.gather [hbm4b:s1+s25], $0x80, s26, s25, $0xb8;
	[tilespmem:$0x1E400] =	vst v63  }
.LBB2_7:
0xa3: {  	_ =	sfence.sel $0x180000  }
0xa4: {  	[bflag:$0x0] =	sbarrier.arrive $0xFFFF  }
0xa5: {  	_ =	strace $0x9000004A  }
0xa6: {  	s0 =	stileid.u32;
	[bflag:$0x2] =	sbarrier.arrive $0xFFFF  }
0xa7: {  	p0 =	sne.s32 s0, $0x0;
	s0 =	rddreg [dreg:$0x3]  }
0xa8: {  	s0 =	sadd.s32 @!p0 $0x100000, s0  }
0xa9: {  	[sflag:s0] =	ssyncadd.tile.s32 @!p0 $0x1;
	_ =	shalt  }
.Lfunc_end2:
_tile_overlayer_lowered:
.L_overlay_start_2:
0xaa: {  	(tag) =	ssettag $0x2  }
0xab: {  	s0 =	rddreg [dreg:$0x0];
	s2 =	stileid.u32  }
0xac: {  	s1 =	rddreg [dreg:$0x1];
	p0 =	sne.s32 s2, $0x0  }
0xad: {  	s3 =	rddreg [dreg:$0x2];
	[bflag:$0x3] =	sbarrier.arrive $0xFFFF;
	s2 =	simm.s32 @!p0 $0x1C0D  }
0xae: {  	[timem:s3], [sflag:s2] =	dma.local @!p0 [hbm:s0], s1  }
0xaf: {  	s0 =	simm.s32 @!p0 $0xD  }
0xb0: {  	_ =	swait.ge @!p0 [sflag:s0], s1  }
0xb1: {  	s1 =	ssub.s32 @!p0 $0x0, s1;
	[sflag:s0] =	ssyncset.done @!p0 $0x0  }
0xb2: {  	[sflag:s0] =	ssyncadd.s32 @!p0 s1  }
0xb3: {  	[bflag:$0x3] =	sbarrier.arrive $0xFFFF  }
0xb4: {  	_ =	shalt  }

// kernel: kernel.16.cloned.1.call-start
scs
__scs_entry_jumppad:
0x0: {  	(pc) =	sbr.rel $0x88, $3  }
0x1: {  	(tag) =	ssettag $0x0;
	lr =	simm.s32 $0x1  }
0x2: {  	[smem:$0x3F97] =	sst lr;
	_ =	strace $0xD0000000  }
0x3: {  	_ = 	snop  }
0x4: {  	_ = 	snop  }
0x5: {  	_ = 	snop  }
0x6: {  	_ = 	snop  }
0x7: {  	_ = 	snop  }
__scs_overlays_trampoline_lowered:
0x8: {  	[smem:$0x3FA6] =	sst s0  }
0x9: {  	[smem:$0x3FA7] =	sst s1  }
0xa: {  	[smem:$0x3FA8] =	sst s2  }
0xb: {  	[smem:$0x3FA9] =	sst s3  }
0xc: {  	[smem:$0x3FAA] =	sst s4  }
0xd: {  	[smem:$0x3FAB] =	sst s5  }
0xe: {  	[smem:$0x3FAC] =	sst s6  }
0xf: {  	[smem:$0x3FAD] =	sst s7  }
0x10: {  	[smem:$0x3FAE] =	sst s8  }
0x11: {  	[smem:$0x3FAF] =	sst s9;
	s0 =	simm.s32 @!p0 $0x0  }
0x12: {  	s1 =	sld [smem:$0x3F95];
	s0 =	simm.s32 @p0 $0x1  }
0x13: {  	[smem:$0x3FB0] =	sst s0;
	s0 =	simm.s32 @!p1 $0x0  }
0x14: {  	s2 =	sld [smem:$0x3F94];
	s0 =	simm.s32 @p1 $0x1  }
0x15: {  	[smem:$0x3FB1] =	sst s0;
	s0 =	simm.s32 @!p2 $0x0  }
0x16: {  	s3 =	sld [smem:$0x3FDB];
	s0 =	simm.s32 @p2 $0x1  }
0x17: {  	s4 =	simm.s32 $0x1BF5;
	[smem:$0x3FB3] =	sst s0  }
0x18: {  	s0 =	sld [smem:$0x3F96];
	_ =	swait.ge [sflag:s4], $0x0  }
0x19: {  	s7 =	sld [smem:$0x3F97]  }
0x1a: {  	s8 =	sadd.s32 $0xFFFFE003, lr  }
0x1b: {  	s9 =	sadd.s32 $0xFFFFFEF7, lr;
	s5 =	simm.s32 $0xFFFFFFFF;
	p2 =	slt.u32 s8, $0xFFFFF086  }
0x1c: {  	p1 =	slt.u32 s9, $0xF7A;
	s5 =	simm.s32 @!p2 $0x0  }
0x1d: {  	s5 =	simm.s32 @p1 $0x1;
	p0 =	seq.s32 s7, s2  }
0x1e: {  	s7 =	smul.u32 @!p0 $0xF7A, s2;
	p2 =	seq.s32 @!p0 s5, $0x0  }
0x1f: {  	s9 =	smul.u32 $0xF7A, s1;
	s8 =	simm.s32 @!p0 $0x1BF5;
	p2 =	por !p2, p0  }
0x20: {  	[sflag:s8] =	ssyncset.s32 @!p0 $0xFFFFF086;
	s6 =	sadd.s32 @!p0 s3, s7;
	s7 =	simm.s32 @!p0 $0x108  }
0x21: {  	s3 =	sadd.s32 s3, s9;
	s6 =	sadd.s32 @!p0 $0x88, s6;
	s7 =	simm.s32 @p2 $0x1082  }
0x22: {  	[simem:s7], [sflag:s8] =	dma.local @!p0 [hbm:s6], $0xF7A  }
0x23: {  	s9 =	sor.u32 $0xD0000000, s2;
	s6 =	simm.s32 $0x108;
	_ =	swait.ge @!p0 [sflag:s8], $0x0  }
0x24: {  	s3 =	sadd.s32 $0x88, s3;
	s6 =	simm.s32 @!p1 $0x1082;
	[sflag:s4] =	ssyncset.s32 $0xFFFFF086  }
0x25: {  	[simem:s6], [sflag:s4] =	dma.local [hbm:s3], $0xF7A  }
0x26: {  	[smem:$0x3F97] =	sst s1;
	(tag) =	ssettag s2;
	_ =	strace s9  }
0x27: {  	s1 =	sld [smem:$0x3FA7]  }
0x28: {  	s2 =	sld [smem:$0x3FA8]  }
0x29: {  	s4 =	sld [smem:$0x3FAA]  }
0x2a: {  	p0 =	seq.s32 s5, $0x0;
	s5 =	sld [smem:$0x3FAB]  }
0x2b: {  	s6 =	sld [smem:$0x3FAC]  }
0x2c: {  	s7 =	sld [smem:$0x3FAD]  }
0x2d: {  	s3 =	simm.s32 $0x108;
	s8 =	sld [smem:$0x3FAE]  }
0x2e: {  	s3 =	simm.s32 @!p0 $0x1082;
	s9 =	sld [smem:$0x3FAF]  }
0x2f: {  	lr =	sadd.s32 s0, s3;
	s0 =	sld [smem:$0x3FA6]  }
0x30: {  	s3 =	sld [smem:$0x3FA9]  }
0x31: {  	[smem:$0x3FB2] =	sst s10  }
0x32: {  	s10 =	sld [smem:$0x3FB0];
	_ =	sdelay $0x3  }
0x33: {  	p0 =	seq.s32 s10, $0x1;
	s10 =	sld [smem:$0x3FB2];
	_ =	sdelay $0x3  }
0x34: {  	[smem:$0x3FB2] =	sst s10  }
0x35: {  	s10 =	sld [smem:$0x3FB1];
	_ =	sdelay $0x3  }
0x36: {  	p1 =	seq.s32 s10, $0x1;
	s10 =	sld [smem:$0x3FB2];
	_ =	sdelay $0x3  }
0x37: {  	[smem:$0x3FB2] =	sst s10  }
0x38: {  	s10 =	sld [smem:$0x3FB3]  }
0x39: {  	_ = 	snop;
	(pc) =	sbr.ind lr, $3  }
0x3a: {  	_ = 	snop  }
0x3b: {  	_ = 	snop  }
0x3c: {  	p2 =	seq.s32 s10, $0x1;
	s10 =	sld [smem:$0x3FB2]  }
0x3d: {  	_ =	shalt  }
0x3e: {  	_ =	shalt  }
0x3f: {  	_ =	shalt  }
0x40: {  	_ =	shalt  }
0x41: {  	_ =	shalt  }
0x42: {  	_ =	shalt  }
0x43: {  	_ =	shalt  }
0x44: {  	_ =	shalt  }
0x45: {  	_ =	shalt  }
0x46: {  	_ =	shalt  }
0x47: {  	_ =	shalt  }
0x48: {  	_ =	shalt  }
0x49: {  	_ =	shalt  }
0x4a: {  	_ =	shalt  }
0x4b: {  	_ =	shalt  }
0x4c: {  	_ =	shalt  }
0x4d: {  	_ =	shalt  }
0x4e: {  	_ =	shalt  }
0x4f: {  	_ =	shalt  }
0x50: {  	_ =	shalt  }
0x51: {  	_ =	shalt  }
0x52: {  	_ =	shalt  }
0x53: {  	_ =	shalt  }
0x54: {  	_ =	shalt  }
0x55: {  	_ =	shalt  }
0x56: {  	_ =	shalt  }
0x57: {  	_ =	shalt  }
0x58: {  	_ =	shalt  }
0x59: {  	_ =	shalt  }
0x5a: {  	_ =	shalt  }
0x5b: {  	_ =	shalt  }
0x5c: {  	_ =	shalt  }
0x5d: {  	_ =	shalt  }
0x5e: {  	_ =	shalt  }
0x5f: {  	_ =	shalt  }
0x60: {  	_ =	shalt  }
0x61: {  	_ =	shalt  }
0x62: {  	_ =	shalt  }
0x63: {  	_ =	shalt  }
0x64: {  	_ =	shalt  }
0x65: {  	_ =	shalt  }
0x66: {  	_ =	shalt  }
0x67: {  	_ =	shalt  }
0x68: {  	_ =	shalt  }
0x69: {  	_ =	shalt  }
0x6a: {  	_ =	shalt  }
0x6b: {  	_ =	shalt  }
0x6c: {  	_ =	shalt  }
0x6d: {  	_ =	shalt  }
0x6e: {  	_ =	shalt  }
0x6f: {  	_ =	shalt  }
0x70: {  	_ =	shalt  }
0x71: {  	_ =	shalt  }
0x72: {  	_ =	shalt  }
0x73: {  	_ =	shalt  }
0x74: {  	_ =	shalt  }
0x75: {  	_ =	shalt  }
0x76: {  	_ =	shalt  }
0x77: {  	_ =	shalt  }
0x78: {  	_ =	shalt  }
0x79: {  	_ =	shalt  }
0x7a: {  	_ =	shalt  }
0x7b: {  	_ =	shalt  }
0x7c: {  	_ =	shalt  }
0x7d: {  	_ =	shalt  }
0x7e: {  	_ =	shalt  }
0x7f: {  	_ =	shalt  }
0x80: {  	_ =	shalt  }
0x81: {  	_ =	shalt  }
0x82: {  	_ =	shalt  }
0x83: {  	_ =	shalt  }
0x84: {  	_ =	shalt  }
0x85: {  	_ =	shalt  }
0x86: {  	_ =	shalt  }
0x87: {  	_ =	shalt  }
.Lfunc_end0:
.L_simem_size_0:
called_computation.2_lowered:
.L_overlay_start_0:
0x88: {  	s2 =	sld [smem:$0x3FD9]  }
0x89: {  	s3 =	sld [smem:$0x3FFE];
	_ =	sdelay $0x1  }
0x8a: {  	s1 =	srdreg.scid  }
0x8b: {  	s0 =	sand.u32 $0x1, s1  }
0x8c: {  	s17 =	sshll.u32 s0, $0xA;
	s2 =	sadd.s32 s3, s2  }
0x8d: {  	s2 =	sadd.s32 s2, s17  }
0x8e: {  	[smem:$0x3FBE] =	sst s2  }
0x8f: {  	_ = 	snop  }
0x90: {  	s2 =	sld [smem:$0x3FD0];
	(tm) =	ssettm $0x1  }
0x91: {  	s18 =	sld [smem:$0x3FFB];
	_ =	sdelay $0x3  }
0x92: {  	_ =	strace s18  }
0x93: {  	s3 =	sld [smem:$0x3FFC];
	_ =	sdelay $0x3  }
0x94: {  	_ =	strace s3  }
0x95: {  	s3 =	sld [smem:$0x3FFD];
	_ =	sdelay $0x3  }
0x96: {  	_ =	strace s3  }
0x97: {  	_ =	strace $0x8FFFFFFF  }
0x98: {  	s19 =	sld [smem:$0x3FDB];
	_ =	sdelay $0x1  }
0x99: {  	s4 =	simm.s32 $_scs_section_size  }
0x9a: {  	s5 =	simm.s32 $_size__tile_overlayer_lowered;
	s6 =	simm.s32 $_tile_overlayer_lowered  }
0x9b: {  	s22 =	simm.s32 $0x1BFF;
	s21 =	sshll.u32 s6, $0x1;
	s3 =	sadd.s32 s4, s19  }
0x9c: {  	s7 =	simm.s32 $0x0;
	s20 =	sshll.u32 s5, $0x1;
	s5 =	sadd.s32 s21, s3  }
0x9d: {  	[timem:s7], [sflag:s22] =	dma.local [hbm:s5], s20  }
0x9e: {  	_ =	swait.ge [sflag:s22], s20  }
0x9f: {  	s4 =	ssub.s32 $0x0, s20;
	[sflag:s22] =	ssyncset.done $0x0  }
0xa0: {  	[sflag:s22] =	ssyncadd.s32 s4;
	_ =	sdelay $0x1  }
0xa1: {  	s23 =	simm.s32 $0x1B8B  }
0xa2: {  	_ =	swait.ge [sflag:s23], $0x1  }
0xa3: {  	[sflag:s23] =	ssyncset.done $0x0  }
0xa4: {  	s25 =	simm.s32 $0x1B8E;
	s24 =	sld [smem:$0x3FFE];
	[sflag:s23] =	ssyncadd.s32 $0xFFFFFFFF  }
0xa5: {  	s26 =	simm.s32 $execute0_lowered;
	[smem:$0x3FD2] =	sst s25  }
0xa6: {  	s5 =	sshll.u32 s26, $0x1;
	_ =	strace $0x8000004C;
	[dreg:$0x1] =	wrdreg $0xFFFFFFFF  }
0xa7: {  	s28 =	simm.s32 $_size_execute0_lowered;
	s3 =	sadd.s32 s3, s5;
	[dreg:$0x0] =	wrdreg $0x0  }
0xa8: {  	s5 =	sshll.u32 s28, $0x1;
	[dreg:$0x2] =	wrdreg s3  }
0xa9: {  	[dreg:$0x3] =	wrdreg s5  }
0xaa: {  	[dreg:$0x4] =	wrdreg $0xC0  }
0xab: {  	_ =	task [dreg:s7], $0x5FFFF  }
0xac: {  	[dreg:$0x1] =	wrdreg $0xFFFFFFFF  }
0xad: {  	[dreg:$0x0] =	wrdreg $0x60  }
0xae: {  	[dreg:$0x2] =	wrdreg s2  }
0xaf: {  	[dreg:$0x3] =	wrdreg s24  }
0xb0: {  	[dreg:$0x4] =	wrdreg $0xA4000  }
0xb1: {  	[dreg:$0x5] =	wrdreg $0x9  }
0xb2: {  	_ =	task.clear_ibuf [dreg:s7], $0x6FFFF;
	_ =	strace $0x9000004C  }
0xb3: {  	s29 =	simm.s32 $0x9;
	_ =	strace $0x8000004E  }
0xb4: {  	_ =	swait.ge [sflag:s29], $0x1  }
0xb5: {  	[sflag:s29] =	ssyncadd.s32 $0xFFFFFFFF  }
0xb6: {  	_ =	strace $0x9000004E  }
0xb7: {  	_ =	sfence  }
0xb8: {  	s30 =	sld [smem:$0x0];
	_ =	sdelay $0x2  }
0xb9: {  	s31 =	sshll.u32 s1, $0xD;
	s1 =	sshrl.u32 s1, $0x2  }
0xba: {  	s3 =	sand.u32 $0x4000, s31;
	s1 =	sadd.s32 s1, s30  }
0xbb: {  	s0 =	sor.u32 s3, s0;
	s1 =	sshll.u32 s1, $0x11  }
0xbc: {  	s0 =	sor.u32 s1, s0  }
0xbd: {  	s0 =	sadd.s32 $0x8F2B, s0  }
0xbe: {  	[sflag:s0] =	ssyncadd.remote.s32 $0x1  }
0xbf: {  	_ =	sfence.sel $0xFFFF  }
0xc0: {  	[dreg:$0x0] =	wrdreg $0xFFFFFFFF;
	(pc) =	sbr.abs _section_cstart, $3  }
0xc1: {  	[dreg:$0x1] =	wrdreg $0xFFFFFFFF  }
0xc2: {  	_ =	task.clear_ibuf [dreg:s7], $0x2FFFF;
	_ =	strace $0x9FFFFFFF  }
0xc3: {  	(tm) =	ssettm $0x7FFFFFFF  }
tec
execute0_lowered:
.L_overlay_start_1:
0x0: {  	(tag) =	ssettag $0x1  }
0x1: {  	s1 =	rddreg [dreg:$0x0]  }
0x2: {  	s0 =	rddreg [dreg:$0x1]  }
0x3: {  	s3 =	rddreg [dreg:$0x2];
	s2 =	srdreg.scid  }
0x4: {  	s11 =	stileid.u32;
	s4 =	simm.s32 $0x0;
	s28 =	simm.s32 $0x2C00  }
0x5: {  	s29 =	simm.s32 $0x100;
	s30 =	simm.s32 $0x1;
	s31 =	simm.s32 $0x2  }
0x6: {  	s12 =	simm.s32 $0x180;
	s15 =	simm.s32 $0x7C00;
	s16 =	simm.s32 $0x3  }
0x7: {  	s13 =	simm.s32 $0x380;
	s14 =	simm.s32 $0x5;
	s6 =	smul.u32 $0x280, s11  }
0x8: {  	s2 =	sand.u32 $0x1, s2;
	[smem:$0x7FF] =	sst s4;
	s9 =	smul.u32 $0x50000, s11  }
0x9: {  	s5 =	sadd.s32 $0x6000, s0;
	s19 =	sshll.u32 s11, $0xC;
	s11 =	simm.s32 $0x5400  }
0xa: {  	s7 =	smul.u32 $0x2800, s2;
	_ =	strace $0x8000004D;
	s18 =	sshrl.u32 s9, $0x2  }
0xb: {  	s8 =	ssub.s32 $0x2, s2;
	s2 =	sshll.u32 s2, $0xB;
	s9 =	sadd.s32 s18, s3  }
0xc: {  	s10 =	sshrl.u32 s8, $0x1;
	s20 =	sadd.s32 $0x4000, s9;
	[dreg:$0x4] =	wrdreg s9  }
0xd: {  	s7 =	sadd.s32 s6, s7;
	s21 =	sadd.s32 $0x8000, s9;
	[dreg:$0x5] =	wrdreg s20  }
0xe: {  	s6 =	sadd.s32 $0x16000, s0;
	s22 =	sadd.s32 $0xC000, s9;
	[dreg:$0x6] =	wrdreg s21  }
0xf: {  	s17 =	ssub.s32 s8, s10;
	s23 =	sadd.s32 $0x10000, s9;
	[dreg:$0x7] =	wrdreg s22  }
0x10: {  	s10 =	sor.u32 s2, s19;
	s9 =	sadd.s32 $0xA000, s9;
	[dreg:$0x8] =	wrdreg s23  }
0x11: {  	s18 =	simm.s32 $0xC;
	s26 =	smax.u32 s17, $0x1;
	[dreg:$0xc] =	wrdreg s9  }
0x12: {  	s7 =	sshll.u32 s7, $0x4;
	s24 =	sadd.s32 s5, s10;
	[dreg:$0xe] =	wrdreg s26  }
0x13: {  	s8 =	sadd.s32 s6, s10;
	s17 =	simm.s32 $0x4;
	[dreg:$0x9] =	wrdreg s24  }
0x14: {  	s0 =	sadd.s32 s7, s0;
	s19 =	sadd.s32 $0x20, s24;
	[dreg:$0xa] =	wrdreg s8  }
.Ltmp0:
0x15: {  	s20 =	sadd.s32 $0x20, s8;
	s21 =	simm.s32 $0x400;
	(pc) =	sbr.rel .LBB2_1-.Ltmp0, $4  }
0x16: {  	s23 =	simm.s32 $0x200;
	s24 =	simm.s32 $0x9;
	s8 =	simm.s32 $0x300  }
0x17: {  	s9 =	simm.s32 $0xA;
	s7 =	simm.s32 $0x6;
	s25 =	sadd.s32 $0x4D200, s0  }
0x18: {  	s26 =	simm.s32 $0x0;
	s0 =	sadd.s32 $0x4E600, s0;
	[dreg:$0xb] =	wrdreg s25  }
0x19: {  	v0 =	vimm.f32 $0.0e+00;
	[dreg:$0xd] =	wrdreg s0;
	s25 =	simm.s32 $0x50;
	s0 =	simm.s32 $0xB  }
.LBB2_6:
0x1a: {  	s2 =	simm.s32 $0x7  }
0x1b: {  	_ =	swait.ge [sflag:s2], $0x2800  }
0x1c: {  	[sflag:s2] =	ssyncset.done $0x0  }
0x1d: {  	s26 =	simm.s32 $0x8;
	[sflag:s2] =	ssyncadd.s32 $0xFFFFD800  }
0x1e: {  	_ =	swait.ge [sflag:s26], $0x2800  }
0x1f: {  	[sflag:s26] =	ssyncset.done $0x0  }
0x20: {  	[sflag:s26] =	ssyncadd.s32 $0xFFFFD800  }
0x21: {  	[bflag:$0x0] =	sbarrier.arrive $0xFFFF  }
0x22: {  	s22 =	rddreg [dreg:$0x4]  }
0x23: {  	[tilespmem:s21], [sflag:$0xD] =	stream.linear.gather [spmem:s22], $0xA000, $0x38;
	[tilespmem:$0x1E400] =	vst v63  }
0x24: {  	s22 =	simm.s32 $0xD  }
0x25: {  	_ =	swait.ge [sflag:s22], $0xA000  }
0x26: {  	[sflag:s22] =	ssyncset.done $0x0  }
0x27: {  	s26 =	rddreg [dreg:$0xb];
	[sflag:s22] =	ssyncadd.s32 $0xFFFF6000  }
0x28: {  	[hbm4b:s26+s4] =	stream.linear.scatter [tilespmem:s21], [sflag:$0xD], $0xA000, $0x38;
	[tilespmem:$0x1E400] =	vst v63  }
0x29: {  	_ =	swait.ge [sflag:s22], $0xA000  }
0x2a: {  	[sflag:s22] =	ssyncset.done $0x0  }
0x2b: {  	s26 =	rddreg [dreg:$0xc];
	[sflag:s22] =	ssyncadd.s32 $0xFFFF6000  }
0x2c: {  	[tilespmem:s21], [sflag:$0xD] =	stream.linear.gather [spmem:s26], $0xA000, $0x38;
	[tilespmem:$0x1E400] =	vst v63  }
0x2d: {  	_ =	swait.ge [sflag:s22], $0xA000  }
0x2e: {  	[sflag:s22] =	ssyncset.done $0x0  }
0x2f: {  	s26 =	rddreg [dreg:$0xd];
	[sflag:s22] =	ssyncadd.s32 $0xFFFF6000  }
0x30: {  	[hbm4b:s26+s4] =	stream.linear.scatter [tilespmem:s21], [sflag:$0xD], $0xA000, $0x38;
	[tilespmem:$0x1E400] =	vst v63  }
0x31: {  	_ =	swait.ge [sflag:s22], $0xA000  }
0x32: {  	s26 =	rddreg [dreg:$0xf]  }
0x33: {  	s2 =	rddreg [dreg:$0xe];
	s26 =	sadd.s32 $0x1, s26  }
0x34: {  	p0 =	sne.s32 s26, s2  }
.Ltmp1:
0x35: {  	_ = 	snop;
	(pc) =	sbr.rel @!p0 .LBB2_7-.Ltmp1, $3  }
0x36: {  	_ =	sdelay $0x1  }
0x37: {  	[sflag:s22] =	ssyncset.done $0x0  }
0x38: {  	[sflag:s22] =	ssyncadd.s32 $0xFFFF6000  }
.LBB2_1:
0x39: {  	[dreg:$0xf] =	wrdreg s26;
	s22 =	simm.s32 $0x0;
	s26 =	simm.s32 $0x200  }
.LBB2_2:
0x3a: {  	p0 =	sne.s32 s26, $0x27E00;
	[tilespmem:s22+$0x470] =	vst v0  }
0x3b: {  	[tilespmem:s22+$0x400] =	vst v0  }
0x3c: {  	[tilespmem:s22+$0x410] =	vst v0  }
.Ltmp2:
0x3d: {  	[tilespmem:s22+$0x420] =	vst v0;
	(pc) =	sbr.rel @p0 .LBB2_2-.Ltmp2, $4  }
0x3e: {  	[tilespmem:s22+$0x430] =	vst v0  }
0x3f: {  	[tilespmem:s22+$0x440] =	vst v0  }
0x40: {  	[tilespmem:s22+$0x450] =	vst v0  }
0x41: {  	[tilespmem:s22+$0x460] =	vst v0;
	s22 =	sshra.s32 s26, $0x2;
	s26 =	sadd.s32 $0x200, s26  }
0x42: {  	[tilespmem:s22+$0x470] =	vst v0  }
0x43: {  	[tilespmem:s22+$0x400] =	vst v0  }
0x44: {  	[tilespmem:s22+$0x410] =	vst v0  }
0x45: {  	[tilespmem:s22+$0x420] =	vst v0  }
0x46: {  	[tilespmem:s22+$0x430] =	vst v0  }
0x47: {  	[tilespmem:s22+$0x440] =	vst v0  }
0x48: {  	[tilespmem:s22+$0x450] =	vst v0  }
0x49: {  	[tilespmem:s22+$0x460] =	vst v0;
	s2 =	rddreg [dreg:$0x4];
	s22 =	simm.s32 $0xD  }
0x4a: {  	[spmem:s2] =	stream.linear.scatter [tilespmem:s21], [sflag:$0xD], $0x4000, $0x38;
	[tilespmem:$0x1E400] =	vst v63  }
0x4b: {  	_ =	swait.ge [sflag:s22], $0x4000  }
0x4c: {  	[sflag:s22] =	ssyncset.done $0x0  }
0x4d: {  	s26 =	rddreg [dreg:$0x5];
	[sflag:s22] =	ssyncadd.s32 $0xFFFFC000  }
0x4e: {  	[spmem:s26] =	stream.linear.scatter [tilespmem:s21], [sflag:$0xD], $0x4000, $0x38;
	[tilespmem:$0x1E400] =	vst v63  }
0x4f: {  	_ =	swait.ge [sflag:s22], $0x4000  }
0x50: {  	[sflag:s22] =	ssyncset.done $0x0  }
0x51: {  	s26 =	rddreg [dreg:$0x6];
	[sflag:s22] =	ssyncadd.s32 $0xFFFFC000  }
0x52: {  	[spmem:s26] =	stream.linear.scatter [tilespmem:s21], [sflag:$0xD], $0x4000, $0x38;
	[tilespmem:$0x1E400] =	vst v63  }
0x53: {  	_ =	swait.ge [sflag:s22], $0x4000  }
0x54: {  	[sflag:s22] =	ssyncset.done $0x0  }
0x55: {  	s26 =	rddreg [dreg:$0x7];
	[sflag:s22] =	ssyncadd.s32 $0xFFFFC000  }
0x56: {  	[spmem:s26] =	stream.linear.scatter [tilespmem:s21], [sflag:$0xD], $0x4000, $0x38;
	[tilespmem:$0x1E400] =	vst v63  }
0x57: {  	_ =	swait.ge [sflag:s22], $0x4000  }
0x58: {  	[sflag:s22] =	ssyncset.done $0x0  }
0x59: {  	s26 =	rddreg [dreg:$0x8];
	[sflag:s22] =	ssyncadd.s32 $0xFFFFC000  }
0x5a: {  	[spmem:s26] =	stream.linear.scatter [tilespmem:s21], [sflag:$0xD], $0x4000, $0x38;
	[tilespmem:$0x1E400] =	vst v63  }
0x5b: {  	_ =	swait.ge [sflag:s22], $0x4000  }
0x5c: {  	[sflag:s22] =	ssyncset.done $0x0  }
0x5d: {  	[sflag:s22] =	ssyncadd.s32 $0xFFFFC000  }
0x5e: {  	[bflag:$0x0] =	sbarrier.arrive $0xFFFF  }
0x5f: {  	s26 =	rddreg [dreg:$0x9]  }
0x60: {  	[tilespmem:s4], [sflag:$0x9] =	stream.linear.gather [hbm4b:s26+s4], $0x100, $0x38;
	[tilespmem:$0x1E400] =	vst v63  }
0x61: {  	s22 =	rddreg [dreg:$0xa]  }
0x62: {  	[tilespmem:s23], [sflag:$0xB] =	stream.linear.gather [hbm4b:s22+s4], $0x100, $0x38;
	[tilespmem:$0x1E400] =	vst v63  }
0x63: {  	_ =	swait.ge [sflag:s24], $0x100  }
0x64: {  	[sflag:s24] =	ssyncset.done $0x0  }
0x65: {  	[sflag:s24] =	ssyncadd.s32 $0xFFFFFF00  }
0x66: {  	[tilespmem:s21], [sflag:$0x1] =	stream.indirect.gather [hbm4b:s1+s25], $0x80, s4, s25, $0xb8;
	[tilespmem:$0x1E400] =	vst v63  }
0x67: {  	s26 =	simm.s32 $0x80;
	s22 =	simm.s32 $0x40  }
0x68: {  	[tilespmem:s28], [sflag:$0x2] =	stream.indirect.gather [hbm4b:s1+s25], $0x80, s26, s25, $0xb8;
	[tilespmem:$0x1E400] =	vst v63  }
.LBB2_4:
0x69: {  	s26 =	sadd.s32 s22, s19  }
0x6a: {  	s26 =	sadd.s32 $0xFFFFFFC0, s26  }
0x6b: {  	[tilespmem:s29], [sflag:$0xA] =	stream.linear.gather [hbm4b:s26+s4], $0x100, $0x38;
	[tilespmem:$0x1E400] =	vst v63  }
0x6c: {  	_ =	swait.ge [sflag:s30], $0x2800  }
0x6d: {  	[sflag:s30] =	ssyncset.done $0x0  }
0x6e: {  	[sflag:s30] =	ssyncadd.s32 $0xFFFFD800  }
0x6f: {  	_ =	swait.ge [sflag:s31], $0x2800  }
0x70: {  	[sflag:s31] =	ssyncset.done $0x0  }
0x71: {  	[sflag:s31] =	ssyncadd.s32 $0xFFFFD800  }
0x72: {  	_ =	swait.ge [sflag:s0], $0x100  }
0x73: {  	[sflag:s0] =	ssyncset.done $0x0  }
0x74: {  	p0 =	seq.s32 s22, $0x40;
	[sflag:s0] =	ssyncadd.s32 $0xFFFFFF00  }
0x75: {  	[spmem:s3] =	stream.indirect.scatter.add.f32 [tilespmem:s21], [sflag:$0x5], $0x80, s23, s25, $0xb8;
	[tilespmem:$0x1E400] =	vst v63  }
0x76: {  	s2 =	simm.s32 $0x280;
	s26 =	simm.s32 @!p0 $0x7  }
0x77: {  	[spmem:s3] =	stream.indirect.scatter.add.f32 [tilespmem:s28], [sflag:$0x6], $0x80, s2, s25, $0xb8;
	[tilespmem:$0x1E400] =	vst v63  }
0x78: {  	_ =	swait.ge @!p0 [sflag:s26], $0x2800  }
0x79: {  	[sflag:s26] =	ssyncset.done @!p0 $0x0  }
0x7a: {  	[sflag:s26] =	ssyncadd.s32 @!p0 $0xFFFFD800;
	s26 =	simm.s32 @!p0 $0x8  }
0x7b: {  	_ =	swait.ge @!p0 [sflag:s26], $0x2800  }
0x7c: {  	s2 =	sadd.s32 s22, s20;
	[sflag:s26] =	ssyncset.done @!p0 $0x0  }
0x7d: {  	s2 =	sadd.s32 $0xFFFFFFC0, s2;
	[sflag:s26] =	ssyncadd.s32 @!p0 $0xFFFFD800  }
0x7e: {  	[tilespmem:s8], [sflag:$0xC] =	stream.linear.gather [hbm4b:s2+s4], $0x100, $0x38;
	[tilespmem:$0x1E400] =	vst v63  }
0x7f: {  	_ =	swait.ge [sflag:s9], $0x100  }
0x80: {  	p0 =	seq.s32 s22, $0x800;
	[sflag:s9] =	ssyncset.done $0x0  }
0x81: {  	s2 =	sadd.s32 @!p0 s22, s10;
	s26 =	sand.u32 @!p0 $0x40, s22;
	[sflag:s9] =	ssyncadd.s32 $0xFFFFFF00  }
0x82: {  	[tilespmem:s11], [sflag:$0x3] =	stream.indirect.gather [hbm4b:s1+s25], $0x80, s29, s25, $0xb8;
	[tilespmem:$0x1E400] =	vst v63  }
0x83: {  	s2 =	sand.u32 @!p0 $0x1FF80, s2;
	s26 =	sadd.s32 @!p0 s5, s26  }
0x84: {  	[tilespmem:s15], [sflag:$0x4] =	stream.indirect.gather [hbm4b:s1+s25], $0x80, s12, s25, $0xb8;
	[tilespmem:$0x1E400] =	vst v63  }
0x85: {  	s2 =	sadd.s32 @!p0 s2, s26;
	s26 =	simm.s32 @!p0 $0x0  }
0x86: {  	[tilespmem:s26], [sflag:$0x9] =	stream.linear.gather @!p0 [hbm4b:s2+s26], $0x100, $0x38;
	[tilespmem:$0x1E400] =	vst v63  }
0x87: {  	_ =	swait.ge [sflag:s16], $0x2800  }
0x88: {  	[sflag:s16] =	ssyncset.done $0x0  }
0x89: {  	[sflag:s16] =	ssyncadd.s32 $0xFFFFD800  }
0x8a: {  	_ =	swait.ge [sflag:s17], $0x2800  }
0x8b: {  	[sflag:s17] =	ssyncset.done $0x0  }
0x8c: {  	[sflag:s17] =	ssyncadd.s32 $0xFFFFD800  }
0x8d: {  	_ =	swait.ge [sflag:s18], $0x100  }
0x8e: {  	[sflag:s18] =	ssyncset.done $0x0  }
0x8f: {  	[sflag:s18] =	ssyncadd.s32 $0xFFFFFF00  }
0x90: {  	[spmem:s3] =	stream.indirect.scatter.add.f32 [tilespmem:s11], [sflag:$0x7], $0x80, s8, s25, $0xb8;
	[tilespmem:$0x1E400] =	vst v63  }
0x91: {  	_ = 	snop  }
0x92: {  	[spmem:s3] =	stream.indirect.scatter.add.f32 [tilespmem:s15], [sflag:$0x8], $0x80, s13, s25, $0xb8;
	[tilespmem:$0x1E400] =	vst v63  }
0x93: {  	_ =	swait.ge [sflag:s14], $0x2800  }
.Ltmp3:
0x94: {  	[sflag:s14] =	ssyncset.done $0x0;
	(pc) =	sbr.rel @p0 .LBB2_6-.Ltmp3, $4  }
0x95: {  	[sflag:s14] =	ssyncadd.s32 $0xFFFFD800  }
0x96: {  	_ =	swait.ge [sflag:s7], $0x2800  }
0x97: {  	[sflag:s7] =	ssyncset.done $0x0  }
0x98: {  	[sflag:s7] =	ssyncadd.s32 $0xFFFFD800  }
0x99: {  	s2 =	sadd.s32 s22, s10;
	s26 =	sand.u32 $0x40, s22  }
0x9a: {  	s2 =	sand.u32 $0x1FF80, s2;
	s26 =	sadd.s32 s6, s26  }
0x9b: {  	s2 =	sadd.s32 s2, s26  }
0x9c: {  	[tilespmem:s23], [sflag:$0xB] =	stream.linear.gather [hbm4b:s2+s4], $0x100, $0x38;
	[tilespmem:$0x1E400] =	vst v63  }
0x9d: {  	_ =	swait.ge [sflag:s24], $0x100  }
.Ltmp4:
0x9e: {  	[sflag:s24] =	ssyncset.done $0x0;
	(pc) =	sbr.rel .LBB2_4-.Ltmp4, $4  }
0x9f: {  	[sflag:s24] =	ssyncadd.s32 $0xFFFFFF00  }
0xa0: {  	[tilespmem:s21], [sflag:$0x1] =	stream.indirect.gather [hbm4b:s1+s25], $0x80, s4, s25, $0xb8;
	[tilespmem:$0x1E400] =	vst v63  }
0xa1: {  	s22 =	sadd.s32 $0x40, s22;
	s26 =	simm.s32 $0x80  }
0xa2: {  	[tilespmem:s28], [sflag:$0x2] =	stream.indirect.gather [hbm4b:s1+s25], $0x80, s26, s25, $0xb8;
	[tilespmem:$0x1E400] =	vst v63  }
.LBB2_7:
0xa3: {  	_ =	sfence.sel $0x180000  }
0xa4: {  	[bflag:$0x0] =	sbarrier.arrive $0xFFFF  }
0xa5: {  	_ =	strace $0x9000004D  }
0xa6: {  	s0 =	stileid.u32;
	[bflag:$0x2] =	sbarrier.arrive $0xFFFF  }
0xa7: {  	p0 =	sne.s32 s0, $0x0;
	s0 =	rddreg [dreg:$0x3]  }
0xa8: {  	s0 =	sadd.s32 @!p0 $0x100000, s0  }
0xa9: {  	[sflag:s0] =	ssyncadd.tile.s32 @!p0 $0x1;
	_ =	shalt  }
.Lfunc_end2:
_tile_overlayer_lowered:
.L_overlay_start_2:
0xaa: {  	(tag) =	ssettag $0x2  }
0xab: {  	s0 =	rddreg [dreg:$0x0];
	s2 =	stileid.u32  }
0xac: {  	s1 =	rddreg [dreg:$0x1];
	p0 =	sne.s32 s2, $0x0  }
0xad: {  	s3 =	rddreg [dreg:$0x2];
	[bflag:$0x3] =	sbarrier.arrive $0xFFFF;
	s2 =	simm.s32 @!p0 $0x1C0D  }
0xae: {  	[timem:s3], [sflag:s2] =	dma.local @!p0 [hbm:s0], s1  }
0xaf: {  	s0 =	simm.s32 @!p0 $0xD  }
0xb0: {  	_ =	swait.ge @!p0 [sflag:s0], s1  }
0xb1: {  	s1 =	ssub.s32 @!p0 $0x0, s1;
	[sflag:s0] =	ssyncset.done @!p0 $0x0  }
0xb2: {  	[sflag:s0] =	ssyncadd.s32 @!p0 s1  }
0xb3: {  	[bflag:$0x3] =	sbarrier.arrive $0xFFFF  }
0xb4: {  	_ =	shalt  }

// kernel: kernel.19.cloned.1.call-start
scs
__scs_entry_jumppad:
0x0: {  	(pc) =	sbr.rel $0x88, $3  }
0x1: {  	(tag) =	ssettag $0x0;
	lr =	simm.s32 $0x1  }
0x2: {  	[smem:$0x3F97] =	sst lr;
	_ =	strace $0xD0000000  }
0x3: {  	_ = 	snop  }
0x4: {  	_ = 	snop  }
0x5: {  	_ = 	snop  }
0x6: {  	_ = 	snop  }
0x7: {  	_ = 	snop  }
__scs_overlays_trampoline_lowered:
0x8: {  	[smem:$0x3FA6] =	sst s0  }
0x9: {  	[smem:$0x3FA7] =	sst s1  }
0xa: {  	[smem:$0x3FA8] =	sst s2  }
0xb: {  	[smem:$0x3FA9] =	sst s3  }
0xc: {  	[smem:$0x3FAA] =	sst s4  }
0xd: {  	[smem:$0x3FAB] =	sst s5  }
0xe: {  	[smem:$0x3FAC] =	sst s6  }
0xf: {  	[smem:$0x3FAD] =	sst s7  }
0x10: {  	[smem:$0x3FAE] =	sst s8  }
0x11: {  	[smem:$0x3FAF] =	sst s9;
	s0 =	simm.s32 @!p0 $0x0  }
0x12: {  	s1 =	sld [smem:$0x3F95];
	s0 =	simm.s32 @p0 $0x1  }
0x13: {  	[smem:$0x3FB0] =	sst s0;
	s0 =	simm.s32 @!p1 $0x0  }
0x14: {  	s2 =	sld [smem:$0x3F94];
	s0 =	simm.s32 @p1 $0x1  }
0x15: {  	[smem:$0x3FB1] =	sst s0;
	s0 =	simm.s32 @!p2 $0x0  }
0x16: {  	s3 =	sld [smem:$0x3FDB];
	s0 =	simm.s32 @p2 $0x1  }
0x17: {  	s4 =	simm.s32 $0x1BF5;
	[smem:$0x3FB3] =	sst s0  }
0x18: {  	s0 =	sld [smem:$0x3F96];
	_ =	swait.ge [sflag:s4], $0x0  }
0x19: {  	s7 =	sld [smem:$0x3F97]  }
0x1a: {  	s8 =	sadd.s32 $0xFFFFE003, lr  }
0x1b: {  	s9 =	sadd.s32 $0xFFFFFEF7, lr;
	s5 =	simm.s32 $0xFFFFFFFF;
	p2 =	slt.u32 s8, $0xFFFFF086  }
0x1c: {  	p1 =	slt.u32 s9, $0xF7A;
	s5 =	simm.s32 @!p2 $0x0  }
0x1d: {  	s5 =	simm.s32 @p1 $0x1;
	p0 =	seq.s32 s7, s2  }
0x1e: {  	s7 =	smul.u32 @!p0 $0xF7A, s2;
	p2 =	seq.s32 @!p0 s5, $0x0  }
0x1f: {  	s9 =	smul.u32 $0xF7A, s1;
	s8 =	simm.s32 @!p0 $0x1BF5;
	p2 =	por !p2, p0  }
0x20: {  	[sflag:s8] =	ssyncset.s32 @!p0 $0xFFFFF086;
	s6 =	sadd.s32 @!p0 s3, s7;
	s7 =	simm.s32 @!p0 $0x108  }
0x21: {  	s3 =	sadd.s32 s3, s9;
	s6 =	sadd.s32 @!p0 $0x88, s6;
	s7 =	simm.s32 @p2 $0x1082  }
0x22: {  	[simem:s7], [sflag:s8] =	dma.local @!p0 [hbm:s6], $0xF7A  }
0x23: {  	s9 =	sor.u32 $0xD0000000, s2;
	s6 =	simm.s32 $0x108;
	_ =	swait.ge @!p0 [sflag:s8], $0x0  }
0x24: {  	s3 =	sadd.s32 $0x88, s3;
	s6 =	simm.s32 @!p1 $0x1082;
	[sflag:s4] =	ssyncset.s32 $0xFFFFF086  }
0x25: {  	[simem:s6], [sflag:s4] =	dma.local [hbm:s3], $0xF7A  }
0x26: {  	[smem:$0x3F97] =	sst s1;
	(tag) =	ssettag s2;
	_ =	strace s9  }
0x27: {  	s1 =	sld [smem:$0x3FA7]  }
0x28: {  	s2 =	sld [smem:$0x3FA8]  }
0x29: {  	s4 =	sld [smem:$0x3FAA]  }
0x2a: {  	p0 =	seq.s32 s5, $0x0;
	s5 =	sld [smem:$0x3FAB]  }
0x2b: {  	s6 =	sld [smem:$0x3FAC]  }
0x2c: {  	s7 =	sld [smem:$0x3FAD]  }
0x2d: {  	s3 =	simm.s32 $0x108;
	s8 =	sld [smem:$0x3FAE]  }
0x2e: {  	s3 =	simm.s32 @!p0 $0x1082;
	s9 =	sld [smem:$0x3FAF]  }
0x2f: {  	lr =	sadd.s32 s0, s3;
	s0 =	sld [smem:$0x3FA6]  }
0x30: {  	s3 =	sld [smem:$0x3FA9]  }
0x31: {  	[smem:$0x3FB2] =	sst s10  }
0x32: {  	s10 =	sld [smem:$0x3FB0];
	_ =	sdelay $0x3  }
0x33: {  	p0 =	seq.s32 s10, $0x1;
	s10 =	sld [smem:$0x3FB2];
	_ =	sdelay $0x3  }
0x34: {  	[smem:$0x3FB2] =	sst s10  }
0x35: {  	s10 =	sld [smem:$0x3FB1];
	_ =	sdelay $0x3  }
0x36: {  	p1 =	seq.s32 s10, $0x1;
	s10 =	sld [smem:$0x3FB2];
	_ =	sdelay $0x3  }
0x37: {  	[smem:$0x3FB2] =	sst s10  }
0x38: {  	s10 =	sld [smem:$0x3FB3]  }
0x39: {  	_ = 	snop;
	(pc) =	sbr.ind lr, $3  }
0x3a: {  	_ = 	snop  }
0x3b: {  	_ = 	snop  }
0x3c: {  	p2 =	seq.s32 s10, $0x1;
	s10 =	sld [smem:$0x3FB2]  }
0x3d: {  	_ =	shalt  }
0x3e: {  	_ =	shalt  }
0x3f: {  	_ =	shalt  }
0x40: {  	_ =	shalt  }
0x41: {  	_ =	shalt  }
0x42: {  	_ =	shalt  }
0x43: {  	_ =	shalt  }
0x44: {  	_ =	shalt  }
0x45: {  	_ =	shalt  }
0x46: {  	_ =	shalt  }
0x47: {  	_ =	shalt  }
0x48: {  	_ =	shalt  }
0x49: {  	_ =	shalt  }
0x4a: {  	_ =	shalt  }
0x4b: {  	_ =	shalt  }
0x4c: {  	_ =	shalt  }
0x4d: {  	_ =	shalt  }
0x4e: {  	_ =	shalt  }
0x4f: {  	_ =	shalt  }
0x50: {  	_ =	shalt  }
0x51: {  	_ =	shalt  }
0x52: {  	_ =	shalt  }
0x53: {  	_ =	shalt  }
0x54: {  	_ =	shalt  }
0x55: {  	_ =	shalt  }
0x56: {  	_ =	shalt  }
0x57: {  	_ =	shalt  }
0x58: {  	_ =	shalt  }
0x59: {  	_ =	shalt  }
0x5a: {  	_ =	shalt  }
0x5b: {  	_ =	shalt  }
0x5c: {  	_ =	shalt  }
0x5d: {  	_ =	shalt  }
0x5e: {  	_ =	shalt  }
0x5f: {  	_ =	shalt  }
0x60: {  	_ =	shalt  }
0x61: {  	_ =	shalt  }
0x62: {  	_ =	shalt  }
0x63: {  	_ =	shalt  }
0x64: {  	_ =	shalt  }
0x65: {  	_ =	shalt  }
0x66: {  	_ =	shalt  }
0x67: {  	_ =	shalt  }
0x68: {  	_ =	shalt  }
0x69: {  	_ =	shalt  }
0x6a: {  	_ =	shalt  }
0x6b: {  	_ =	shalt  }
0x6c: {  	_ =	shalt  }
0x6d: {  	_ =	shalt  }
0x6e: {  	_ =	shalt  }
0x6f: {  	_ =	shalt  }
0x70: {  	_ =	shalt  }
0x71: {  	_ =	shalt  }
0x72: {  	_ =	shalt  }
0x73: {  	_ =	shalt  }
0x74: {  	_ =	shalt  }
0x75: {  	_ =	shalt  }
0x76: {  	_ =	shalt  }
0x77: {  	_ =	shalt  }
0x78: {  	_ =	shalt  }
0x79: {  	_ =	shalt  }
0x7a: {  	_ =	shalt  }
0x7b: {  	_ =	shalt  }
0x7c: {  	_ =	shalt  }
0x7d: {  	_ =	shalt  }
0x7e: {  	_ =	shalt  }
0x7f: {  	_ =	shalt  }
0x80: {  	_ =	shalt  }
0x81: {  	_ =	shalt  }
0x82: {  	_ =	shalt  }
0x83: {  	_ =	shalt  }
0x84: {  	_ =	shalt  }
0x85: {  	_ =	shalt  }
0x86: {  	_ =	shalt  }
0x87: {  	_ =	shalt  }
.Lfunc_end0:
.L_simem_size_0:
called_computation.3_lowered:
.L_overlay_start_0:
0x88: {  	s2 =	sld [smem:$0x3FD9]  }
0x89: {  	s3 =	sld [smem:$0x3FFE];
	_ =	sdelay $0x1  }
0x8a: {  	s1 =	srdreg.scid  }
0x8b: {  	s0 =	sand.u32 $0x1, s1  }
0x8c: {  	s17 =	sshll.u32 s0, $0xA;
	s2 =	sadd.s32 s3, s2  }
0x8d: {  	s2 =	sadd.s32 s2, s17  }
0x8e: {  	[smem:$0x3FBE] =	sst s2  }
0x8f: {  	_ = 	snop  }
0x90: {  	s2 =	sld [smem:$0x3FD0];
	(tm) =	ssettm $0x1  }
0x91: {  	s18 =	sld [smem:$0x3FFB];
	_ =	sdelay $0x3  }
0x92: {  	_ =	strace s18  }
0x93: {  	s3 =	sld [smem:$0x3FFC];
	_ =	sdelay $0x3  }
0x94: {  	_ =	strace s3  }
0x95: {  	s3 =	sld [smem:$0x3FFD];
	_ =	sdelay $0x3  }
0x96: {  	_ =	strace s3  }
0x97: {  	_ =	strace $0x8FFFFFFF  }
0x98: {  	s19 =	sld [smem:$0x3FDB];
	_ =	sdelay $0x1  }
0x99: {  	s4 =	simm.s32 $_scs_section_size  }
0x9a: {  	s5 =	simm.s32 $_size__tile_overlayer_lowered;
	s6 =	simm.s32 $_tile_overlayer_lowered  }
0x9b: {  	s22 =	simm.s32 $0x1BFF;
	s21 =	sshll.u32 s6, $0x1;
	s3 =	sadd.s32 s4, s19  }
0x9c: {  	s7 =	simm.s32 $0x0;
	s20 =	sshll.u32 s5, $0x1;
	s5 =	sadd.s32 s21, s3  }
0x9d: {  	[timem:s7], [sflag:s22] =	dma.local [hbm:s5], s20  }
0x9e: {  	_ =	swait.ge [sflag:s22], s20  }
0x9f: {  	s4 =	ssub.s32 $0x0, s20;
	[sflag:s22] =	ssyncset.done $0x0  }
0xa0: {  	[sflag:s22] =	ssyncadd.s32 s4;
	_ =	sdelay $0x1  }
0xa1: {  	s23 =	simm.s32 $0x1B8B  }
0xa2: {  	_ =	swait.ge [sflag:s23], $0x1  }
0xa3: {  	[sflag:s23] =	ssyncset.done $0x0  }
0xa4: {  	s25 =	simm.s32 $0x1B8E;
	s24 =	sld [smem:$0x3FFE];
	[sflag:s23] =	ssyncadd.s32 $0xFFFFFFFF  }
0xa5: {  	s26 =	simm.s32 $execute0_lowered;
	[smem:$0x3FD2] =	sst s25  }
0xa6: {  	s5 =	sshll.u32 s26, $0x1;
	_ =	strace $0x8000004F;
	[dreg:$0x1] =	wrdreg $0xFFFFFFFF  }
0xa7: {  	s28 =	simm.s32 $_size_execute0_lowered;
	s3 =	sadd.s32 s3, s5;
	[dreg:$0x0] =	wrdreg $0x0  }
0xa8: {  	s5 =	sshll.u32 s28, $0x1;
	[dreg:$0x2] =	wrdreg s3  }
0xa9: {  	[dreg:$0x3] =	wrdreg s5  }
0xaa: {  	[dreg:$0x4] =	wrdreg $0xC0  }
0xab: {  	_ =	task [dreg:s7], $0x5FFFF  }
0xac: {  	[dreg:$0x1] =	wrdreg $0xFFFFFFFF  }
0xad: {  	[dreg:$0x0] =	wrdreg $0x60  }
0xae: {  	[dreg:$0x2] =	wrdreg s2  }
0xaf: {  	[dreg:$0x3] =	wrdreg s24  }
0xb0: {  	[dreg:$0x4] =	wrdreg $0xA4000  }
0xb1: {  	[dreg:$0x5] =	wrdreg $0x9  }
0xb2: {  	_ =	task.clear_ibuf [dreg:s7], $0x6FFFF;
	_ =	strace $0x9000004F  }
0xb3: {  	s29 =	simm.s32 $0x9;
	_ =	strace $0x80000051  }
0xb4: {  	_ =	swait.ge [sflag:s29], $0x1  }
0xb5: {  	[sflag:s29] =	ssyncadd.s32 $0xFFFFFFFF  }
0xb6: {  	_ =	strace $0x90000051  }
0xb7: {  	_ =	sfence  }
0xb8: {  	s30 =	sld [smem:$0x0];
	_ =	sdelay $0x2  }
0xb9: {  	s31 =	sshll.u32 s1, $0xD;
	s1 =	sshrl.u32 s1, $0x2  }
0xba: {  	s3 =	sand.u32 $0x4000, s31;
	s1 =	sadd.s32 s1, s30  }
0xbb: {  	s0 =	sor.u32 s3, s0;
	s1 =	sshll.u32 s1, $0x11  }
0xbc: {  	s0 =	sor.u32 s1, s0  }
0xbd: {  	s0 =	sadd.s32 $0x8F2B, s0  }
0xbe: {  	[sflag:s0] =	ssyncadd.remote.s32 $0x1  }
0xbf: {  	_ =	sfence.sel $0xFFFF  }
0xc0: {  	[dreg:$0x0] =	wrdreg $0xFFFFFFFF;
	(pc) =	sbr.abs _section_cstart, $3  }
0xc1: {  	[dreg:$0x1] =	wrdreg $0xFFFFFFFF  }
0xc2: {  	_ =	task.clear_ibuf [dreg:s7], $0x2FFFF;
	_ =	strace $0x9FFFFFFF  }
0xc3: {  	(tm) =	ssettm $0x7FFFFFFF  }
tec
execute0_lowered:
.L_overlay_start_1:
0x0: {  	(tag) =	ssettag $0x1  }
0x1: {  	s1 =	rddreg [dreg:$0x0]  }
0x2: {  	s0 =	rddreg [dreg:$0x1]  }
0x3: {  	s3 =	rddreg [dreg:$0x2];
	s2 =	srdreg.scid  }
0x4: {  	s11 =	stileid.u32;
	s4 =	simm.s32 $0x0;
	s28 =	simm.s32 $0x2C00  }
0x5: {  	s29 =	simm.s32 $0x100;
	s30 =	simm.s32 $0x1;
	s31 =	simm.s32 $0x2  }
0x6: {  	s12 =	simm.s32 $0x180;
	s15 =	simm.s32 $0x7C00;
	s16 =	simm.s32 $0x3  }
0x7: {  	s13 =	simm.s32 $0x380;
	s14 =	simm.s32 $0x5;
	s6 =	smul.u32 $0x280, s11  }
0x8: {  	s2 =	sand.u32 $0x1, s2;
	[smem:$0x7FF] =	sst s4;
	s9 =	smul.u32 $0x50000, s11  }
0x9: {  	s5 =	sadd.s32 $0x6000, s0;
	s19 =	sshll.u32 s11, $0xC;
	s11 =	simm.s32 $0x5400  }
0xa: {  	s7 =	smul.u32 $0x2800, s2;
	_ =	strace $0x80000050;
	s18 =	sshrl.u32 s9, $0x2  }
0xb: {  	s8 =	ssub.s32 $0x2, s2;
	s2 =	sshll.u32 s2, $0xB;
	s9 =	sadd.s32 s18, s3  }
0xc: {  	s10 =	sshrl.u32 s8, $0x1;
	s20 =	sadd.s32 $0x4000, s9;
	[dreg:$0x4] =	wrdreg s9  }
0xd: {  	s7 =	sadd.s32 s6, s7;
	s21 =	sadd.s32 $0x8000, s9;
	[dreg:$0x5] =	wrdreg s20  }
0xe: {  	s6 =	sadd.s32 $0x16000, s0;
	s22 =	sadd.s32 $0xC000, s9;
	[dreg:$0x6] =	wrdreg s21  }
0xf: {  	s17 =	ssub.s32 s8, s10;
	s23 =	sadd.s32 $0x10000, s9;
	[dreg:$0x7] =	wrdreg s22  }
0x10: {  	s10 =	sor.u32 s2, s19;
	s9 =	sadd.s32 $0xA000, s9;
	[dreg:$0x8] =	wrdreg s23  }
0x11: {  	s18 =	simm.s32 $0xC;
	s26 =	smax.u32 s17, $0x1;
	[dreg:$0xc] =	wrdreg s9  }
0x12: {  	s7 =	sshll.u32 s7, $0x4;
	s24 =	sadd.s32 s5, s10;
	[dreg:$0xe] =	wrdreg s26  }
0x13: {  	s8 =	sadd.s32 s6, s10;
	s17 =	simm.s32 $0x4;
	[dreg:$0x9] =	wrdreg s24  }
0x14: {  	s0 =	sadd.s32 s7, s0;
	s19 =	sadd.s32 $0x20, s24;
	[dreg:$0xa] =	wrdreg s8  }
.Ltmp0:
0x15: {  	s20 =	sadd.s32 $0x20, s8;
	s21 =	simm.s32 $0x400;
	(pc) =	sbr.rel .LBB2_1-.Ltmp0, $4  }
0x16: {  	s23 =	simm.s32 $0x200;
	s24 =	simm.s32 $0x9;
	s8 =	simm.s32 $0x300  }
0x17: {  	s9 =	simm.s32 $0xA;
	s7 =	simm.s32 $0x6;
	s25 =	sadd.s32 $0x4D200, s0  }
0x18: {  	s26 =	simm.s32 $0x0;
	s0 =	sadd.s32 $0x4E600, s0;
	[dreg:$0xb] =	wrdreg s25  }
0x19: {  	v0 =	vimm.f32 $0.0e+00;
	[dreg:$0xd] =	wrdreg s0;
	s25 =	simm.s32 $0x50;
	s0 =	simm.s32 $0xB  }
.LBB2_6:
0x1a: {  	s2 =	simm.s32 $0x7  }
0x1b: {  	_ =	swait.ge [sflag:s2], $0x2800  }
0x1c: {  	[sflag:s2] =	ssyncset.done $0x0  }
0x1d: {  	s26 =	simm.s32 $0x8;
	[sflag:s2] =	ssyncadd.s32 $0xFFFFD800  }
0x1e: {  	_ =	swait.ge [sflag:s26], $0x2800  }
0x1f: {  	[sflag:s26] =	ssyncset.done $0x0  }
0x20: {  	[sflag:s26] =	ssyncadd.s32 $0xFFFFD800  }
0x21: {  	[bflag:$0x0] =	sbarrier.arrive $0xFFFF  }
0x22: {  	s22 =	rddreg [dreg:$0x4]  }
0x23: {  	[tilespmem:s21], [sflag:$0xD] =	stream.linear.gather [spmem:s22], $0xA000, $0x38;
	[tilespmem:$0x1E400] =	vst v63  }
0x24: {  	s22 =	simm.s32 $0xD  }
0x25: {  	_ =	swait.ge [sflag:s22], $0xA000  }
0x26: {  	[sflag:s22] =	ssyncset.done $0x0  }
0x27: {  	s26 =	rddreg [dreg:$0xb];
	[sflag:s22] =	ssyncadd.s32 $0xFFFF6000  }
0x28: {  	[hbm4b:s26+s4] =	stream.linear.scatter [tilespmem:s21], [sflag:$0xD], $0xA000, $0x38;
	[tilespmem:$0x1E400] =	vst v63  }
0x29: {  	_ =	swait.ge [sflag:s22], $0xA000  }
0x2a: {  	[sflag:s22] =	ssyncset.done $0x0  }
0x2b: {  	s26 =	rddreg [dreg:$0xc];
	[sflag:s22] =	ssyncadd.s32 $0xFFFF6000  }
0x2c: {  	[tilespmem:s21], [sflag:$0xD] =	stream.linear.gather [spmem:s26], $0xA000, $0x38;
	[tilespmem:$0x1E400] =	vst v63  }
0x2d: {  	_ =	swait.ge [sflag:s22], $0xA000  }
0x2e: {  	[sflag:s22] =	ssyncset.done $0x0  }
0x2f: {  	s26 =	rddreg [dreg:$0xd];
	[sflag:s22] =	ssyncadd.s32 $0xFFFF6000  }
0x30: {  	[hbm4b:s26+s4] =	stream.linear.scatter [tilespmem:s21], [sflag:$0xD], $0xA000, $0x38;
	[tilespmem:$0x1E400] =	vst v63  }
0x31: {  	_ =	swait.ge [sflag:s22], $0xA000  }
0x32: {  	s26 =	rddreg [dreg:$0xf]  }
0x33: {  	s2 =	rddreg [dreg:$0xe];
	s26 =	sadd.s32 $0x1, s26  }
0x34: {  	p0 =	sne.s32 s26, s2  }
.Ltmp1:
0x35: {  	_ = 	snop;
	(pc) =	sbr.rel @!p0 .LBB2_7-.Ltmp1, $3  }
0x36: {  	_ =	sdelay $0x1  }
0x37: {  	[sflag:s22] =	ssyncset.done $0x0  }
0x38: {  	[sflag:s22] =	ssyncadd.s32 $0xFFFF6000  }
.LBB2_1:
0x39: {  	[dreg:$0xf] =	wrdreg s26;
	s22 =	simm.s32 $0x0;
	s26 =	simm.s32 $0x200  }
.LBB2_2:
0x3a: {  	p0 =	sne.s32 s26, $0x27E00;
	[tilespmem:s22+$0x470] =	vst v0  }
0x3b: {  	[tilespmem:s22+$0x400] =	vst v0  }
0x3c: {  	[tilespmem:s22+$0x410] =	vst v0  }
.Ltmp2:
0x3d: {  	[tilespmem:s22+$0x420] =	vst v0;
	(pc) =	sbr.rel @p0 .LBB2_2-.Ltmp2, $4  }
0x3e: {  	[tilespmem:s22+$0x430] =	vst v0  }
0x3f: {  	[tilespmem:s22+$0x440] =	vst v0  }
0x40: {  	[tilespmem:s22+$0x450] =	vst v0  }
0x41: {  	[tilespmem:s22+$0x460] =	vst v0;
	s22 =	sshra.s32 s26, $0x2;
	s26 =	sadd.s32 $0x200, s26  }
0x42: {  	[tilespmem:s22+$0x470] =	vst v0  }
0x43: {  	[tilespmem:s22+$0x400] =	vst v0  }
0x44: {  	[tilespmem:s22+$0x410] =	vst v0  }
0x45: {  	[tilespmem:s22+$0x420] =	vst v0  }
0x46: {  	[tilespmem:s22+$0x430] =	vst v0  }
0x47: {  	[tilespmem:s22+$0x440] =	vst v0  }
0x48: {  	[tilespmem:s22+$0x450] =	vst v0  }
0x49: {  	[tilespmem:s22+$0x460] =	vst v0;
	s2 =	rddreg [dreg:$0x4];
	s22 =	simm.s32 $0xD  }
0x4a: {  	[spmem:s2] =	stream.linear.scatter [tilespmem:s21], [sflag:$0xD], $0x4000, $0x38;
	[tilespmem:$0x1E400] =	vst v63  }
0x4b: {  	_ =	swait.ge [sflag:s22], $0x4000  }
0x4c: {  	[sflag:s22] =	ssyncset.done $0x0  }
0x4d: {  	s26 =	rddreg [dreg:$0x5];
	[sflag:s22] =	ssyncadd.s32 $0xFFFFC000  }
0x4e: {  	[spmem:s26] =	stream.linear.scatter [tilespmem:s21], [sflag:$0xD], $0x4000, $0x38;
	[tilespmem:$0x1E400] =	vst v63  }
0x4f: {  	_ =	swait.ge [sflag:s22], $0x4000  }
0x50: {  	[sflag:s22] =	ssyncset.done $0x0  }
0x51: {  	s26 =	rddreg [dreg:$0x6];
	[sflag:s22] =	ssyncadd.s32 $0xFFFFC000  }
0x52: {  	[spmem:s26] =	stream.linear.scatter [tilespmem:s21], [sflag:$0xD], $0x4000, $0x38;
	[tilespmem:$0x1E400] =	vst v63  }
0x53: {  	_ =	swait.ge [sflag:s22], $0x4000  }
0x54: {  	[sflag:s22] =	ssyncset.done $0x0  }
0x55: {  	s26 =	rddreg [dreg:$0x7];
	[sflag:s22] =	ssyncadd.s32 $0xFFFFC000  }
0x56: {  	[spmem:s26] =	stream.linear.scatter [tilespmem:s21], [sflag:$0xD], $0x4000, $0x38;
	[tilespmem:$0x1E400] =	vst v63  }
0x57: {  	_ =	swait.ge [sflag:s22], $0x4000  }
0x58: {  	[sflag:s22] =	ssyncset.done $0x0  }
0x59: {  	s26 =	rddreg [dreg:$0x8];
	[sflag:s22] =	ssyncadd.s32 $0xFFFFC000  }
0x5a: {  	[spmem:s26] =	stream.linear.scatter [tilespmem:s21], [sflag:$0xD], $0x4000, $0x38;
	[tilespmem:$0x1E400] =	vst v63  }
0x5b: {  	_ =	swait.ge [sflag:s22], $0x4000  }
0x5c: {  	[sflag:s22] =	ssyncset.done $0x0  }
0x5d: {  	[sflag:s22] =	ssyncadd.s32 $0xFFFFC000  }
0x5e: {  	[bflag:$0x0] =	sbarrier.arrive $0xFFFF  }
0x5f: {  	s26 =	rddreg [dreg:$0x9]  }
0x60: {  	[tilespmem:s4], [sflag:$0x9] =	stream.linear.gather [hbm4b:s26+s4], $0x100, $0x38;
	[tilespmem:$0x1E400] =	vst v63  }
0x61: {  	s22 =	rddreg [dreg:$0xa]  }
0x62: {  	[tilespmem:s23], [sflag:$0xB] =	stream.linear.gather [hbm4b:s22+s4], $0x100, $0x38;
	[tilespmem:$0x1E400] =	vst v63  }
0x63: {  	_ =	swait.ge [sflag:s24], $0x100  }
0x64: {  	[sflag:s24] =	ssyncset.done $0x0  }
0x65: {  	[sflag:s24] =	ssyncadd.s32 $0xFFFFFF00  }
0x66: {  	[tilespmem:s21], [sflag:$0x1] =	stream.indirect.gather [hbm4b:s1+s25], $0x80, s4, s25, $0xb8;
	[tilespmem:$0x1E400] =	vst v63  }
0x67: {  	s26 =	simm.s32 $0x80;
	s22 =	simm.s32 $0x40  }
0x68: {  	[tilespmem:s28], [sflag:$0x2] =	stream.indirect.gather [hbm4b:s1+s25], $0x80, s26, s25, $0xb8;
	[tilespmem:$0x1E400] =	vst v63  }
.LBB2_4:
0x69: {  	s26 =	sadd.s32 s22, s19  }
0x6a: {  	s26 =	sadd.s32 $0xFFFFFFC0, s26  }
0x6b: {  	[tilespmem:s29], [sflag:$0xA] =	stream.linear.gather [hbm4b:s26+s4], $0x100, $0x38;
	[tilespmem:$0x1E400] =	vst v63  }
0x6c: {  	_ =	swait.ge [sflag:s30], $0x2800  }
0x6d: {  	[sflag:s30] =	ssyncset.done $0x0  }
0x6e: {  	[sflag:s30] =	ssyncadd.s32 $0xFFFFD800  }
0x6f: {  	_ =	swait.ge [sflag:s31], $0x2800  }
0x70: {  	[sflag:s31] =	ssyncset.done $0x0  }
0x71: {  	[sflag:s31] =	ssyncadd.s32 $0xFFFFD800  }
0x72: {  	_ =	swait.ge [sflag:s0], $0x100  }
0x73: {  	[sflag:s0] =	ssyncset.done $0x0  }
0x74: {  	p0 =	seq.s32 s22, $0x40;
	[sflag:s0] =	ssyncadd.s32 $0xFFFFFF00  }
0x75: {  	[spmem:s3] =	stream.indirect.scatter.add.f32 [tilespmem:s21], [sflag:$0x5], $0x80, s23, s25, $0xb8;
	[tilespmem:$0x1E400] =	vst v63  }
0x76: {  	s2 =	simm.s32 $0x280;
	s26 =	simm.s32 @!p0 $0x7  }
0x77: {  	[spmem:s3] =	stream.indirect.scatter.add.f32 [tilespmem:s28], [sflag:$0x6], $0x80, s2, s25, $0xb8;
	[tilespmem:$0x1E400] =	vst v63  }
0x78: {  	_ =	swait.ge @!p0 [sflag:s26], $0x2800  }
0x79: {  	[sflag:s26] =	ssyncset.done @!p0 $0x0  }
0x7a: {  	[sflag:s26] =	ssyncadd.s32 @!p0 $0xFFFFD800;
	s26 =	simm.s32 @!p0 $0x8  }
0x7b: {  	_ =	swait.ge @!p0 [sflag:s26], $0x2800  }
0x7c: {  	s2 =	sadd.s32 s22, s20;
	[sflag:s26] =	ssyncset.done @!p0 $0x0  }
0x7d: {  	s2 =	sadd.s32 $0xFFFFFFC0, s2;
	[sflag:s26] =	ssyncadd.s32 @!p0 $0xFFFFD800  }
0x7e: {  	[tilespmem:s8], [sflag:$0xC] =	stream.linear.gather [hbm4b:s2+s4], $0x100, $0x38;
	[tilespmem:$0x1E400] =	vst v63  }
0x7f: {  	_ =	swait.ge [sflag:s9], $0x100  }
0x80: {  	p0 =	seq.s32 s22, $0x800;
	[sflag:s9] =	ssyncset.done $0x0  }
0x81: {  	s2 =	sadd.s32 @!p0 s22, s10;
	s26 =	sand.u32 @!p0 $0x40, s22;
	[sflag:s9] =	ssyncadd.s32 $0xFFFFFF00  }
0x82: {  	[tilespmem:s11], [sflag:$0x3] =	stream.indirect.gather [hbm4b:s1+s25], $0x80, s29, s25, $0xb8;
	[tilespmem:$0x1E400] =	vst v63  }
0x83: {  	s2 =	sand.u32 @!p0 $0x1FF80, s2;
	s26 =	sadd.s32 @!p0 s5, s26  }
0x84: {  	[tilespmem:s15], [sflag:$0x4] =	stream.indirect.gather [hbm4b:s1+s25], $0x80, s12, s25, $0xb8;
	[tilespmem:$0x1E400] =	vst v63  }
0x85: {  	s2 =	sadd.s32 @!p0 s2, s26;
	s26 =	simm.s32 @!p0 $0x0  }
0x86: {  	[tilespmem:s26], [sflag:$0x9] =	stream.linear.gather @!p0 [hbm4b:s2+s26], $0x100, $0x38;
	[tilespmem:$0x1E400] =	vst v63  }
0x87: {  	_ =	swait.ge [sflag:s16], $0x2800  }
0x88: {  	[sflag:s16] =	ssyncset.done $0x0  }
0x89: {  	[sflag:s16] =	ssyncadd.s32 $0xFFFFD800  }
0x8a: {  	_ =	swait.ge [sflag:s17], $0x2800  }
0x8b: {  	[sflag:s17] =	ssyncset.done $0x0  }
0x8c: {  	[sflag:s17] =	ssyncadd.s32 $0xFFFFD800  }
0x8d: {  	_ =	swait.ge [sflag:s18], $0x100  }
0x8e: {  	[sflag:s18] =	ssyncset.done $0x0  }
0x8f: {  	[sflag:s18] =	ssyncadd.s32 $0xFFFFFF00  }
0x90: {  	[spmem:s3] =	stream.indirect.scatter.add.f32 [tilespmem:s11], [sflag:$0x7], $0x80, s8, s25, $0xb8;
	[tilespmem:$0x1E400] =	vst v63  }
0x91: {  	_ = 	snop  }
0x92: {  	[spmem:s3] =	stream.indirect.scatter.add.f32 [tilespmem:s15], [sflag:$0x8], $0x80, s13, s25, $0xb8;
	[tilespmem:$0x1E400] =	vst v63  }
0x93: {  	_ =	swait.ge [sflag:s14], $0x2800  }
.Ltmp3:
0x94: {  	[sflag:s14] =	ssyncset.done $0x0;
	(pc) =	sbr.rel @p0 .LBB2_6-.Ltmp3, $4  }
0x95: {  	[sflag:s14] =	ssyncadd.s32 $0xFFFFD800  }
0x96: {  	_ =	swait.ge [sflag:s7], $0x2800  }
0x97: {  	[sflag:s7] =	ssyncset.done $0x0  }
0x98: {  	[sflag:s7] =	ssyncadd.s32 $0xFFFFD800  }
0x99: {  	s2 =	sadd.s32 s22, s10;
	s26 =	sand.u32 $0x40, s22  }
0x9a: {  	s2 =	sand.u32 $0x1FF80, s2;
	s26 =	sadd.s32 s6, s26  }
0x9b: {  	s2 =	sadd.s32 s2, s26  }
0x9c: {  	[tilespmem:s23], [sflag:$0xB] =	stream.linear.gather [hbm4b:s2+s4], $0x100, $0x38;
	[tilespmem:$0x1E400] =	vst v63  }
0x9d: {  	_ =	swait.ge [sflag:s24], $0x100  }
.Ltmp4:
0x9e: {  	[sflag:s24] =	ssyncset.done $0x0;
	(pc) =	sbr.rel .LBB2_4-.Ltmp4, $4  }
0x9f: {  	[sflag:s24] =	ssyncadd.s32 $0xFFFFFF00  }
0xa0: {  	[tilespmem:s21], [sflag:$0x1] =	stream.indirect.gather [hbm4b:s1+s25], $0x80, s4, s25, $0xb8;
	[tilespmem:$0x1E400] =	vst v63  }
0xa1: {  	s22 =	sadd.s32 $0x40, s22;
	s26 =	simm.s32 $0x80  }
0xa2: {  	[tilespmem:s28], [sflag:$0x2] =	stream.indirect.gather [hbm4b:s1+s25], $0x80, s26, s25, $0xb8;
	[tilespmem:$0x1E400] =	vst v63  }
.LBB2_7:
0xa3: {  	_ =	sfence.sel $0x180000  }
0xa4: {  	[bflag:$0x0] =	sbarrier.arrive $0xFFFF  }
0xa5: {  	_ =	strace $0x90000050  }
0xa6: {  	s0 =	stileid.u32;
	[bflag:$0x2] =	sbarrier.arrive $0xFFFF  }
0xa7: {  	p0 =	sne.s32 s0, $0x0;
	s0 =	rddreg [dreg:$0x3]  }
0xa8: {  	s0 =	sadd.s32 @!p0 $0x100000, s0  }
0xa9: {  	[sflag:s0] =	ssyncadd.tile.s32 @!p0 $0x1;
	_ =	shalt  }
.Lfunc_end2:
_tile_overlayer_lowered:
.L_overlay_start_2:
0xaa: {  	(tag) =	ssettag $0x2  }
0xab: {  	s0 =	rddreg [dreg:$0x0];
	s2 =	stileid.u32  }
0xac: {  	s1 =	rddreg [dreg:$0x1];
	p0 =	sne.s32 s2, $0x0  }
0xad: {  	s3 =	rddreg [dreg:$0x2];
	[bflag:$0x3] =	sbarrier.arrive $0xFFFF;
	s2 =	simm.s32 @!p0 $0x1C0D  }
0xae: {  	[timem:s3], [sflag:s2] =	dma.local @!p0 [hbm:s0], s1  }
0xaf: {  	s0 =	simm.s32 @!p0 $0xD  }
0xb0: {  	_ =	swait.ge @!p0 [sflag:s0], s1  }
0xb1: {  	s1 =	ssub.s32 @!p0 $0x0, s1;
	[sflag:s0] =	ssyncset.done @!p0 $0x0  }
0xb2: {  	[sflag:s0] =	ssyncadd.s32 @!p0 s1  }
0xb3: {  	[bflag:$0x3] =	sbarrier.arrive $0xFFFF  }
0xb4: {  	_ =	shalt  }

</sc_bundles>
